<compile_context>
chip_gen: v7x
topology: tpu7x:2x2x1
jax: 0.10.2.dev20260603
libtpu: 0.0.44.dev20260713+nightly
codegen_flags: <defaults>
</compile_context>

<pallas_src>
import functools

import numpy as np

import jax
import jax.numpy as jnp
from jax import lax
from jax.experimental import pallas as pl
from jax.experimental.pallas import tpu as pltpu
from jax.experimental.pallas import tpu_sc as plsc

_N = 50000
_E = 800000
_D_IN = 128
_ZDIM = 96
_ENC_DIM = 16
_PE_ALPHA = 0.1

_NC = 2
_NS = 16
_NW = _NC * _NS

_NP = 50048
_ZR = _NP // _NS

_EPAD = 819200
_EROWS = _EPAD // 128
_RB = 8
_NBLK = _EROWS // _RB
_T0 = 400

_BLK = 2000
_GRID = _N // _BLK


def _sc_mesh():
    return plsc.VectorSubcoreMesh(core_axis_name="c", subcore_axis_name="s")


def _worker_blocks(cid, sid):
    tc = jnp.where(cid == 0, _T0, _NBLK - _T0)
    base = jnp.where(cid == 0, 0, _T0)
    per = tc // _NS
    rem = tc - per * _NS
    start = base + sid * per + jnp.minimum(sid, rem)
    nblk = per + (sid < rem).astype(jnp.int32)
    return start, nblk


def _sc_degree_count(dst2d, ones_col, zeros_col):

    @functools.partial(
        pl.kernel,
        out_type=jax.ShapeDtypeStruct((_NC, _NP, 1), jnp.float32),
        mesh=_sc_mesh(),
        scratch_types=[
            pltpu.VMEM((_RB, 128), jnp.int32),
            pltpu.VMEM((128, 1), jnp.float32),
            pltpu.VMEM_SHARED((_NP, 1), jnp.float32),
            pltpu.SemaphoreType.DMA,
        ],
        compiler_params=pltpu.CompilerParams(use_tc_tiling_on_sc=False),
    )
    def k(dst_h, ones_h, zeros_h, out_h, idx_d, ones_v, acc, ssem):
        cid = lax.axis_index("c")
        sid = lax.axis_index("s")
        pltpu.sync_copy(zeros_h, acc.at[pl.ds(sid * _ZR, _ZR)])
        pltpu.sync_copy(ones_h, ones_v)
        plsc.subcore_barrier()
        start, nblk = _worker_blocks(cid, sid)

        def body(b, carry):
            pltpu.sync_copy(dst_h.at[pl.ds((start + b) * _RB, _RB)], idx_d)
            descs = [
                pltpu.async_copy(ones_v, acc.at[idx_d.at[j]], ssem, add=True)
                for j in range(_RB)
            ]
            for d in descs:
                d.wait()
            return carry

        lax.fori_loop(0, nblk, body, 0)
        plsc.subcore_barrier()
        pltpu.sync_copy(acc.at[pl.ds(sid * _ZR, _ZR)],
                        out_h.at[cid, pl.ds(sid * _ZR, _ZR)])

    return k(dst2d, ones_col, zeros_col)


def _sc_segment_sum(table, src2d, dst2d, zeros, width):

    @functools.partial(
        pl.kernel,
        out_type=jax.ShapeDtypeStruct((_NC, _NP, width), jnp.float32),
        mesh=_sc_mesh(),
        scratch_types=[
            pltpu.VMEM((_RB, 128), jnp.int32),
            pltpu.VMEM((_RB, 128), jnp.int32),
            pltpu.VMEM((_RB * 128, width), jnp.float32),
            pltpu.VMEM((_RB * 128, width), jnp.float32),
            pltpu.VMEM_SHARED((_NP, width), jnp.float32),
            pltpu.SemaphoreType.DMA,
            pltpu.SemaphoreType.DMA,
            pltpu.SemaphoreType.DMA,
            pltpu.SemaphoreType.DMA,
        ],
        compiler_params=pltpu.CompilerParams(use_tc_tiling_on_sc=False),
    )
    def k(table_h, src_h, dst_h, zeros_h, out_h,
          idx_s, idx_d, rows0, rows1, acc, gsem0, gsem1, ssem0, ssem1):
        cid = lax.axis_index("c")
        sid = lax.axis_index("s")
        pltpu.sync_copy(zeros_h, acc.at[pl.ds(sid * _ZR, _ZR)])
        plsc.subcore_barrier()
        start, nblk = _worker_blocks(cid, sid)

        def body(b, carry):
            rbase = (start + b) * _RB
            pltpu.sync_copy(src_h.at[pl.ds(rbase, _RB)], idx_s)
            pltpu.sync_copy(dst_h.at[pl.ds(rbase, _RB)], idx_d)
            gd = [
                pltpu.async_copy(table_h.at[idx_s.at[j]],
                                 rows0.at[pl.ds(j * 128, 128)], gsem0)
                for j in range(_RB)
            ]
            for d in gd:
                d.wait()
            sd = [
                pltpu.async_copy(rows0.at[pl.ds(j * 128, 128)],
                                 acc.at[idx_d.at[j]], ssem0, add=True)
                for j in range(_RB)
            ]
            for d in sd:
                d.wait()
            return carry

        lax.fori_loop(0, nblk, body, 0)
        plsc.subcore_barrier()
        pltpu.sync_copy(acc.at[pl.ds(sid * _ZR, _ZR)],
                        out_h.at[cid, pl.ds(sid * _ZR, _ZR)])

    return k(table, src2d, dst2d, zeros)


def _tc_encoder(x, coords, cnt, W1, b1r, W2, b2r, Wg1, fvec, smask):

    def body(x_r, c_r, cnt0_r, cnt1_r, W1_r, b1_r, W2_r, b2_r, Wg1_r,
             fv_r, sm_r, po_r, hs1a_r, hs1b_r, di_r):
        xb = x_r[...]
        e0 = jnp.maximum(
            jnp.dot(xb, W1_r[...], preferred_element_type=jnp.float32)
            + b1_r[...], 0.0)
        fe = jnp.maximum(
            jnp.dot(e0, W2_r[...], preferred_element_type=jnp.float32)
            + b2_r[...], 0.0)
        g = jnp.dot(fe, Wg1_r[...], preferred_element_type=jnp.float32)
        deg = cnt0_r[0] + cnt1_r[0] + 1.0
        di = lax.rsqrt(deg)
        di_r[...] = di
        hs1 = g * di
        hs1a_r[...] = hs1[:, 0:16]
        hs1b_r[...] = hs1[:, 16:32]
        c = c_r[...]
        crep = jnp.concatenate(
            [jnp.broadcast_to(c[:, k:k + 1], (_BLK, 32)) for k in range(3)],
            axis=1)
        ang = crep * fv_r[...]
        sm = sm_r[...]
        po_r[...] = sm * jnp.sin(ang) + (1.0 - sm) * jnp.cos(ang) + fe

    return pl.pallas_call(
        body,
        grid=(_GRID,),
        in_specs=[
            pl.BlockSpec((_BLK, _D_IN), lambda i: (i, 0)),
            pl.BlockSpec((_BLK, 3), lambda i: (i, 0)),
            pl.BlockSpec((1, _BLK, 1), lambda i: (0, i, 0)),
            pl.BlockSpec((1, _BLK, 1), lambda i: (1, i, 0)),
            pl.BlockSpec((_D_IN, 512), lambda i: (0, 0)),
            pl.BlockSpec((1, 512), lambda i: (0, 0)),
            pl.BlockSpec((512, _ZDIM), lambda i: (0, 0)),
            pl.BlockSpec((1, _ZDIM), lambda i: (0, 0)),
            pl.BlockSpec((_ZDIM, 32), lambda i: (0, 0)),
            pl.BlockSpec((1, _ZDIM), lambda i: (0, 0)),
            pl.BlockSpec((1, _ZDIM), lambda i: (0, 0)),
        ],
        out_specs=[
            pl.BlockSpec((_BLK, _ZDIM), lambda i: (i, 0)),
            pl.BlockSpec((_BLK, 16), lambda i: (i, 0)),
            pl.BlockSpec((_BLK, 16), lambda i: (i, 0)),
            pl.BlockSpec((_BLK, 1), lambda i: (i, 0)),
        ],
        out_shape=[
            jax.ShapeDtypeStruct((_N, _ZDIM), jnp.float32),
            jax.ShapeDtypeStruct((_N, 16), jnp.float32),
            jax.ShapeDtypeStruct((_N, 16), jnp.float32),
            jax.ShapeDtypeStruct((_N, 1), jnp.float32),
        ],
    )(x, coords, cnt, cnt, W1, b1r, W2, b2r, Wg1, fvec, smask)


def _tc_hidden(s1a, s1b, hs1a, hs1b, dinv, Wcat):

    def body(s1a0_r, s1a1_r, s1b0_r, s1b1_r, hs1a_r, hs1b_r, di_r, Wc_r,
             hs2_r):
        di = di_r[...]
        ha = di * (s1a0_r[0] + s1a1_r[0] + hs1a_r[...])
        hb = di * (s1b0_r[0] + s1b1_r[0] + hs1b_r[...])
        h = jnp.tanh(jnp.concatenate([ha, hb], axis=1))
        hs2_r[...] = jnp.dot(h, Wc_r[...],
                             preferred_element_type=jnp.float32) * di

    half = pl.BlockSpec((_BLK, 16), lambda i: (i, 0))
    return pl.pallas_call(
        body,
        grid=(_GRID,),
        in_specs=[
            pl.BlockSpec((1, _BLK, 16), lambda i: (0, i, 0)),
            pl.BlockSpec((1, _BLK, 16), lambda i: (1, i, 0)),
            pl.BlockSpec((1, _BLK, 16), lambda i: (0, i, 0)),
            pl.BlockSpec((1, _BLK, 16), lambda i: (1, i, 0)),
            half,
            half,
            pl.BlockSpec((_BLK, 1), lambda i: (i, 0)),
            pl.BlockSpec((32, 16), lambda i: (0, 0)),
        ],
        out_specs=[pl.BlockSpec((_BLK, 16), lambda i: (i, 0))],
        out_shape=[jax.ShapeDtypeStruct((_N, 16), jnp.float32)],
    )(s1a, s1a, s1b, s1b, hs1a, hs1b, dinv, Wcat)[0]


def _tc_final(s2, hs2, dinv):

    def body(s20_r, s21_r, hs2_r, di_r, o_r):
        o_r[...] = di_r[...] * (s20_r[0] + s21_r[0] + hs2_r[...])

    return pl.pallas_call(
        body,
        grid=(_GRID,),
        in_specs=[
            pl.BlockSpec((1, _BLK, 16), lambda i: (0, i, 0)),
            pl.BlockSpec((1, _BLK, 16), lambda i: (1, i, 0)),
            pl.BlockSpec((_BLK, 16), lambda i: (i, 0)),
            pl.BlockSpec((_BLK, 1), lambda i: (i, 0)),
        ],
        out_specs=[pl.BlockSpec((_BLK, 16), lambda i: (i, 0))],
        out_shape=[jax.ShapeDtypeStruct((_N, 16), jnp.float32)],
    )(s2, s2, hs2, dinv)[0]


def kernel(x, edge_index, coords, W1, b1, W2, b2, Wg1, Wg2, Wg3):
    pad = _EPAD - _E
    src2d = jnp.concatenate(
        [edge_index[0], jnp.zeros((pad,), jnp.int32)]).reshape(_EROWS, 128)
    dst2d = jnp.concatenate(
        [edge_index[1], jnp.full((pad,), _N, jnp.int32)]).reshape(_EROWS, 128)

    zeros16 = jnp.zeros((_ZR, 16), jnp.float32)
    zeros1 = jnp.zeros((_ZR, 1), jnp.float32)
    ones_col = jnp.ones((128, 1), jnp.float32)

    kk = np.arange(_ZDIM) % 32
    fvec = jnp.asarray(
        (_PE_ALPHA * (2.0 ** (kk % _ENC_DIM))).reshape(1, _ZDIM), jnp.float32)
    smask = jnp.asarray((kk < _ENC_DIM).astype(np.float32).reshape(1, _ZDIM))

    b1r = b1.reshape(1, 512)
    b2r = b2.reshape(1, _ZDIM)
    Wcat = jnp.pad(jnp.concatenate([Wg2, Wg3], axis=1), ((0, 0), (0, 10)))

    cnt = _sc_degree_count(dst2d, ones_col, zeros1)
    cnt, dst2d, ones_col, zeros1 = lax.optimization_barrier(
        (cnt, dst2d, ones_col, zeros1))
    po_emb, hs1a, hs1b, dinv = _tc_encoder(x, coords, cnt, W1, b1r, W2, b2r,
                                           Wg1, fvec, smask)
    s1a = _sc_segment_sum(hs1a, src2d, dst2d, zeros16, 16)
    s1a, hs1a, src2d, dst2d, zeros16 = lax.optimization_barrier(
        (s1a, hs1a, src2d, dst2d, zeros16))
    s1b = _sc_segment_sum(hs1b, src2d, dst2d, zeros16, 16)
    s1b, hs1b, src2d, dst2d, zeros16 = lax.optimization_barrier(
        (s1b, hs1b, src2d, dst2d, zeros16))
    hs2 = _tc_hidden(s1a, s1b, hs1a, hs1b, dinv, Wcat)
    s2 = _sc_segment_sum(hs2, src2d, dst2d, zeros16, 16)
    s2, hs2 = lax.optimization_barrier((s2, hs2))
    o6 = _tc_final(s2, hs2, dinv)
    return (o6[:, 0:3], o6[:, 3:6], po_emb)

# --- scband reference (transcript-rebuilt; emitter-appended) ---
"""Pipeline reference for scband-vgaeencoder-81870666596784 (READ-ONLY COPY).

The authoritative reference and input builder live on the scoring server;
editing this copy changes nothing except your own understanding.
"""

import jax, jax.numpy as jnp
import numpy as np

N = 50000
E = 800000
D_IN = 128
ZDIM = 96
ENC_DIM = ZDIM // 6  # 16 freqs * 2 (sin/cos) * 3 coords = 96 = ZDIM, so 'add' petype works
PE_ALPHA = 0.1


def setup_inputs(seed: int = 0) -> dict:
    key = jax.random.key(seed)
    ks = jax.random.split(key, 12)
    x = jax.random.normal(ks[0], (N, D_IN), dtype=jnp.float32)
    edge_index = jax.random.randint(ks[1], (2, E), 0, N, dtype=jnp.int32)
    coords = jax.random.uniform(ks[2], (N, 3), dtype=jnp.float32)
    W1 = jax.random.normal(ks[3], (D_IN, 512), dtype=jnp.float32) * 0.05
    b1 = jax.random.normal(ks[4], (512,), dtype=jnp.float32) * 0.05
    W2 = jax.random.normal(ks[5], (512, ZDIM), dtype=jnp.float32) * 0.05
    b2 = jax.random.normal(ks[6], (ZDIM,), dtype=jnp.float32) * 0.05
    Wg1 = jax.random.normal(ks[7], (ZDIM, 32), dtype=jnp.float32) * 0.05
    Wg2 = jax.random.normal(ks[8], (32, 3), dtype=jnp.float32) * 0.05
    Wg3 = jax.random.normal(ks[9], (32, 3), dtype=jnp.float32) * 0.05
    return {"x": x, "edge_index": edge_index, "coords": coords,
            "W1": W1, "b1": b1, "W2": W2, "b2": b2,
            "Wg1": Wg1, "Wg2": Wg2, "Wg3": Wg3}


def _ftpe(zcat):
    # FTPositionalDecoder with petype='add': geometric sinusoidal PE on coords, added to embedding
    coords = zcat[..., :3]
    zf = zcat[..., 3:]
    freqs = PE_ALPHA * (2.0 ** jnp.arange(ENC_DIM, dtype=jnp.float32))
    ang = coords[..., :, None] * freqs  # [N, 3, ENC_DIM]
    pe = jnp.concatenate([jnp.sin(ang), jnp.cos(ang)], axis=-1)  # [N, 3, 2*ENC_DIM]
    pe = pe.reshape(pe.shape[:-2] + (3 * 2 * ENC_DIM,))  # [N, ZDIM]
    return pe + zf


def _gcn(h, W, src, dst):
    # GCNConv (bias=False): add self-loops, symmetric normalization, scatter-add aggregation
    h = h @ W
    sl = jnp.arange(N, dtype=src.dtype)
    s2 = jnp.concatenate([src, sl])
    d2 = jnp.concatenate([dst, sl])
    deg = jax.ops.segment_sum(jnp.ones((s2.shape[0],), jnp.float32), d2, num_segments=N)
    dinv = jnp.where(deg > 0, 1.0 / jnp.sqrt(deg), 0.0)
    norm = dinv[s2] * dinv[d2]
    msg = h[s2] * norm[:, None]
    return jax.ops.segment_sum(msg, d2, num_segments=N)


def reference(x, edge_index, coords, W1, b1, W2, b2, Wg1, Wg2, Wg3):
    src = edge_index[0]
    dst = edge_index[1]
    # feature_encoder
    emb0 = jax.nn.relu(x @ W1 + b1)
    fe_emb = jax.nn.relu(emb0 @ W2 + b2)
    # positional embedding branch
    zcat = jnp.concatenate([coords, fe_emb], axis=-1)
    po_emb = _ftpe(zcat)
    # GCN branch (dropout p=0.0 -> identity)
    hidden1 = jnp.tanh(_gcn(fe_emb, Wg1, src, dst))
    mu = _gcn(hidden1, Wg2, src, dst)
    logstd = _gcn(hidden1, Wg3, src, dst)
    return (mu, logstd, po_emb)

if __name__ == "__main__":
    import jax
    _d = setup_inputs()
    print(jax.jit(kernel)(*tuple(_d.values())))

</pallas_src>

<mosaic_0001>
#map = affine_map<(d0, d1) -> (0, 0)>
#map1 = affine_map<(d0, d1) -> (0, 0, 0)>
module attributes {stable_mosaic.version = 14 : i64} {
  func.func @k(%arg0: i32, %arg1: i32, %arg2: memref<50000x16xf32, #tpu.memory_space<hbm>>, %arg3: memref<6400x128xi32, #tpu.memory_space<hbm>>, %arg4: memref<6400x128xi32, #tpu.memory_space<hbm>>, %arg5: memref<3128x16xf32, #tpu.memory_space<hbm>>, %arg6: memref<2x50048x16xf32, #tpu.memory_space<hbm>>, %arg7: memref<8x128xi32, #tpu.memory_space<vmem>>, %arg8: memref<8x128xi32, #tpu.memory_space<vmem>>, %arg9: memref<1024x16xf32, #tpu.memory_space<vmem>>, %arg10: memref<1024x16xf32, #tpu.memory_space<vmem>>, %arg11: memref<50048x16xf32, #tpu.memory_space<vmem_shared>>, %arg12: memref<!tpu.dma_semaphore, #tpu.memory_space<semaphore_mem>>, %arg13: memref<!tpu.dma_semaphore, #tpu.memory_space<semaphore_mem>>, %arg14: memref<!tpu.dma_semaphore, #tpu.memory_space<semaphore_mem>>, %arg15: memref<!tpu.dma_semaphore, #tpu.memory_space<semaphore_mem>>) attributes {dimension_semantics = [#tpu.dimension_semantics<core_parallel>, #tpu.dimension_semantics<subcore_parallel>], iteration_bounds = array<i64: 2, 16>, scalar_prefetch = 0 : i64, scratch_operands = 9 : i64, tpu.core_type = #tpu.core_type<sc_vector_subcore>, window_params = [{transform_indices = #map}, {transform_indices = #map}, {transform_indices = #map}, {transform_indices = #map}, {transform_indices = #map1}]} {
    %mul3A = arith.constant 3128 : i32
    %mul3A_0 = arith.muli %arg1, %mul3A : i32
    "tpu.region"() ({
      %run_scoped3A = tpu.sem_alloc : memref<!tpu.dma_semaphore, #tpu.memory_space<semaphore_mem>>
      %dma_start3A = arith.constant 0 : i32
      %dma_start3A_46 = tpu.memref_slice %arg11[%mul3A_0, %dma_start3A] : memref<50048x16xf32, #tpu.memory_space<vmem_shared>> -> memref<3128x16xf32, #tpu.memory_space<vmem_shared>>
      tpu.enqueue_dma source(%arg5 : memref<3128x16xf32, #tpu.memory_space<hbm>>) target(%dma_start3A_46 : memref<3128x16xf32, #tpu.memory_space<vmem_shared>>) target_semaphore(%run_scoped3A : memref<!tpu.dma_semaphore, #tpu.memory_space<semaphore_mem>>)
      %dma_wait3A = arith.constant 0 : i32
      %dma_wait3A_47 = tpu.memref_slice %arg11[%mul3A_0, %dma_wait3A] : memref<50048x16xf32, #tpu.memory_space<vmem_shared>> -> memref<3128x16xf32, #tpu.memory_space<vmem_shared>>
      tpu.wait_dma2 semaphore(%run_scoped3A : memref<!tpu.dma_semaphore, #tpu.memory_space<semaphore_mem>>) src(%arg5 : memref<3128x16xf32, #tpu.memory_space<hbm>>) dst(%dma_wait3A_47 : memref<3128x16xf32, #tpu.memory_space<vmem_shared>>)
      tpu.yield
    }) : () -> ()
    %barrier3A = arith.constant 0 : index
    tpu.barrier barrier_id(%barrier3A)
    %eq3A = arith.constant 0 : i32
    %eq3A_1 = arith.cmpi eq, %arg0, %eq3A : i32
    %jit3A = arith.constant 400 : i32
    %jit3A_2 = arith.constant 400 : i32
    %select_n3A = arith.select %eq3A_1, %jit3A, %jit3A_2 : i32
    %eq3A_3 = arith.constant 0 : i32
    %eq3A_4 = arith.cmpi eq, %arg0, %eq3A_3 : i32
    %jit3A_5 = arith.constant 0 : i32
    %jit3A_6 = arith.constant 400 : i32
    %select_n3A_7 = arith.select %eq3A_4, %jit3A_5, %jit3A_6 : i32
    %jit3A_8 = arith.constant 16 : i32
    %div3A = arith.divsi %select_n3A, %jit3A_8 : i32
    %sign3A = arith.constant 0 : i32
    %sign3A_9 = arith.cmpi sgt, %select_n3A, %sign3A : i32
    %sign3A_10 = arith.extui %sign3A_9 : i1 to i32
    %sign3A_11 = arith.constant 0 : i32
    %sign3A_12 = arith.cmpi slt, %select_n3A, %sign3A_11 : i32
    %sign3A_13 = arith.extui %sign3A_12 : i1 to i32
    %sign3A_14 = arith.subi %sign3A_10, %sign3A_13 : i32
    %sign3A_15 = arith.constant 0 : i32
    %sign3A_16 = arith.cmpi sgt, %jit3A_8, %sign3A_15 : i32
    %sign3A_17 = arith.extui %sign3A_16 : i1 to i32
    %sign3A_18 = arith.constant 0 : i32
    %sign3A_19 = arith.cmpi slt, %jit3A_8, %sign3A_18 : i32
    %sign3A_20 = arith.extui %sign3A_19 : i1 to i32
    %sign3A_21 = arith.subi %sign3A_17, %sign3A_20 : i32
    %ne3A = arith.cmpi ne, %sign3A_14, %sign3A_21 : i32
    %rem3A = arith.remsi %select_n3A, %jit3A_8 : i32
    %ne3A_22 = arith.constant 0 : i32
    %ne3A_23 = arith.cmpi ne, %rem3A, %ne3A_22 : i32
    %and3A = arith.andi %ne3A, %ne3A_23 : i1
    %sub3A = arith.constant 1 : i32
    %sub3A_24 = arith.subi %div3A, %sub3A : i32
    %select_n3A_25 = arith.select %and3A, %sub3A_24, %div3A : i32
    %mul3A_26 = arith.constant 16 : i32
    %mul3A_27 = arith.muli %select_n3A_25, %mul3A_26 : i32
    %sub3A_28 = arith.subi %select_n3A, %mul3A_27 : i32
    %mul3A_29 = arith.muli %arg1, %select_n3A_25 : i32
    %add3A = arith.addi %select_n3A_7, %mul3A_29 : i32
    %min3A = arith.minsi %arg1, %sub3A_28 : i32
    %add3A_30 = arith.addi %add3A, %min3A : i32
    %lt3A = arith.cmpi slt, %arg1, %sub3A_28 : i32
    %convert_element_type3A = arith.extui %lt3A : i1 to i32
    %add3A_31 = arith.addi %select_n3A_25, %convert_element_type3A : i32
    %while3A = arith.constant 0 : i32
    %while3A_32 = arith.constant 0 : i32
    %while3A_33 = arith.subi %add3A_31, %while3A_32 : i32
    %while3A_34 = arith.addi %while3A_32, %while3A_33 : i32
    %while3A_35 = arith.constant 1 : i32
    %while3A_36 = arith.divsi %while3A_33, %while3A_35 : i32
    %while3A_37 = arith.muli %while3A_36, %while3A_35 : i32
    %while3A_38 = arith.addi %while3A_32, %while3A_37 : i32
    %while3A_39 = arith.constant 1 : i32
    scf.for %while3A_46 = %while3A_32 to %while3A_38 step %while3A_39  : i32 {
      %add3A_47 = arith.addi %add3A_30, %while3A_46 : i32
      %mul3A_48 = arith.constant 8 : i32
      %mul3A_49 = arith.muli %add3A_47, %mul3A_48 : i32
      "tpu.region"() ({
        %run_scoped3A = tpu.sem_alloc : memref<!tpu.dma_semaphore, #tpu.memory_space<semaphore_mem>>
        %dma_start3A_368 = arith.constant 0 : i32
        %dma_start3A_369 = tpu.memref_slice %arg3[%mul3A_49, %dma_start3A_368] : memref<6400x128xi32, #tpu.memory_space<hbm>> -> memref<8x128xi32, #tpu.memory_space<hbm>>
        %dma_start3A_370 = arith.constant 0 : i32
        %dma_start3A_371 = tpu.memref_slice %arg3[%mul3A_49, %dma_start3A_370] : memref<6400x128xi32, #tpu.memory_space<hbm>> -> memref<8x128xi32, #tpu.memory_space<hbm>>
        tpu.enqueue_dma source(%dma_start3A_371 : memref<8x128xi32, #tpu.memory_space<hbm>>) target(%arg7 : memref<8x128xi32, #tpu.memory_space<vmem>>) target_semaphore(%run_scoped3A : memref<!tpu.dma_semaphore, #tpu.memory_space<semaphore_mem>>)
        %dma_wait3A_372 = arith.constant 0 : i32
        %dma_wait3A_373 = tpu.memref_slice %arg3[%mul3A_49, %dma_wait3A_372] : memref<6400x128xi32, #tpu.memory_space<hbm>> -> memref<8x128xi32, #tpu.memory_space<hbm>>
        %dma_wait3A_374 = arith.constant 0 : i32
        %dma_wait3A_375 = tpu.memref_slice %arg3[%mul3A_49, %dma_wait3A_374] : memref<6400x128xi32, #tpu.memory_space<hbm>> -> memref<8x128xi32, #tpu.memory_space<hbm>>
        tpu.wait_dma2 semaphore(%run_scoped3A : memref<!tpu.dma_semaphore, #tpu.memory_space<semaphore_mem>>) src(%dma_wait3A_375 : memref<8x128xi32, #tpu.memory_space<hbm>>) dst(%arg7 : memref<8x128xi32, #tpu.memory_space<vmem>>)
        tpu.yield
      }) : () -> ()
      "tpu.region"() ({
        %run_scoped3A = tpu.sem_alloc : memref<!tpu.dma_semaphore, #tpu.memory_space<semaphore_mem>>
        %dma_start3A_368 = arith.constant 0 : i32
        %dma_start3A_369 = tpu.memref_slice %arg4[%mul3A_49, %dma_start3A_368] : memref<6400x128xi32, #tpu.memory_space<hbm>> -> memref<8x128xi32, #tpu.memory_space<hbm>>
        %dma_start3A_370 = arith.constant 0 : i32
        %dma_start3A_371 = tpu.memref_slice %arg4[%mul3A_49, %dma_start3A_370] : memref<6400x128xi32, #tpu.memory_space<hbm>> -> memref<8x128xi32, #tpu.memory_space<hbm>>
        tpu.enqueue_dma source(%dma_start3A_371 : memref<8x128xi32, #tpu.memory_space<hbm>>) target(%arg8 : memref<8x128xi32, #tpu.memory_space<vmem>>) target_semaphore(%run_scoped3A : memref<!tpu.dma_semaphore, #tpu.memory_space<semaphore_mem>>)
        %dma_wait3A_372 = arith.constant 0 : i32
        %dma_wait3A_373 = tpu.memref_slice %arg4[%mul3A_49, %dma_wait3A_372] : memref<6400x128xi32, #tpu.memory_space<hbm>> -> memref<8x128xi32, #tpu.memory_space<hbm>>
        %dma_wait3A_374 = arith.constant 0 : i32
        %dma_wait3A_375 = tpu.memref_slice %arg4[%mul3A_49, %dma_wait3A_374] : memref<6400x128xi32, #tpu.memory_space<hbm>> -> memref<8x128xi32, #tpu.memory_space<hbm>>
        tpu.wait_dma2 semaphore(%run_scoped3A : memref<!tpu.dma_semaphore, #tpu.memory_space<semaphore_mem>>) src(%dma_wait3A_375 : memref<8x128xi32, #tpu.memory_space<hbm>>) dst(%arg8 : memref<8x128xi32, #tpu.memory_space<vmem>>)
        tpu.yield
      }) : () -> ()
      %dma_start3A = arith.constant 0 : i32
      %dma_start3A_50 = arith.constant 0 : i32
      %dma_start3A_51 = arith.constant 0 : i32
      %dma_start3A_52 = tpu.memref_slice %arg9[%dma_start3A_50, %dma_start3A_51] : memref<1024x16xf32, #tpu.memory_space<vmem>> -> memref<128x16xf32, #tpu.memory_space<vmem>>
      %dma_start3A_53 = arith.constant 0 : i32
      %dma_start3A_54 = tpu.memref_slice %arg7[%dma_start3A, %dma_start3A_53] : memref<8x128xi32, #tpu.memory_space<vmem>> -> memref<1x128xi32, #tpu.memory_space<vmem>>
      %dma_start3A_55 = tpu.memref_squeeze %dma_start3A_54 : memref<1x128xi32, #tpu.memory_space<vmem>> -> memref<128xi32, #tpu.memory_space<vmem>>
      %dma_start3A_56 = arith.constant 0 : i32
      %dma_start3A_57 = arith.constant 0 : i32
      %dma_start3A_58 = tpu.memref_slice %arg2[%dma_start3A_56, %dma_start3A_57] : memref<50000x16xf32, #tpu.memory_space<hbm>> -> memref<50000x16xf32, #tpu.memory_space<hbm>>
      tpu.enqueue_indirect_dma source(%dma_start3A_58 : memref<50000x16xf32, #tpu.memory_space<hbm>>) target(%dma_start3A_52 : memref<128x16xf32, #tpu.memory_space<vmem>>) offsets(%dma_start3A_55 : memref<128xi32, #tpu.memory_space<vmem>>) semaphore(%arg12 : memref<!tpu.dma_semaphore, #tpu.memory_space<semaphore_mem>>)
      %dma_start3A_59 = arith.constant 1 : i32
      %dma_start3A_60 = arith.constant 128 : i32
      %dma_start3A_61 = arith.constant 0 : i32
      %dma_start3A_62 = tpu.memref_slice %arg9[%dma_start3A_60, %dma_start3A_61] : memref<1024x16xf32, #tpu.memory_space<vmem>> -> memref<128x16xf32, #tpu.memory_space<vmem>>
      %dma_start3A_63 = arith.constant 0 : i32
      %dma_start3A_64 = tpu.memref_slice %arg7[%dma_start3A_59, %dma_start3A_63] : memref<8x128xi32, #tpu.memory_space<vmem>> -> memref<1x128xi32, #tpu.memory_space<vmem>>
      %dma_start3A_65 = tpu.memref_squeeze %dma_start3A_64 : memref<1x128xi32, #tpu.memory_space<vmem>> -> memref<128xi32, #tpu.memory_space<vmem>>
      %dma_start3A_66 = arith.constant 0 : i32
      %dma_start3A_67 = arith.constant 0 : i32
      %dma_start3A_68 = tpu.memref_slice %arg2[%dma_start3A_66, %dma_start3A_67] : memref<50000x16xf32, #tpu.memory_space<hbm>> -> memref<50000x16xf32, #tpu.memory_space<hbm>>
      tpu.enqueue_indirect_dma source(%dma_start3A_68 : memref<50000x16xf32, #tpu.memory_space<hbm>>) target(%dma_start3A_62 : memref<128x16xf32, #tpu.memory_space<vmem>>) offsets(%dma_start3A_65 : memref<128xi32, #tpu.memory_space<vmem>>) semaphore(%arg12 : memref<!tpu.dma_semaphore, #tpu.memory_space<semaphore_mem>>)
      %dma_start3A_69 = arith.constant 2 : i32
      %dma_start3A_70 = arith.constant 256 : i32
      %dma_start3A_71 = arith.constant 0 : i32
      %dma_start3A_72 = tpu.memref_slice %arg9[%dma_start3A_70, %dma_start3A_71] : memref<1024x16xf32, #tpu.memory_space<vmem>> -> memref<128x16xf32, #tpu.memory_space<vmem>>
      %dma_start3A_73 = arith.constant 0 : i32
      %dma_start3A_74 = tpu.memref_slice %arg7[%dma_start3A_69, %dma_start3A_73] : memref<8x128xi32, #tpu.memory_space<vmem>> -> memref<1x128xi32, #tpu.memory_space<vmem>>
      %dma_start3A_75 = tpu.memref_squeeze %dma_start3A_74 : memref<1x128xi32, #tpu.memory_space<vmem>> -> memref<128xi32, #tpu.memory_space<vmem>>
      %dma_start3A_76 = arith.constant 0 : i32
      %dma_start3A_77 = arith.constant 0 : i32
      %dma_start3A_78 = tpu.memref_slice %arg2[%dma_start3A_76, %dma_start3A_77] : memref<50000x16xf32, #tpu.memory_space<hbm>> -> memref<50000x16xf32, #tpu.memory_space<hbm>>
      tpu.enqueue_indirect_dma source(%dma_start3A_78 : memref<50000x16xf32, #tpu.memory_space<hbm>>) target(%dma_start3A_72 : memref<128x16xf32, #tpu.memory_space<vmem>>) offsets(%dma_start3A_75 : memref<128xi32, #tpu.memory_space<vmem>>) semaphore(%arg12 : memref<!tpu.dma_semaphore, #tpu.memory_space<semaphore_mem>>)
      %dma_start3A_79 = arith.constant 3 : i32
      %dma_start3A_80 = arith.constant 384 : i32
      %dma_start3A_81 = arith.constant 0 : i32
      %dma_start3A_82 = tpu.memref_slice %arg9[%dma_start3A_80, %dma_start3A_81] : memref<1024x16xf32, #tpu.memory_space<vmem>> -> memref<128x16xf32, #tpu.memory_space<vmem>>
      %dma_start3A_83 = arith.constant 0 : i32
      %dma_start3A_84 = tpu.memref_slice %arg7[%dma_start3A_79, %dma_start3A_83] : memref<8x128xi32, #tpu.memory_space<vmem>> -> memref<1x128xi32, #tpu.memory_space<vmem>>
      %dma_start3A_85 = tpu.memref_squeeze %dma_start3A_84 : memref<1x128xi32, #tpu.memory_space<vmem>> -> memref<128xi32, #tpu.memory_space<vmem>>
      %dma_start3A_86 = arith.constant 0 : i32
      %dma_start3A_87 = arith.constant 0 : i32
      %dma_start3A_88 = tpu.memref_slice %arg2[%dma_start3A_86, %dma_start3A_87] : memref<50000x16xf32, #tpu.memory_space<hbm>> -> memref<50000x16xf32, #tpu.memory_space<hbm>>
      tpu.enqueue_indirect_dma source(%dma_start3A_88 : memref<50000x16xf32, #tpu.memory_space<hbm>>) target(%dma_start3A_82 : memref<128x16xf32, #tpu.memory_space<vmem>>) offsets(%dma_start3A_85 : memref<128xi32, #tpu.memory_space<vmem>>) semaphore(%arg12 : memref<!tpu.dma_semaphore, #tpu.memory_space<semaphore_mem>>)
      %dma_start3A_89 = arith.constant 4 : i32
      %dma_start3A_90 = arith.constant 512 : i32
      %dma_start3A_91 = arith.constant 0 : i32
      %dma_start3A_92 = tpu.memref_slice %arg9[%dma_start3A_90, %dma_start3A_91] : memref<1024x16xf32, #tpu.memory_space<vmem>> -> memref<128x16xf32, #tpu.memory_space<vmem>>
      %dma_start3A_93 = arith.constant 0 : i32
      %dma_start3A_94 = tpu.memref_slice %arg7[%dma_start3A_89, %dma_start3A_93] : memref<8x128xi32, #tpu.memory_space<vmem>> -> memref<1x128xi32, #tpu.memory_space<vmem>>
      %dma_start3A_95 = tpu.memref_squeeze %dma_start3A_94 : memref<1x128xi32, #tpu.memory_space<vmem>> -> memref<128xi32, #tpu.memory_space<vmem>>
      %dma_start3A_96 = arith.constant 0 : i32
      %dma_start3A_97 = arith.constant 0 : i32
      %dma_start3A_98 = tpu.memref_slice %arg2[%dma_start3A_96, %dma_start3A_97] : memref<50000x16xf32, #tpu.memory_space<hbm>> -> memref<50000x16xf32, #tpu.memory_space<hbm>>
      tpu.enqueue_indirect_dma source(%dma_start3A_98 : memref<50000x16xf32, #tpu.memory_space<hbm>>) target(%dma_start3A_92 : memref<128x16xf32, #tpu.memory_space<vmem>>) offsets(%dma_start3A_95 : memref<128xi32, #tpu.memory_space<vmem>>) semaphore(%arg12 : memref<!tpu.dma_semaphore, #tpu.memory_space<semaphore_mem>>)
      %dma_start3A_99 = arith.constant 5 : i32
      %dma_start3A_100 = arith.constant 640 : i32
      %dma_start3A_101 = arith.constant 0 : i32
      %dma_start3A_102 = tpu.memref_slice %arg9[%dma_start3A_100, %dma_start3A_101] : memref<1024x16xf32, #tpu.memory_space<vmem>> -> memref<128x16xf32, #tpu.memory_space<vmem>>
      %dma_start3A_103 = arith.constant 0 : i32
      %dma_start3A_104 = tpu.memref_slice %arg7[%dma_start3A_99, %dma_start3A_103] : memref<8x128xi32, #tpu.memory_space<vmem>> -> memref<1x128xi32, #tpu.memory_space<vmem>>
      %dma_start3A_105 = tpu.memref_squeeze %dma_start3A_104 : memref<1x128xi32, #tpu.memory_space<vmem>> -> memref<128xi32, #tpu.memory_space<vmem>>
      %dma_start3A_106 = arith.constant 0 : i32
      %dma_start3A_107 = arith.constant 0 : i32
      %dma_start3A_108 = tpu.memref_slice %arg2[%dma_start3A_106, %dma_start3A_107] : memref<50000x16xf32, #tpu.memory_space<hbm>> -> memref<50000x16xf32, #tpu.memory_space<hbm>>
      tpu.enqueue_indirect_dma source(%dma_start3A_108 : memref<50000x16xf32, #tpu.memory_space<hbm>>) target(%dma_start3A_102 : memref<128x16xf32, #tpu.memory_space<vmem>>) offsets(%dma_start3A_105 : memref<128xi32, #tpu.memory_space<vmem>>) semaphore(%arg12 : memref<!tpu.dma_semaphore, #tpu.memory_space<semaphore_mem>>)
      %dma_start3A_109 = arith.constant 6 : i32
      %dma_start3A_110 = arith.constant 768 : i32
      %dma_start3A_111 = arith.constant 0 : i32
      %dma_start3A_112 = tpu.memref_slice %arg9[%dma_start3A_110, %dma_start3A_111] : memref<1024x16xf32, #tpu.memory_space<vmem>> -> memref<128x16xf32, #tpu.memory_space<vmem>>
      %dma_start3A_113 = arith.constant 0 : i32
      %dma_start3A_114 = tpu.memref_slice %arg7[%dma_start3A_109, %dma_start3A_113] : memref<8x128xi32, #tpu.memory_space<vmem>> -> memref<1x128xi32, #tpu.memory_space<vmem>>
      %dma_start3A_115 = tpu.memref_squeeze %dma_start3A_114 : memref<1x128xi32, #tpu.memory_space<vmem>> -> memref<128xi32, #tpu.memory_space<vmem>>
      %dma_start3A_116 = arith.constant 0 : i32
      %dma_start3A_117 = arith.constant 0 : i32
      %dma_start3A_118 = tpu.memref_slice %arg2[%dma_start3A_116, %dma_start3A_117] : memref<50000x16xf32, #tpu.memory_space<hbm>> -> memref<50000x16xf32, #tpu.memory_space<hbm>>
      tpu.enqueue_indirect_dma source(%dma_start3A_118 : memref<50000x16xf32, #tpu.memory_space<hbm>>) target(%dma_start3A_112 : memref<128x16xf32, #tpu.memory_space<vmem>>) offsets(%dma_start3A_115 : memref<128xi32, #tpu.memory_space<vmem>>) semaphore(%arg12 : memref<!tpu.dma_semaphore, #tpu.memory_space<semaphore_mem>>)
      %dma_start3A_119 = arith.constant 7 : i32
      %dma_start3A_120 = arith.constant 896 : i32
      %dma_start3A_121 = arith.constant 0 : i32
      %dma_start3A_122 = tpu.memref_slice %arg9[%dma_start3A_120, %dma_start3A_121] : memref<1024x16xf32, #tpu.memory_space<vmem>> -> memref<128x16xf32, #tpu.memory_space<vmem>>
      %dma_start3A_123 = arith.constant 0 : i32
      %dma_start3A_124 = tpu.memref_slice %arg7[%dma_start3A_119, %dma_start3A_123] : memref<8x128xi32, #tpu.memory_space<vmem>> -> memref<1x128xi32, #tpu.memory_space<vmem>>
      %dma_start3A_125 = tpu.memref_squeeze %dma_start3A_124 : memref<1x128xi32, #tpu.memory_space<vmem>> -> memref<128xi32, #tpu.memory_space<vmem>>
      %dma_start3A_126 = arith.constant 0 : i32
      %dma_start3A_127 = arith.constant 0 : i32
      %dma_start3A_128 = tpu.memref_slice %arg2[%dma_start3A_126, %dma_start3A_127] : memref<50000x16xf32, #tpu.memory_space<hbm>> -> memref<50000x16xf32, #tpu.memory_space<hbm>>
      tpu.enqueue_indirect_dma source(%dma_start3A_128 : memref<50000x16xf32, #tpu.memory_space<hbm>>) target(%dma_start3A_122 : memref<128x16xf32, #tpu.memory_space<vmem>>) offsets(%dma_start3A_125 : memref<128xi32, #tpu.memory_space<vmem>>) semaphore(%arg12 : memref<!tpu.dma_semaphore, #tpu.memory_space<semaphore_mem>>)
      %dma_wait3A = arith.constant 0 : i32
      %dma_wait3A_129 = arith.constant 0 : i32
      %dma_wait3A_130 = arith.constant 0 : i32
      %dma_wait3A_131 = tpu.memref_slice %arg9[%dma_wait3A_129, %dma_wait3A_130] : memref<1024x16xf32, #tpu.memory_space<vmem>> -> memref<128x16xf32, #tpu.memory_space<vmem>>
      %dma_wait3A_132 = arith.constant 0 : i32
      %dma_wait3A_133 = tpu.memref_slice %arg7[%dma_wait3A, %dma_wait3A_132] : memref<8x128xi32, #tpu.memory_space<vmem>> -> memref<1x128xi32, #tpu.memory_space<vmem>>
      %dma_wait3A_134 = tpu.memref_squeeze %dma_wait3A_133 : memref<1x128xi32, #tpu.memory_space<vmem>> -> memref<128xi32, #tpu.memory_space<vmem>>
      %dma_wait3A_135 = arith.constant 0 : i32
      %dma_wait3A_136 = arith.constant 0 : i32
      %dma_wait3A_137 = tpu.memref_slice %arg2[%dma_wait3A_135, %dma_wait3A_136] : memref<50000x16xf32, #tpu.memory_space<hbm>> -> memref<50000x16xf32, #tpu.memory_space<hbm>>
      tpu.wait_indirect_dma semaphore(%arg12 : memref<!tpu.dma_semaphore, #tpu.memory_space<semaphore_mem>>) src(%dma_wait3A_137 : memref<50000x16xf32, #tpu.memory_space<hbm>>) dst(%dma_wait3A_131 : memref<128x16xf32, #tpu.memory_space<vmem>>)
      %dma_wait3A_138 = arith.constant 1 : i32
      %dma_wait3A_139 = arith.constant 128 : i32
      %dma_wait3A_140 = arith.constant 0 : i32
      %dma_wait3A_141 = tpu.memref_slice %arg9[%dma_wait3A_139, %dma_wait3A_140] : memref<1024x16xf32, #tpu.memory_space<vmem>> -> memref<128x16xf32, #tpu.memory_space<vmem>>
      %dma_wait3A_142 = arith.constant 0 : i32
      %dma_wait3A_143 = tpu.memref_slice %arg7[%dma_wait3A_138, %dma_wait3A_142] : memref<8x128xi32, #tpu.memory_space<vmem>> -> memref<1x128xi32, #tpu.memory_space<vmem>>
      %dma_wait3A_144 = tpu.memref_squeeze %dma_wait3A_143 : memref<1x128xi32, #tpu.memory_space<vmem>> -> memref<128xi32, #tpu.memory_space<vmem>>
      %dma_wait3A_145 = arith.constant 0 : i32
      %dma_wait3A_146 = arith.constant 0 : i32
      %dma_wait3A_147 = tpu.memref_slice %arg2[%dma_wait3A_145, %dma_wait3A_146] : memref<50000x16xf32, #tpu.memory_space<hbm>> -> memref<50000x16xf32, #tpu.memory_space<hbm>>
      tpu.wait_indirect_dma semaphore(%arg12 : memref<!tpu.dma_semaphore, #tpu.memory_space<semaphore_mem>>) src(%dma_wait3A_147 : memref<50000x16xf32, #tpu.memory_space<hbm>>) dst(%dma_wait3A_141 : memref<128x16xf32, #tpu.memory_space<vmem>>)
      %dma_wait3A_148 = arith.constant 2 : i32
      %dma_wait3A_149 = arith.constant 256 : i32
      %dma_wait3A_150 = arith.constant 0 : i32
      %dma_wait3A_151 = tpu.memref_slice %arg9[%dma_wait3A_149, %dma_wait3A_150] : memref<1024x16xf32, #tpu.memory_space<vmem>> -> memref<128x16xf32, #tpu.memory_space<vmem>>
      %dma_wait3A_152 = arith.constant 0 : i32
      %dma_wait3A_153 = tpu.memref_slice %arg7[%dma_wait3A_148, %dma_wait3A_152] : memref<8x128xi32, #tpu.memory_space<vmem>> -> memref<1x128xi32, #tpu.memory_space<vmem>>
      %dma_wait3A_154 = tpu.memref_squeeze %dma_wait3A_153 : memref<1x128xi32, #tpu.memory_space<vmem>> -> memref<128xi32, #tpu.memory_space<vmem>>
      %dma_wait3A_155 = arith.constant 0 : i32
      %dma_wait3A_156 = arith.constant 0 : i32
      %dma_wait3A_157 = tpu.memref_slice %arg2[%dma_wait3A_155, %dma_wait3A_156] : memref<50000x16xf32, #tpu.memory_space<hbm>> -> memref<50000x16xf32, #tpu.memory_space<hbm>>
      tpu.wait_indirect_dma semaphore(%arg12 : memref<!tpu.dma_semaphore, #tpu.memory_space<semaphore_mem>>) src(%dma_wait3A_157 : memref<50000x16xf32, #tpu.memory_space<hbm>>) dst(%dma_wait3A_151 : memref<128x16xf32, #tpu.memory_space<vmem>>)
      %dma_wait3A_158 = arith.constant 3 : i32
      %dma_wait3A_159 = arith.constant 384 : i32
      %dma_wait3A_160 = arith.constant 0 : i32
      %dma_wait3A_161 = tpu.memref_slice %arg9[%dma_wait3A_159, %dma_wait3A_160] : memref<1024x16xf32, #tpu.memory_space<vmem>> -> memref<128x16xf32, #tpu.memory_space<vmem>>
      %dma_wait3A_162 = arith.constant 0 : i32
      %dma_wait3A_163 = tpu.memref_slice %arg7[%dma_wait3A_158, %dma_wait3A_162] : memref<8x128xi32, #tpu.memory_space<vmem>> -> memref<1x128xi32, #tpu.memory_space<vmem>>
      %dma_wait3A_164 = tpu.memref_squeeze %dma_wait3A_163 : memref<1x128xi32, #tpu.memory_space<vmem>> -> memref<128xi32, #tpu.memory_space<vmem>>
      %dma_wait3A_165 = arith.constant 0 : i32
      %dma_wait3A_166 = arith.constant 0 : i32
      %dma_wait3A_167 = tpu.memref_slice %arg2[%dma_wait3A_165, %dma_wait3A_166] : memref<50000x16xf32, #tpu.memory_space<hbm>> -> memref<50000x16xf32, #tpu.memory_space<hbm>>
      tpu.wait_indirect_dma semaphore(%arg12 : memref<!tpu.dma_semaphore, #tpu.memory_space<semaphore_mem>>) src(%dma_wait3A_167 : memref<50000x16xf32, #tpu.memory_space<hbm>>) dst(%dma_wait3A_161 : memref<128x16xf32, #tpu.memory_space<vmem>>)
      %dma_wait3A_168 = arith.constant 4 : i32
      %dma_wait3A_169 = arith.constant 512 : i32
      %dma_wait3A_170 = arith.constant 0 : i32
      %dma_wait3A_171 = tpu.memref_slice %arg9[%dma_wait3A_169, %dma_wait3A_170] : memref<1024x16xf32, #tpu.memory_space<vmem>> -> memref<128x16xf32, #tpu.memory_space<vmem>>
      %dma_wait3A_172 = arith.constant 0 : i32
      %dma_wait3A_173 = tpu.memref_slice %arg7[%dma_wait3A_168, %dma_wait3A_172] : memref<8x128xi32, #tpu.memory_space<vmem>> -> memref<1x128xi32, #tpu.memory_space<vmem>>
      %dma_wait3A_174 = tpu.memref_squeeze %dma_wait3A_173 : memref<1x128xi32, #tpu.memory_space<vmem>> -> memref<128xi32, #tpu.memory_space<vmem>>
      %dma_wait3A_175 = arith.constant 0 : i32
      %dma_wait3A_176 = arith.constant 0 : i32
      %dma_wait3A_177 = tpu.memref_slice %arg2[%dma_wait3A_175, %dma_wait3A_176] : memref<50000x16xf32, #tpu.memory_space<hbm>> -> memref<50000x16xf32, #tpu.memory_space<hbm>>
      tpu.wait_indirect_dma semaphore(%arg12 : memref<!tpu.dma_semaphore, #tpu.memory_space<semaphore_mem>>) src(%dma_wait3A_177 : memref<50000x16xf32, #tpu.memory_space<hbm>>) dst(%dma_wait3A_171 : memref<128x16xf32, #tpu.memory_space<vmem>>)
      %dma_wait3A_178 = arith.constant 5 : i32
      %dma_wait3A_179 = arith.constant 640 : i32
      %dma_wait3A_180 = arith.constant 0 : i32
      %dma_wait3A_181 = tpu.memref_slice %arg9[%dma_wait3A_179, %dma_wait3A_180] : memref<1024x16xf32, #tpu.memory_space<vmem>> -> memref<128x16xf32, #tpu.memory_space<vmem>>
      %dma_wait3A_182 = arith.constant 0 : i32
      %dma_wait3A_183 = tpu.memref_slice %arg7[%dma_wait3A_178, %dma_wait3A_182] : memref<8x128xi32, #tpu.memory_space<vmem>> -> memref<1x128xi32, #tpu.memory_space<vmem>>
      %dma_wait3A_184 = tpu.memref_squeeze %dma_wait3A_183 : memref<1x128xi32, #tpu.memory_space<vmem>> -> memref<128xi32, #tpu.memory_space<vmem>>
      %dma_wait3A_185 = arith.constant 0 : i32
      %dma_wait3A_186 = arith.constant 0 : i32
      %dma_wait3A_187 = tpu.memref_slice %arg2[%dma_wait3A_185, %dma_wait3A_186] : memref<50000x16xf32, #tpu.memory_space<hbm>> -> memref<50000x16xf32, #tpu.memory_space<hbm>>
      tpu.wait_indirect_dma semaphore(%arg12 : memref<!tpu.dma_semaphore, #tpu.memory_space<semaphore_mem>>) src(%dma_wait3A_187 : memref<50000x16xf32, #tpu.memory_space<hbm>>) dst(%dma_wait3A_181 : memref<128x16xf32, #tpu.memory_space<vmem>>)
      %dma_wait3A_188 = arith.constant 6 : i32
      %dma_wait3A_189 = arith.constant 768 : i32
      %dma_wait3A_190 = arith.constant 0 : i32
      %dma_wait3A_191 = tpu.memref_slice %arg9[%dma_wait3A_189, %dma_wait3A_190] : memref<1024x16xf32, #tpu.memory_space<vmem>> -> memref<128x16xf32, #tpu.memory_space<vmem>>
      %dma_wait3A_192 = arith.constant 0 : i32
      %dma_wait3A_193 = tpu.memref_slice %arg7[%dma_wait3A_188, %dma_wait3A_192] : memref<8x128xi32, #tpu.memory_space<vmem>> -> memref<1x128xi32, #tpu.memory_space<vmem>>
      %dma_wait3A_194 = tpu.memref_squeeze %dma_wait3A_193 : memref<1x128xi32, #tpu.memory_space<vmem>> -> memref<128xi32, #tpu.memory_space<vmem>>
      %dma_wait3A_195 = arith.constant 0 : i32
      %dma_wait3A_196 = arith.constant 0 : i32
      %dma_wait3A_197 = tpu.memref_slice %arg2[%dma_wait3A_195, %dma_wait3A_196] : memref<50000x16xf32, #tpu.memory_space<hbm>> -> memref<50000x16xf32, #tpu.memory_space<hbm>>
      tpu.wait_indirect_dma semaphore(%arg12 : memref<!tpu.dma_semaphore, #tpu.memory_space<semaphore_mem>>) src(%dma_wait3A_197 : memref<50000x16xf32, #tpu.memory_space<hbm>>) dst(%dma_wait3A_191 : memref<128x16xf32, #tpu.memory_space<vmem>>)
      %dma_wait3A_198 = arith.constant 7 : i32
      %dma_wait3A_199 = arith.constant 896 : i32
      %dma_wait3A_200 = arith.constant 0 : i32
      %dma_wait3A_201 = tpu.memref_slice %arg9[%dma_wait3A_199, %dma_wait3A_200] : memref<1024x16xf32, #tpu.memory_space<vmem>> -> memref<128x16xf32, #tpu.memory_space<vmem>>
      %dma_wait3A_202 = arith.constant 0 : i32
      %dma_wait3A_203 = tpu.memref_slice %arg7[%dma_wait3A_198, %dma_wait3A_202] : memref<8x128xi32, #tpu.memory_space<vmem>> -> memref<1x128xi32, #tpu.memory_space<vmem>>
      %dma_wait3A_204 = tpu.memref_squeeze %dma_wait3A_203 : memref<1x128xi32, #tpu.memory_space<vmem>> -> memref<128xi32, #tpu.memory_space<vmem>>
      %dma_wait3A_205 = arith.constant 0 : i32
      %dma_wait3A_206 = arith.constant 0 : i32
      %dma_wait3A_207 = tpu.memref_slice %arg2[%dma_wait3A_205, %dma_wait3A_206] : memref<50000x16xf32, #tpu.memory_space<hbm>> -> memref<50000x16xf32, #tpu.memory_space<hbm>>
      tpu.wait_indirect_dma semaphore(%arg12 : memref<!tpu.dma_semaphore, #tpu.memory_space<semaphore_mem>>) src(%dma_wait3A_207 : memref<50000x16xf32, #tpu.memory_space<hbm>>) dst(%dma_wait3A_201 : memref<128x16xf32, #tpu.memory_space<vmem>>)
      %dma_start3A_208 = arith.constant 0 : i32
      %dma_start3A_209 = arith.constant 0 : i32
      %dma_start3A_210 = arith.constant 0 : i32
      %dma_start3A_211 = tpu.memref_slice %arg9[%dma_start3A_209, %dma_start3A_210] : memref<1024x16xf32, #tpu.memory_space<vmem>> -> memref<128x16xf32, #tpu.memory_space<vmem>>
      %dma_start3A_212 = arith.constant 0 : i32
      %dma_start3A_213 = tpu.memref_slice %arg8[%dma_start3A_208, %dma_start3A_212] : memref<8x128xi32, #tpu.memory_space<vmem>> -> memref<1x128xi32, #tpu.memory_space<vmem>>
      %dma_start3A_214 = tpu.memref_squeeze %dma_start3A_213 : memref<1x128xi32, #tpu.memory_space<vmem>> -> memref<128xi32, #tpu.memory_space<vmem>>
      %dma_start3A_215 = arith.constant 0 : i32
      %dma_start3A_216 = arith.constant 0 : i32
      %dma_start3A_217 = tpu.memref_slice %arg11[%dma_start3A_215, %dma_start3A_216] : memref<50048x16xf32, #tpu.memory_space<vmem_shared>> -> memref<50048x16xf32, #tpu.memory_space<vmem_shared>>
      tpu.enqueue_indirect_dma source(%dma_start3A_211 : memref<128x16xf32, #tpu.memory_space<vmem>>) target(%dma_start3A_217 : memref<50048x16xf32, #tpu.memory_space<vmem_shared>>) offsets(%dma_start3A_214 : memref<128xi32, #tpu.memory_space<vmem>>) semaphore(%arg14 : memref<!tpu.dma_semaphore, #tpu.memory_space<semaphore_mem>>) {add = true}
      %dma_start3A_218 = arith.constant 1 : i32
      %dma_start3A_219 = arith.constant 128 : i32
      %dma_start3A_220 = arith.constant 0 : i32
      %dma_start3A_221 = tpu.memref_slice %arg9[%dma_start3A_219, %dma_start3A_220] : memref<1024x16xf32, #tpu.memory_space<vmem>> -> memref<128x16xf32, #tpu.memory_space<vmem>>
      %dma_start3A_222 = arith.constant 0 : i32
      %dma_start3A_223 = tpu.memref_slice %arg8[%dma_start3A_218, %dma_start3A_222] : memref<8x128xi32, #tpu.memory_space<vmem>> -> memref<1x128xi32, #tpu.memory_space<vmem>>
      %dma_start3A_224 = tpu.memref_squeeze %dma_start3A_223 : memref<1x128xi32, #tpu.memory_space<vmem>> -> memref<128xi32, #tpu.memory_space<vmem>>
      %dma_start3A_225 = arith.constant 0 : i32
      %dma_start3A_226 = arith.constant 0 : i32
      %dma_start3A_227 = tpu.memref_slice %arg11[%dma_start3A_225, %dma_start3A_226] : memref<50048x16xf32, #tpu.memory_space<vmem_shared>> -> memref<50048x16xf32, #tpu.memory_space<vmem_shared>>
      tpu.enqueue_indirect_dma source(%dma_start3A_221 : memref<128x16xf32, #tpu.memory_space<vmem>>) target(%dma_start3A_227 : memref<50048x16xf32, #tpu.memory_space<vmem_shared>>) offsets(%dma_start3A_224 : memref<128xi32, #tpu.memory_space<vmem>>) semaphore(%arg14 : memref<!tpu.dma_semaphore, #tpu.memory_space<semaphore_mem>>) {add = true}
      %dma_start3A_228 = arith.constant 2 : i32
      %dma_start3A_229 = arith.constant 256 : i32
      %dma_start3A_230 = arith.constant 0 : i32
      %dma_start3A_231 = tpu.memref_slice %arg9[%dma_start3A_229, %dma_start3A_230] : memref<1024x16xf32, #tpu.memory_space<vmem>> -> memref<128x16xf32, #tpu.memory_space<vmem>>
      %dma_start3A_232 = arith.constant 0 : i32
      %dma_start3A_233 = tpu.memref_slice %arg8[%dma_start3A_228, %dma_start3A_232] : memref<8x128xi32, #tpu.memory_space<vmem>> -> memref<1x128xi32, #tpu.memory_space<vmem>>
      %dma_start3A_234 = tpu.memref_squeeze %dma_start3A_233 : memref<1x128xi32, #tpu.memory_space<vmem>> -> memref<128xi32, #tpu.memory_space<vmem>>
      %dma_start3A_235 = arith.constant 0 : i32
      %dma_start3A_236 = arith.constant 0 : i32
      %dma_start3A_237 = tpu.memref_slice %arg11[%dma_start3A_235, %dma_start3A_236] : memref<50048x16xf32, #tpu.memory_space<vmem_shared>> -> memref<50048x16xf32, #tpu.memory_space<vmem_shared>>
      tpu.enqueue_indirect_dma source(%dma_start3A_231 : memref<128x16xf32, #tpu.memory_space<vmem>>) target(%dma_start3A_237 : memref<50048x16xf32, #tpu.memory_space<vmem_shared>>) offsets(%dma_start3A_234 : memref<128xi32, #tpu.memory_space<vmem>>) semaphore(%arg14 : memref<!tpu.dma_semaphore, #tpu.memory_space<semaphore_mem>>) {add = true}
      %dma_start3A_238 = arith.constant 3 : i32
      %dma_start3A_239 = arith.constant 384 : i32
      %dma_start3A_240 = arith.constant 0 : i32
      %dma_start3A_241 = tpu.memref_slice %arg9[%dma_start3A_239, %dma_start3A_240] : memref<1024x16xf32, #tpu.memory_space<vmem>> -> memref<128x16xf32, #tpu.memory_space<vmem>>
      %dma_start3A_242 = arith.constant 0 : i32
      %dma_start3A_243 = tpu.memref_slice %arg8[%dma_start3A_238, %dma_start3A_242] : memref<8x128xi32, #tpu.memory_space<vmem>> -> memref<1x128xi32, #tpu.memory_space<vmem>>
      %dma_start3A_244 = tpu.memref_squeeze %dma_start3A_243 : memref<1x128xi32, #tpu.memory_space<vmem>> -> memref<128xi32, #tpu.memory_space<vmem>>
      %dma_start3A_245 = arith.constant 0 : i32
      %dma_start3A_246 = arith.constant 0 : i32
      %dma_start3A_247 = tpu.memref_slice %arg11[%dma_start3A_245, %dma_start3A_246] : memref<50048x16xf32, #tpu.memory_space<vmem_shared>> -> memref<50048x16xf32, #tpu.memory_space<vmem_shared>>
      tpu.enqueue_indirect_dma source(%dma_start3A_241 : memref<128x16xf32, #tpu.memory_space<vmem>>) target(%dma_start3A_247 : memref<50048x16xf32, #tpu.memory_space<vmem_shared>>) offsets(%dma_start3A_244 : memref<128xi32, #tpu.memory_space<vmem>>) semaphore(%arg14 : memref<!tpu.dma_semaphore, #tpu.memory_space<semaphore_mem>>) {add = true}
      %dma_start3A_248 = arith.constant 4 : i32
      %dma_start3A_249 = arith.constant 512 : i32
      %dma_start3A_250 = arith.constant 0 : i32
      %dma_start3A_251 = tpu.memref_slice %arg9[%dma_start3A_249, %dma_start3A_250] : memref<1024x16xf32, #tpu.memory_space<vmem>> -> memref<128x16xf32, #tpu.memory_space<vmem>>
      %dma_start3A_252 = arith.constant 0 : i32
      %dma_start3A_253 = tpu.memref_slice %arg8[%dma_start3A_248, %dma_start3A_252] : memref<8x128xi32, #tpu.memory_space<vmem>> -> memref<1x128xi32, #tpu.memory_space<vmem>>
      %dma_start3A_254 = tpu.memref_squeeze %dma_start3A_253 : memref<1x128xi32, #tpu.memory_space<vmem>> -> memref<128xi32, #tpu.memory_space<vmem>>
      %dma_start3A_255 = arith.constant 0 : i32
      %dma_start3A_256 = arith.constant 0 : i32
      %dma_start3A_257 = tpu.memref_slice %arg11[%dma_start3A_255, %dma_start3A_256] : memref<50048x16xf32, #tpu.memory_space<vmem_shared>> -> memref<50048x16xf32, #tpu.memory_space<vmem_shared>>
      tpu.enqueue_indirect_dma source(%dma_start3A_251 : memref<128x16xf32, #tpu.memory_space<vmem>>) target(%dma_start3A_257 : memref<50048x16xf32, #tpu.memory_space<vmem_shared>>) offsets(%dma_start3A_254 : memref<128xi32, #tpu.memory_space<vmem>>) semaphore(%arg14 : memref<!tpu.dma_semaphore, #tpu.memory_space<semaphore_mem>>) {add = true}
      %dma_start3A_258 = arith.constant 5 : i32
      %dma_start3A_259 = arith.constant 640 : i32
      %dma_start3A_260 = arith.constant 0 : i32
      %dma_start3A_261 = tpu.memref_slice %arg9[%dma_start3A_259, %dma_start3A_260] : memref<1024x16xf32, #tpu.memory_space<vmem>> -> memref<128x16xf32, #tpu.memory_space<vmem>>
      %dma_start3A_262 = arith.constant 0 : i32
      %dma_start3A_263 = tpu.memref_slice %arg8[%dma_start3A_258, %dma_start3A_262] : memref<8x128xi32, #tpu.memory_space<vmem>> -> memref<1x128xi32, #tpu.memory_space<vmem>>
      %dma_start3A_264 = tpu.memref_squeeze %dma_start3A_263 : memref<1x128xi32, #tpu.memory_space<vmem>> -> memref<128xi32, #tpu.memory_space<vmem>>
      %dma_start3A_265 = arith.constant 0 : i32
      %dma_start3A_266 = arith.constant 0 : i32
      %dma_start3A_267 = tpu.memref_slice %arg11[%dma_start3A_265, %dma_start3A_266] : memref<50048x16xf32, #tpu.memory_space<vmem_shared>> -> memref<50048x16xf32, #tpu.memory_space<vmem_shared>>
      tpu.enqueue_indirect_dma source(%dma_start3A_261 : memref<128x16xf32, #tpu.memory_space<vmem>>) target(%dma_start3A_267 : memref<50048x16xf32, #tpu.memory_space<vmem_shared>>) offsets(%dma_start3A_264 : memref<128xi32, #tpu.memory_space<vmem>>) semaphore(%arg14 : memref<!tpu.dma_semaphore, #tpu.memory_space<semaphore_mem>>) {add = true}
      %dma_start3A_268 = arith.constant 6 : i32
      %dma_start3A_269 = arith.constant 768 : i32
      %dma_start3A_270 = arith.constant 0 : i32
      %dma_start3A_271 = tpu.memref_slice %arg9[%dma_start3A_269, %dma_start3A_270] : memref<1024x16xf32, #tpu.memory_space<vmem>> -> memref<128x16xf32, #tpu.memory_space<vmem>>
      %dma_start3A_272 = arith.constant 0 : i32
      %dma_start3A_273 = tpu.memref_slice %arg8[%dma_start3A_268, %dma_start3A_272] : memref<8x128xi32, #tpu.memory_space<vmem>> -> memref<1x128xi32, #tpu.memory_space<vmem>>
      %dma_start3A_274 = tpu.memref_squeeze %dma_start3A_273 : memref<1x128xi32, #tpu.memory_space<vmem>> -> memref<128xi32, #tpu.memory_space<vmem>>
      %dma_start3A_275 = arith.constant 0 : i32
      %dma_start3A_276 = arith.constant 0 : i32
      %dma_start3A_277 = tpu.memref_slice %arg11[%dma_start3A_275, %dma_start3A_276] : memref<50048x16xf32, #tpu.memory_space<vmem_shared>> -> memref<50048x16xf32, #tpu.memory_space<vmem_shared>>
      tpu.enqueue_indirect_dma source(%dma_start3A_271 : memref<128x16xf32, #tpu.memory_space<vmem>>) target(%dma_start3A_277 : memref<50048x16xf32, #tpu.memory_space<vmem_shared>>) offsets(%dma_start3A_274 : memref<128xi32, #tpu.memory_space<vmem>>) semaphore(%arg14 : memref<!tpu.dma_semaphore, #tpu.memory_space<semaphore_mem>>) {add = true}
      %dma_start3A_278 = arith.constant 7 : i32
      %dma_start3A_279 = arith.constant 896 : i32
      %dma_start3A_280 = arith.constant 0 : i32
      %dma_start3A_281 = tpu.memref_slice %arg9[%dma_start3A_279, %dma_start3A_280] : memref<1024x16xf32, #tpu.memory_space<vmem>> -> memref<128x16xf32, #tpu.memory_space<vmem>>
      %dma_start3A_282 = arith.constant 0 : i32
      %dma_start3A_283 = tpu.memref_slice %arg8[%dma_start3A_278, %dma_start3A_282] : memref<8x128xi32, #tpu.memory_space<vmem>> -> memref<1x128xi32, #tpu.memory_space<vmem>>
      %dma_start3A_284 = tpu.memref_squeeze %dma_start3A_283 : memref<1x128xi32, #tpu.memory_space<vmem>> -> memref<128xi32, #tpu.memory_space<vmem>>
      %dma_start3A_285 = arith.constant 0 : i32
      %dma_start3A_286 = arith.constant 0 : i32
      %dma_start3A_287 = tpu.memref_slice %arg11[%dma_start3A_285, %dma_start3A_286] : memref<50048x16xf32, #tpu.memory_space<vmem_shared>> -> memref<50048x16xf32, #tpu.memory_space<vmem_shared>>
      tpu.enqueue_indirect_dma source(%dma_start3A_281 : memref<128x16xf32, #tpu.memory_space<vmem>>) target(%dma_start3A_287 : memref<50048x16xf32, #tpu.memory_space<vmem_shared>>) offsets(%dma_start3A_284 : memref<128xi32, #tpu.memory_space<vmem>>) semaphore(%arg14 : memref<!tpu.dma_semaphore, #tpu.memory_space<semaphore_mem>>) {add = true}
      %dma_wait3A_288 = arith.constant 0 : i32
      %dma_wait3A_289 = arith.constant 0 : i32
      %dma_wait3A_290 = arith.constant 0 : i32
      %dma_wait3A_291 = tpu.memref_slice %arg9[%dma_wait3A_289, %dma_wait3A_290] : memref<1024x16xf32, #tpu.memory_space<vmem>> -> memref<128x16xf32, #tpu.memory_space<vmem>>
      %dma_wait3A_292 = arith.constant 0 : i32
      %dma_wait3A_293 = tpu.memref_slice %arg8[%dma_wait3A_288, %dma_wait3A_292] : memref<8x128xi32, #tpu.memory_space<vmem>> -> memref<1x128xi32, #tpu.memory_space<vmem>>
      %dma_wait3A_294 = tpu.memref_squeeze %dma_wait3A_293 : memref<1x128xi32, #tpu.memory_space<vmem>> -> memref<128xi32, #tpu.memory_space<vmem>>
      %dma_wait3A_295 = arith.constant 0 : i32
      %dma_wait3A_296 = arith.constant 0 : i32
      %dma_wait3A_297 = tpu.memref_slice %arg11[%dma_wait3A_295, %dma_wait3A_296] : memref<50048x16xf32, #tpu.memory_space<vmem_shared>> -> memref<50048x16xf32, #tpu.memory_space<vmem_shared>>
      tpu.wait_indirect_dma semaphore(%arg14 : memref<!tpu.dma_semaphore, #tpu.memory_space<semaphore_mem>>) src(%dma_wait3A_291 : memref<128x16xf32, #tpu.memory_space<vmem>>) dst(%dma_wait3A_297 : memref<50048x16xf32, #tpu.memory_space<vmem_shared>>)
      %dma_wait3A_298 = arith.constant 1 : i32
      %dma_wait3A_299 = arith.constant 128 : i32
      %dma_wait3A_300 = arith.constant 0 : i32
      %dma_wait3A_301 = tpu.memref_slice %arg9[%dma_wait3A_299, %dma_wait3A_300] : memref<1024x16xf32, #tpu.memory_space<vmem>> -> memref<128x16xf32, #tpu.memory_space<vmem>>
      %dma_wait3A_302 = arith.constant 0 : i32
      %dma_wait3A_303 = tpu.memref_slice %arg8[%dma_wait3A_298, %dma_wait3A_302] : memref<8x128xi32, #tpu.memory_space<vmem>> -> memref<1x128xi32, #tpu.memory_space<vmem>>
      %dma_wait3A_304 = tpu.memref_squeeze %dma_wait3A_303 : memref<1x128xi32, #tpu.memory_space<vmem>> -> memref<128xi32, #tpu.memory_space<vmem>>
      %dma_wait3A_305 = arith.constant 0 : i32
      %dma_wait3A_306 = arith.constant 0 : i32
      %dma_wait3A_307 = tpu.memref_slice %arg11[%dma_wait3A_305, %dma_wait3A_306] : memref<50048x16xf32, #tpu.memory_space<vmem_shared>> -> memref<50048x16xf32, #tpu.memory_space<vmem_shared>>
      tpu.wait_indirect_dma semaphore(%arg14 : memref<!tpu.dma_semaphore, #tpu.memory_space<semaphore_mem>>) src(%dma_wait3A_301 : memref<128x16xf32, #tpu.memory_space<vmem>>) dst(%dma_wait3A_307 : memref<50048x16xf32, #tpu.memory_space<vmem_shared>>)
      %dma_wait3A_308 = arith.constant 2 : i32
      %dma_wait3A_309 = arith.constant 256 : i32
      %dma_wait3A_310 = arith.constant 0 : i32
      %dma_wait3A_311 = tpu.memref_slice %arg9[%dma_wait3A_309, %dma_wait3A_310] : memref<1024x16xf32, #tpu.memory_space<vmem>> -> memref<128x16xf32, #tpu.memory_space<vmem>>
      %dma_wait3A_312 = arith.constant 0 : i32
      %dma_wait3A_313 = tpu.memref_slice %arg8[%dma_wait3A_308, %dma_wait3A_312] : memref<8x128xi32, #tpu.memory_space<vmem>> -> memref<1x128xi32, #tpu.memory_space<vmem>>
      %dma_wait3A_314 = tpu.memref_squeeze %dma_wait3A_313 : memref<1x128xi32, #tpu.memory_space<vmem>> -> memref<128xi32, #tpu.memory_space<vmem>>
      %dma_wait3A_315 = arith.constant 0 : i32
      %dma_wait3A_316 = arith.constant 0 : i32
      %dma_wait3A_317 = tpu.memref_slice %arg11[%dma_wait3A_315, %dma_wait3A_316] : memref<50048x16xf32, #tpu.memory_space<vmem_shared>> -> memref<50048x16xf32, #tpu.memory_space<vmem_shared>>
      tpu.wait_indirect_dma semaphore(%arg14 : memref<!tpu.dma_semaphore, #tpu.memory_space<semaphore_mem>>) src(%dma_wait3A_311 : memref<128x16xf32, #tpu.memory_space<vmem>>) dst(%dma_wait3A_317 : memref<50048x16xf32, #tpu.memory_space<vmem_shared>>)
      %dma_wait3A_318 = arith.constant 3 : i32
      %dma_wait3A_319 = arith.constant 384 : i32
      %dma_wait3A_320 = arith.constant 0 : i32
      %dma_wait3A_321 = tpu.memref_slice %arg9[%dma_wait3A_319, %dma_wait3A_320] : memref<1024x16xf32, #tpu.memory_space<vmem>> -> memref<128x16xf32, #tpu.memory_space<vmem>>
      %dma_wait3A_322 = arith.constant 0 : i32
      %dma_wait3A_323 = tpu.memref_slice %arg8[%dma_wait3A_318, %dma_wait3A_322] : memref<8x128xi32, #tpu.memory_space<vmem>> -> memref<1x128xi32, #tpu.memory_space<vmem>>
      %dma_wait3A_324 = tpu.memref_squeeze %dma_wait3A_323 : memref<1x128xi32, #tpu.memory_space<vmem>> -> memref<128xi32, #tpu.memory_space<vmem>>
      %dma_wait3A_325 = arith.constant 0 : i32
      %dma_wait3A_326 = arith.constant 0 : i32
      %dma_wait3A_327 = tpu.memref_slice %arg11[%dma_wait3A_325, %dma_wait3A_326] : memref<50048x16xf32, #tpu.memory_space<vmem_shared>> -> memref<50048x16xf32, #tpu.memory_space<vmem_shared>>
      tpu.wait_indirect_dma semaphore(%arg14 : memref<!tpu.dma_semaphore, #tpu.memory_space<semaphore_mem>>) src(%dma_wait3A_321 : memref<128x16xf32, #tpu.memory_space<vmem>>) dst(%dma_wait3A_327 : memref<50048x16xf32, #tpu.memory_space<vmem_shared>>)
      %dma_wait3A_328 = arith.constant 4 : i32
      %dma_wait3A_329 = arith.constant 512 : i32
      %dma_wait3A_330 = arith.constant 0 : i32
      %dma_wait3A_331 = tpu.memref_slice %arg9[%dma_wait3A_329, %dma_wait3A_330] : memref<1024x16xf32, #tpu.memory_space<vmem>> -> memref<128x16xf32, #tpu.memory_space<vmem>>
      %dma_wait3A_332 = arith.constant 0 : i32
      %dma_wait3A_333 = tpu.memref_slice %arg8[%dma_wait3A_328, %dma_wait3A_332] : memref<8x128xi32, #tpu.memory_space<vmem>> -> memref<1x128xi32, #tpu.memory_space<vmem>>
      %dma_wait3A_334 = tpu.memref_squeeze %dma_wait3A_333 : memref<1x128xi32, #tpu.memory_space<vmem>> -> memref<128xi32, #tpu.memory_space<vmem>>
      %dma_wait3A_335 = arith.constant 0 : i32
      %dma_wait3A_336 = arith.constant 0 : i32
      %dma_wait3A_337 = tpu.memref_slice %arg11[%dma_wait3A_335, %dma_wait3A_336] : memref<50048x16xf32, #tpu.memory_space<vmem_shared>> -> memref<50048x16xf32, #tpu.memory_space<vmem_shared>>
      tpu.wait_indirect_dma semaphore(%arg14 : memref<!tpu.dma_semaphore, #tpu.memory_space<semaphore_mem>>) src(%dma_wait3A_331 : memref<128x16xf32, #tpu.memory_space<vmem>>) dst(%dma_wait3A_337 : memref<50048x16xf32, #tpu.memory_space<vmem_shared>>)
      %dma_wait3A_338 = arith.constant 5 : i32
      %dma_wait3A_339 = arith.constant 640 : i32
      %dma_wait3A_340 = arith.constant 0 : i32
      %dma_wait3A_341 = tpu.memref_slice %arg9[%dma_wait3A_339, %dma_wait3A_340] : memref<1024x16xf32, #tpu.memory_space<vmem>> -> memref<128x16xf32, #tpu.memory_space<vmem>>
      %dma_wait3A_342 = arith.constant 0 : i32
      %dma_wait3A_343 = tpu.memref_slice %arg8[%dma_wait3A_338, %dma_wait3A_342] : memref<8x128xi32, #tpu.memory_space<vmem>> -> memref<1x128xi32, #tpu.memory_space<vmem>>
      %dma_wait3A_344 = tpu.memref_squeeze %dma_wait3A_343 : memref<1x128xi32, #tpu.memory_space<vmem>> -> memref<128xi32, #tpu.memory_space<vmem>>
      %dma_wait3A_345 = arith.constant 0 : i32
      %dma_wait3A_346 = arith.constant 0 : i32
      %dma_wait3A_347 = tpu.memref_slice %arg11[%dma_wait3A_345, %dma_wait3A_346] : memref<50048x16xf32, #tpu.memory_space<vmem_shared>> -> memref<50048x16xf32, #tpu.memory_space<vmem_shared>>
      tpu.wait_indirect_dma semaphore(%arg14 : memref<!tpu.dma_semaphore, #tpu.memory_space<semaphore_mem>>) src(%dma_wait3A_341 : memref<128x16xf32, #tpu.memory_space<vmem>>) dst(%dma_wait3A_347 : memref<50048x16xf32, #tpu.memory_space<vmem_shared>>)
      %dma_wait3A_348 = arith.constant 6 : i32
      %dma_wait3A_349 = arith.constant 768 : i32
      %dma_wait3A_350 = arith.constant 0 : i32
      %dma_wait3A_351 = tpu.memref_slice %arg9[%dma_wait3A_349, %dma_wait3A_350] : memref<1024x16xf32, #tpu.memory_space<vmem>> -> memref<128x16xf32, #tpu.memory_space<vmem>>
      %dma_wait3A_352 = arith.constant 0 : i32
      %dma_wait3A_353 = tpu.memref_slice %arg8[%dma_wait3A_348, %dma_wait3A_352] : memref<8x128xi32, #tpu.memory_space<vmem>> -> memref<1x128xi32, #tpu.memory_space<vmem>>
      %dma_wait3A_354 = tpu.memref_squeeze %dma_wait3A_353 : memref<1x128xi32, #tpu.memory_space<vmem>> -> memref<128xi32, #tpu.memory_space<vmem>>
      %dma_wait3A_355 = arith.constant 0 : i32
      %dma_wait3A_356 = arith.constant 0 : i32
      %dma_wait3A_357 = tpu.memref_slice %arg11[%dma_wait3A_355, %dma_wait3A_356] : memref<50048x16xf32, #tpu.memory_space<vmem_shared>> -> memref<50048x16xf32, #tpu.memory_space<vmem_shared>>
      tpu.wait_indirect_dma semaphore(%arg14 : memref<!tpu.dma_semaphore, #tpu.memory_space<semaphore_mem>>) src(%dma_wait3A_351 : memref<128x16xf32, #tpu.memory_space<vmem>>) dst(%dma_wait3A_357 : memref<50048x16xf32, #tpu.memory_space<vmem_shared>>)
      %dma_wait3A_358 = arith.constant 7 : i32
      %dma_wait3A_359 = arith.constant 896 : i32
      %dma_wait3A_360 = arith.constant 0 : i32
      %dma_wait3A_361 = tpu.memref_slice %arg9[%dma_wait3A_359, %dma_wait3A_360] : memref<1024x16xf32, #tpu.memory_space<vmem>> -> memref<128x16xf32, #tpu.memory_space<vmem>>
      %dma_wait3A_362 = arith.constant 0 : i32
      %dma_wait3A_363 = tpu.memref_slice %arg8[%dma_wait3A_358, %dma_wait3A_362] : memref<8x128xi32, #tpu.memory_space<vmem>> -> memref<1x128xi32, #tpu.memory_space<vmem>>
      %dma_wait3A_364 = tpu.memref_squeeze %dma_wait3A_363 : memref<1x128xi32, #tpu.memory_space<vmem>> -> memref<128xi32, #tpu.memory_space<vmem>>
      %dma_wait3A_365 = arith.constant 0 : i32
      %dma_wait3A_366 = arith.constant 0 : i32
      %dma_wait3A_367 = tpu.memref_slice %arg11[%dma_wait3A_365, %dma_wait3A_366] : memref<50048x16xf32, #tpu.memory_space<vmem_shared>> -> memref<50048x16xf32, #tpu.memory_space<vmem_shared>>
      tpu.wait_indirect_dma semaphore(%arg14 : memref<!tpu.dma_semaphore, #tpu.memory_space<semaphore_mem>>) src(%dma_wait3A_361 : memref<128x16xf32, #tpu.memory_space<vmem>>) dst(%dma_wait3A_367 : memref<50048x16xf32, #tpu.memory_space<vmem_shared>>)
    }
    %while3A_40 = arith.constant 1 : i32
    scf.for %while3A_46 = %while3A_38 to %while3A_34 step %while3A_40  : i32 {
      %add3A_47 = arith.addi %add3A_30, %while3A_46 : i32
      %mul3A_48 = arith.constant 8 : i32
      %mul3A_49 = arith.muli %add3A_47, %mul3A_48 : i32
      "tpu.region"() ({
        %run_scoped3A = tpu.sem_alloc : memref<!tpu.dma_semaphore, #tpu.memory_space<semaphore_mem>>
        %dma_start3A_368 = arith.constant 0 : i32
        %dma_start3A_369 = tpu.memref_slice %arg3[%mul3A_49, %dma_start3A_368] : memref<6400x128xi32, #tpu.memory_space<hbm>> -> memref<8x128xi32, #tpu.memory_space<hbm>>
        %dma_start3A_370 = arith.constant 0 : i32
        %dma_start3A_371 = tpu.memref_slice %arg3[%mul3A_49, %dma_start3A_370] : memref<6400x128xi32, #tpu.memory_space<hbm>> -> memref<8x128xi32, #tpu.memory_space<hbm>>
        tpu.enqueue_dma source(%dma_start3A_371 : memref<8x128xi32, #tpu.memory_space<hbm>>) target(%arg7 : memref<8x128xi32, #tpu.memory_space<vmem>>) target_semaphore(%run_scoped3A : memref<!tpu.dma_semaphore, #tpu.memory_space<semaphore_mem>>)
        %dma_wait3A_372 = arith.constant 0 : i32
        %dma_wait3A_373 = tpu.memref_slice %arg3[%mul3A_49, %dma_wait3A_372] : memref<6400x128xi32, #tpu.memory_space<hbm>> -> memref<8x128xi32, #tpu.memory_space<hbm>>
        %dma_wait3A_374 = arith.constant 0 : i32
        %dma_wait3A_375 = tpu.memref_slice %arg3[%mul3A_49, %dma_wait3A_374] : memref<6400x128xi32, #tpu.memory_space<hbm>> -> memref<8x128xi32, #tpu.memory_space<hbm>>
        tpu.wait_dma2 semaphore(%run_scoped3A : memref<!tpu.dma_semaphore, #tpu.memory_space<semaphore_mem>>) src(%dma_wait3A_375 : memref<8x128xi32, #tpu.memory_space<hbm>>) dst(%arg7 : memref<8x128xi32, #tpu.memory_space<vmem>>)
        tpu.yield
      }) : () -> ()
      "tpu.region"() ({
        %run_scoped3A = tpu.sem_alloc : memref<!tpu.dma_semaphore, #tpu.memory_space<semaphore_mem>>
        %dma_start3A_368 = arith.constant 0 : i32
        %dma_start3A_369 = tpu.memref_slice %arg4[%mul3A_49, %dma_start3A_368] : memref<6400x128xi32, #tpu.memory_space<hbm>> -> memref<8x128xi32, #tpu.memory_space<hbm>>
        %dma_start3A_370 = arith.constant 0 : i32
        %dma_start3A_371 = tpu.memref_slice %arg4[%mul3A_49, %dma_start3A_370] : memref<6400x128xi32, #tpu.memory_space<hbm>> -> memref<8x128xi32, #tpu.memory_space<hbm>>
        tpu.enqueue_dma source(%dma_start3A_371 : memref<8x128xi32, #tpu.memory_space<hbm>>) target(%arg8 : memref<8x128xi32, #tpu.memory_space<vmem>>) target_semaphore(%run_scoped3A : memref<!tpu.dma_semaphore, #tpu.memory_space<semaphore_mem>>)
        %dma_wait3A_372 = arith.constant 0 : i32
        %dma_wait3A_373 = tpu.memref_slice %arg4[%mul3A_49, %dma_wait3A_372] : memref<6400x128xi32, #tpu.memory_space<hbm>> -> memref<8x128xi32, #tpu.memory_space<hbm>>
        %dma_wait3A_374 = arith.constant 0 : i32
        %dma_wait3A_375 = tpu.memref_slice %arg4[%mul3A_49, %dma_wait3A_374] : memref<6400x128xi32, #tpu.memory_space<hbm>> -> memref<8x128xi32, #tpu.memory_space<hbm>>
        tpu.wait_dma2 semaphore(%run_scoped3A : memref<!tpu.dma_semaphore, #tpu.memory_space<semaphore_mem>>) src(%dma_wait3A_375 : memref<8x128xi32, #tpu.memory_space<hbm>>) dst(%arg8 : memref<8x128xi32, #tpu.memory_space<vmem>>)
        tpu.yield
      }) : () -> ()
      %dma_start3A = arith.constant 0 : i32
      %dma_start3A_50 = arith.constant 0 : i32
      %dma_start3A_51 = arith.constant 0 : i32
      %dma_start3A_52 = tpu.memref_slice %arg9[%dma_start3A_50, %dma_start3A_51] : memref<1024x16xf32, #tpu.memory_space<vmem>> -> memref<128x16xf32, #tpu.memory_space<vmem>>
      %dma_start3A_53 = arith.constant 0 : i32
      %dma_start3A_54 = tpu.memref_slice %arg7[%dma_start3A, %dma_start3A_53] : memref<8x128xi32, #tpu.memory_space<vmem>> -> memref<1x128xi32, #tpu.memory_space<vmem>>
      %dma_start3A_55 = tpu.memref_squeeze %dma_start3A_54 : memref<1x128xi32, #tpu.memory_space<vmem>> -> memref<128xi32, #tpu.memory_space<vmem>>
      %dma_start3A_56 = arith.constant 0 : i32
      %dma_start3A_57 = arith.constant 0 : i32
      %dma_start3A_58 = tpu.memref_slice %arg2[%dma_start3A_56, %dma_start3A_57] : memref<50000x16xf32, #tpu.memory_space<hbm>> -> memref<50000x16xf32, #tpu.memory_space<hbm>>
      tpu.enqueue_indirect_dma source(%dma_start3A_58 : memref<50000x16xf32, #tpu.memory_space<hbm>>) target(%dma_start3A_52 : memref<128x16xf32, #tpu.memory_space<vmem>>) offsets(%dma_start3A_55 : memref<128xi32, #tpu.memory_space<vmem>>) semaphore(%arg12 : memref<!tpu.dma_semaphore, #tpu.memory_space<semaphore_mem>>)
      %dma_start3A_59 = arith.constant 1 : i32
      %dma_start3A_60 = arith.constant 128 : i32
      %dma_start3A_61 = arith.constant 0 : i32
      %dma_start3A_62 = tpu.memref_slice %arg9[%dma_start3A_60, %dma_start3A_61] : memref<1024x16xf32, #tpu.memory_space<vmem>> -> memref<128x16xf32, #tpu.memory_space<vmem>>
      %dma_start3A_63 = arith.constant 0 : i32
      %dma_start3A_64 = tpu.memref_slice %arg7[%dma_start3A_59, %dma_start3A_63] : memref<8x128xi32, #tpu.memory_space<vmem>> -> memref<1x128xi32, #tpu.memory_space<vmem>>
      %dma_start3A_65 = tpu.memref_squeeze %dma_start3A_64 : memref<1x128xi32, #tpu.memory_space<vmem>> -> memref<128xi32, #tpu.memory_space<vmem>>
      %dma_start3A_66 = arith.constant 0 : i32
      %dma_start3A_67 = arith.constant 0 : i32
      %dma_start3A_68 = tpu.memref_slice %arg2[%dma_start3A_66, %dma_start3A_67] : memref<50000x16xf32, #tpu.memory_space<hbm>> -> memref<50000x16xf32, #tpu.memory_space<hbm>>
      tpu.enqueue_indirect_dma source(%dma_start3A_68 : memref<50000x16xf32, #tpu.memory_space<hbm>>) target(%dma_start3A_62 : memref<128x16xf32, #tpu.memory_space<vmem>>) offsets(%dma_start3A_65 : memref<128xi32, #tpu.memory_space<vmem>>) semaphore(%arg12 : memref<!tpu.dma_semaphore, #tpu.memory_space<semaphore_mem>>)
      %dma_start3A_69 = arith.constant 2 : i32
      %dma_start3A_70 = arith.constant 256 : i32
      %dma_start3A_71 = arith.constant 0 : i32
      %dma_start3A_72 = tpu.memref_slice %arg9[%dma_start3A_70, %dma_start3A_71] : memref<1024x16xf32, #tpu.memory_space<vmem>> -> memref<128x16xf32, #tpu.memory_space<vmem>>
      %dma_start3A_73 = arith.constant 0 : i32
      %dma_start3A_74 = tpu.memref_slice %arg7[%dma_start3A_69, %dma_start3A_73] : memref<8x128xi32, #tpu.memory_space<vmem>> -> memref<1x128xi32, #tpu.memory_space<vmem>>
      %dma_start3A_75 = tpu.memref_squeeze %dma_start3A_74 : memref<1x128xi32, #tpu.memory_space<vmem>> -> memref<128xi32, #tpu.memory_space<vmem>>
      %dma_start3A_76 = arith.constant 0 : i32
      %dma_start3A_77 = arith.constant 0 : i32
      %dma_start3A_78 = tpu.memref_slice %arg2[%dma_start3A_76, %dma_start3A_77] : memref<50000x16xf32, #tpu.memory_space<hbm>> -> memref<50000x16xf32, #tpu.memory_space<hbm>>
      tpu.enqueue_indirect_dma source(%dma_start3A_78 : memref<50000x16xf32, #tpu.memory_space<hbm>>) target(%dma_start3A_72 : memref<128x16xf32, #tpu.memory_space<vmem>>) offsets(%dma_start3A_75 : memref<128xi32, #tpu.memory_space<vmem>>) semaphore(%arg12 : memref<!tpu.dma_semaphore, #tpu.memory_space<semaphore_mem>>)
      %dma_start3A_79 = arith.constant 3 : i32
      %dma_start3A_80 = arith.constant 384 : i32
      %dma_start3A_81 = arith.constant 0 : i32
      %dma_start3A_82 = tpu.memref_slice %arg9[%dma_start3A_80, %dma_start3A_81] : memref<1024x16xf32, #tpu.memory_space<vmem>> -> memref<128x16xf32, #tpu.memory_space<vmem>>
      %dma_start3A_83 = arith.constant 0 : i32
      %dma_start3A_84 = tpu.memref_slice %arg7[%dma_start3A_79, %dma_start3A_83] : memref<8x128xi32, #tpu.memory_space<vmem>> -> memref<1x128xi32, #tpu.memory_space<vmem>>
      %dma_start3A_85 = tpu.memref_squeeze %dma_start3A_84 : memref<1x128xi32, #tpu.memory_space<vmem>> -> memref<128xi32, #tpu.memory_space<vmem>>
      %dma_start3A_86 = arith.constant 0 : i32
      %dma_start3A_87 = arith.constant 0 : i32
      %dma_start3A_88 = tpu.memref_slice %arg2[%dma_start3A_86, %dma_start3A_87] : memref<50000x16xf32, #tpu.memory_space<hbm>> -> memref<50000x16xf32, #tpu.memory_space<hbm>>
      tpu.enqueue_indirect_dma source(%dma_start3A_88 : memref<50000x16xf32, #tpu.memory_space<hbm>>) target(%dma_start3A_82 : memref<128x16xf32, #tpu.memory_space<vmem>>) offsets(%dma_start3A_85 : memref<128xi32, #tpu.memory_space<vmem>>) semaphore(%arg12 : memref<!tpu.dma_semaphore, #tpu.memory_space<semaphore_mem>>)
      %dma_start3A_89 = arith.constant 4 : i32
      %dma_start3A_90 = arith.constant 512 : i32
      %dma_start3A_91 = arith.constant 0 : i32
      %dma_start3A_92 = tpu.memref_slice %arg9[%dma_start3A_90, %dma_start3A_91] : memref<1024x16xf32, #tpu.memory_space<vmem>> -> memref<128x16xf32, #tpu.memory_space<vmem>>
      %dma_start3A_93 = arith.constant 0 : i32
      %dma_start3A_94 = tpu.memref_slice %arg7[%dma_start3A_89, %dma_start3A_93] : memref<8x128xi32, #tpu.memory_space<vmem>> -> memref<1x128xi32, #tpu.memory_space<vmem>>
      %dma_start3A_95 = tpu.memref_squeeze %dma_start3A_94 : memref<1x128xi32, #tpu.memory_space<vmem>> -> memref<128xi32, #tpu.memory_space<vmem>>
      %dma_start3A_96 = arith.constant 0 : i32
      %dma_start3A_97 = arith.constant 0 : i32
      %dma_start3A_98 = tpu.memref_slice %arg2[%dma_start3A_96, %dma_start3A_97] : memref<50000x16xf32, #tpu.memory_space<hbm>> -> memref<50000x16xf32, #tpu.memory_space<hbm>>
      tpu.enqueue_indirect_dma source(%dma_start3A_98 : memref<50000x16xf32, #tpu.memory_space<hbm>>) target(%dma_start3A_92 : memref<128x16xf32, #tpu.memory_space<vmem>>) offsets(%dma_start3A_95 : memref<128xi32, #tpu.memory_space<vmem>>) semaphore(%arg12 : memref<!tpu.dma_semaphore, #tpu.memory_space<semaphore_mem>>)
      %dma_start3A_99 = arith.constant 5 : i32
      %dma_start3A_100 = arith.constant 640 : i32
      %dma_start3A_101 = arith.constant 0 : i32
      %dma_start3A_102 = tpu.memref_slice %arg9[%dma_start3A_100, %dma_start3A_101] : memref<1024x16xf32, #tpu.memory_space<vmem>> -> memref<128x16xf32, #tpu.memory_space<vmem>>
      %dma_start3A_103 = arith.constant 0 : i32
      %dma_start3A_104 = tpu.memref_slice %arg7[%dma_start3A_99, %dma_start3A_103] : memref<8x128xi32, #tpu.memory_space<vmem>> -> memref<1x128xi32, #tpu.memory_space<vmem>>
      %dma_start3A_105 = tpu.memref_squeeze %dma_start3A_104 : memref<1x128xi32, #tpu.memory_space<vmem>> -> memref<128xi32, #tpu.memory_space<vmem>>
      %dma_start3A_106 = arith.constant 0 : i32
      %dma_start3A_107 = arith.constant 0 : i32
      %dma_start3A_108 = tpu.memref_slice %arg2[%dma_start3A_106, %dma_start3A_107] : memref<50000x16xf32, #tpu.memory_space<hbm>> -> memref<50000x16xf32, #tpu.memory_space<hbm>>
      tpu.enqueue_indirect_dma source(%dma_start3A_108 : memref<50000x16xf32, #tpu.memory_space<hbm>>) target(%dma_start3A_102 : memref<128x16xf32, #tpu.memory_space<vmem>>) offsets(%dma_start3A_105 : memref<128xi32, #tpu.memory_space<vmem>>) semaphore(%arg12 : memref<!tpu.dma_semaphore, #tpu.memory_space<semaphore_mem>>)
      %dma_start3A_109 = arith.constant 6 : i32
      %dma_start3A_110 = arith.constant 768 : i32
      %dma_start3A_111 = arith.constant 0 : i32
      %dma_start3A_112 = tpu.memref_slice %arg9[%dma_start3A_110, %dma_start3A_111] : memref<1024x16xf32, #tpu.memory_space<vmem>> -> memref<128x16xf32, #tpu.memory_space<vmem>>
      %dma_start3A_113 = arith.constant 0 : i32
      %dma_start3A_114 = tpu.memref_slice %arg7[%dma_start3A_109, %dma_start3A_113] : memref<8x128xi32, #tpu.memory_space<vmem>> -> memref<1x128xi32, #tpu.memory_space<vmem>>
      %dma_start3A_115 = tpu.memref_squeeze %dma_start3A_114 : memref<1x128xi32, #tpu.memory_space<vmem>> -> memref<128xi32, #tpu.memory_space<vmem>>
      %dma_start3A_116 = arith.constant 0 : i32
      %dma_start3A_117 = arith.constant 0 : i32
      %dma_start3A_118 = tpu.memref_slice %arg2[%dma_start3A_116, %dma_start3A_117] : memref<50000x16xf32, #tpu.memory_space<hbm>> -> memref<50000x16xf32, #tpu.memory_space<hbm>>
      tpu.enqueue_indirect_dma source(%dma_start3A_118 : memref<50000x16xf32, #tpu.memory_space<hbm>>) target(%dma_start3A_112 : memref<128x16xf32, #tpu.memory_space<vmem>>) offsets(%dma_start3A_115 : memref<128xi32, #tpu.memory_space<vmem>>) semaphore(%arg12 : memref<!tpu.dma_semaphore, #tpu.memory_space<semaphore_mem>>)
      %dma_start3A_119 = arith.constant 7 : i32
      %dma_start3A_120 = arith.constant 896 : i32
      %dma_start3A_121 = arith.constant 0 : i32
      %dma_start3A_122 = tpu.memref_slice %arg9[%dma_start3A_120, %dma_start3A_121] : memref<1024x16xf32, #tpu.memory_space<vmem>> -> memref<128x16xf32, #tpu.memory_space<vmem>>
      %dma_start3A_123 = arith.constant 0 : i32
      %dma_start3A_124 = tpu.memref_slice %arg7[%dma_start3A_119, %dma_start3A_123] : memref<8x128xi32, #tpu.memory_space<vmem>> -> memref<1x128xi32, #tpu.memory_space<vmem>>
      %dma_start3A_125 = tpu.memref_squeeze %dma_start3A_124 : memref<1x128xi32, #tpu.memory_space<vmem>> -> memref<128xi32, #tpu.memory_space<vmem>>
      %dma_start3A_126 = arith.constant 0 : i32
      %dma_start3A_127 = arith.constant 0 : i32
      %dma_start3A_128 = tpu.memref_slice %arg2[%dma_start3A_126, %dma_start3A_127] : memref<50000x16xf32, #tpu.memory_space<hbm>> -> memref<50000x16xf32, #tpu.memory_space<hbm>>
      tpu.enqueue_indirect_dma source(%dma_start3A_128 : memref<50000x16xf32, #tpu.memory_space<hbm>>) target(%dma_start3A_122 : memref<128x16xf32, #tpu.memory_space<vmem>>) offsets(%dma_start3A_125 : memref<128xi32, #tpu.memory_space<vmem>>) semaphore(%arg12 : memref<!tpu.dma_semaphore, #tpu.memory_space<semaphore_mem>>)
      %dma_wait3A = arith.constant 0 : i32
      %dma_wait3A_129 = arith.constant 0 : i32
      %dma_wait3A_130 = arith.constant 0 : i32
      %dma_wait3A_131 = tpu.memref_slice %arg9[%dma_wait3A_129, %dma_wait3A_130] : memref<1024x16xf32, #tpu.memory_space<vmem>> -> memref<128x16xf32, #tpu.memory_space<vmem>>
      %dma_wait3A_132 = arith.constant 0 : i32
      %dma_wait3A_133 = tpu.memref_slice %arg7[%dma_wait3A, %dma_wait3A_132] : memref<8x128xi32, #tpu.memory_space<vmem>> -> memref<1x128xi32, #tpu.memory_space<vmem>>
      %dma_wait3A_134 = tpu.memref_squeeze %dma_wait3A_133 : memref<1x128xi32, #tpu.memory_space<vmem>> -> memref<128xi32, #tpu.memory_space<vmem>>
      %dma_wait3A_135 = arith.constant 0 : i32
      %dma_wait3A_136 = arith.constant 0 : i32
      %dma_wait3A_137 = tpu.memref_slice %arg2[%dma_wait3A_135, %dma_wait3A_136] : memref<50000x16xf32, #tpu.memory_space<hbm>> -> memref<50000x16xf32, #tpu.memory_space<hbm>>
      tpu.wait_indirect_dma semaphore(%arg12 : memref<!tpu.dma_semaphore, #tpu.memory_space<semaphore_mem>>) src(%dma_wait3A_137 : memref<50000x16xf32, #tpu.memory_space<hbm>>) dst(%dma_wait3A_131 : memref<128x16xf32, #tpu.memory_space<vmem>>)
      %dma_wait3A_138 = arith.constant 1 : i32
      %dma_wait3A_139 = arith.constant 128 : i32
      %dma_wait3A_140 = arith.constant 0 : i32
      %dma_wait3A_141 = tpu.memref_slice %arg9[%dma_wait3A_139, %dma_wait3A_140] : memref<1024x16xf32, #tpu.memory_space<vmem>> -> memref<128x16xf32, #tpu.memory_space<vmem>>
      %dma_wait3A_142 = arith.constant 0 : i32
      %dma_wait3A_143 = tpu.memref_slice %arg7[%dma_wait3A_138, %dma_wait3A_142] : memref<8x128xi32, #tpu.memory_space<vmem>> -> memref<1x128xi32, #tpu.memory_space<vmem>>
      %dma_wait3A_144 = tpu.memref_squeeze %dma_wait3A_143 : memref<1x128xi32, #tpu.memory_space<vmem>> -> memref<128xi32, #tpu.memory_space<vmem>>
      %dma_wait3A_145 = arith.constant 0 : i32
      %dma_wait3A_146 = arith.constant 0 : i32
      %dma_wait3A_147 = tpu.memref_slice %arg2[%dma_wait3A_145, %dma_wait3A_146] : memref<50000x16xf32, #tpu.memory_space<hbm>> -> memref<50000x16xf32, #tpu.memory_space<hbm>>
      tpu.wait_indirect_dma semaphore(%arg12 : memref<!tpu.dma_semaphore, #tpu.memory_space<semaphore_mem>>) src(%dma_wait3A_147 : memref<50000x16xf32, #tpu.memory_space<hbm>>) dst(%dma_wait3A_141 : memref<128x16xf32, #tpu.memory_space<vmem>>)
      %dma_wait3A_148 = arith.constant 2 : i32
      %dma_wait3A_149 = arith.constant 256 : i32
      %dma_wait3A_150 = arith.constant 0 : i32
      %dma_wait3A_151 = tpu.memref_slice %arg9[%dma_wait3A_149, %dma_wait3A_150] : memref<1024x16xf32, #tpu.memory_space<vmem>> -> memref<128x16xf32, #tpu.memory_space<vmem>>
      %dma_wait3A_152 = arith.constant 0 : i32
      %dma_wait3A_153 = tpu.memref_slice %arg7[%dma_wait3A_148, %dma_wait3A_152] : memref<8x128xi32, #tpu.memory_space<vmem>> -> memref<1x128xi32, #tpu.memory_space<vmem>>
      %dma_wait3A_154 = tpu.memref_squeeze %dma_wait3A_153 : memref<1x128xi32, #tpu.memory_space<vmem>> -> memref<128xi32, #tpu.memory_space<vmem>>
      %dma_wait3A_155 = arith.constant 0 : i32
      %dma_wait3A_156 = arith.constant 0 : i32
      %dma_wait3A_157 = tpu.memref_slice %arg2[%dma_wait3A_155, %dma_wait3A_156] : memref<50000x16xf32, #tpu.memory_space<hbm>> -> memref<50000x16xf32, #tpu.memory_space<hbm>>
      tpu.wait_indirect_dma semaphore(%arg12 : memref<!tpu.dma_semaphore, #tpu.memory_space<semaphore_mem>>) src(%dma_wait3A_157 : memref<50000x16xf32, #tpu.memory_space<hbm>>) dst(%dma_wait3A_151 : memref<128x16xf32, #tpu.memory_space<vmem>>)
      %dma_wait3A_158 = arith.constant 3 : i32
      %dma_wait3A_159 = arith.constant 384 : i32
      %dma_wait3A_160 = arith.constant 0 : i32
      %dma_wait3A_161 = tpu.memref_slice %arg9[%dma_wait3A_159, %dma_wait3A_160] : memref<1024x16xf32, #tpu.memory_space<vmem>> -> memref<128x16xf32, #tpu.memory_space<vmem>>
      %dma_wait3A_162 = arith.constant 0 : i32
      %dma_wait3A_163 = tpu.memref_slice %arg7[%dma_wait3A_158, %dma_wait3A_162] : memref<8x128xi32, #tpu.memory_space<vmem>> -> memref<1x128xi32, #tpu.memory_space<vmem>>
      %dma_wait3A_164 = tpu.memref_squeeze %dma_wait3A_163 : memref<1x128xi32, #tpu.memory_space<vmem>> -> memref<128xi32, #tpu.memory_space<vmem>>
      %dma_wait3A_165 = arith.constant 0 : i32
      %dma_wait3A_166 = arith.constant 0 : i32
      %dma_wait3A_167 = tpu.memref_slice %arg2[%dma_wait3A_165, %dma_wait3A_166] : memref<50000x16xf32, #tpu.memory_space<hbm>> -> memref<50000x16xf32, #tpu.memory_space<hbm>>
      tpu.wait_indirect_dma semaphore(%arg12 : memref<!tpu.dma_semaphore, #tpu.memory_space<semaphore_mem>>) src(%dma_wait3A_167 : memref<50000x16xf32, #tpu.memory_space<hbm>>) dst(%dma_wait3A_161 : memref<128x16xf32, #tpu.memory_space<vmem>>)
      %dma_wait3A_168 = arith.constant 4 : i32
      %dma_wait3A_169 = arith.constant 512 : i32
      %dma_wait3A_170 = arith.constant 0 : i32
      %dma_wait3A_171 = tpu.memref_slice %arg9[%dma_wait3A_169, %dma_wait3A_170] : memref<1024x16xf32, #tpu.memory_space<vmem>> -> memref<128x16xf32, #tpu.memory_space<vmem>>
      %dma_wait3A_172 = arith.constant 0 : i32
      %dma_wait3A_173 = tpu.memref_slice %arg7[%dma_wait3A_168, %dma_wait3A_172] : memref<8x128xi32, #tpu.memory_space<vmem>> -> memref<1x128xi32, #tpu.memory_space<vmem>>
      %dma_wait3A_174 = tpu.memref_squeeze %dma_wait3A_173 : memref<1x128xi32, #tpu.memory_space<vmem>> -> memref<128xi32, #tpu.memory_space<vmem>>
      %dma_wait3A_175 = arith.constant 0 : i32
      %dma_wait3A_176 = arith.constant 0 : i32
      %dma_wait3A_177 = tpu.memref_slice %arg2[%dma_wait3A_175, %dma_wait3A_176] : memref<50000x16xf32, #tpu.memory_space<hbm>> -> memref<50000x16xf32, #tpu.memory_space<hbm>>
      tpu.wait_indirect_dma semaphore(%arg12 : memref<!tpu.dma_semaphore, #tpu.memory_space<semaphore_mem>>) src(%dma_wait3A_177 : memref<50000x16xf32, #tpu.memory_space<hbm>>) dst(%dma_wait3A_171 : memref<128x16xf32, #tpu.memory_space<vmem>>)
      %dma_wait3A_178 = arith.constant 5 : i32
      %dma_wait3A_179 = arith.constant 640 : i32
      %dma_wait3A_180 = arith.constant 0 : i32
      %dma_wait3A_181 = tpu.memref_slice %arg9[%dma_wait3A_179, %dma_wait3A_180] : memref<1024x16xf32, #tpu.memory_space<vmem>> -> memref<128x16xf32, #tpu.memory_space<vmem>>
      %dma_wait3A_182 = arith.constant 0 : i32
      %dma_wait3A_183 = tpu.memref_slice %arg7[%dma_wait3A_178, %dma_wait3A_182] : memref<8x128xi32, #tpu.memory_space<vmem>> -> memref<1x128xi32, #tpu.memory_space<vmem>>
      %dma_wait3A_184 = tpu.memref_squeeze %dma_wait3A_183 : memref<1x128xi32, #tpu.memory_space<vmem>> -> memref<128xi32, #tpu.memory_space<vmem>>
      %dma_wait3A_185 = arith.constant 0 : i32
      %dma_wait3A_186 = arith.constant 0 : i32
      %dma_wait3A_187 = tpu.memref_slice %arg2[%dma_wait3A_185, %dma_wait3A_186] : memref<50000x16xf32, #tpu.memory_space<hbm>> -> memref<50000x16xf32, #tpu.memory_space<hbm>>
      tpu.wait_indirect_dma semaphore(%arg12 : memref<!tpu.dma_semaphore, #tpu.memory_space<semaphore_mem>>) src(%dma_wait3A_187 : memref<50000x16xf32, #tpu.memory_space<hbm>>) dst(%dma_wait3A_181 : memref<128x16xf32, #tpu.memory_space<vmem>>)
      %dma_wait3A_188 = arith.constant 6 : i32
      %dma_wait3A_189 = arith.constant 768 : i32
      %dma_wait3A_190 = arith.constant 0 : i32
      %dma_wait3A_191 = tpu.memref_slice %arg9[%dma_wait3A_189, %dma_wait3A_190] : memref<1024x16xf32, #tpu.memory_space<vmem>> -> memref<128x16xf32, #tpu.memory_space<vmem>>
      %dma_wait3A_192 = arith.constant 0 : i32
      %dma_wait3A_193 = tpu.memref_slice %arg7[%dma_wait3A_188, %dma_wait3A_192] : memref<8x128xi32, #tpu.memory_space<vmem>> -> memref<1x128xi32, #tpu.memory_space<vmem>>
      %dma_wait3A_194 = tpu.memref_squeeze %dma_wait3A_193 : memref<1x128xi32, #tpu.memory_space<vmem>> -> memref<128xi32, #tpu.memory_space<vmem>>
      %dma_wait3A_195 = arith.constant 0 : i32
      %dma_wait3A_196 = arith.constant 0 : i32
      %dma_wait3A_197 = tpu.memref_slice %arg2[%dma_wait3A_195, %dma_wait3A_196] : memref<50000x16xf32, #tpu.memory_space<hbm>> -> memref<50000x16xf32, #tpu.memory_space<hbm>>
      tpu.wait_indirect_dma semaphore(%arg12 : memref<!tpu.dma_semaphore, #tpu.memory_space<semaphore_mem>>) src(%dma_wait3A_197 : memref<50000x16xf32, #tpu.memory_space<hbm>>) dst(%dma_wait3A_191 : memref<128x16xf32, #tpu.memory_space<vmem>>)
      %dma_wait3A_198 = arith.constant 7 : i32
      %dma_wait3A_199 = arith.constant 896 : i32
      %dma_wait3A_200 = arith.constant 0 : i32
      %dma_wait3A_201 = tpu.memref_slice %arg9[%dma_wait3A_199, %dma_wait3A_200] : memref<1024x16xf32, #tpu.memory_space<vmem>> -> memref<128x16xf32, #tpu.memory_space<vmem>>
      %dma_wait3A_202 = arith.constant 0 : i32
      %dma_wait3A_203 = tpu.memref_slice %arg7[%dma_wait3A_198, %dma_wait3A_202] : memref<8x128xi32, #tpu.memory_space<vmem>> -> memref<1x128xi32, #tpu.memory_space<vmem>>
      %dma_wait3A_204 = tpu.memref_squeeze %dma_wait3A_203 : memref<1x128xi32, #tpu.memory_space<vmem>> -> memref<128xi32, #tpu.memory_space<vmem>>
      %dma_wait3A_205 = arith.constant 0 : i32
      %dma_wait3A_206 = arith.constant 0 : i32
      %dma_wait3A_207 = tpu.memref_slice %arg2[%dma_wait3A_205, %dma_wait3A_206] : memref<50000x16xf32, #tpu.memory_space<hbm>> -> memref<50000x16xf32, #tpu.memory_space<hbm>>
      tpu.wait_indirect_dma semaphore(%arg12 : memref<!tpu.dma_semaphore, #tpu.memory_space<semaphore_mem>>) src(%dma_wait3A_207 : memref<50000x16xf32, #tpu.memory_space<hbm>>) dst(%dma_wait3A_201 : memref<128x16xf32, #tpu.memory_space<vmem>>)
      %dma_start3A_208 = arith.constant 0 : i32
      %dma_start3A_209 = arith.constant 0 : i32
      %dma_start3A_210 = arith.constant 0 : i32
      %dma_start3A_211 = tpu.memref_slice %arg9[%dma_start3A_209, %dma_start3A_210] : memref<1024x16xf32, #tpu.memory_space<vmem>> -> memref<128x16xf32, #tpu.memory_space<vmem>>
      %dma_start3A_212 = arith.constant 0 : i32
      %dma_start3A_213 = tpu.memref_slice %arg8[%dma_start3A_208, %dma_start3A_212] : memref<8x128xi32, #tpu.memory_space<vmem>> -> memref<1x128xi32, #tpu.memory_space<vmem>>
      %dma_start3A_214 = tpu.memref_squeeze %dma_start3A_213 : memref<1x128xi32, #tpu.memory_space<vmem>> -> memref<128xi32, #tpu.memory_space<vmem>>
      %dma_start3A_215 = arith.constant 0 : i32
      %dma_start3A_216 = arith.constant 0 : i32
      %dma_start3A_217 = tpu.memref_slice %arg11[%dma_start3A_215, %dma_start3A_216] : memref<50048x16xf32, #tpu.memory_space<vmem_shared>> -> memref<50048x16xf32, #tpu.memory_space<vmem_shared>>
      tpu.enqueue_indirect_dma source(%dma_start3A_211 : memref<128x16xf32, #tpu.memory_space<vmem>>) target(%dma_start3A_217 : memref<50048x16xf32, #tpu.memory_space<vmem_shared>>) offsets(%dma_start3A_214 : memref<128xi32, #tpu.memory_space<vmem>>) semaphore(%arg14 : memref<!tpu.dma_semaphore, #tpu.memory_space<semaphore_mem>>) {add = true}
      %dma_start3A_218 = arith.constant 1 : i32
      %dma_start3A_219 = arith.constant 128 : i32
      %dma_start3A_220 = arith.constant 0 : i32
      %dma_start3A_221 = tpu.memref_slice %arg9[%dma_start3A_219, %dma_start3A_220] : memref<1024x16xf32, #tpu.memory_space<vmem>> -> memref<128x16xf32, #tpu.memory_space<vmem>>
      %dma_start3A_222 = arith.constant 0 : i32
      %dma_start3A_223 = tpu.memref_slice %arg8[%dma_start3A_218, %dma_start3A_222] : memref<8x128xi32, #tpu.memory_space<vmem>> -> memref<1x128xi32, #tpu.memory_space<vmem>>
      %dma_start3A_224 = tpu.memref_squeeze %dma_start3A_223 : memref<1x128xi32, #tpu.memory_space<vmem>> -> memref<128xi32, #tpu.memory_space<vmem>>
      %dma_start3A_225 = arith.constant 0 : i32
      %dma_start3A_226 = arith.constant 0 : i32
      %dma_start3A_227 = tpu.memref_slice %arg11[%dma_start3A_225, %dma_start3A_226] : memref<50048x16xf32, #tpu.memory_space<vmem_shared>> -> memref<50048x16xf32, #tpu.memory_space<vmem_shared>>
      tpu.enqueue_indirect_dma source(%dma_start3A_221 : memref<128x16xf32, #tpu.memory_space<vmem>>) target(%dma_start3A_227 : memref<50048x16xf32, #tpu.memory_space<vmem_shared>>) offsets(%dma_start3A_224 : memref<128xi32, #tpu.memory_space<vmem>>) semaphore(%arg14 : memref<!tpu.dma_semaphore, #tpu.memory_space<semaphore_mem>>) {add = true}
      %dma_start3A_228 = arith.constant 2 : i32
      %dma_start3A_229 = arith.constant 256 : i32
      %dma_start3A_230 = arith.constant 0 : i32
      %dma_start3A_231 = tpu.memref_slice %arg9[%dma_start3A_229, %dma_start3A_230] : memref<1024x16xf32, #tpu.memory_space<vmem>> -> memref<128x16xf32, #tpu.memory_space<vmem>>
      %dma_start3A_232 = arith.constant 0 : i32
      %dma_start3A_233 = tpu.memref_slice %arg8[%dma_start3A_228, %dma_start3A_232] : memref<8x128xi32, #tpu.memory_space<vmem>> -> memref<1x128xi32, #tpu.memory_space<vmem>>
      %dma_start3A_234 = tpu.memref_squeeze %dma_start3A_233 : memref<1x128xi32, #tpu.memory_space<vmem>> -> memref<128xi32, #tpu.memory_space<vmem>>
      %dma_start3A_235 = arith.constant 0 : i32
      %dma_start3A_236 = arith.constant 0 : i32
      %dma_start3A_237 = tpu.memref_slice %arg11[%dma_start3A_235, %dma_start3A_236] : memref<50048x16xf32, #tpu.memory_space<vmem_shared>> -> memref<50048x16xf32, #tpu.memory_space<vmem_shared>>
      tpu.enqueue_indirect_dma source(%dma_start3A_231 : memref<128x16xf32, #tpu.memory_space<vmem>>) target(%dma_start3A_237 : memref<50048x16xf32, #tpu.memory_space<vmem_shared>>) offsets(%dma_start3A_234 : memref<128xi32, #tpu.memory_space<vmem>>) semaphore(%arg14 : memref<!tpu.dma_semaphore, #tpu.memory_space<semaphore_mem>>) {add = true}
      %dma_start3A_238 = arith.constant 3 : i32
      %dma_start3A_239 = arith.constant 384 : i32
      %dma_start3A_240 = arith.constant 0 : i32
      %dma_start3A_241 = tpu.memref_slice %arg9[%dma_start3A_239, %dma_start3A_240] : memref<1024x16xf32, #tpu.memory_space<vmem>> -> memref<128x16xf32, #tpu.memory_space<vmem>>
      %dma_start3A_242 = arith.constant 0 : i32
      %dma_start3A_243 = tpu.memref_slice %arg8[%dma_start3A_238, %dma_start3A_242] : memref<8x128xi32, #tpu.memory_space<vmem>> -> memref<1x128xi32, #tpu.memory_space<vmem>>
      %dma_start3A_244 = tpu.memref_squeeze %dma_start3A_243 : memref<1x128xi32, #tpu.memory_space<vmem>> -> memref<128xi32, #tpu.memory_space<vmem>>
      %dma_start3A_245 = arith.constant 0 : i32
      %dma_start3A_246 = arith.constant 0 : i32
      %dma_start3A_247 = tpu.memref_slice %arg11[%dma_start3A_245, %dma_start3A_246] : memref<50048x16xf32, #tpu.memory_space<vmem_shared>> -> memref<50048x16xf32, #tpu.memory_space<vmem_shared>>
      tpu.enqueue_indirect_dma source(%dma_start3A_241 : memref<128x16xf32, #tpu.memory_space<vmem>>) target(%dma_start3A_247 : memref<50048x16xf32, #tpu.memory_space<vmem_shared>>) offsets(%dma_start3A_244 : memref<128xi32, #tpu.memory_space<vmem>>) semaphore(%arg14 : memref<!tpu.dma_semaphore, #tpu.memory_space<semaphore_mem>>) {add = true}
      %dma_start3A_248 = arith.constant 4 : i32
      %dma_start3A_249 = arith.constant 512 : i32
      %dma_start3A_250 = arith.constant 0 : i32
      %dma_start3A_251 = tpu.memref_slice %arg9[%dma_start3A_249, %dma_start3A_250] : memref<1024x16xf32, #tpu.memory_space<vmem>> -> memref<128x16xf32, #tpu.memory_space<vmem>>
      %dma_start3A_252 = arith.constant 0 : i32
      %dma_start3A_253 = tpu.memref_slice %arg8[%dma_start3A_248, %dma_start3A_252] : memref<8x128xi32, #tpu.memory_space<vmem>> -> memref<1x128xi32, #tpu.memory_space<vmem>>
      %dma_start3A_254 = tpu.memref_squeeze %dma_start3A_253 : memref<1x128xi32, #tpu.memory_space<vmem>> -> memref<128xi32, #tpu.memory_space<vmem>>
      %dma_start3A_255 = arith.constant 0 : i32
      %dma_start3A_256 = arith.constant 0 : i32
      %dma_start3A_257 = tpu.memref_slice %arg11[%dma_start3A_255, %dma_start3A_256] : memref<50048x16xf32, #tpu.memory_space<vmem_shared>> -> memref<50048x16xf32, #tpu.memory_space<vmem_shared>>
      tpu.enqueue_indirect_dma source(%dma_start3A_251 : memref<128x16xf32, #tpu.memory_space<vmem>>) target(%dma_start3A_257 : memref<50048x16xf32, #tpu.memory_space<vmem_shared>>) offsets(%dma_start3A_254 : memref<128xi32, #tpu.memory_space<vmem>>) semaphore(%arg14 : memref<!tpu.dma_semaphore, #tpu.memory_space<semaphore_mem>>) {add = true}
      %dma_start3A_258 = arith.constant 5 : i32
      %dma_start3A_259 = arith.constant 640 : i32
      %dma_start3A_260 = arith.constant 0 : i32
      %dma_start3A_261 = tpu.memref_slice %arg9[%dma_start3A_259, %dma_start3A_260] : memref<1024x16xf32, #tpu.memory_space<vmem>> -> memref<128x16xf32, #tpu.memory_space<vmem>>
      %dma_start3A_262 = arith.constant 0 : i32
      %dma_start3A_263 = tpu.memref_slice %arg8[%dma_start3A_258, %dma_start3A_262] : memref<8x128xi32, #tpu.memory_space<vmem>> -> memref<1x128xi32, #tpu.memory_space<vmem>>
      %dma_start3A_264 = tpu.memref_squeeze %dma_start3A_263 : memref<1x128xi32, #tpu.memory_space<vmem>> -> memref<128xi32, #tpu.memory_space<vmem>>
      %dma_start3A_265 = arith.constant 0 : i32
      %dma_start3A_266 = arith.constant 0 : i32
      %dma_start3A_267 = tpu.memref_slice %arg11[%dma_start3A_265, %dma_start3A_266] : memref<50048x16xf32, #tpu.memory_space<vmem_shared>> -> memref<50048x16xf32, #tpu.memory_space<vmem_shared>>
      tpu.enqueue_indirect_dma source(%dma_start3A_261 : memref<128x16xf32, #tpu.memory_space<vmem>>) target(%dma_start3A_267 : memref<50048x16xf32, #tpu.memory_space<vmem_shared>>) offsets(%dma_start3A_264 : memref<128xi32, #tpu.memory_space<vmem>>) semaphore(%arg14 : memref<!tpu.dma_semaphore, #tpu.memory_space<semaphore_mem>>) {add = true}
      %dma_start3A_268 = arith.constant 6 : i32
      %dma_start3A_269 = arith.constant 768 : i32
      %dma_start3A_270 = arith.constant 0 : i32
      %dma_start3A_271 = tpu.memref_slice %arg9[%dma_start3A_269, %dma_start3A_270] : memref<1024x16xf32, #tpu.memory_space<vmem>> -> memref<128x16xf32, #tpu.memory_space<vmem>>
      %dma_start3A_272 = arith.constant 0 : i32
      %dma_start3A_273 = tpu.memref_slice %arg8[%dma_start3A_268, %dma_start3A_272] : memref<8x128xi32, #tpu.memory_space<vmem>> -> memref<1x128xi32, #tpu.memory_space<vmem>>
      %dma_start3A_274 = tpu.memref_squeeze %dma_start3A_273 : memref<1x128xi32, #tpu.memory_space<vmem>> -> memref<128xi32, #tpu.memory_space<vmem>>
      %dma_start3A_275 = arith.constant 0 : i32
      %dma_start3A_276 = arith.constant 0 : i32
      %dma_start3A_277 = tpu.memref_slice %arg11[%dma_start3A_275, %dma_start3A_276] : memref<50048x16xf32, #tpu.memory_space<vmem_shared>> -> memref<50048x16xf32, #tpu.memory_space<vmem_shared>>
      tpu.enqueue_indirect_dma source(%dma_start3A_271 : memref<128x16xf32, #tpu.memory_space<vmem>>) target(%dma_start3A_277 : memref<50048x16xf32, #tpu.memory_space<vmem_shared>>) offsets(%dma_start3A_274 : memref<128xi32, #tpu.memory_space<vmem>>) semaphore(%arg14 : memref<!tpu.dma_semaphore, #tpu.memory_space<semaphore_mem>>) {add = true}
      %dma_start3A_278 = arith.constant 7 : i32
      %dma_start3A_279 = arith.constant 896 : i32
      %dma_start3A_280 = arith.constant 0 : i32
      %dma_start3A_281 = tpu.memref_slice %arg9[%dma_start3A_279, %dma_start3A_280] : memref<1024x16xf32, #tpu.memory_space<vmem>> -> memref<128x16xf32, #tpu.memory_space<vmem>>
      %dma_start3A_282 = arith.constant 0 : i32
      %dma_start3A_283 = tpu.memref_slice %arg8[%dma_start3A_278, %dma_start3A_282] : memref<8x128xi32, #tpu.memory_space<vmem>> -> memref<1x128xi32, #tpu.memory_space<vmem>>
      %dma_start3A_284 = tpu.memref_squeeze %dma_start3A_283 : memref<1x128xi32, #tpu.memory_space<vmem>> -> memref<128xi32, #tpu.memory_space<vmem>>
      %dma_start3A_285 = arith.constant 0 : i32
      %dma_start3A_286 = arith.constant 0 : i32
      %dma_start3A_287 = tpu.memref_slice %arg11[%dma_start3A_285, %dma_start3A_286] : memref<50048x16xf32, #tpu.memory_space<vmem_shared>> -> memref<50048x16xf32, #tpu.memory_space<vmem_shared>>
      tpu.enqueue_indirect_dma source(%dma_start3A_281 : memref<128x16xf32, #tpu.memory_space<vmem>>) target(%dma_start3A_287 : memref<50048x16xf32, #tpu.memory_space<vmem_shared>>) offsets(%dma_start3A_284 : memref<128xi32, #tpu.memory_space<vmem>>) semaphore(%arg14 : memref<!tpu.dma_semaphore, #tpu.memory_space<semaphore_mem>>) {add = true}
      %dma_wait3A_288 = arith.constant 0 : i32
      %dma_wait3A_289 = arith.constant 0 : i32
      %dma_wait3A_290 = arith.constant 0 : i32
      %dma_wait3A_291 = tpu.memref_slice %arg9[%dma_wait3A_289, %dma_wait3A_290] : memref<1024x16xf32, #tpu.memory_space<vmem>> -> memref<128x16xf32, #tpu.memory_space<vmem>>
      %dma_wait3A_292 = arith.constant 0 : i32
      %dma_wait3A_293 = tpu.memref_slice %arg8[%dma_wait3A_288, %dma_wait3A_292] : memref<8x128xi32, #tpu.memory_space<vmem>> -> memref<1x128xi32, #tpu.memory_space<vmem>>
      %dma_wait3A_294 = tpu.memref_squeeze %dma_wait3A_293 : memref<1x128xi32, #tpu.memory_space<vmem>> -> memref<128xi32, #tpu.memory_space<vmem>>
      %dma_wait3A_295 = arith.constant 0 : i32
      %dma_wait3A_296 = arith.constant 0 : i32
      %dma_wait3A_297 = tpu.memref_slice %arg11[%dma_wait3A_295, %dma_wait3A_296] : memref<50048x16xf32, #tpu.memory_space<vmem_shared>> -> memref<50048x16xf32, #tpu.memory_space<vmem_shared>>
      tpu.wait_indirect_dma semaphore(%arg14 : memref<!tpu.dma_semaphore, #tpu.memory_space<semaphore_mem>>) src(%dma_wait3A_291 : memref<128x16xf32, #tpu.memory_space<vmem>>) dst(%dma_wait3A_297 : memref<50048x16xf32, #tpu.memory_space<vmem_shared>>)
      %dma_wait3A_298 = arith.constant 1 : i32
      %dma_wait3A_299 = arith.constant 128 : i32
      %dma_wait3A_300 = arith.constant 0 : i32
      %dma_wait3A_301 = tpu.memref_slice %arg9[%dma_wait3A_299, %dma_wait3A_300] : memref<1024x16xf32, #tpu.memory_space<vmem>> -> memref<128x16xf32, #tpu.memory_space<vmem>>
      %dma_wait3A_302 = arith.constant 0 : i32
      %dma_wait3A_303 = tpu.memref_slice %arg8[%dma_wait3A_298, %dma_wait3A_302] : memref<8x128xi32, #tpu.memory_space<vmem>> -> memref<1x128xi32, #tpu.memory_space<vmem>>
      %dma_wait3A_304 = tpu.memref_squeeze %dma_wait3A_303 : memref<1x128xi32, #tpu.memory_space<vmem>> -> memref<128xi32, #tpu.memory_space<vmem>>
      %dma_wait3A_305 = arith.constant 0 : i32
      %dma_wait3A_306 = arith.constant 0 : i32
      %dma_wait3A_307 = tpu.memref_slice %arg11[%dma_wait3A_305, %dma_wait3A_306] : memref<50048x16xf32, #tpu.memory_space<vmem_shared>> -> memref<50048x16xf32, #tpu.memory_space<vmem_shared>>
      tpu.wait_indirect_dma semaphore(%arg14 : memref<!tpu.dma_semaphore, #tpu.memory_space<semaphore_mem>>) src(%dma_wait3A_301 : memref<128x16xf32, #tpu.memory_space<vmem>>) dst(%dma_wait3A_307 : memref<50048x16xf32, #tpu.memory_space<vmem_shared>>)
      %dma_wait3A_308 = arith.constant 2 : i32
      %dma_wait3A_309 = arith.constant 256 : i32
      %dma_wait3A_310 = arith.constant 0 : i32
      %dma_wait3A_311 = tpu.memref_slice %arg9[%dma_wait3A_309, %dma_wait3A_310] : memref<1024x16xf32, #tpu.memory_space<vmem>> -> memref<128x16xf32, #tpu.memory_space<vmem>>
      %dma_wait3A_312 = arith.constant 0 : i32
      %dma_wait3A_313 = tpu.memref_slice %arg8[%dma_wait3A_308, %dma_wait3A_312] : memref<8x128xi32, #tpu.memory_space<vmem>> -> memref<1x128xi32, #tpu.memory_space<vmem>>
      %dma_wait3A_314 = tpu.memref_squeeze %dma_wait3A_313 : memref<1x128xi32, #tpu.memory_space<vmem>> -> memref<128xi32, #tpu.memory_space<vmem>>
      %dma_wait3A_315 = arith.constant 0 : i32
      %dma_wait3A_316 = arith.constant 0 : i32
      %dma_wait3A_317 = tpu.memref_slice %arg11[%dma_wait3A_315, %dma_wait3A_316] : memref<50048x16xf32, #tpu.memory_space<vmem_shared>> -> memref<50048x16xf32, #tpu.memory_space<vmem_shared>>
      tpu.wait_indirect_dma semaphore(%arg14 : memref<!tpu.dma_semaphore, #tpu.memory_space<semaphore_mem>>) src(%dma_wait3A_311 : memref<128x16xf32, #tpu.memory_space<vmem>>) dst(%dma_wait3A_317 : memref<50048x16xf32, #tpu.memory_space<vmem_shared>>)
      %dma_wait3A_318 = arith.constant 3 : i32
      %dma_wait3A_319 = arith.constant 384 : i32
      %dma_wait3A_320 = arith.constant 0 : i32
      %dma_wait3A_321 = tpu.memref_slice %arg9[%dma_wait3A_319, %dma_wait3A_320] : memref<1024x16xf32, #tpu.memory_space<vmem>> -> memref<128x16xf32, #tpu.memory_space<vmem>>
      %dma_wait3A_322 = arith.constant 0 : i32
      %dma_wait3A_323 = tpu.memref_slice %arg8[%dma_wait3A_318, %dma_wait3A_322] : memref<8x128xi32, #tpu.memory_space<vmem>> -> memref<1x128xi32, #tpu.memory_space<vmem>>
      %dma_wait3A_324 = tpu.memref_squeeze %dma_wait3A_323 : memref<1x128xi32, #tpu.memory_space<vmem>> -> memref<128xi32, #tpu.memory_space<vmem>>
      %dma_wait3A_325 = arith.constant 0 : i32
      %dma_wait3A_326 = arith.constant 0 : i32
      %dma_wait3A_327 = tpu.memref_slice %arg11[%dma_wait3A_325, %dma_wait3A_326] : memref<50048x16xf32, #tpu.memory_space<vmem_shared>> -> memref<50048x16xf32, #tpu.memory_space<vmem_shared>>
      tpu.wait_indirect_dma semaphore(%arg14 : memref<!tpu.dma_semaphore, #tpu.memory_space<semaphore_mem>>) src(%dma_wait3A_321 : memref<128x16xf32, #tpu.memory_space<vmem>>) dst(%dma_wait3A_327 : memref<50048x16xf32, #tpu.memory_space<vmem_shared>>)
      %dma_wait3A_328 = arith.constant 4 : i32
      %dma_wait3A_329 = arith.constant 512 : i32
      %dma_wait3A_330 = arith.constant 0 : i32
      %dma_wait3A_331 = tpu.memref_slice %arg9[%dma_wait3A_329, %dma_wait3A_330] : memref<1024x16xf32, #tpu.memory_space<vmem>> -> memref<128x16xf32, #tpu.memory_space<vmem>>
      %dma_wait3A_332 = arith.constant 0 : i32
      %dma_wait3A_333 = tpu.memref_slice %arg8[%dma_wait3A_328, %dma_wait3A_332] : memref<8x128xi32, #tpu.memory_space<vmem>> -> memref<1x128xi32, #tpu.memory_space<vmem>>
      %dma_wait3A_334 = tpu.memref_squeeze %dma_wait3A_333 : memref<1x128xi32, #tpu.memory_space<vmem>> -> memref<128xi32, #tpu.memory_space<vmem>>
      %dma_wait3A_335 = arith.constant 0 : i32
      %dma_wait3A_336 = arith.constant 0 : i32
      %dma_wait3A_337 = tpu.memref_slice %arg11[%dma_wait3A_335, %dma_wait3A_336] : memref<50048x16xf32, #tpu.memory_space<vmem_shared>> -> memref<50048x16xf32, #tpu.memory_space<vmem_shared>>
      tpu.wait_indirect_dma semaphore(%arg14 : memref<!tpu.dma_semaphore, #tpu.memory_space<semaphore_mem>>) src(%dma_wait3A_331 : memref<128x16xf32, #tpu.memory_space<vmem>>) dst(%dma_wait3A_337 : memref<50048x16xf32, #tpu.memory_space<vmem_shared>>)
      %dma_wait3A_338 = arith.constant 5 : i32
      %dma_wait3A_339 = arith.constant 640 : i32
      %dma_wait3A_340 = arith.constant 0 : i32
      %dma_wait3A_341 = tpu.memref_slice %arg9[%dma_wait3A_339, %dma_wait3A_340] : memref<1024x16xf32, #tpu.memory_space<vmem>> -> memref<128x16xf32, #tpu.memory_space<vmem>>
      %dma_wait3A_342 = arith.constant 0 : i32
      %dma_wait3A_343 = tpu.memref_slice %arg8[%dma_wait3A_338, %dma_wait3A_342] : memref<8x128xi32, #tpu.memory_space<vmem>> -> memref<1x128xi32, #tpu.memory_space<vmem>>
      %dma_wait3A_344 = tpu.memref_squeeze %dma_wait3A_343 : memref<1x128xi32, #tpu.memory_space<vmem>> -> memref<128xi32, #tpu.memory_space<vmem>>
      %dma_wait3A_345 = arith.constant 0 : i32
      %dma_wait3A_346 = arith.constant 0 : i32
      %dma_wait3A_347 = tpu.memref_slice %arg11[%dma_wait3A_345, %dma_wait3A_346] : memref<50048x16xf32, #tpu.memory_space<vmem_shared>> -> memref<50048x16xf32, #tpu.memory_space<vmem_shared>>
      tpu.wait_indirect_dma semaphore(%arg14 : memref<!tpu.dma_semaphore, #tpu.memory_space<semaphore_mem>>) src(%dma_wait3A_341 : memref<128x16xf32, #tpu.memory_space<vmem>>) dst(%dma_wait3A_347 : memref<50048x16xf32, #tpu.memory_space<vmem_shared>>)
      %dma_wait3A_348 = arith.constant 6 : i32
      %dma_wait3A_349 = arith.constant 768 : i32
      %dma_wait3A_350 = arith.constant 0 : i32
      %dma_wait3A_351 = tpu.memref_slice %arg9[%dma_wait3A_349, %dma_wait3A_350] : memref<1024x16xf32, #tpu.memory_space<vmem>> -> memref<128x16xf32, #tpu.memory_space<vmem>>
      %dma_wait3A_352 = arith.constant 0 : i32
      %dma_wait3A_353 = tpu.memref_slice %arg8[%dma_wait3A_348, %dma_wait3A_352] : memref<8x128xi32, #tpu.memory_space<vmem>> -> memref<1x128xi32, #tpu.memory_space<vmem>>
      %dma_wait3A_354 = tpu.memref_squeeze %dma_wait3A_353 : memref<1x128xi32, #tpu.memory_space<vmem>> -> memref<128xi32, #tpu.memory_space<vmem>>
      %dma_wait3A_355 = arith.constant 0 : i32
      %dma_wait3A_356 = arith.constant 0 : i32
      %dma_wait3A_357 = tpu.memref_slice %arg11[%dma_wait3A_355, %dma_wait3A_356] : memref<50048x16xf32, #tpu.memory_space<vmem_shared>> -> memref<50048x16xf32, #tpu.memory_space<vmem_shared>>
      tpu.wait_indirect_dma semaphore(%arg14 : memref<!tpu.dma_semaphore, #tpu.memory_space<semaphore_mem>>) src(%dma_wait3A_351 : memref<128x16xf32, #tpu.memory_space<vmem>>) dst(%dma_wait3A_357 : memref<50048x16xf32, #tpu.memory_space<vmem_shared>>)
      %dma_wait3A_358 = arith.constant 7 : i32
      %dma_wait3A_359 = arith.constant 896 : i32
      %dma_wait3A_360 = arith.constant 0 : i32
      %dma_wait3A_361 = tpu.memref_slice %arg9[%dma_wait3A_359, %dma_wait3A_360] : memref<1024x16xf32, #tpu.memory_space<vmem>> -> memref<128x16xf32, #tpu.memory_space<vmem>>
      %dma_wait3A_362 = arith.constant 0 : i32
      %dma_wait3A_363 = tpu.memref_slice %arg8[%dma_wait3A_358, %dma_wait3A_362] : memref<8x128xi32, #tpu.memory_space<vmem>> -> memref<1x128xi32, #tpu.memory_space<vmem>>
      %dma_wait3A_364 = tpu.memref_squeeze %dma_wait3A_363 : memref<1x128xi32, #tpu.memory_space<vmem>> -> memref<128xi32, #tpu.memory_space<vmem>>
      %dma_wait3A_365 = arith.constant 0 : i32
      %dma_wait3A_366 = arith.constant 0 : i32
      %dma_wait3A_367 = tpu.memref_slice %arg11[%dma_wait3A_365, %dma_wait3A_366] : memref<50048x16xf32, #tpu.memory_space<vmem_shared>> -> memref<50048x16xf32, #tpu.memory_space<vmem_shared>>
      tpu.wait_indirect_dma semaphore(%arg14 : memref<!tpu.dma_semaphore, #tpu.memory_space<semaphore_mem>>) src(%dma_wait3A_361 : memref<128x16xf32, #tpu.memory_space<vmem>>) dst(%dma_wait3A_367 : memref<50048x16xf32, #tpu.memory_space<vmem_shared>>)
    }
    %barrier3A_41 = arith.constant 0 : index
    tpu.barrier barrier_id(%barrier3A_41)
    %mul3A_42 = arith.constant 3128 : i32
    %mul3A_43 = arith.muli %arg1, %mul3A_42 : i32
    %mul3A_44 = arith.constant 3128 : i32
    %mul3A_45 = arith.muli %arg1, %mul3A_44 : i32
    "tpu.region"() ({
      %run_scoped3A = tpu.sem_alloc : memref<!tpu.dma_semaphore, #tpu.memory_space<semaphore_mem>>
      %dma_start3A = arith.constant 0 : i32
      %dma_start3A_46 = tpu.memref_slice %arg6[%arg0, %mul3A_45, %dma_start3A] : memref<2x50048x16xf32, #tpu.memory_space<hbm>> -> memref<1x3128x16xf32, #tpu.memory_space<hbm>>
      %dma_start3A_47 = tpu.memref_squeeze %dma_start3A_46 : memref<1x3128x16xf32, #tpu.memory_space<hbm>> -> memref<3128x16xf32, #tpu.memory_space<hbm>>
      %dma_start3A_48 = arith.constant 0 : i32
      %dma_start3A_49 = tpu.memref_slice %arg11[%mul3A_43, %dma_start3A_48] : memref<50048x16xf32, #tpu.memory_space<vmem_shared>> -> memref<3128x16xf32, #tpu.memory_space<vmem_shared>>
      tpu.enqueue_dma source(%dma_start3A_49 : memref<3128x16xf32, #tpu.memory_space<vmem_shared>>) target(%dma_start3A_47 : memref<3128x16xf32, #tpu.memory_space<hbm>>) target_semaphore(%run_scoped3A : memref<!tpu.dma_semaphore, #tpu.memory_space<semaphore_mem>>)
      %dma_wait3A = arith.constant 0 : i32
      %dma_wait3A_50 = tpu.memref_slice %arg6[%arg0, %mul3A_45, %dma_wait3A] : memref<2x50048x16xf32, #tpu.memory_space<hbm>> -> memref<1x3128x16xf32, #tpu.memory_space<hbm>>
      %dma_wait3A_51 = tpu.memref_squeeze %dma_wait3A_50 : memref<1x3128x16xf32, #tpu.memory_space<hbm>> -> memref<3128x16xf32, #tpu.memory_space<hbm>>
      %dma_wait3A_52 = arith.constant 0 : i32
      %dma_wait3A_53 = tpu.memref_slice %arg11[%mul3A_43, %dma_wait3A_52] : memref<50048x16xf32, #tpu.memory_space<vmem_shared>> -> memref<3128x16xf32, #tpu.memory_space<vmem_shared>>
      tpu.wait_dma2 semaphore(%run_scoped3A : memref<!tpu.dma_semaphore, #tpu.memory_space<semaphore_mem>>) src(%dma_wait3A_53 : memref<3128x16xf32, #tpu.memory_space<vmem_shared>>) dst(%dma_wait3A_51 : memref<3128x16xf32, #tpu.memory_space<hbm>>)
      tpu.yield
    }) : () -> ()
    return
  }
}

#map = affine_map<(d0, d1) -> (0, 0)>
#map1 = affine_map<(d0, d1) -> (0, 0, 0)>
module attributes {stable_mosaic.version = 14 : i64} {
  func.func @k(%arg0: i32, %arg1: i32, %arg2: memref<50000x16xf32, #tpu.memory_space<hbm>>, %arg3: memref<6400x128xi32, #tpu.memory_space<hbm>>, %arg4: memref<6400x128xi32, #tpu.memory_space<hbm>>, %arg5: memref<3128x16xf32, #tpu.memory_space<hbm>>, %arg6: memref<2x50048x16xf32, #tpu.memory_space<hbm>>, %arg7: memref<8x128xi32, #tpu.memory_space<vmem>>, %arg8: memref<8x128xi32, #tpu.memory_space<vmem>>, %arg9: memref<1024x16xf32, #tpu.memory_space<vmem>>, %arg10: memref<1024x16xf32, #tpu.memory_space<vmem>>, %arg11: memref<50048x16xf32, #tpu.memory_space<vmem_shared>>, %arg12: memref<!tpu.dma_semaphore, #tpu.memory_space<semaphore_mem>>, %arg13: memref<!tpu.dma_semaphore, #tpu.memory_space<semaphore_mem>>, %arg14: memref<!tpu.dma_semaphore, #tpu.memory_space<semaphore_mem>>, %arg15: memref<!tpu.dma_semaphore, #tpu.memory_space<semaphore_mem>>) attributes {dimension_semantics = [#tpu.dimension_semantics<core_parallel>, #tpu.dimension_semantics<subcore_parallel>], iteration_bounds = array<i64: 2, 16>, scalar_prefetch = 0 : i64, scratch_operands = 9 : i64, tpu.core_type = #tpu.core_type<sc_vector_subcore>, window_params = [{transform_indices = #map}, {transform_indices = #map}, {transform_indices = #map}, {transform_indices = #map}, {transform_indices = #map1}]} {
    %mul3A = arith.constant 3128 : i32
    %mul3A_0 = arith.muli %arg1, %mul3A : i32
    "tpu.region"() ({
      %run_scoped3A = tpu.sem_alloc : memref<!tpu.dma_semaphore, #tpu.memory_space<semaphore_mem>>
      %dma_start3A = arith.constant 0 : i32
      %dma_start3A_46 = tpu.memref_slice %arg11[%mul3A_0, %dma_start3A] : memref<50048x16xf32, #tpu.memory_space<vmem_shared>> -> memref<3128x16xf32, #tpu.memory_space<vmem_shared>>
      tpu.enqueue_dma source(%arg5 : memref<3128x16xf32, #tpu.memory_space<hbm>>) target(%dma_start3A_46 : memref<3128x16xf32, #tpu.memory_space<vmem_shared>>) target_semaphore(%run_scoped3A : memref<!tpu.dma_semaphore, #tpu.memory_space<semaphore_mem>>)
      %dma_wait3A = arith.constant 0 : i32
      %dma_wait3A_47 = tpu.memref_slice %arg11[%mul3A_0, %dma_wait3A] : memref<50048x16xf32, #tpu.memory_space<vmem_shared>> -> memref<3128x16xf32, #tpu.memory_space<vmem_shared>>
      tpu.wait_dma2 semaphore(%run_scoped3A : memref<!tpu.dma_semaphore, #tpu.memory_space<semaphore_mem>>) src(%arg5 : memref<3128x16xf32, #tpu.memory_space<hbm>>) dst(%dma_wait3A_47 : memref<3128x16xf32, #tpu.memory_space<vmem_shared>>)
      tpu.yield
    }) : () -> ()
    %barrier3A = arith.constant 0 : index
    tpu.barrier barrier_id(%barrier3A)
    %eq3A = arith.constant 0 : i32
    %eq3A_1 = arith.cmpi eq, %arg0, %eq3A : i32
    %jit3A = arith.constant 400 : i32
    %jit3A_2 = arith.constant 400 : i32
    %select_n3A = arith.select %eq3A_1, %jit3A, %jit3A_2 : i32
    %eq3A_3 = arith.constant 0 : i32
    %eq3A_4 = arith.cmpi eq, %arg0, %eq3A_3 : i32
    %jit3A_5 = arith.constant 0 : i32
    %jit3A_6 = arith.constant 400 : i32
    %select_n3A_7 = arith.select %eq3A_4, %jit3A_5, %jit3A_6 : i32
    %jit3A_8 = arith.constant 16 : i32
    %div3A = arith.divsi %select_n3A, %jit3A_8 : i32
    %sign3A = arith.constant 0 : i32
    %sign3A_9 = arith.cmpi sgt, %select_n3A, %sign3A : i32
    %sign3A_10 = arith.extui %sign3A_9 : i1 to i32
    %sign3A_11 = arith.constant 0 : i32
    %sign3A_12 = arith.cmpi slt, %select_n3A, %sign3A_11 : i32
    %sign3A_13 = arith.extui %sign3A_12 : i1 to i32
    %sign3A_14 = arith.subi %sign3A_10, %sign3A_13 : i32
    %sign3A_15 = arith.constant 0 : i32
    %sign3A_16 = arith.cmpi sgt, %jit3A_8, %sign3A_15 : i32
    %sign3A_17 = arith.extui %sign3A_16 : i1 to i32
    %sign3A_18 = arith.constant 0 : i32
    %sign3A_19 = arith.cmpi slt, %jit3A_8, %sign3A_18 : i32
    %sign3A_20 = arith.extui %sign3A_19 : i1 to i32
    %sign3A_21 = arith.subi %sign3A_17, %sign3A_20 : i32
    %ne3A = arith.cmpi ne, %sign3A_14, %sign3A_21 : i32
    %rem3A = arith.remsi %select_n3A, %jit3A_8 : i32
    %ne3A_22 = arith.constant 0 : i32
    %ne3A_23 = arith.cmpi ne, %rem3A, %ne3A_22 : i32
    %and3A = arith.andi %ne3A, %ne3A_23 : i1
    %sub3A = arith.constant 1 : i32
    %sub3A_24 = arith.subi %div3A, %sub3A : i32
    %select_n3A_25 = arith.select %and3A, %sub3A_24, %div3A : i32
    %mul3A_26 = arith.constant 16 : i32
    %mul3A_27 = arith.muli %select_n3A_25, %mul3A_26 : i32
    %sub3A_28 = arith.subi %select_n3A, %mul3A_27 : i32
    %mul3A_29 = arith.muli %arg1, %select_n3A_25 : i32
    %add3A = arith.addi %select_n3A_7, %mul3A_29 : i32
    %min3A = arith.minsi %arg1, %sub3A_28 : i32
    %add3A_30 = arith.addi %add3A, %min3A : i32
    %lt3A = arith.cmpi slt, %arg1, %sub3A_28 : i32
    %convert_element_type3A = arith.extui %lt3A : i1 to i32
    %add3A_31 = arith.addi %select_n3A_25, %convert_element_type3A : i32
    %while3A = arith.constant 0 : i32
    %while3A_32 = arith.constant 0 : i32
    %while3A_33 = arith.subi %add3A_31, %while3A_32 : i32
    %while3A_34 = arith.addi %while3A_32, %while3A_33 : i32
    %while3A_35 = arith.constant 1 : i32
    %while3A_36 = arith.divsi %while3A_33, %while3A_35 : i32
    %while3A_37 = arith.muli %while3A_36, %while3A_35 : i32
    %while3A_38 = arith.addi %while3A_32, %while3A_37 : i32
    %while3A_39 = arith.constant 1 : i32
    scf.for %while3A_46 = %while3A_32 to %while3A_38 step %while3A_39  : i32 {
      %add3A_47 = arith.addi %add3A_30, %while3A_46 : i32
      %mul3A_48 = arith.constant 8 : i32
      %mul3A_49 = arith.muli %add3A_47, %mul3A_48 : i32
      "tpu.region"() ({
        %run_scoped3A = tpu.sem_alloc : memref<!tpu.dma_semaphore, #tpu.memory_space<semaphore_mem>>
        %dma_start3A_368 = arith.constant 0 : i32
        %dma_start3A_369 = tpu.memref_slice %arg3[%mul3A_49, %dma_start3A_368] : memref<6400x128xi32, #tpu.memory_space<hbm>> -> memref<8x128xi32, #tpu.memory_space<hbm>>
        %dma_start3A_370 = arith.constant 0 : i32
        %dma_start3A_371 = tpu.memref_slice %arg3[%mul3A_49, %dma_start3A_370] : memref<6400x128xi32, #tpu.memory_space<hbm>> -> memref<8x128xi32, #tpu.memory_space<hbm>>
        tpu.enqueue_dma source(%dma_start3A_371 : memref<8x128xi32, #tpu.memory_space<hbm>>) target(%arg7 : memref<8x128xi32, #tpu.memory_space<vmem>>) target_semaphore(%run_scoped3A : memref<!tpu.dma_semaphore, #tpu.memory_space<semaphore_mem>>)
        %dma_wait3A_372 = arith.constant 0 : i32
        %dma_wait3A_373 = tpu.memref_slice %arg3[%mul3A_49, %dma_wait3A_372] : memref<6400x128xi32, #tpu.memory_space<hbm>> -> memref<8x128xi32, #tpu.memory_space<hbm>>
        %dma_wait3A_374 = arith.constant 0 : i32
        %dma_wait3A_375 = tpu.memref_slice %arg3[%mul3A_49, %dma_wait3A_374] : memref<6400x128xi32, #tpu.memory_space<hbm>> -> memref<8x128xi32, #tpu.memory_space<hbm>>
        tpu.wait_dma2 semaphore(%run_scoped3A : memref<!tpu.dma_semaphore, #tpu.memory_space<semaphore_mem>>) src(%dma_wait3A_375 : memref<8x128xi32, #tpu.memory_space<hbm>>) dst(%arg7 : memref<8x128xi32, #tpu.memory_space<vmem>>)
        tpu.yield
      }) : () -> ()
      "tpu.region"() ({
        %run_scoped3A = tpu.sem_alloc : memref<!tpu.dma_semaphore, #tpu.memory_space<semaphore_mem>>
        %dma_start3A_368 = arith.constant 0 : i32
        %dma_start3A_369 = tpu.memref_slice %arg4[%mul3A_49, %dma_start3A_368] : memref<6400x128xi32, #tpu.memory_space<hbm>> -> memref<8x128xi32, #tpu.memory_space<hbm>>
        %dma_start3A_370 = arith.constant 0 : i32
        %dma_start3A_371 = tpu.memref_slice %arg4[%mul3A_49, %dma_start3A_370] : memref<6400x128xi32, #tpu.memory_space<hbm>> -> memref<8x128xi32, #tpu.memory_space<hbm>>
        tpu.enqueue_dma source(%dma_start3A_371 : memref<8x128xi32, #tpu.memory_space<hbm>>) target(%arg8 : memref<8x128xi32, #tpu.memory_space<vmem>>) target_semaphore(%run_scoped3A : memref<!tpu.dma_semaphore, #tpu.memory_space<semaphore_mem>>)
        %dma_wait3A_372 = arith.constant 0 : i32
        %dma_wait3A_373 = tpu.memref_slice %arg4[%mul3A_49, %dma_wait3A_372] : memref<6400x128xi32, #tpu.memory_space<hbm>> -> memref<8x128xi32, #tpu.memory_space<hbm>>
        %dma_wait3A_374 = arith.constant 0 : i32
        %dma_wait3A_375 = tpu.memref_slice %arg4[%mul3A_49, %dma_wait3A_374] : memref<6400x128xi32, #tpu.memory_space<hbm>> -> memref<8x128xi32, #tpu.memory_space<hbm>>
        tpu.wait_dma2 semaphore(%run_scoped3A : memref<!tpu.dma_semaphore, #tpu.memory_space<semaphore_mem>>) src(%dma_wait3A_375 : memref<8x128xi32, #tpu.memory_space<hbm>>) dst(%arg8 : memref<8x128xi32, #tpu.memory_space<vmem>>)
        tpu.yield
      }) : () -> ()
      %dma_start3A = arith.constant 0 : i32
      %dma_start3A_50 = arith.constant 0 : i32
      %dma_start3A_51 = arith.constant 0 : i32
      %dma_start3A_52 = tpu.memref_slice %arg9[%dma_start3A_50, %dma_start3A_51] : memref<1024x16xf32, #tpu.memory_space<vmem>> -> memref<128x16xf32, #tpu.memory_space<vmem>>
      %dma_start3A_53 = arith.constant 0 : i32
      %dma_start3A_54 = tpu.memref_slice %arg7[%dma_start3A, %dma_start3A_53] : memref<8x128xi32, #tpu.memory_space<vmem>> -> memref<1x128xi32, #tpu.memory_space<vmem>>
      %dma_start3A_55 = tpu.memref_squeeze %dma_start3A_54 : memref<1x128xi32, #tpu.memory_space<vmem>> -> memref<128xi32, #tpu.memory_space<vmem>>
      %dma_start3A_56 = arith.constant 0 : i32
      %dma_start3A_57 = arith.constant 0 : i32
      %dma_start3A_58 = tpu.memref_slice %arg2[%dma_start3A_56, %dma_start3A_57] : memref<50000x16xf32, #tpu.memory_space<hbm>> -> memref<50000x16xf32, #tpu.memory_space<hbm>>
      tpu.enqueue_indirect_dma source(%dma_start3A_58 : memref<50000x16xf32, #tpu.memory_space<hbm>>) target(%dma_start3A_52 : memref<128x16xf32, #tpu.memory_space<vmem>>) offsets(%dma_start3A_55 : memref<128xi32, #tpu.memory_space<vmem>>) semaphore(%arg12 : memref<!tpu.dma_semaphore, #tpu.memory_space<semaphore_mem>>)
      %dma_start3A_59 = arith.constant 1 : i32
      %dma_start3A_60 = arith.constant 128 : i32
      %dma_start3A_61 = arith.constant 0 : i32
      %dma_start3A_62 = tpu.memref_slice %arg9[%dma_start3A_60, %dma_start3A_61] : memref<1024x16xf32, #tpu.memory_space<vmem>> -> memref<128x16xf32, #tpu.memory_space<vmem>>
      %dma_start3A_63 = arith.constant 0 : i32
      %dma_start3A_64 = tpu.memref_slice %arg7[%dma_start3A_59, %dma_start3A_63] : memref<8x128xi32, #tpu.memory_space<vmem>> -> memref<1x128xi32, #tpu.memory_space<vmem>>
      %dma_start3A_65 = tpu.memref_squeeze %dma_start3A_64 : memref<1x128xi32, #tpu.memory_space<vmem>> -> memref<128xi32, #tpu.memory_space<vmem>>
      %dma_start3A_66 = arith.constant 0 : i32
      %dma_start3A_67 = arith.constant 0 : i32
      %dma_start3A_68 = tpu.memref_slice %arg2[%dma_start3A_66, %dma_start3A_67] : memref<50000x16xf32, #tpu.memory_space<hbm>> -> memref<50000x16xf32, #tpu.memory_space<hbm>>
      tpu.enqueue_indirect_dma source(%dma_start3A_68 : memref<50000x16xf32, #tpu.memory_space<hbm>>) target(%dma_start3A_62 : memref<128x16xf32, #tpu.memory_space<vmem>>) offsets(%dma_start3A_65 : memref<128xi32, #tpu.memory_space<vmem>>) semaphore(%arg12 : memref<!tpu.dma_semaphore, #tpu.memory_space<semaphore_mem>>)
      %dma_start3A_69 = arith.constant 2 : i32
      %dma_start3A_70 = arith.constant 256 : i32
      %dma_start3A_71 = arith.constant 0 : i32
      %dma_start3A_72 = tpu.memref_slice %arg9[%dma_start3A_70, %dma_start3A_71] : memref<1024x16xf32, #tpu.memory_space<vmem>> -> memref<128x16xf32, #tpu.memory_space<vmem>>
      %dma_start3A_73 = arith.constant 0 : i32
      %dma_start3A_74 = tpu.memref_slice %arg7[%dma_start3A_69, %dma_start3A_73] : memref<8x128xi32, #tpu.memory_space<vmem>> -> memref<1x128xi32, #tpu.memory_space<vmem>>
      %dma_start3A_75 = tpu.memref_squeeze %dma_start3A_74 : memref<1x128xi32, #tpu.memory_space<vmem>> -> memref<128xi32, #tpu.memory_space<vmem>>
      %dma_start3A_76 = arith.constant 0 : i32
      %dma_start3A_77 = arith.constant 0 : i32
      %dma_start3A_78 = tpu.memref_slice %arg2[%dma_start3A_76, %dma_start3A_77] : memref<50000x16xf32, #tpu.memory_space<hbm>> -> memref<50000x16xf32, #tpu.memory_space<hbm>>
      tpu.enqueue_indirect_dma source(%dma_start3A_78 : memref<50000x16xf32, #tpu.memory_space<hbm>>) target(%dma_start3A_72 : memref<128x16xf32, #tpu.memory_space<vmem>>) offsets(%dma_start3A_75 : memref<128xi32, #tpu.memory_space<vmem>>) semaphore(%arg12 : memref<!tpu.dma_semaphore, #tpu.memory_space<semaphore_mem>>)
      %dma_start3A_79 = arith.constant 3 : i32
      %dma_start3A_80 = arith.constant 384 : i32
      %dma_start3A_81 = arith.constant 0 : i32
      %dma_start3A_82 = tpu.memref_slice %arg9[%dma_start3A_80, %dma_start3A_81] : memref<1024x16xf32, #tpu.memory_space<vmem>> -> memref<128x16xf32, #tpu.memory_space<vmem>>
      %dma_start3A_83 = arith.constant 0 : i32
      %dma_start3A_84 = tpu.memref_slice %arg7[%dma_start3A_79, %dma_start3A_83] : memref<8x128xi32, #tpu.memory_space<vmem>> -> memref<1x128xi32, #tpu.memory_space<vmem>>
      %dma_start3A_85 = tpu.memref_squeeze %dma_start3A_84 : memref<1x128xi32, #tpu.memory_space<vmem>> -> memref<128xi32, #tpu.memory_space<vmem>>
      %dma_start3A_86 = arith.constant 0 : i32
      %dma_start3A_87 = arith.constant 0 : i32
      %dma_start3A_88 = tpu.memref_slice %arg2[%dma_start3A_86, %dma_start3A_87] : memref<50000x16xf32, #tpu.memory_space<hbm>> -> memref<50000x16xf32, #tpu.memory_space<hbm>>
      tpu.enqueue_indirect_dma source(%dma_start3A_88 : memref<50000x16xf32, #tpu.memory_space<hbm>>) target(%dma_start3A_82 : memref<128x16xf32, #tpu.memory_space<vmem>>) offsets(%dma_start3A_85 : memref<128xi32, #tpu.memory_space<vmem>>) semaphore(%arg12 : memref<!tpu.dma_semaphore, #tpu.memory_space<semaphore_mem>>)
      %dma_start3A_89 = arith.constant 4 : i32
      %dma_start3A_90 = arith.constant 512 : i32
      %dma_start3A_91 = arith.constant 0 : i32
      %dma_start3A_92 = tpu.memref_slice %arg9[%dma_start3A_90, %dma_start3A_91] : memref<1024x16xf32, #tpu.memory_space<vmem>> -> memref<128x16xf32, #tpu.memory_space<vmem>>
      %dma_start3A_93 = arith.constant 0 : i32
      %dma_start3A_94 = tpu.memref_slice %arg7[%dma_start3A_89, %dma_start3A_93] : memref<8x128xi32, #tpu.memory_space<vmem>> -> memref<1x128xi32, #tpu.memory_space<vmem>>
      %dma_start3A_95 = tpu.memref_squeeze %dma_start3A_94 : memref<1x128xi32, #tpu.memory_space<vmem>> -> memref<128xi32, #tpu.memory_space<vmem>>
      %dma_start3A_96 = arith.constant 0 : i32
      %dma_start3A_97 = arith.constant 0 : i32
      %dma_start3A_98 = tpu.memref_slice %arg2[%dma_start3A_96, %dma_start3A_97] : memref<50000x16xf32, #tpu.memory_space<hbm>> -> memref<50000x16xf32, #tpu.memory_space<hbm>>
      tpu.enqueue_indirect_dma source(%dma_start3A_98 : memref<50000x16xf32, #tpu.memory_space<hbm>>) target(%dma_start3A_92 : memref<128x16xf32, #tpu.memory_space<vmem>>) offsets(%dma_start3A_95 : memref<128xi32, #tpu.memory_space<vmem>>) semaphore(%arg12 : memref<!tpu.dma_semaphore, #tpu.memory_space<semaphore_mem>>)
      %dma_start3A_99 = arith.constant 5 : i32
      %dma_start3A_100 = arith.constant 640 : i32
      %dma_start3A_101 = arith.constant 0 : i32
      %dma_start3A_102 = tpu.memref_slice %arg9[%dma_start3A_100, %dma_start3A_101] : memref<1024x16xf32, #tpu.memory_space<vmem>> -> memref<128x16xf32, #tpu.memory_space<vmem>>
      %dma_start3A_103 = arith.constant 0 : i32
      %dma_start3A_104 = tpu.memref_slice %arg7[%dma_start3A_99, %dma_start3A_103] : memref<8x128xi32, #tpu.memory_space<vmem>> -> memref<1x128xi32, #tpu.memory_space<vmem>>
      %dma_start3A_105 = tpu.memref_squeeze %dma_start3A_104 : memref<1x128xi32, #tpu.memory_space<vmem>> -> memref<128xi32, #tpu.memory_space<vmem>>
      %dma_start3A_106 = arith.constant 0 : i32
      %dma_start3A_107 = arith.constant 0 : i32
      %dma_start3A_108 = tpu.memref_slice %arg2[%dma_start3A_106, %dma_start3A_107] : memref<50000x16xf32, #tpu.memory_space<hbm>> -> memref<50000x16xf32, #tpu.memory_space<hbm>>
      tpu.enqueue_indirect_dma source(%dma_start3A_108 : memref<50000x16xf32, #tpu.memory_space<hbm>>) target(%dma_start3A_102 : memref<128x16xf32, #tpu.memory_space<vmem>>) offsets(%dma_start3A_105 : memref<128xi32, #tpu.memory_space<vmem>>) semaphore(%arg12 : memref<!tpu.dma_semaphore, #tpu.memory_space<semaphore_mem>>)
      %dma_start3A_109 = arith.constant 6 : i32
      %dma_start3A_110 = arith.constant 768 : i32
      %dma_start3A_111 = arith.constant 0 : i32
      %dma_start3A_112 = tpu.memref_slice %arg9[%dma_start3A_110, %dma_start3A_111] : memref<1024x16xf32, #tpu.memory_space<vmem>> -> memref<128x16xf32, #tpu.memory_space<vmem>>
      %dma_start3A_113 = arith.constant 0 : i32
      %dma_start3A_114 = tpu.memref_slice %arg7[%dma_start3A_109, %dma_start3A_113] : memref<8x128xi32, #tpu.memory_space<vmem>> -> memref<1x128xi32, #tpu.memory_space<vmem>>
      %dma_start3A_115 = tpu.memref_squeeze %dma_start3A_114 : memref<1x128xi32, #tpu.memory_space<vmem>> -> memref<128xi32, #tpu.memory_space<vmem>>
      %dma_start3A_116 = arith.constant 0 : i32
      %dma_start3A_117 = arith.constant 0 : i32
      %dma_start3A_118 = tpu.memref_slice %arg2[%dma_start3A_116, %dma_start3A_117] : memref<50000x16xf32, #tpu.memory_space<hbm>> -> memref<50000x16xf32, #tpu.memory_space<hbm>>
      tpu.enqueue_indirect_dma source(%dma_start3A_118 : memref<50000x16xf32, #tpu.memory_space<hbm>>) target(%dma_start3A_112 : memref<128x16xf32, #tpu.memory_space<vmem>>) offsets(%dma_start3A_115 : memref<128xi32, #tpu.memory_space<vmem>>) semaphore(%arg12 : memref<!tpu.dma_semaphore, #tpu.memory_space<semaphore_mem>>)
      %dma_start3A_119 = arith.constant 7 : i32
      %dma_start3A_120 = arith.constant 896 : i32
      %dma_start3A_121 = arith.constant 0 : i32
      %dma_start3A_122 = tpu.memref_slice %arg9[%dma_start3A_120, %dma_start3A_121] : memref<1024x16xf32, #tpu.memory_space<vmem>> -> memref<128x16xf32, #tpu.memory_space<vmem>>
      %dma_start3A_123 = arith.constant 0 : i32
      %dma_start3A_124 = tpu.memref_slice %arg7[%dma_start3A_119, %dma_start3A_123] : memref<8x128xi32, #tpu.memory_space<vmem>> -> memref<1x128xi32, #tpu.memory_space<vmem>>
      %dma_start3A_125 = tpu.memref_squeeze %dma_start3A_124 : memref<1x128xi32, #tpu.memory_space<vmem>> -> memref<128xi32, #tpu.memory_space<vmem>>
      %dma_start3A_126 = arith.constant 0 : i32
      %dma_start3A_127 = arith.constant 0 : i32
      %dma_start3A_128 = tpu.memref_slice %arg2[%dma_start3A_126, %dma_start3A_127] : memref<50000x16xf32, #tpu.memory_space<hbm>> -> memref<50000x16xf32, #tpu.memory_space<hbm>>
      tpu.enqueue_indirect_dma source(%dma_start3A_128 : memref<50000x16xf32, #tpu.memory_space<hbm>>) target(%dma_start3A_122 : memref<128x16xf32, #tpu.memory_space<vmem>>) offsets(%dma_start3A_125 : memref<128xi32, #tpu.memory_space<vmem>>) semaphore(%arg12 : memref<!tpu.dma_semaphore, #tpu.memory_space<semaphore_mem>>)
      %dma_wait3A = arith.constant 0 : i32
      %dma_wait3A_129 = arith.constant 0 : i32
      %dma_wait3A_130 = arith.constant 0 : i32
      %dma_wait3A_131 = tpu.memref_slice %arg9[%dma_wait3A_129, %dma_wait3A_130] : memref<1024x16xf32, #tpu.memory_space<vmem>> -> memref<128x16xf32, #tpu.memory_space<vmem>>
      %dma_wait3A_132 = arith.constant 0 : i32
      %dma_wait3A_133 = tpu.memref_slice %arg7[%dma_wait3A, %dma_wait3A_132] : memref<8x128xi32, #tpu.memory_space<vmem>> -> memref<1x128xi32, #tpu.memory_space<vmem>>
      %dma_wait3A_134 = tpu.memref_squeeze %dma_wait3A_133 : memref<1x128xi32, #tpu.memory_space<vmem>> -> memref<128xi32, #tpu.memory_space<vmem>>
      %dma_wait3A_135 = arith.constant 0 : i32
      %dma_wait3A_136 = arith.constant 0 : i32
      %dma_wait3A_137 = tpu.memref_slice %arg2[%dma_wait3A_135, %dma_wait3A_136] : memref<50000x16xf32, #tpu.memory_space<hbm>> -> memref<50000x16xf32, #tpu.memory_space<hbm>>
      tpu.wait_indirect_dma semaphore(%arg12 : memref<!tpu.dma_semaphore, #tpu.memory_space<semaphore_mem>>) src(%dma_wait3A_137 : memref<50000x16xf32, #tpu.memory_space<hbm>>) dst(%dma_wait3A_131 : memref<128x16xf32, #tpu.memory_space<vmem>>)
      %dma_wait3A_138 = arith.constant 1 : i32
      %dma_wait3A_139 = arith.constant 128 : i32
      %dma_wait3A_140 = arith.constant 0 : i32
      %dma_wait3A_141 = tpu.memref_slice %arg9[%dma_wait3A_139, %dma_wait3A_140] : memref<1024x16xf32, #tpu.memory_space<vmem>> -> memref<128x16xf32, #tpu.memory_space<vmem>>
      %dma_wait3A_142 = arith.constant 0 : i32
      %dma_wait3A_143 = tpu.memref_slice %arg7[%dma_wait3A_138, %dma_wait3A_142] : memref<8x128xi32, #tpu.memory_space<vmem>> -> memref<1x128xi32, #tpu.memory_space<vmem>>
      %dma_wait3A_144 = tpu.memref_squeeze %dma_wait3A_143 : memref<1x128xi32, #tpu.memory_space<vmem>> -> memref<128xi32, #tpu.memory_space<vmem>>
      %dma_wait3A_145 = arith.constant 0 : i32
      %dma_wait3A_146 = arith.constant 0 : i32
      %dma_wait3A_147 = tpu.memref_slice %arg2[%dma_wait3A_145, %dma_wait3A_146] : memref<50000x16xf32, #tpu.memory_space<hbm>> -> memref<50000x16xf32, #tpu.memory_space<hbm>>
      tpu.wait_indirect_dma semaphore(%arg12 : memref<!tpu.dma_semaphore, #tpu.memory_space<semaphore_mem>>) src(%dma_wait3A_147 : memref<50000x16xf32, #tpu.memory_space<hbm>>) dst(%dma_wait3A_141 : memref<128x16xf32, #tpu.memory_space<vmem>>)
      %dma_wait3A_148 = arith.constant 2 : i32
      %dma_wait3A_149 = arith.constant 256 : i32
      %dma_wait3A_150 = arith.constant 0 : i32
      %dma_wait3A_151 = tpu.memref_slice %arg9[%dma_wait3A_149, %dma_wait3A_150] : memref<1024x16xf32, #tpu.memory_space<vmem>> -> memref<128x16xf32, #tpu.memory_space<vmem>>
      %dma_wait3A_152 = arith.constant 0 : i32
      %dma_wait3A_153 = tpu.memref_slice %arg7[%dma_wait3A_148, %dma_wait3A_152] : memref<8x128xi32, #tpu.memory_space<vmem>> -> memref<1x128xi32, #tpu.memory_space<vmem>>
      %dma_wait3A_154 = tpu.memref_squeeze %dma_wait3A_153 : memref<1x128xi32, #tpu.memory_space<vmem>> -> memref<128xi32, #tpu.memory_space<vmem>>
      %dma_wait3A_155 = arith.constant 0 : i32
      %dma_wait3A_156 = arith.constant 0 : i32
      %dma_wait3A_157 = tpu.memref_slice %arg2[%dma_wait3A_155, %dma_wait3A_156] : memref<50000x16xf32, #tpu.memory_space<hbm>> -> memref<50000x16xf32, #tpu.memory_space<hbm>>
      tpu.wait_indirect_dma semaphore(%arg12 : memref<!tpu.dma_semaphore, #tpu.memory_space<semaphore_mem>>) src(%dma_wait3A_157 : memref<50000x16xf32, #tpu.memory_space<hbm>>) dst(%dma_wait3A_151 : memref<128x16xf32, #tpu.memory_space<vmem>>)
      %dma_wait3A_158 = arith.constant 3 : i32
      %dma_wait3A_159 = arith.constant 384 : i32
      %dma_wait3A_160 = arith.constant 0 : i32
      %dma_wait3A_161 = tpu.memref_slice %arg9[%dma_wait3A_159, %dma_wait3A_160] : memref<1024x16xf32, #tpu.memory_space<vmem>> -> memref<128x16xf32, #tpu.memory_space<vmem>>
      %dma_wait3A_162 = arith.constant 0 : i32
      %dma_wait3A_163 = tpu.memref_slice %arg7[%dma_wait3A_158, %dma_wait3A_162] : memref<8x128xi32, #tpu.memory_space<vmem>> -> memref<1x128xi32, #tpu.memory_space<vmem>>
      %dma_wait3A_164 = tpu.memref_squeeze %dma_wait3A_163 : memref<1x128xi32, #tpu.memory_space<vmem>> -> memref<128xi32, #tpu.memory_space<vmem>>
      %dma_wait3A_165 = arith.constant 0 : i32
      %dma_wait3A_166 = arith.constant 0 : i32
      %dma_wait3A_167 = tpu.memref_slice %arg2[%dma_wait3A_165, %dma_wait3A_166] : memref<50000x16xf32, #tpu.memory_space<hbm>> -> memref<50000x16xf32, #tpu.memory_space<hbm>>
      tpu.wait_indirect_dma semaphore(%arg12 : memref<!tpu.dma_semaphore, #tpu.memory_space<semaphore_mem>>) src(%dma_wait3A_167 : memref<50000x16xf32, #tpu.memory_space<hbm>>) dst(%dma_wait3A_161 : memref<128x16xf32, #tpu.memory_space<vmem>>)
      %dma_wait3A_168 = arith.constant 4 : i32
      %dma_wait3A_169 = arith.constant 512 : i32
      %dma_wait3A_170 = arith.constant 0 : i32
      %dma_wait3A_171 = tpu.memref_slice %arg9[%dma_wait3A_169, %dma_wait3A_170] : memref<1024x16xf32, #tpu.memory_space<vmem>> -> memref<128x16xf32, #tpu.memory_space<vmem>>
      %dma_wait3A_172 = arith.constant 0 : i32
      %dma_wait3A_173 = tpu.memref_slice %arg7[%dma_wait3A_168, %dma_wait3A_172] : memref<8x128xi32, #tpu.memory_space<vmem>> -> memref<1x128xi32, #tpu.memory_space<vmem>>
      %dma_wait3A_174 = tpu.memref_squeeze %dma_wait3A_173 : memref<1x128xi32, #tpu.memory_space<vmem>> -> memref<128xi32, #tpu.memory_space<vmem>>
      %dma_wait3A_175 = arith.constant 0 : i32
      %dma_wait3A_176 = arith.constant 0 : i32
      %dma_wait3A_177 = tpu.memref_slice %arg2[%dma_wait3A_175, %dma_wait3A_176] : memref<50000x16xf32, #tpu.memory_space<hbm>> -> memref<50000x16xf32, #tpu.memory_space<hbm>>
      tpu.wait_indirect_dma semaphore(%arg12 : memref<!tpu.dma_semaphore, #tpu.memory_space<semaphore_mem>>) src(%dma_wait3A_177 : memref<50000x16xf32, #tpu.memory_space<hbm>>) dst(%dma_wait3A_171 : memref<128x16xf32, #tpu.memory_space<vmem>>)
      %dma_wait3A_178 = arith.constant 5 : i32
      %dma_wait3A_179 = arith.constant 640 : i32
      %dma_wait3A_180 = arith.constant 0 : i32
      %dma_wait3A_181 = tpu.memref_slice %arg9[%dma_wait3A_179, %dma_wait3A_180] : memref<1024x16xf32, #tpu.memory_space<vmem>> -> memref<128x16xf32, #tpu.memory_space<vmem>>
      %dma_wait3A_182 = arith.constant 0 : i32
      %dma_wait3A_183 = tpu.memref_slice %arg7[%dma_wait3A_178, %dma_wait3A_182] : memref<8x128xi32, #tpu.memory_space<vmem>> -> memref<1x128xi32, #tpu.memory_space<vmem>>
      %dma_wait3A_184 = tpu.memref_squeeze %dma_wait3A_183 : memref<1x128xi32, #tpu.memory_space<vmem>> -> memref<128xi32, #tpu.memory_space<vmem>>
      %dma_wait3A_185 = arith.constant 0 : i32
      %dma_wait3A_186 = arith.constant 0 : i32
      %dma_wait3A_187 = tpu.memref_slice %arg2[%dma_wait3A_185, %dma_wait3A_186] : memref<50000x16xf32, #tpu.memory_space<hbm>> -> memref<50000x16xf32, #tpu.memory_space<hbm>>
      tpu.wait_indirect_dma semaphore(%arg12 : memref<!tpu.dma_semaphore, #tpu.memory_space<semaphore_mem>>) src(%dma_wait3A_187 : memref<50000x16xf32, #tpu.memory_space<hbm>>) dst(%dma_wait3A_181 : memref<128x16xf32, #tpu.memory_space<vmem>>)
      %dma_wait3A_188 = arith.constant 6 : i32
      %dma_wait3A_189 = arith.constant 768 : i32
      %dma_wait3A_190 = arith.constant 0 : i32
      %dma_wait3A_191 = tpu.memref_slice %arg9[%dma_wait3A_189, %dma_wait3A_190] : memref<1024x16xf32, #tpu.memory_space<vmem>> -> memref<128x16xf32, #tpu.memory_space<vmem>>
      %dma_wait3A_192 = arith.constant 0 : i32
      %dma_wait3A_193 = tpu.memref_slice %arg7[%dma_wait3A_188, %dma_wait3A_192] : memref<8x128xi32, #tpu.memory_space<vmem>> -> memref<1x128xi32, #tpu.memory_space<vmem>>
      %dma_wait3A_194 = tpu.memref_squeeze %dma_wait3A_193 : memref<1x128xi32, #tpu.memory_space<vmem>> -> memref<128xi32, #tpu.memory_space<vmem>>
      %dma_wait3A_195 = arith.constant 0 : i32
      %dma_wait3A_196 = arith.constant 0 : i32
      %dma_wait3A_197 = tpu.memref_slice %arg2[%dma_wait3A_195, %dma_wait3A_196] : memref<50000x16xf32, #tpu.memory_space<hbm>> -> memref<50000x16xf32, #tpu.memory_space<hbm>>
      tpu.wait_indirect_dma semaphore(%arg12 : memref<!tpu.dma_semaphore, #tpu.memory_space<semaphore_mem>>) src(%dma_wait3A_197 : memref<50000x16xf32, #tpu.memory_space<hbm>>) dst(%dma_wait3A_191 : memref<128x16xf32, #tpu.memory_space<vmem>>)
      %dma_wait3A_198 = arith.constant 7 : i32
      %dma_wait3A_199 = arith.constant 896 : i32
      %dma_wait3A_200 = arith.constant 0 : i32
      %dma_wait3A_201 = tpu.memref_slice %arg9[%dma_wait3A_199, %dma_wait3A_200] : memref<1024x16xf32, #tpu.memory_space<vmem>> -> memref<128x16xf32, #tpu.memory_space<vmem>>
      %dma_wait3A_202 = arith.constant 0 : i32
      %dma_wait3A_203 = tpu.memref_slice %arg7[%dma_wait3A_198, %dma_wait3A_202] : memref<8x128xi32, #tpu.memory_space<vmem>> -> memref<1x128xi32, #tpu.memory_space<vmem>>
      %dma_wait3A_204 = tpu.memref_squeeze %dma_wait3A_203 : memref<1x128xi32, #tpu.memory_space<vmem>> -> memref<128xi32, #tpu.memory_space<vmem>>
      %dma_wait3A_205 = arith.constant 0 : i32
      %dma_wait3A_206 = arith.constant 0 : i32
      %dma_wait3A_207 = tpu.memref_slice %arg2[%dma_wait3A_205, %dma_wait3A_206] : memref<50000x16xf32, #tpu.memory_space<hbm>> -> memref<50000x16xf32, #tpu.memory_space<hbm>>
      tpu.wait_indirect_dma semaphore(%arg12 : memref<!tpu.dma_semaphore, #tpu.memory_space<semaphore_mem>>) src(%dma_wait3A_207 : memref<50000x16xf32, #tpu.memory_space<hbm>>) dst(%dma_wait3A_201 : memref<128x16xf32, #tpu.memory_space<vmem>>)
      %dma_start3A_208 = arith.constant 0 : i32
      %dma_start3A_209 = arith.constant 0 : i32
      %dma_start3A_210 = arith.constant 0 : i32
      %dma_start3A_211 = tpu.memref_slice %arg9[%dma_start3A_209, %dma_start3A_210] : memref<1024x16xf32, #tpu.memory_space<vmem>> -> memref<128x16xf32, #tpu.memory_space<vmem>>
      %dma_start3A_212 = arith.constant 0 : i32
      %dma_start3A_213 = tpu.memref_slice %arg8[%dma_start3A_208, %dma_start3A_212] : memref<8x128xi32, #tpu.memory_space<vmem>> -> memref<1x128xi32, #tpu.memory_space<vmem>>
      %dma_start3A_214 = tpu.memref_squeeze %dma_start3A_213 : memref<1x128xi32, #tpu.memory_space<vmem>> -> memref<128xi32, #tpu.memory_space<vmem>>
      %dma_start3A_215 = arith.constant 0 : i32
      %dma_start3A_216 = arith.constant 0 : i32
      %dma_start3A_217 = tpu.memref_slice %arg11[%dma_start3A_215, %dma_start3A_216] : memref<50048x16xf32, #tpu.memory_space<vmem_shared>> -> memref<50048x16xf32, #tpu.memory_space<vmem_shared>>
      tpu.enqueue_indirect_dma source(%dma_start3A_211 : memref<128x16xf32, #tpu.memory_space<vmem>>) target(%dma_start3A_217 : memref<50048x16xf32, #tpu.memory_space<vmem_shared>>) offsets(%dma_start3A_214 : memref<128xi32, #tpu.memory_space<vmem>>) semaphore(%arg14 : memref<!tpu.dma_semaphore, #tpu.memory_space<semaphore_mem>>) {add = true}
      %dma_start3A_218 = arith.constant 1 : i32
      %dma_start3A_219 = arith.constant 128 : i32
      %dma_start3A_220 = arith.constant 0 : i32
      %dma_start3A_221 = tpu.memref_slice %arg9[%dma_start3A_219, %dma_start3A_220] : memref<1024x16xf32, #tpu.memory_space<vmem>> -> memref<128x16xf32, #tpu.memory_space<vmem>>
      %dma_start3A_222 = arith.constant 0 : i32
      %dma_start3A_223 = tpu.memref_slice %arg8[%dma_start3A_218, %dma_start3A_222] : memref<8x128xi32, #tpu.memory_space<vmem>> -> memref<1x128xi32, #tpu.memory_space<vmem>>
      %dma_start3A_224 = tpu.memref_squeeze %dma_start3A_223 : memref<1x128xi32, #tpu.memory_space<vmem>> -> memref<128xi32, #tpu.memory_space<vmem>>
      %dma_start3A_225 = arith.constant 0 : i32
      %dma_start3A_226 = arith.constant 0 : i32
      %dma_start3A_227 = tpu.memref_slice %arg11[%dma_start3A_225, %dma_start3A_226] : memref<50048x16xf32, #tpu.memory_space<vmem_shared>> -> memref<50048x16xf32, #tpu.memory_space<vmem_shared>>
      tpu.enqueue_indirect_dma source(%dma_start3A_221 : memref<128x16xf32, #tpu.memory_space<vmem>>) target(%dma_start3A_227 : memref<50048x16xf32, #tpu.memory_space<vmem_shared>>) offsets(%dma_start3A_224 : memref<128xi32, #tpu.memory_space<vmem>>) semaphore(%arg14 : memref<!tpu.dma_semaphore, #tpu.memory_space<semaphore_mem>>) {add = true}
      %dma_start3A_228 = arith.constant 2 : i32
      %dma_start3A_229 = arith.constant 256 : i32
      %dma_start3A_230 = arith.constant 0 : i32
      %dma_start3A_231 = tpu.memref_slice %arg9[%dma_start3A_229, %dma_start3A_230] : memref<1024x16xf32, #tpu.memory_space<vmem>> -> memref<128x16xf32, #tpu.memory_space<vmem>>
      %dma_start3A_232 = arith.constant 0 : i32
      %dma_start3A_233 = tpu.memref_slice %arg8[%dma_start3A_228, %dma_start3A_232] : memref<8x128xi32, #tpu.memory_space<vmem>> -> memref<1x128xi32, #tpu.memory_space<vmem>>
      %dma_start3A_234 = tpu.memref_squeeze %dma_start3A_233 : memref<1x128xi32, #tpu.memory_space<vmem>> -> memref<128xi32, #tpu.memory_space<vmem>>
      %dma_start3A_235 = arith.constant 0 : i32
      %dma_start3A_236 = arith.constant 0 : i32
      %dma_start3A_237 = tpu.memref_slice %arg11[%dma_start3A_235, %dma_start3A_236] : memref<50048x16xf32, #tpu.memory_space<vmem_shared>> -> memref<50048x16xf32, #tpu.memory_space<vmem_shared>>
      tpu.enqueue_indirect_dma source(%dma_start3A_231 : memref<128x16xf32, #tpu.memory_space<vmem>>) target(%dma_start3A_237 : memref<50048x16xf32, #tpu.memory_space<vmem_shared>>) offsets(%dma_start3A_234 : memref<128xi32, #tpu.memory_space<vmem>>) semaphore(%arg14 : memref<!tpu.dma_semaphore, #tpu.memory_space<semaphore_mem>>) {add = true}
      %dma_start3A_238 = arith.constant 3 : i32
      %dma_start3A_239 = arith.constant 384 : i32
      %dma_start3A_240 = arith.constant 0 : i32
      %dma_start3A_241 = tpu.memref_slice %arg9[%dma_start3A_239, %dma_start3A_240] : memref<1024x16xf32, #tpu.memory_space<vmem>> -> memref<128x16xf32, #tpu.memory_space<vmem>>
      %dma_start3A_242 = arith.constant 0 : i32
      %dma_start3A_243 = tpu.memref_slice %arg8[%dma_start3A_238, %dma_start3A_242] : memref<8x128xi32, #tpu.memory_space<vmem>> -> memref<1x128xi32, #tpu.memory_space<vmem>>
      %dma_start3A_244 = tpu.memref_squeeze %dma_start3A_243 : memref<1x128xi32, #tpu.memory_space<vmem>> -> memref<128xi32, #tpu.memory_space<vmem>>
      %dma_start3A_245 = arith.constant 0 : i32
      %dma_start3A_246 = arith.constant 0 : i32
      %dma_start3A_247 = tpu.memref_slice %arg11[%dma_start3A_245, %dma_start3A_246] : memref<50048x16xf32, #tpu.memory_space<vmem_shared>> -> memref<50048x16xf32, #tpu.memory_space<vmem_shared>>
      tpu.enqueue_indirect_dma source(%dma_start3A_241 : memref<128x16xf32, #tpu.memory_space<vmem>>) target(%dma_start3A_247 : memref<50048x16xf32, #tpu.memory_space<vmem_shared>>) offsets(%dma_start3A_244 : memref<128xi32, #tpu.memory_space<vmem>>) semaphore(%arg14 : memref<!tpu.dma_semaphore, #tpu.memory_space<semaphore_mem>>) {add = true}
      %dma_start3A_248 = arith.constant 4 : i32
      %dma_start3A_249 = arith.constant 512 : i32
      %dma_start3A_250 = arith.constant 0 : i32
      %dma_start3A_251 = tpu.memref_slice %arg9[%dma_start3A_249, %dma_start3A_250] : memref<1024x16xf32, #tpu.memory_space<vmem>> -> memref<128x16xf32, #tpu.memory_space<vmem>>
      %dma_start3A_252 = arith.constant 0 : i32
      %dma_start3A_253 = tpu.memref_slice %arg8[%dma_start3A_248, %dma_start3A_252] : memref<8x128xi32, #tpu.memory_space<vmem>> -> memref<1x128xi32, #tpu.memory_space<vmem>>
      %dma_start3A_254 = tpu.memref_squeeze %dma_start3A_253 : memref<1x128xi32, #tpu.memory_space<vmem>> -> memref<128xi32, #tpu.memory_space<vmem>>
      %dma_start3A_255 = arith.constant 0 : i32
      %dma_start3A_256 = arith.constant 0 : i32
      %dma_start3A_257 = tpu.memref_slice %arg11[%dma_start3A_255, %dma_start3A_256] : memref<50048x16xf32, #tpu.memory_space<vmem_shared>> -> memref<50048x16xf32, #tpu.memory_space<vmem_shared>>
      tpu.enqueue_indirect_dma source(%dma_start3A_251 : memref<128x16xf32, #tpu.memory_space<vmem>>) target(%dma_start3A_257 : memref<50048x16xf32, #tpu.memory_space<vmem_shared>>) offsets(%dma_start3A_254 : memref<128xi32, #tpu.memory_space<vmem>>) semaphore(%arg14 : memref<!tpu.dma_semaphore, #tpu.memory_space<semaphore_mem>>) {add = true}
      %dma_start3A_258 = arith.constant 5 : i32
      %dma_start3A_259 = arith.constant 640 : i32
      %dma_start3A_260 = arith.constant 0 : i32
      %dma_start3A_261 = tpu.memref_slice %arg9[%dma_start3A_259, %dma_start3A_260] : memref<1024x16xf32, #tpu.memory_space<vmem>> -> memref<128x16xf32, #tpu.memory_space<vmem>>
      %dma_start3A_262 = arith.constant 0 : i32
      %dma_start3A_263 = tpu.memref_slice %arg8[%dma_start3A_258, %dma_start3A_262] : memref<8x128xi32, #tpu.memory_space<vmem>> -> memref<1x128xi32, #tpu.memory_space<vmem>>
      %dma_start3A_264 = tpu.memref_squeeze %dma_start3A_263 : memref<1x128xi32, #tpu.memory_space<vmem>> -> memref<128xi32, #tpu.memory_space<vmem>>
      %dma_start3A_265 = arith.constant 0 : i32
      %dma_start3A_266 = arith.constant 0 : i32
      %dma_start3A_267 = tpu.memref_slice %arg11[%dma_start3A_265, %dma_start3A_266] : memref<50048x16xf32, #tpu.memory_space<vmem_shared>> -> memref<50048x16xf32, #tpu.memory_space<vmem_shared>>
      tpu.enqueue_indirect_dma source(%dma_start3A_261 : memref<128x16xf32, #tpu.memory_space<vmem>>) target(%dma_start3A_267 : memref<50048x16xf32, #tpu.memory_space<vmem_shared>>) offsets(%dma_start3A_264 : memref<128xi32, #tpu.memory_space<vmem>>) semaphore(%arg14 : memref<!tpu.dma_semaphore, #tpu.memory_space<semaphore_mem>>) {add = true}
      %dma_start3A_268 = arith.constant 6 : i32
      %dma_start3A_269 = arith.constant 768 : i32
      %dma_start3A_270 = arith.constant 0 : i32
      %dma_start3A_271 = tpu.memref_slice %arg9[%dma_start3A_269, %dma_start3A_270] : memref<1024x16xf32, #tpu.memory_space<vmem>> -> memref<128x16xf32, #tpu.memory_space<vmem>>
      %dma_start3A_272 = arith.constant 0 : i32
      %dma_start3A_273 = tpu.memref_slice %arg8[%dma_start3A_268, %dma_start3A_272] : memref<8x128xi32, #tpu.memory_space<vmem>> -> memref<1x128xi32, #tpu.memory_space<vmem>>
      %dma_start3A_274 = tpu.memref_squeeze %dma_start3A_273 : memref<1x128xi32, #tpu.memory_space<vmem>> -> memref<128xi32, #tpu.memory_space<vmem>>
      %dma_start3A_275 = arith.constant 0 : i32
      %dma_start3A_276 = arith.constant 0 : i32
      %dma_start3A_277 = tpu.memref_slice %arg11[%dma_start3A_275, %dma_start3A_276] : memref<50048x16xf32, #tpu.memory_space<vmem_shared>> -> memref<50048x16xf32, #tpu.memory_space<vmem_shared>>
      tpu.enqueue_indirect_dma source(%dma_start3A_271 : memref<128x16xf32, #tpu.memory_space<vmem>>) target(%dma_start3A_277 : memref<50048x16xf32, #tpu.memory_space<vmem_shared>>) offsets(%dma_start3A_274 : memref<128xi32, #tpu.memory_space<vmem>>) semaphore(%arg14 : memref<!tpu.dma_semaphore, #tpu.memory_space<semaphore_mem>>) {add = true}
      %dma_start3A_278 = arith.constant 7 : i32
      %dma_start3A_279 = arith.constant 896 : i32
      %dma_start3A_280 = arith.constant 0 : i32
      %dma_start3A_281 = tpu.memref_slice %arg9[%dma_start3A_279, %dma_start3A_280] : memref<1024x16xf32, #tpu.memory_space<vmem>> -> memref<128x16xf32, #tpu.memory_space<vmem>>
      %dma_start3A_282 = arith.constant 0 : i32
      %dma_start3A_283 = tpu.memref_slice %arg8[%dma_start3A_278, %dma_start3A_282] : memref<8x128xi32, #tpu.memory_space<vmem>> -> memref<1x128xi32, #tpu.memory_space<vmem>>
      %dma_start3A_284 = tpu.memref_squeeze %dma_start3A_283 : memref<1x128xi32, #tpu.memory_space<vmem>> -> memref<128xi32, #tpu.memory_space<vmem>>
      %dma_start3A_285 = arith.constant 0 : i32
      %dma_start3A_286 = arith.constant 0 : i32
      %dma_start3A_287 = tpu.memref_slice %arg11[%dma_start3A_285, %dma_start3A_286] : memref<50048x16xf32, #tpu.memory_space<vmem_shared>> -> memref<50048x16xf32, #tpu.memory_space<vmem_shared>>
      tpu.enqueue_indirect_dma source(%dma_start3A_281 : memref<128x16xf32, #tpu.memory_space<vmem>>) target(%dma_start3A_287 : memref<50048x16xf32, #tpu.memory_space<vmem_shared>>) offsets(%dma_start3A_284 : memref<128xi32, #tpu.memory_space<vmem>>) semaphore(%arg14 : memref<!tpu.dma_semaphore, #tpu.memory_space<semaphore_mem>>) {add = true}
      %dma_wait3A_288 = arith.constant 0 : i32
      %dma_wait3A_289 = arith.constant 0 : i32
      %dma_wait3A_290 = arith.constant 0 : i32
      %dma_wait3A_291 = tpu.memref_slice %arg9[%dma_wait3A_289, %dma_wait3A_290] : memref<1024x16xf32, #tpu.memory_space<vmem>> -> memref<128x16xf32, #tpu.memory_space<vmem>>
      %dma_wait3A_292 = arith.constant 0 : i32
      %dma_wait3A_293 = tpu.memref_slice %arg8[%dma_wait3A_288, %dma_wait3A_292] : memref<8x128xi32, #tpu.memory_space<vmem>> -> memref<1x128xi32, #tpu.memory_space<vmem>>
      %dma_wait3A_294 = tpu.memref_squeeze %dma_wait3A_293 : memref<1x128xi32, #tpu.memory_space<vmem>> -> memref<128xi32, #tpu.memory_space<vmem>>
      %dma_wait3A_295 = arith.constant 0 : i32
      %dma_wait3A_296 = arith.constant 0 : i32
      %dma_wait3A_297 = tpu.memref_slice %arg11[%dma_wait3A_295, %dma_wait3A_296] : memref<50048x16xf32, #tpu.memory_space<vmem_shared>> -> memref<50048x16xf32, #tpu.memory_space<vmem_shared>>
      tpu.wait_indirect_dma semaphore(%arg14 : memref<!tpu.dma_semaphore, #tpu.memory_space<semaphore_mem>>) src(%dma_wait3A_291 : memref<128x16xf32, #tpu.memory_space<vmem>>) dst(%dma_wait3A_297 : memref<50048x16xf32, #tpu.memory_space<vmem_shared>>)
      %dma_wait3A_298 = arith.constant 1 : i32
      %dma_wait3A_299 = arith.constant 128 : i32
      %dma_wait3A_300 = arith.constant 0 : i32
      %dma_wait3A_301 = tpu.memref_slice %arg9[%dma_wait3A_299, %dma_wait3A_300] : memref<1024x16xf32, #tpu.memory_space<vmem>> -> memref<128x16xf32, #tpu.memory_space<vmem>>
      %dma_wait3A_302 = arith.constant 0 : i32
      %dma_wait3A_303 = tpu.memref_slice %arg8[%dma_wait3A_298, %dma_wait3A_302] : memref<8x128xi32, #tpu.memory_space<vmem>> -> memref<1x128xi32, #tpu.memory_space<vmem>>
      %dma_wait3A_304 = tpu.memref_squeeze %dma_wait3A_303 : memref<1x128xi32, #tpu.memory_space<vmem>> -> memref<128xi32, #tpu.memory_space<vmem>>
      %dma_wait3A_305 = arith.constant 0 : i32
      %dma_wait3A_306 = arith.constant 0 : i32
      %dma_wait3A_307 = tpu.memref_slice %arg11[%dma_wait3A_305, %dma_wait3A_306] : memref<50048x16xf32, #tpu.memory_space<vmem_shared>> -> memref<50048x16xf32, #tpu.memory_space<vmem_shared>>
      tpu.wait_indirect_dma semaphore(%arg14 : memref<!tpu.dma_semaphore, #tpu.memory_space<semaphore_mem>>) src(%dma_wait3A_301 : memref<128x16xf32, #tpu.memory_space<vmem>>) dst(%dma_wait3A_307 : memref<50048x16xf32, #tpu.memory_space<vmem_shared>>)
      %dma_wait3A_308 = arith.constant 2 : i32
      %dma_wait3A_309 = arith.constant 256 : i32
      %dma_wait3A_310 = arith.constant 0 : i32
      %dma_wait3A_311 = tpu.memref_slice %arg9[%dma_wait3A_309, %dma_wait3A_310] : memref<1024x16xf32, #tpu.memory_space<vmem>> -> memref<128x16xf32, #tpu.memory_space<vmem>>
      %dma_wait3A_312 = arith.constant 0 : i32
      %dma_wait3A_313 = tpu.memref_slice %arg8[%dma_wait3A_308, %dma_wait3A_312] : memref<8x128xi32, #tpu.memory_space<vmem>> -> memref<1x128xi32, #tpu.memory_space<vmem>>
      %dma_wait3A_314 = tpu.memref_squeeze %dma_wait3A_313 : memref<1x128xi32, #tpu.memory_space<vmem>> -> memref<128xi32, #tpu.memory_space<vmem>>
      %dma_wait3A_315 = arith.constant 0 : i32
      %dma_wait3A_316 = arith.constant 0 : i32
      %dma_wait3A_317 = tpu.memref_slice %arg11[%dma_wait3A_315, %dma_wait3A_316] : memref<50048x16xf32, #tpu.memory_space<vmem_shared>> -> memref<50048x16xf32, #tpu.memory_space<vmem_shared>>
      tpu.wait_indirect_dma semaphore(%arg14 : memref<!tpu.dma_semaphore, #tpu.memory_space<semaphore_mem>>) src(%dma_wait3A_311 : memref<128x16xf32, #tpu.memory_space<vmem>>) dst(%dma_wait3A_317 : memref<50048x16xf32, #tpu.memory_space<vmem_shared>>)
      %dma_wait3A_318 = arith.constant 3 : i32
      %dma_wait3A_319 = arith.constant 384 : i32
      %dma_wait3A_320 = arith.constant 0 : i32
      %dma_wait3A_321 = tpu.memref_slice %arg9[%dma_wait3A_319, %dma_wait3A_320] : memref<1024x16xf32, #tpu.memory_space<vmem>> -> memref<128x16xf32, #tpu.memory_space<vmem>>
      %dma_wait3A_322 = arith.constant 0 : i32
      %dma_wait3A_323 = tpu.memref_slice %arg8[%dma_wait3A_318, %dma_wait3A_322] : memref<8x128xi32, #tpu.memory_space<vmem>> -> memref<1x128xi32, #tpu.memory_space<vmem>>
      %dma_wait3A_324 = tpu.memref_squeeze %dma_wait3A_323 : memref<1x128xi32, #tpu.memory_space<vmem>> -> memref<128xi32, #tpu.memory_space<vmem>>
      %dma_wait3A_325 = arith.constant 0 : i32
      %dma_wait3A_326 = arith.constant 0 : i32
      %dma_wait3A_327 = tpu.memref_slice %arg11[%dma_wait3A_325, %dma_wait3A_326] : memref<50048x16xf32, #tpu.memory_space<vmem_shared>> -> memref<50048x16xf32, #tpu.memory_space<vmem_shared>>
      tpu.wait_indirect_dma semaphore(%arg14 : memref<!tpu.dma_semaphore, #tpu.memory_space<semaphore_mem>>) src(%dma_wait3A_321 : memref<128x16xf32, #tpu.memory_space<vmem>>) dst(%dma_wait3A_327 : memref<50048x16xf32, #tpu.memory_space<vmem_shared>>)
      %dma_wait3A_328 = arith.constant 4 : i32
      %dma_wait3A_329 = arith.constant 512 : i32
      %dma_wait3A_330 = arith.constant 0 : i32
      %dma_wait3A_331 = tpu.memref_slice %arg9[%dma_wait3A_329, %dma_wait3A_330] : memref<1024x16xf32, #tpu.memory_space<vmem>> -> memref<128x16xf32, #tpu.memory_space<vmem>>
      %dma_wait3A_332 = arith.constant 0 : i32
      %dma_wait3A_333 = tpu.memref_slice %arg8[%dma_wait3A_328, %dma_wait3A_332] : memref<8x128xi32, #tpu.memory_space<vmem>> -> memref<1x128xi32, #tpu.memory_space<vmem>>
      %dma_wait3A_334 = tpu.memref_squeeze %dma_wait3A_333 : memref<1x128xi32, #tpu.memory_space<vmem>> -> memref<128xi32, #tpu.memory_space<vmem>>
      %dma_wait3A_335 = arith.constant 0 : i32
      %dma_wait3A_336 = arith.constant 0 : i32
      %dma_wait3A_337 = tpu.memref_slice %arg11[%dma_wait3A_335, %dma_wait3A_336] : memref<50048x16xf32, #tpu.memory_space<vmem_shared>> -> memref<50048x16xf32, #tpu.memory_space<vmem_shared>>
      tpu.wait_indirect_dma semaphore(%arg14 : memref<!tpu.dma_semaphore, #tpu.memory_space<semaphore_mem>>) src(%dma_wait3A_331 : memref<128x16xf32, #tpu.memory_space<vmem>>) dst(%dma_wait3A_337 : memref<50048x16xf32, #tpu.memory_space<vmem_shared>>)
      %dma_wait3A_338 = arith.constant 5 : i32
      %dma_wait3A_339 = arith.constant 640 : i32
      %dma_wait3A_340 = arith.constant 0 : i32
      %dma_wait3A_341 = tpu.memref_slice %arg9[%dma_wait3A_339, %dma_wait3A_340] : memref<1024x16xf32, #tpu.memory_space<vmem>> -> memref<128x16xf32, #tpu.memory_space<vmem>>
      %dma_wait3A_342 = arith.constant 0 : i32
      %dma_wait3A_343 = tpu.memref_slice %arg8[%dma_wait3A_338, %dma_wait3A_342] : memref<8x128xi32, #tpu.memory_space<vmem>> -> memref<1x128xi32, #tpu.memory_space<vmem>>
      %dma_wait3A_344 = tpu.memref_squeeze %dma_wait3A_343 : memref<1x128xi32, #tpu.memory_space<vmem>> -> memref<128xi32, #tpu.memory_space<vmem>>
      %dma_wait3A_345 = arith.constant 0 : i32
      %dma_wait3A_346 = arith.constant 0 : i32
      %dma_wait3A_347 = tpu.memref_slice %arg11[%dma_wait3A_345, %dma_wait3A_346] : memref<50048x16xf32, #tpu.memory_space<vmem_shared>> -> memref<50048x16xf32, #tpu.memory_space<vmem_shared>>
      tpu.wait_indirect_dma semaphore(%arg14 : memref<!tpu.dma_semaphore, #tpu.memory_space<semaphore_mem>>) src(%dma_wait3A_341 : memref<128x16xf32, #tpu.memory_space<vmem>>) dst(%dma_wait3A_347 : memref<50048x16xf32, #tpu.memory_space<vmem_shared>>)
      %dma_wait3A_348 = arith.constant 6 : i32
      %dma_wait3A_349 = arith.constant 768 : i32
      %dma_wait3A_350 = arith.constant 0 : i32
      %dma_wait3A_351 = tpu.memref_slice %arg9[%dma_wait3A_349, %dma_wait3A_350] : memref<1024x16xf32, #tpu.memory_space<vmem>> -> memref<128x16xf32, #tpu.memory_space<vmem>>
      %dma_wait3A_352 = arith.constant 0 : i32
      %dma_wait3A_353 = tpu.memref_slice %arg8[%dma_wait3A_348, %dma_wait3A_352] : memref<8x128xi32, #tpu.memory_space<vmem>> -> memref<1x128xi32, #tpu.memory_space<vmem>>
      %dma_wait3A_354 = tpu.memref_squeeze %dma_wait3A_353 : memref<1x128xi32, #tpu.memory_space<vmem>> -> memref<128xi32, #tpu.memory_space<vmem>>
      %dma_wait3A_355 = arith.constant 0 : i32
      %dma_wait3A_356 = arith.constant 0 : i32
      %dma_wait3A_357 = tpu.memref_slice %arg11[%dma_wait3A_355, %dma_wait3A_356] : memref<50048x16xf32, #tpu.memory_space<vmem_shared>> -> memref<50048x16xf32, #tpu.memory_space<vmem_shared>>
      tpu.wait_indirect_dma semaphore(%arg14 : memref<!tpu.dma_semaphore, #tpu.memory_space<semaphore_mem>>) src(%dma_wait3A_351 : memref<128x16xf32, #tpu.memory_space<vmem>>) dst(%dma_wait3A_357 : memref<50048x16xf32, #tpu.memory_space<vmem_shared>>)
      %dma_wait3A_358 = arith.constant 7 : i32
      %dma_wait3A_359 = arith.constant 896 : i32
      %dma_wait3A_360 = arith.constant 0 : i32
      %dma_wait3A_361 = tpu.memref_slice %arg9[%dma_wait3A_359, %dma_wait3A_360] : memref<1024x16xf32, #tpu.memory_space<vmem>> -> memref<128x16xf32, #tpu.memory_space<vmem>>
      %dma_wait3A_362 = arith.constant 0 : i32
      %dma_wait3A_363 = tpu.memref_slice %arg8[%dma_wait3A_358, %dma_wait3A_362] : memref<8x128xi32, #tpu.memory_space<vmem>> -> memref<1x128xi32, #tpu.memory_space<vmem>>
      %dma_wait3A_364 = tpu.memref_squeeze %dma_wait3A_363 : memref<1x128xi32, #tpu.memory_space<vmem>> -> memref<128xi32, #tpu.memory_space<vmem>>
      %dma_wait3A_365 = arith.constant 0 : i32
      %dma_wait3A_366 = arith.constant 0 : i32
      %dma_wait3A_367 = tpu.memref_slice %arg11[%dma_wait3A_365, %dma_wait3A_366] : memref<50048x16xf32, #tpu.memory_space<vmem_shared>> -> memref<50048x16xf32, #tpu.memory_space<vmem_shared>>
      tpu.wait_indirect_dma semaphore(%arg14 : memref<!tpu.dma_semaphore, #tpu.memory_space<semaphore_mem>>) src(%dma_wait3A_361 : memref<128x16xf32, #tpu.memory_space<vmem>>) dst(%dma_wait3A_367 : memref<50048x16xf32, #tpu.memory_space<vmem_shared>>)
    }
    %while3A_40 = arith.constant 1 : i32
    scf.for %while3A_46 = %while3A_38 to %while3A_34 step %while3A_40  : i32 {
      %add3A_47 = arith.addi %add3A_30, %while3A_46 : i32
      %mul3A_48 = arith.constant 8 : i32
      %mul3A_49 = arith.muli %add3A_47, %mul3A_48 : i32
      "tpu.region"() ({
        %run_scoped3A = tpu.sem_alloc : memref<!tpu.dma_semaphore, #tpu.memory_space<semaphore_mem>>
        %dma_start3A_368 = arith.constant 0 : i32
        %dma_start3A_369 = tpu.memref_slice %arg3[%mul3A_49, %dma_start3A_368] : memref<6400x128xi32, #tpu.memory_space<hbm>> -> memref<8x128xi32, #tpu.memory_space<hbm>>
        %dma_start3A_370 = arith.constant 0 : i32
        %dma_start3A_371 = tpu.memref_slice %arg3[%mul3A_49, %dma_start3A_370] : memref<6400x128xi32, #tpu.memory_space<hbm>> -> memref<8x128xi32, #tpu.memory_space<hbm>>
        tpu.enqueue_dma source(%dma_start3A_371 : memref<8x128xi32, #tpu.memory_space<hbm>>) target(%arg7 : memref<8x128xi32, #tpu.memory_space<vmem>>) target_semaphore(%run_scoped3A : memref<!tpu.dma_semaphore, #tpu.memory_space<semaphore_mem>>)
        %dma_wait3A_372 = arith.constant 0 : i32
        %dma_wait3A_373 = tpu.memref_slice %arg3[%mul3A_49, %dma_wait3A_372] : memref<6400x128xi32, #tpu.memory_space<hbm>> -> memref<8x128xi32, #tpu.memory_space<hbm>>
        %dma_wait3A_374 = arith.constant 0 : i32
        %dma_wait3A_375 = tpu.memref_slice %arg3[%mul3A_49, %dma_wait3A_374] : memref<6400x128xi32, #tpu.memory_space<hbm>> -> memref<8x128xi32, #tpu.memory_space<hbm>>
        tpu.wait_dma2 semaphore(%run_scoped3A : memref<!tpu.dma_semaphore, #tpu.memory_space<semaphore_mem>>) src(%dma_wait3A_375 : memref<8x128xi32, #tpu.memory_space<hbm>>) dst(%arg7 : memref<8x128xi32, #tpu.memory_space<vmem>>)
        tpu.yield
      }) : () -> ()
      "tpu.region"() ({
        %run_scoped3A = tpu.sem_alloc : memref<!tpu.dma_semaphore, #tpu.memory_space<semaphore_mem>>
        %dma_start3A_368 = arith.constant 0 : i32
        %dma_start3A_369 = tpu.memref_slice %arg4[%mul3A_49, %dma_start3A_368] : memref<6400x128xi32, #tpu.memory_space<hbm>> -> memref<8x128xi32, #tpu.memory_space<hbm>>
        %dma_start3A_370 = arith.constant 0 : i32
        %dma_start3A_371 = tpu.memref_slice %arg4[%mul3A_49, %dma_start3A_370] : memref<6400x128xi32, #tpu.memory_space<hbm>> -> memref<8x128xi32, #tpu.memory_space<hbm>>
        tpu.enqueue_dma source(%dma_start3A_371 : memref<8x128xi32, #tpu.memory_space<hbm>>) target(%arg8 : memref<8x128xi32, #tpu.memory_space<vmem>>) target_semaphore(%run_scoped3A : memref<!tpu.dma_semaphore, #tpu.memory_space<semaphore_mem>>)
        %dma_wait3A_372 = arith.constant 0 : i32
        %dma_wait3A_373 = tpu.memref_slice %arg4[%mul3A_49, %dma_wait3A_372] : memref<6400x128xi32, #tpu.memory_space<hbm>> -> memref<8x128xi32, #tpu.memory_space<hbm>>
        %dma_wait3A_374 = arith.constant 0 : i32
        %dma_wait3A_375 = tpu.memref_slice %arg4[%mul3A_49, %dma_wait3A_374] : memref<6400x128xi32, #tpu.memory_space<hbm>> -> memref<8x128xi32, #tpu.memory_space<hbm>>
        tpu.wait_dma2 semaphore(%run_scoped3A : memref<!tpu.dma_semaphore, #tpu.memory_space<semaphore_mem>>) src(%dma_wait3A_375 : memref<8x128xi32, #tpu.memory_space<hbm>>) dst(%arg8 : memref<8x128xi32, #tpu.memory_space<vmem>>)
        tpu.yield
      }) : () -> ()
      %dma_start3A = arith.constant 0 : i32
      %dma_start3A_50 = arith.constant 0 : i32
      %dma_start3A_51 = arith.constant 0 : i32
      %dma_start3A_52 = tpu.memref_slice %arg9[%dma_start3A_50, %dma_start3A_51] : memref<1024x16xf32, #tpu.memory_space<vmem>> -> memref<128x16xf32, #tpu.memory_space<vmem>>
      %dma_start3A_53 = arith.constant 0 : i32
      %dma_start3A_54 = tpu.memref_slice %arg7[%dma_start3A, %dma_start3A_53] : memref<8x128xi32, #tpu.memory_space<vmem>> -> memref<1x128xi32, #tpu.memory_space<vmem>>
      %dma_start3A_55 = tpu.memref_squeeze %dma_start3A_54 : memref<1x128xi32, #tpu.memory_space<vmem>> -> memref<128xi32, #tpu.memory_space<vmem>>
      %dma_start3A_56 = arith.constant 0 : i32
      %dma_start3A_57 = arith.constant 0 : i32
      %dma_start3A_58 = tpu.memref_slice %arg2[%dma_start3A_56, %dma_start3A_57] : memref<50000x16xf32, #tpu.memory_space<hbm>> -> memref<50000x16xf32, #tpu.memory_space<hbm>>
      tpu.enqueue_indirect_dma source(%dma_start3A_58 : memref<50000x16xf32, #tpu.memory_space<hbm>>) target(%dma_start3A_52 : memref<128x16xf32, #tpu.memory_space<vmem>>) offsets(%dma_start3A_55 : memref<128xi32, #tpu.memory_space<vmem>>) semaphore(%arg12 : memref<!tpu.dma_semaphore, #tpu.memory_space<semaphore_mem>>)
      %dma_start3A_59 = arith.constant 1 : i32
      %dma_start3A_60 = arith.constant 128 : i32
      %dma_start3A_61 = arith.constant 0 : i32
      %dma_start3A_62 = tpu.memref_slice %arg9[%dma_start3A_60, %dma_start3A_61] : memref<1024x16xf32, #tpu.memory_space<vmem>> -> memref<128x16xf32, #tpu.memory_space<vmem>>
      %dma_start3A_63 = arith.constant 0 : i32
      %dma_start3A_64 = tpu.memref_slice %arg7[%dma_start3A_59, %dma_start3A_63] : memref<8x128xi32, #tpu.memory_space<vmem>> -> memref<1x128xi32, #tpu.memory_space<vmem>>
      %dma_start3A_65 = tpu.memref_squeeze %dma_start3A_64 : memref<1x128xi32, #tpu.memory_space<vmem>> -> memref<128xi32, #tpu.memory_space<vmem>>
      %dma_start3A_66 = arith.constant 0 : i32
      %dma_start3A_67 = arith.constant 0 : i32
      %dma_start3A_68 = tpu.memref_slice %arg2[%dma_start3A_66, %dma_start3A_67] : memref<50000x16xf32, #tpu.memory_space<hbm>> -> memref<50000x16xf32, #tpu.memory_space<hbm>>
      tpu.enqueue_indirect_dma source(%dma_start3A_68 : memref<50000x16xf32, #tpu.memory_space<hbm>>) target(%dma_start3A_62 : memref<128x16xf32, #tpu.memory_space<vmem>>) offsets(%dma_start3A_65 : memref<128xi32, #tpu.memory_space<vmem>>) semaphore(%arg12 : memref<!tpu.dma_semaphore, #tpu.memory_space<semaphore_mem>>)
      %dma_start3A_69 = arith.constant 2 : i32
      %dma_start3A_70 = arith.constant 256 : i32
      %dma_start3A_71 = arith.constant 0 : i32
      %dma_start3A_72 = tpu.memref_slice %arg9[%dma_start3A_70, %dma_start3A_71] : memref<1024x16xf32, #tpu.memory_space<vmem>> -> memref<128x16xf32, #tpu.memory_space<vmem>>
      %dma_start3A_73 = arith.constant 0 : i32
      %dma_start3A_74 = tpu.memref_slice %arg7[%dma_start3A_69, %dma_start3A_73] : memref<8x128xi32, #tpu.memory_space<vmem>> -> memref<1x128xi32, #tpu.memory_space<vmem>>
      %dma_start3A_75 = tpu.memref_squeeze %dma_start3A_74 : memref<1x128xi32, #tpu.memory_space<vmem>> -> memref<128xi32, #tpu.memory_space<vmem>>
      %dma_start3A_76 = arith.constant 0 : i32
      %dma_start3A_77 = arith.constant 0 : i32
      %dma_start3A_78 = tpu.memref_slice %arg2[%dma_start3A_76, %dma_start3A_77] : memref<50000x16xf32, #tpu.memory_space<hbm>> -> memref<50000x16xf32, #tpu.memory_space<hbm>>
      tpu.enqueue_indirect_dma source(%dma_start3A_78 : memref<50000x16xf32, #tpu.memory_space<hbm>>) target(%dma_start3A_72 : memref<128x16xf32, #tpu.memory_space<vmem>>) offsets(%dma_start3A_75 : memref<128xi32, #tpu.memory_space<vmem>>) semaphore(%arg12 : memref<!tpu.dma_semaphore, #tpu.memory_space<semaphore_mem>>)
      %dma_start3A_79 = arith.constant 3 : i32
      %dma_start3A_80 = arith.constant 384 : i32
      %dma_start3A_81 = arith.constant 0 : i32
      %dma_start3A_82 = tpu.memref_slice %arg9[%dma_start3A_80, %dma_start3A_81] : memref<1024x16xf32, #tpu.memory_space<vmem>> -> memref<128x16xf32, #tpu.memory_space<vmem>>
      %dma_start3A_83 = arith.constant 0 : i32
      %dma_start3A_84 = tpu.memref_slice %arg7[%dma_start3A_79, %dma_start3A_83] : memref<8x128xi32, #tpu.memory_space<vmem>> -> memref<1x128xi32, #tpu.memory_space<vmem>>
      %dma_start3A_85 = tpu.memref_squeeze %dma_start3A_84 : memref<1x128xi32, #tpu.memory_space<vmem>> -> memref<128xi32, #tpu.memory_space<vmem>>
      %dma_start3A_86 = arith.constant 0 : i32
      %dma_start3A_87 = arith.constant 0 : i32
      %dma_start3A_88 = tpu.memref_slice %arg2[%dma_start3A_86, %dma_start3A_87] : memref<50000x16xf32, #tpu.memory_space<hbm>> -> memref<50000x16xf32, #tpu.memory_space<hbm>>
      tpu.enqueue_indirect_dma source(%dma_start3A_88 : memref<50000x16xf32, #tpu.memory_space<hbm>>) target(%dma_start3A_82 : memref<128x16xf32, #tpu.memory_space<vmem>>) offsets(%dma_start3A_85 : memref<128xi32, #tpu.memory_space<vmem>>) semaphore(%arg12 : memref<!tpu.dma_semaphore, #tpu.memory_space<semaphore_mem>>)
      %dma_start3A_89 = arith.constant 4 : i32
      %dma_start3A_90 = arith.constant 512 : i32
      %dma_start3A_91 = arith.constant 0 : i32
      %dma_start3A_92 = tpu.memref_slice %arg9[%dma_start3A_90, %dma_start3A_91] : memref<1024x16xf32, #tpu.memory_space<vmem>> -> memref<128x16xf32, #tpu.memory_space<vmem>>
      %dma_start3A_93 = arith.constant 0 : i32
      %dma_start3A_94 = tpu.memref_slice %arg7[%dma_start3A_89, %dma_start3A_93] : memref<8x128xi32, #tpu.memory_space<vmem>> -> memref<1x128xi32, #tpu.memory_space<vmem>>
      %dma_start3A_95 = tpu.memref_squeeze %dma_start3A_94 : memref<1x128xi32, #tpu.memory_space<vmem>> -> memref<128xi32, #tpu.memory_space<vmem>>
      %dma_start3A_96 = arith.constant 0 : i32
      %dma_start3A_97 = arith.constant 0 : i32
      %dma_start3A_98 = tpu.memref_slice %arg2[%dma_start3A_96, %dma_start3A_97] : memref<50000x16xf32, #tpu.memory_space<hbm>> -> memref<50000x16xf32, #tpu.memory_space<hbm>>
      tpu.enqueue_indirect_dma source(%dma_start3A_98 : memref<50000x16xf32, #tpu.memory_space<hbm>>) target(%dma_start3A_92 : memref<128x16xf32, #tpu.memory_space<vmem>>) offsets(%dma_start3A_95 : memref<128xi32, #tpu.memory_space<vmem>>) semaphore(%arg12 : memref<!tpu.dma_semaphore, #tpu.memory_space<semaphore_mem>>)
      %dma_start3A_99 = arith.constant 5 : i32
      %dma_start3A_100 = arith.constant 640 : i32
      %dma_start3A_101 = arith.constant 0 : i32
      %dma_start3A_102 = tpu.memref_slice %arg9[%dma_start3A_100, %dma_start3A_101] : memref<1024x16xf32, #tpu.memory_space<vmem>> -> memref<128x16xf32, #tpu.memory_space<vmem>>
      %dma_start3A_103 = arith.constant 0 : i32
      %dma_start3A_104 = tpu.memref_slice %arg7[%dma_start3A_99, %dma_start3A_103] : memref<8x128xi32, #tpu.memory_space<vmem>> -> memref<1x128xi32, #tpu.memory_space<vmem>>
      %dma_start3A_105 = tpu.memref_squeeze %dma_start3A_104 : memref<1x128xi32, #tpu.memory_space<vmem>> -> memref<128xi32, #tpu.memory_space<vmem>>
      %dma_start3A_106 = arith.constant 0 : i32
      %dma_start3A_107 = arith.constant 0 : i32
      %dma_start3A_108 = tpu.memref_slice %arg2[%dma_start3A_106, %dma_start3A_107] : memref<50000x16xf32, #tpu.memory_space<hbm>> -> memref<50000x16xf32, #tpu.memory_space<hbm>>
      tpu.enqueue_indirect_dma source(%dma_start3A_108 : memref<50000x16xf32, #tpu.memory_space<hbm>>) target(%dma_start3A_102 : memref<128x16xf32, #tpu.memory_space<vmem>>) offsets(%dma_start3A_105 : memref<128xi32, #tpu.memory_space<vmem>>) semaphore(%arg12 : memref<!tpu.dma_semaphore, #tpu.memory_space<semaphore_mem>>)
      %dma_start3A_109 = arith.constant 6 : i32
      %dma_start3A_110 = arith.constant 768 : i32
      %dma_start3A_111 = arith.constant 0 : i32
      %dma_start3A_112 = tpu.memref_slice %arg9[%dma_start3A_110, %dma_start3A_111] : memref<1024x16xf32, #tpu.memory_space<vmem>> -> memref<128x16xf32, #tpu.memory_space<vmem>>
      %dma_start3A_113 = arith.constant 0 : i32
      %dma_start3A_114 = tpu.memref_slice %arg7[%dma_start3A_109, %dma_start3A_113] : memref<8x128xi32, #tpu.memory_space<vmem>> -> memref<1x128xi32, #tpu.memory_space<vmem>>
      %dma_start3A_115 = tpu.memref_squeeze %dma_start3A_114 : memref<1x128xi32, #tpu.memory_space<vmem>> -> memref<128xi32, #tpu.memory_space<vmem>>
      %dma_start3A_116 = arith.constant 0 : i32
      %dma_start3A_117 = arith.constant 0 : i32
      %dma_start3A_118 = tpu.memref_slice %arg2[%dma_start3A_116, %dma_start3A_117] : memref<50000x16xf32, #tpu.memory_space<hbm>> -> memref<50000x16xf32, #tpu.memory_space<hbm>>
      tpu.enqueue_indirect_dma source(%dma_start3A_118 : memref<50000x16xf32, #tpu.memory_space<hbm>>) target(%dma_start3A_112 : memref<128x16xf32, #tpu.memory_space<vmem>>) offsets(%dma_start3A_115 : memref<128xi32, #tpu.memory_space<vmem>>) semaphore(%arg12 : memref<!tpu.dma_semaphore, #tpu.memory_space<semaphore_mem>>)
      %dma_start3A_119 = arith.constant 7 : i32
      %dma_start3A_120 = arith.constant 896 : i32
      %dma_start3A_121 = arith.constant 0 : i32
      %dma_start3A_122 = tpu.memref_slice %arg9[%dma_start3A_120, %dma_start3A_121] : memref<1024x16xf32, #tpu.memory_space<vmem>> -> memref<128x16xf32, #tpu.memory_space<vmem>>
      %dma_start3A_123 = arith.constant 0 : i32
      %dma_start3A_124 = tpu.memref_slice %arg7[%dma_start3A_119, %dma_start3A_123] : memref<8x128xi32, #tpu.memory_space<vmem>> -> memref<1x128xi32, #tpu.memory_space<vmem>>
      %dma_start3A_125 = tpu.memref_squeeze %dma_start3A_124 : memref<1x128xi32, #tpu.memory_space<vmem>> -> memref<128xi32, #tpu.memory_space<vmem>>
      %dma_start3A_126 = arith.constant 0 : i32
      %dma_start3A_127 = arith.constant 0 : i32
      %dma_start3A_128 = tpu.memref_slice %arg2[%dma_start3A_126, %dma_start3A_127] : memref<50000x16xf32, #tpu.memory_space<hbm>> -> memref<50000x16xf32, #tpu.memory_space<hbm>>
      tpu.enqueue_indirect_dma source(%dma_start3A_128 : memref<50000x16xf32, #tpu.memory_space<hbm>>) target(%dma_start3A_122 : memref<128x16xf32, #tpu.memory_space<vmem>>) offsets(%dma_start3A_125 : memref<128xi32, #tpu.memory_space<vmem>>) semaphore(%arg12 : memref<!tpu.dma_semaphore, #tpu.memory_space<semaphore_mem>>)
      %dma_wait3A = arith.constant 0 : i32
      %dma_wait3A_129 = arith.constant 0 : i32
      %dma_wait3A_130 = arith.constant 0 : i32
      %dma_wait3A_131 = tpu.memref_slice %arg9[%dma_wait3A_129, %dma_wait3A_130] : memref<1024x16xf32, #tpu.memory_space<vmem>> -> memref<128x16xf32, #tpu.memory_space<vmem>>
      %dma_wait3A_132 = arith.constant 0 : i32
      %dma_wait3A_133 = tpu.memref_slice %arg7[%dma_wait3A, %dma_wait3A_132] : memref<8x128xi32, #tpu.memory_space<vmem>> -> memref<1x128xi32, #tpu.memory_space<vmem>>
      %dma_wait3A_134 = tpu.memref_squeeze %dma_wait3A_133 : memref<1x128xi32, #tpu.memory_space<vmem>> -> memref<128xi32, #tpu.memory_space<vmem>>
      %dma_wait3A_135 = arith.constant 0 : i32
      %dma_wait3A_136 = arith.constant 0 : i32
      %dma_wait3A_137 = tpu.memref_slice %arg2[%dma_wait3A_135, %dma_wait3A_136] : memref<50000x16xf32, #tpu.memory_space<hbm>> -> memref<50000x16xf32, #tpu.memory_space<hbm>>
      tpu.wait_indirect_dma semaphore(%arg12 : memref<!tpu.dma_semaphore, #tpu.memory_space<semaphore_mem>>) src(%dma_wait3A_137 : memref<50000x16xf32, #tpu.memory_space<hbm>>) dst(%dma_wait3A_131 : memref<128x16xf32, #tpu.memory_space<vmem>>)
      %dma_wait3A_138 = arith.constant 1 : i32
      %dma_wait3A_139 = arith.constant 128 : i32
      %dma_wait3A_140 = arith.constant 0 : i32
      %dma_wait3A_141 = tpu.memref_slice %arg9[%dma_wait3A_139, %dma_wait3A_140] : memref<1024x16xf32, #tpu.memory_space<vmem>> -> memref<128x16xf32, #tpu.memory_space<vmem>>
      %dma_wait3A_142 = arith.constant 0 : i32
      %dma_wait3A_143 = tpu.memref_slice %arg7[%dma_wait3A_138, %dma_wait3A_142] : memref<8x128xi32, #tpu.memory_space<vmem>> -> memref<1x128xi32, #tpu.memory_space<vmem>>
      %dma_wait3A_144 = tpu.memref_squeeze %dma_wait3A_143 : memref<1x128xi32, #tpu.memory_space<vmem>> -> memref<128xi32, #tpu.memory_space<vmem>>
      %dma_wait3A_145 = arith.constant 0 : i32
      %dma_wait3A_146 = arith.constant 0 : i32
      %dma_wait3A_147 = tpu.memref_slice %arg2[%dma_wait3A_145, %dma_wait3A_146] : memref<50000x16xf32, #tpu.memory_space<hbm>> -> memref<50000x16xf32, #tpu.memory_space<hbm>>
      tpu.wait_indirect_dma semaphore(%arg12 : memref<!tpu.dma_semaphore, #tpu.memory_space<semaphore_mem>>) src(%dma_wait3A_147 : memref<50000x16xf32, #tpu.memory_space<hbm>>) dst(%dma_wait3A_141 : memref<128x16xf32, #tpu.memory_space<vmem>>)
      %dma_wait3A_148 = arith.constant 2 : i32
      %dma_wait3A_149 = arith.constant 256 : i32
      %dma_wait3A_150 = arith.constant 0 : i32
      %dma_wait3A_151 = tpu.memref_slice %arg9[%dma_wait3A_149, %dma_wait3A_150] : memref<1024x16xf32, #tpu.memory_space<vmem>> -> memref<128x16xf32, #tpu.memory_space<vmem>>
      %dma_wait3A_152 = arith.constant 0 : i32
      %dma_wait3A_153 = tpu.memref_slice %arg7[%dma_wait3A_148, %dma_wait3A_152] : memref<8x128xi32, #tpu.memory_space<vmem>> -> memref<1x128xi32, #tpu.memory_space<vmem>>
      %dma_wait3A_154 = tpu.memref_squeeze %dma_wait3A_153 : memref<1x128xi32, #tpu.memory_space<vmem>> -> memref<128xi32, #tpu.memory_space<vmem>>
      %dma_wait3A_155 = arith.constant 0 : i32
      %dma_wait3A_156 = arith.constant 0 : i32
      %dma_wait3A_157 = tpu.memref_slice %arg2[%dma_wait3A_155, %dma_wait3A_156] : memref<50000x16xf32, #tpu.memory_space<hbm>> -> memref<50000x16xf32, #tpu.memory_space<hbm>>
      tpu.wait_indirect_dma semaphore(%arg12 : memref<!tpu.dma_semaphore, #tpu.memory_space<semaphore_mem>>) src(%dma_wait3A_157 : memref<50000x16xf32, #tpu.memory_space<hbm>>) dst(%dma_wait3A_151 : memref<128x16xf32, #tpu.memory_space<vmem>>)
      %dma_wait3A_158 = arith.constant 3 : i32
      %dma_wait3A_159 = arith.constant 384 : i32
      %dma_wait3A_160 = arith.constant 0 : i32
      %dma_wait3A_161 = tpu.memref_slice %arg9[%dma_wait3A_159, %dma_wait3A_160] : memref<1024x16xf32, #tpu.memory_space<vmem>> -> memref<128x16xf32, #tpu.memory_space<vmem>>
      %dma_wait3A_162 = arith.constant 0 : i32
      %dma_wait3A_163 = tpu.memref_slice %arg7[%dma_wait3A_158, %dma_wait3A_162] : memref<8x128xi32, #tpu.memory_space<vmem>> -> memref<1x128xi32, #tpu.memory_space<vmem>>
      %dma_wait3A_164 = tpu.memref_squeeze %dma_wait3A_163 : memref<1x128xi32, #tpu.memory_space<vmem>> -> memref<128xi32, #tpu.memory_space<vmem>>
      %dma_wait3A_165 = arith.constant 0 : i32
      %dma_wait3A_166 = arith.constant 0 : i32
      %dma_wait3A_167 = tpu.memref_slice %arg2[%dma_wait3A_165, %dma_wait3A_166] : memref<50000x16xf32, #tpu.memory_space<hbm>> -> memref<50000x16xf32, #tpu.memory_space<hbm>>
      tpu.wait_indirect_dma semaphore(%arg12 : memref<!tpu.dma_semaphore, #tpu.memory_space<semaphore_mem>>) src(%dma_wait3A_167 : memref<50000x16xf32, #tpu.memory_space<hbm>>) dst(%dma_wait3A_161 : memref<128x16xf32, #tpu.memory_space<vmem>>)
      %dma_wait3A_168 = arith.constant 4 : i32
      %dma_wait3A_169 = arith.constant 512 : i32
      %dma_wait3A_170 = arith.constant 0 : i32
      %dma_wait3A_171 = tpu.memref_slice %arg9[%dma_wait3A_169, %dma_wait3A_170] : memref<1024x16xf32, #tpu.memory_space<vmem>> -> memref<128x16xf32, #tpu.memory_space<vmem>>
      %dma_wait3A_172 = arith.constant 0 : i32
      %dma_wait3A_173 = tpu.memref_slice %arg7[%dma_wait3A_168, %dma_wait3A_172] : memref<8x128xi32, #tpu.memory_space<vmem>> -> memref<1x128xi32, #tpu.memory_space<vmem>>
      %dma_wait3A_174 = tpu.memref_squeeze %dma_wait3A_173 : memref<1x128xi32, #tpu.memory_space<vmem>> -> memref<128xi32, #tpu.memory_space<vmem>>
      %dma_wait3A_175 = arith.constant 0 : i32
      %dma_wait3A_176 = arith.constant 0 : i32
      %dma_wait3A_177 = tpu.memref_slice %arg2[%dma_wait3A_175, %dma_wait3A_176] : memref<50000x16xf32, #tpu.memory_space<hbm>> -> memref<50000x16xf32, #tpu.memory_space<hbm>>
      tpu.wait_indirect_dma semaphore(%arg12 : memref<!tpu.dma_semaphore, #tpu.memory_space<semaphore_mem>>) src(%dma_wait3A_177 : memref<50000x16xf32, #tpu.memory_space<hbm>>) dst(%dma_wait3A_171 : memref<128x16xf32, #tpu.memory_space<vmem>>)
      %dma_wait3A_178 = arith.constant 5 : i32
      %dma_wait3A_179 = arith.constant 640 : i32
      %dma_wait3A_180 = arith.constant 0 : i32
      %dma_wait3A_181 = tpu.memref_slice %arg9[%dma_wait3A_179, %dma_wait3A_180] : memref<1024x16xf32, #tpu.memory_space<vmem>> -> memref<128x16xf32, #tpu.memory_space<vmem>>
      %dma_wait3A_182 = arith.constant 0 : i32
      %dma_wait3A_183 = tpu.memref_slice %arg7[%dma_wait3A_178, %dma_wait3A_182] : memref<8x128xi32, #tpu.memory_space<vmem>> -> memref<1x128xi32, #tpu.memory_space<vmem>>
      %dma_wait3A_184 = tpu.memref_squeeze %dma_wait3A_183 : memref<1x128xi32, #tpu.memory_space<vmem>> -> memref<128xi32, #tpu.memory_space<vmem>>
      %dma_wait3A_185 = arith.constant 0 : i32
      %dma_wait3A_186 = arith.constant 0 : i32
      %dma_wait3A_187 = tpu.memref_slice %arg2[%dma_wait3A_185, %dma_wait3A_186] : memref<50000x16xf32, #tpu.memory_space<hbm>> -> memref<50000x16xf32, #tpu.memory_space<hbm>>
      tpu.wait_indirect_dma semaphore(%arg12 : memref<!tpu.dma_semaphore, #tpu.memory_space<semaphore_mem>>) src(%dma_wait3A_187 : memref<50000x16xf32, #tpu.memory_space<hbm>>) dst(%dma_wait3A_181 : memref<128x16xf32, #tpu.memory_space<vmem>>)
      %dma_wait3A_188 = arith.constant 6 : i32
      %dma_wait3A_189 = arith.constant 768 : i32
      %dma_wait3A_190 = arith.constant 0 : i32
      %dma_wait3A_191 = tpu.memref_slice %arg9[%dma_wait3A_189, %dma_wait3A_190] : memref<1024x16xf32, #tpu.memory_space<vmem>> -> memref<128x16xf32, #tpu.memory_space<vmem>>
      %dma_wait3A_192 = arith.constant 0 : i32
      %dma_wait3A_193 = tpu.memref_slice %arg7[%dma_wait3A_188, %dma_wait3A_192] : memref<8x128xi32, #tpu.memory_space<vmem>> -> memref<1x128xi32, #tpu.memory_space<vmem>>
      %dma_wait3A_194 = tpu.memref_squeeze %dma_wait3A_193 : memref<1x128xi32, #tpu.memory_space<vmem>> -> memref<128xi32, #tpu.memory_space<vmem>>
      %dma_wait3A_195 = arith.constant 0 : i32
      %dma_wait3A_196 = arith.constant 0 : i32
      %dma_wait3A_197 = tpu.memref_slice %arg2[%dma_wait3A_195, %dma_wait3A_196] : memref<50000x16xf32, #tpu.memory_space<hbm>> -> memref<50000x16xf32, #tpu.memory_space<hbm>>
      tpu.wait_indirect_dma semaphore(%arg12 : memref<!tpu.dma_semaphore, #tpu.memory_space<semaphore_mem>>) src(%dma_wait3A_197 : memref<50000x16xf32, #tpu.memory_space<hbm>>) dst(%dma_wait3A_191 : memref<128x16xf32, #tpu.memory_space<vmem>>)
      %dma_wait3A_198 = arith.constant 7 : i32
      %dma_wait3A_199 = arith.constant 896 : i32
      %dma_wait3A_200 = arith.constant 0 : i32
      %dma_wait3A_201 = tpu.memref_slice %arg9[%dma_wait3A_199, %dma_wait3A_200] : memref<1024x16xf32, #tpu.memory_space<vmem>> -> memref<128x16xf32, #tpu.memory_space<vmem>>
      %dma_wait3A_202 = arith.constant 0 : i32
      %dma_wait3A_203 = tpu.memref_slice %arg7[%dma_wait3A_198, %dma_wait3A_202] : memref<8x128xi32, #tpu.memory_space<vmem>> -> memref<1x128xi32, #tpu.memory_space<vmem>>
      %dma_wait3A_204 = tpu.memref_squeeze %dma_wait3A_203 : memref<1x128xi32, #tpu.memory_space<vmem>> -> memref<128xi32, #tpu.memory_space<vmem>>
      %dma_wait3A_205 = arith.constant 0 : i32
      %dma_wait3A_206 = arith.constant 0 : i32
      %dma_wait3A_207 = tpu.memref_slice %arg2[%dma_wait3A_205, %dma_wait3A_206] : memref<50000x16xf32, #tpu.memory_space<hbm>> -> memref<50000x16xf32, #tpu.memory_space<hbm>>
      tpu.wait_indirect_dma semaphore(%arg12 : memref<!tpu.dma_semaphore, #tpu.memory_space<semaphore_mem>>) src(%dma_wait3A_207 : memref<50000x16xf32, #tpu.memory_space<hbm>>) dst(%dma_wait3A_201 : memref<128x16xf32, #tpu.memory_space<vmem>>)
      %dma_start3A_208 = arith.constant 0 : i32
      %dma_start3A_209 = arith.constant 0 : i32
      %dma_start3A_210 = arith.constant 0 : i32
      %dma_start3A_211 = tpu.memref_slice %arg9[%dma_start3A_209, %dma_start3A_210] : memref<1024x16xf32, #tpu.memory_space<vmem>> -> memref<128x16xf32, #tpu.memory_space<vmem>>
      %dma_start3A_212 = arith.constant 0 : i32
      %dma_start3A_213 = tpu.memref_slice %arg8[%dma_start3A_208, %dma_start3A_212] : memref<8x128xi32, #tpu.memory_space<vmem>> -> memref<1x128xi32, #tpu.memory_space<vmem>>
      %dma_start3A_214 = tpu.memref_squeeze %dma_start3A_213 : memref<1x128xi32, #tpu.memory_space<vmem>> -> memref<128xi32, #tpu.memory_space<vmem>>
      %dma_start3A_215 = arith.constant 0 : i32
      %dma_start3A_216 = arith.constant 0 : i32
      %dma_start3A_217 = tpu.memref_slice %arg11[%dma_start3A_215, %dma_start3A_216] : memref<50048x16xf32, #tpu.memory_space<vmem_shared>> -> memref<50048x16xf32, #tpu.memory_space<vmem_shared>>
      tpu.enqueue_indirect_dma source(%dma_start3A_211 : memref<128x16xf32, #tpu.memory_space<vmem>>) target(%dma_start3A_217 : memref<50048x16xf32, #tpu.memory_space<vmem_shared>>) offsets(%dma_start3A_214 : memref<128xi32, #tpu.memory_space<vmem>>) semaphore(%arg14 : memref<!tpu.dma_semaphore, #tpu.memory_space<semaphore_mem>>) {add = true}
      %dma_start3A_218 = arith.constant 1 : i32
      %dma_start3A_219 = arith.constant 128 : i32
      %dma_start3A_220 = arith.constant 0 : i32
      %dma_start3A_221 = tpu.memref_slice %arg9[%dma_start3A_219, %dma_start3A_220] : memref<1024x16xf32, #tpu.memory_space<vmem>> -> memref<128x16xf32, #tpu.memory_space<vmem>>
      %dma_start3A_222 = arith.constant 0 : i32
      %dma_start3A_223 = tpu.memref_slice %arg8[%dma_start3A_218, %dma_start3A_222] : memref<8x128xi32, #tpu.memory_space<vmem>> -> memref<1x128xi32, #tpu.memory_space<vmem>>
      %dma_start3A_224 = tpu.memref_squeeze %dma_start3A_223 : memref<1x128xi32, #tpu.memory_space<vmem>> -> memref<128xi32, #tpu.memory_space<vmem>>
      %dma_start3A_225 = arith.constant 0 : i32
      %dma_start3A_226 = arith.constant 0 : i32
      %dma_start3A_227 = tpu.memref_slice %arg11[%dma_start3A_225, %dma_start3A_226] : memref<50048x16xf32, #tpu.memory_space<vmem_shared>> -> memref<50048x16xf32, #tpu.memory_space<vmem_shared>>
      tpu.enqueue_indirect_dma source(%dma_start3A_221 : memref<128x16xf32, #tpu.memory_space<vmem>>) target(%dma_start3A_227 : memref<50048x16xf32, #tpu.memory_space<vmem_shared>>) offsets(%dma_start3A_224 : memref<128xi32, #tpu.memory_space<vmem>>) semaphore(%arg14 : memref<!tpu.dma_semaphore, #tpu.memory_space<semaphore_mem>>) {add = true}
      %dma_start3A_228 = arith.constant 2 : i32
      %dma_start3A_229 = arith.constant 256 : i32
      %dma_start3A_230 = arith.constant 0 : i32
      %dma_start3A_231 = tpu.memref_slice %arg9[%dma_start3A_229, %dma_start3A_230] : memref<1024x16xf32, #tpu.memory_space<vmem>> -> memref<128x16xf32, #tpu.memory_space<vmem>>
      %dma_start3A_232 = arith.constant 0 : i32
      %dma_start3A_233 = tpu.memref_slice %arg8[%dma_start3A_228, %dma_start3A_232] : memref<8x128xi32, #tpu.memory_space<vmem>> -> memref<1x128xi32, #tpu.memory_space<vmem>>
      %dma_start3A_234 = tpu.memref_squeeze %dma_start3A_233 : memref<1x128xi32, #tpu.memory_space<vmem>> -> memref<128xi32, #tpu.memory_space<vmem>>
      %dma_start3A_235 = arith.constant 0 : i32
      %dma_start3A_236 = arith.constant 0 : i32
      %dma_start3A_237 = tpu.memref_slice %arg11[%dma_start3A_235, %dma_start3A_236] : memref<50048x16xf32, #tpu.memory_space<vmem_shared>> -> memref<50048x16xf32, #tpu.memory_space<vmem_shared>>
      tpu.enqueue_indirect_dma source(%dma_start3A_231 : memref<128x16xf32, #tpu.memory_space<vmem>>) target(%dma_start3A_237 : memref<50048x16xf32, #tpu.memory_space<vmem_shared>>) offsets(%dma_start3A_234 : memref<128xi32, #tpu.memory_space<vmem>>) semaphore(%arg14 : memref<!tpu.dma_semaphore, #tpu.memory_space<semaphore_mem>>) {add = true}
      %dma_start3A_238 = arith.constant 3 : i32
      %dma_start3A_239 = arith.constant 384 : i32
      %dma_start3A_240 = arith.constant 0 : i32
      %dma_start3A_241 = tpu.memref_slice %arg9[%dma_start3A_239, %dma_start3A_240] : memref<1024x16xf32, #tpu.memory_space<vmem>> -> memref<128x16xf32, #tpu.memory_space<vmem>>
      %dma_start3A_242 = arith.constant 0 : i32
      %dma_start3A_243 = tpu.memref_slice %arg8[%dma_start3A_238, %dma_start3A_242] : memref<8x128xi32, #tpu.memory_space<vmem>> -> memref<1x128xi32, #tpu.memory_space<vmem>>
      %dma_start3A_244 = tpu.memref_squeeze %dma_start3A_243 : memref<1x128xi32, #tpu.memory_space<vmem>> -> memref<128xi32, #tpu.memory_space<vmem>>
      %dma_start3A_245 = arith.constant 0 : i32
      %dma_start3A_246 = arith.constant 0 : i32
      %dma_start3A_247 = tpu.memref_slice %arg11[%dma_start3A_245, %dma_start3A_246] : memref<50048x16xf32, #tpu.memory_space<vmem_shared>> -> memref<50048x16xf32, #tpu.memory_space<vmem_shared>>
      tpu.enqueue_indirect_dma source(%dma_start3A_241 : memref<128x16xf32, #tpu.memory_space<vmem>>) target(%dma_start3A_247 : memref<50048x16xf32, #tpu.memory_space<vmem_shared>>) offsets(%dma_start3A_244 : memref<128xi32, #tpu.memory_space<vmem>>) semaphore(%arg14 : memref<!tpu.dma_semaphore, #tpu.memory_space<semaphore_mem>>) {add = true}
      %dma_start3A_248 = arith.constant 4 : i32
      %dma_start3A_249 = arith.constant 512 : i32
      %dma_start3A_250 = arith.constant 0 : i32
      %dma_start3A_251 = tpu.memref_slice %arg9[%dma_start3A_249, %dma_start3A_250] : memref<1024x16xf32, #tpu.memory_space<vmem>> -> memref<128x16xf32, #tpu.memory_space<vmem>>
      %dma_start3A_252 = arith.constant 0 : i32
      %dma_start3A_253 = tpu.memref_slice %arg8[%dma_start3A_248, %dma_start3A_252] : memref<8x128xi32, #tpu.memory_space<vmem>> -> memref<1x128xi32, #tpu.memory_space<vmem>>
      %dma_start3A_254 = tpu.memref_squeeze %dma_start3A_253 : memref<1x128xi32, #tpu.memory_space<vmem>> -> memref<128xi32, #tpu.memory_space<vmem>>
      %dma_start3A_255 = arith.constant 0 : i32
      %dma_start3A_256 = arith.constant 0 : i32
      %dma_start3A_257 = tpu.memref_slice %arg11[%dma_start3A_255, %dma_start3A_256] : memref<50048x16xf32, #tpu.memory_space<vmem_shared>> -> memref<50048x16xf32, #tpu.memory_space<vmem_shared>>
      tpu.enqueue_indirect_dma source(%dma_start3A_251 : memref<128x16xf32, #tpu.memory_space<vmem>>) target(%dma_start3A_257 : memref<50048x16xf32, #tpu.memory_space<vmem_shared>>) offsets(%dma_start3A_254 : memref<128xi32, #tpu.memory_space<vmem>>) semaphore(%arg14 : memref<!tpu.dma_semaphore, #tpu.memory_space<semaphore_mem>>) {add = true}
      %dma_start3A_258 = arith.constant 5 : i32
      %dma_start3A_259 = arith.constant 640 : i32
      %dma_start3A_260 = arith.constant 0 : i32
      %dma_start3A_261 = tpu.memref_slice %arg9[%dma_start3A_259, %dma_start3A_260] : memref<1024x16xf32, #tpu.memory_space<vmem>> -> memref<128x16xf32, #tpu.memory_space<vmem>>
      %dma_start3A_262 = arith.constant 0 : i32
      %dma_start3A_263 = tpu.memref_slice %arg8[%dma_start3A_258, %dma_start3A_262] : memref<8x128xi32, #tpu.memory_space<vmem>> -> memref<1x128xi32, #tpu.memory_space<vmem>>
      %dma_start3A_264 = tpu.memref_squeeze %dma_start3A_263 : memref<1x128xi32, #tpu.memory_space<vmem>> -> memref<128xi32, #tpu.memory_space<vmem>>
      %dma_start3A_265 = arith.constant 0 : i32
      %dma_start3A_266 = arith.constant 0 : i32
      %dma_start3A_267 = tpu.memref_slice %arg11[%dma_start3A_265, %dma_start3A_266] : memref<50048x16xf32, #tpu.memory_space<vmem_shared>> -> memref<50048x16xf32, #tpu.memory_space<vmem_shared>>
      tpu.enqueue_indirect_dma source(%dma_start3A_261 : memref<128x16xf32, #tpu.memory_space<vmem>>) target(%dma_start3A_267 : memref<50048x16xf32, #tpu.memory_space<vmem_shared>>) offsets(%dma_start3A_264 : memref<128xi32, #tpu.memory_space<vmem>>) semaphore(%arg14 : memref<!tpu.dma_semaphore, #tpu.memory_space<semaphore_mem>>) {add = true}
      %dma_start3A_268 = arith.constant 6 : i32
      %dma_start3A_269 = arith.constant 768 : i32
      %dma_start3A_270 = arith.constant 0 : i32
      %dma_start3A_271 = tpu.memref_slice %arg9[%dma_start3A_269, %dma_start3A_270] : memref<1024x16xf32, #tpu.memory_space<vmem>> -> memref<128x16xf32, #tpu.memory_space<vmem>>
      %dma_start3A_272 = arith.constant 0 : i32
      %dma_start3A_273 = tpu.memref_slice %arg8[%dma_start3A_268, %dma_start3A_272] : memref<8x128xi32, #tpu.memory_space<vmem>> -> memref<1x128xi32, #tpu.memory_space<vmem>>
      %dma_start3A_274 = tpu.memref_squeeze %dma_start3A_273 : memref<1x128xi32, #tpu.memory_space<vmem>> -> memref<128xi32, #tpu.memory_space<vmem>>
      %dma_start3A_275 = arith.constant 0 : i32
      %dma_start3A_276 = arith.constant 0 : i32
      %dma_start3A_277 = tpu.memref_slice %arg11[%dma_start3A_275, %dma_start3A_276] : memref<50048x16xf32, #tpu.memory_space<vmem_shared>> -> memref<50048x16xf32, #tpu.memory_space<vmem_shared>>
      tpu.enqueue_indirect_dma source(%dma_start3A_271 : memref<128x16xf32, #tpu.memory_space<vmem>>) target(%dma_start3A_277 : memref<50048x16xf32, #tpu.memory_space<vmem_shared>>) offsets(%dma_start3A_274 : memref<128xi32, #tpu.memory_space<vmem>>) semaphore(%arg14 : memref<!tpu.dma_semaphore, #tpu.memory_space<semaphore_mem>>) {add = true}
      %dma_start3A_278 = arith.constant 7 : i32
      %dma_start3A_279 = arith.constant 896 : i32
      %dma_start3A_280 = arith.constant 0 : i32
      %dma_start3A_281 = tpu.memref_slice %arg9[%dma_start3A_279, %dma_start3A_280] : memref<1024x16xf32, #tpu.memory_space<vmem>> -> memref<128x16xf32, #tpu.memory_space<vmem>>
      %dma_start3A_282 = arith.constant 0 : i32
      %dma_start3A_283 = tpu.memref_slice %arg8[%dma_start3A_278, %dma_start3A_282] : memref<8x128xi32, #tpu.memory_space<vmem>> -> memref<1x128xi32, #tpu.memory_space<vmem>>
      %dma_start3A_284 = tpu.memref_squeeze %dma_start3A_283 : memref<1x128xi32, #tpu.memory_space<vmem>> -> memref<128xi32, #tpu.memory_space<vmem>>
      %dma_start3A_285 = arith.constant 0 : i32
      %dma_start3A_286 = arith.constant 0 : i32
      %dma_start3A_287 = tpu.memref_slice %arg11[%dma_start3A_285, %dma_start3A_286] : memref<50048x16xf32, #tpu.memory_space<vmem_shared>> -> memref<50048x16xf32, #tpu.memory_space<vmem_shared>>
      tpu.enqueue_indirect_dma source(%dma_start3A_281 : memref<128x16xf32, #tpu.memory_space<vmem>>) target(%dma_start3A_287 : memref<50048x16xf32, #tpu.memory_space<vmem_shared>>) offsets(%dma_start3A_284 : memref<128xi32, #tpu.memory_space<vmem>>) semaphore(%arg14 : memref<!tpu.dma_semaphore, #tpu.memory_space<semaphore_mem>>) {add = true}
      %dma_wait3A_288 = arith.constant 0 : i32
      %dma_wait3A_289 = arith.constant 0 : i32
      %dma_wait3A_290 = arith.constant 0 : i32
      %dma_wait3A_291 = tpu.memref_slice %arg9[%dma_wait3A_289, %dma_wait3A_290] : memref<1024x16xf32, #tpu.memory_space<vmem>> -> memref<128x16xf32, #tpu.memory_space<vmem>>
      %dma_wait3A_292 = arith.constant 0 : i32
      %dma_wait3A_293 = tpu.memref_slice %arg8[%dma_wait3A_288, %dma_wait3A_292] : memref<8x128xi32, #tpu.memory_space<vmem>> -> memref<1x128xi32, #tpu.memory_space<vmem>>
      %dma_wait3A_294 = tpu.memref_squeeze %dma_wait3A_293 : memref<1x128xi32, #tpu.memory_space<vmem>> -> memref<128xi32, #tpu.memory_space<vmem>>
      %dma_wait3A_295 = arith.constant 0 : i32
      %dma_wait3A_296 = arith.constant 0 : i32
      %dma_wait3A_297 = tpu.memref_slice %arg11[%dma_wait3A_295, %dma_wait3A_296] : memref<50048x16xf32, #tpu.memory_space<vmem_shared>> -> memref<50048x16xf32, #tpu.memory_space<vmem_shared>>
      tpu.wait_indirect_dma semaphore(%arg14 : memref<!tpu.dma_semaphore, #tpu.memory_space<semaphore_mem>>) src(%dma_wait3A_291 : memref<128x16xf32, #tpu.memory_space<vmem>>) dst(%dma_wait3A_297 : memref<50048x16xf32, #tpu.memory_space<vmem_shared>>)
      %dma_wait3A_298 = arith.constant 1 : i32
      %dma_wait3A_299 = arith.constant 128 : i32
      %dma_wait3A_300 = arith.constant 0 : i32
      %dma_wait3A_301 = tpu.memref_slice %arg9[%dma_wait3A_299, %dma_wait3A_300] : memref<1024x16xf32, #tpu.memory_space<vmem>> -> memref<128x16xf32, #tpu.memory_space<vmem>>
      %dma_wait3A_302 = arith.constant 0 : i32
      %dma_wait3A_303 = tpu.memref_slice %arg8[%dma_wait3A_298, %dma_wait3A_302] : memref<8x128xi32, #tpu.memory_space<vmem>> -> memref<1x128xi32, #tpu.memory_space<vmem>>
      %dma_wait3A_304 = tpu.memref_squeeze %dma_wait3A_303 : memref<1x128xi32, #tpu.memory_space<vmem>> -> memref<128xi32, #tpu.memory_space<vmem>>
      %dma_wait3A_305 = arith.constant 0 : i32
      %dma_wait3A_306 = arith.constant 0 : i32
      %dma_wait3A_307 = tpu.memref_slice %arg11[%dma_wait3A_305, %dma_wait3A_306] : memref<50048x16xf32, #tpu.memory_space<vmem_shared>> -> memref<50048x16xf32, #tpu.memory_space<vmem_shared>>
      tpu.wait_indirect_dma semaphore(%arg14 : memref<!tpu.dma_semaphore, #tpu.memory_space<semaphore_mem>>) src(%dma_wait3A_301 : memref<128x16xf32, #tpu.memory_space<vmem>>) dst(%dma_wait3A_307 : memref<50048x16xf32, #tpu.memory_space<vmem_shared>>)
      %dma_wait3A_308 = arith.constant 2 : i32
      %dma_wait3A_309 = arith.constant 256 : i32
      %dma_wait3A_310 = arith.constant 0 : i32
      %dma_wait3A_311 = tpu.memref_slice %arg9[%dma_wait3A_309, %dma_wait3A_310] : memref<1024x16xf32, #tpu.memory_space<vmem>> -> memref<128x16xf32, #tpu.memory_space<vmem>>
      %dma_wait3A_312 = arith.constant 0 : i32
      %dma_wait3A_313 = tpu.memref_slice %arg8[%dma_wait3A_308, %dma_wait3A_312] : memref<8x128xi32, #tpu.memory_space<vmem>> -> memref<1x128xi32, #tpu.memory_space<vmem>>
      %dma_wait3A_314 = tpu.memref_squeeze %dma_wait3A_313 : memref<1x128xi32, #tpu.memory_space<vmem>> -> memref<128xi32, #tpu.memory_space<vmem>>
      %dma_wait3A_315 = arith.constant 0 : i32
      %dma_wait3A_316 = arith.constant 0 : i32
      %dma_wait3A_317 = tpu.memref_slice %arg11[%dma_wait3A_315, %dma_wait3A_316] : memref<50048x16xf32, #tpu.memory_space<vmem_shared>> -> memref<50048x16xf32, #tpu.memory_space<vmem_shared>>
      tpu.wait_indirect_dma semaphore(%arg14 : memref<!tpu.dma_semaphore, #tpu.memory_space<semaphore_mem>>) src(%dma_wait3A_311 : memref<128x16xf32, #tpu.memory_space<vmem>>) dst(%dma_wait3A_317 : memref<50048x16xf32, #tpu.memory_space<vmem_shared>>)
      %dma_wait3A_318 = arith.constant 3 : i32
      %dma_wait3A_319 = arith.constant 384 : i32
      %dma_wait3A_320 = arith.constant 0 : i32
      %dma_wait3A_321 = tpu.memref_slice %arg9[%dma_wait3A_319, %dma_wait3A_320] : memref<1024x16xf32, #tpu.memory_space<vmem>> -> memref<128x16xf32, #tpu.memory_space<vmem>>
      %dma_wait3A_322 = arith.constant 0 : i32
      %dma_wait3A_323 = tpu.memref_slice %arg8[%dma_wait3A_318, %dma_wait3A_322] : memref<8x128xi32, #tpu.memory_space<vmem>> -> memref<1x128xi32, #tpu.memory_space<vmem>>
      %dma_wait3A_324 = tpu.memref_squeeze %dma_wait3A_323 : memref<1x128xi32, #tpu.memory_space<vmem>> -> memref<128xi32, #tpu.memory_space<vmem>>
      %dma_wait3A_325 = arith.constant 0 : i32
      %dma_wait3A_326 = arith.constant 0 : i32
      %dma_wait3A_327 = tpu.memref_slice %arg11[%dma_wait3A_325, %dma_wait3A_326] : memref<50048x16xf32, #tpu.memory_space<vmem_shared>> -> memref<50048x16xf32, #tpu.memory_space<vmem_shared>>
      tpu.wait_indirect_dma semaphore(%arg14 : memref<!tpu.dma_semaphore, #tpu.memory_space<semaphore_mem>>) src(%dma_wait3A_321 : memref<128x16xf32, #tpu.memory_space<vmem>>) dst(%dma_wait3A_327 : memref<50048x16xf32, #tpu.memory_space<vmem_shared>>)
      %dma_wait3A_328 = arith.constant 4 : i32
      %dma_wait3A_329 = arith.constant 512 : i32
      %dma_wait3A_330 = arith.constant 0 : i32
      %dma_wait3A_331 = tpu.memref_slice %arg9[%dma_wait3A_329, %dma_wait3A_330] : memref<1024x16xf32, #tpu.memory_space<vmem>> -> memref<128x16xf32, #tpu.memory_space<vmem>>
      %dma_wait3A_332 = arith.constant 0 : i32
      %dma_wait3A_333 = tpu.memref_slice %arg8[%dma_wait3A_328, %dma_wait3A_332] : memref<8x128xi32, #tpu.memory_space<vmem>> -> memref<1x128xi32, #tpu.memory_space<vmem>>
      %dma_wait3A_334 = tpu.memref_squeeze %dma_wait3A_333 : memref<1x128xi32, #tpu.memory_space<vmem>> -> memref<128xi32, #tpu.memory_space<vmem>>
      %dma_wait3A_335 = arith.constant 0 : i32
      %dma_wait3A_336 = arith.constant 0 : i32
      %dma_wait3A_337 = tpu.memref_slice %arg11[%dma_wait3A_335, %dma_wait3A_336] : memref<50048x16xf32, #tpu.memory_space<vmem_shared>> -> memref<50048x16xf32, #tpu.memory_space<vmem_shared>>
      tpu.wait_indirect_dma semaphore(%arg14 : memref<!tpu.dma_semaphore, #tpu.memory_space<semaphore_mem>>) src(%dma_wait3A_331 : memref<128x16xf32, #tpu.memory_space<vmem>>) dst(%dma_wait3A_337 : memref<50048x16xf32, #tpu.memory_space<vmem_shared>>)
      %dma_wait3A_338 = arith.constant 5 : i32
      %dma_wait3A_339 = arith.constant 640 : i32
      %dma_wait3A_340 = arith.constant 0 : i32
      %dma_wait3A_341 = tpu.memref_slice %arg9[%dma_wait3A_339, %dma_wait3A_340] : memref<1024x16xf32, #tpu.memory_space<vmem>> -> memref<128x16xf32, #tpu.memory_space<vmem>>
      %dma_wait3A_342 = arith.constant 0 : i32
      %dma_wait3A_343 = tpu.memref_slice %arg8[%dma_wait3A_338, %dma_wait3A_342] : memref<8x128xi32, #tpu.memory_space<vmem>> -> memref<1x128xi32, #tpu.memory_space<vmem>>
      %dma_wait3A_344 = tpu.memref_squeeze %dma_wait3A_343 : memref<1x128xi32, #tpu.memory_space<vmem>> -> memref<128xi32, #tpu.memory_space<vmem>>
      %dma_wait3A_345 = arith.constant 0 : i32
      %dma_wait3A_346 = arith.constant 0 : i32
      %dma_wait3A_347 = tpu.memref_slice %arg11[%dma_wait3A_345, %dma_wait3A_346] : memref<50048x16xf32, #tpu.memory_space<vmem_shared>> -> memref<50048x16xf32, #tpu.memory_space<vmem_shared>>
      tpu.wait_indirect_dma semaphore(%arg14 : memref<!tpu.dma_semaphore, #tpu.memory_space<semaphore_mem>>) src(%dma_wait3A_341 : memref<128x16xf32, #tpu.memory_space<vmem>>) dst(%dma_wait3A_347 : memref<50048x16xf32, #tpu.memory_space<vmem_shared>>)
      %dma_wait3A_348 = arith.constant 6 : i32
      %dma_wait3A_349 = arith.constant 768 : i32
      %dma_wait3A_350 = arith.constant 0 : i32
      %dma_wait3A_351 = tpu.memref_slice %arg9[%dma_wait3A_349, %dma_wait3A_350] : memref<1024x16xf32, #tpu.memory_space<vmem>> -> memref<128x16xf32, #tpu.memory_space<vmem>>
      %dma_wait3A_352 = arith.constant 0 : i32
      %dma_wait3A_353 = tpu.memref_slice %arg8[%dma_wait3A_348, %dma_wait3A_352] : memref<8x128xi32, #tpu.memory_space<vmem>> -> memref<1x128xi32, #tpu.memory_space<vmem>>
      %dma_wait3A_354 = tpu.memref_squeeze %dma_wait3A_353 : memref<1x128xi32, #tpu.memory_space<vmem>> -> memref<128xi32, #tpu.memory_space<vmem>>
      %dma_wait3A_355 = arith.constant 0 : i32
      %dma_wait3A_356 = arith.constant 0 : i32
      %dma_wait3A_357 = tpu.memref_slice %arg11[%dma_wait3A_355, %dma_wait3A_356] : memref<50048x16xf32, #tpu.memory_space<vmem_shared>> -> memref<50048x16xf32, #tpu.memory_space<vmem_shared>>
      tpu.wait_indirect_dma semaphore(%arg14 : memref<!tpu.dma_semaphore, #tpu.memory_space<semaphore_mem>>) src(%dma_wait3A_351 : memref<128x16xf32, #tpu.memory_space<vmem>>) dst(%dma_wait3A_357 : memref<50048x16xf32, #tpu.memory_space<vmem_shared>>)
      %dma_wait3A_358 = arith.constant 7 : i32
      %dma_wait3A_359 = arith.constant 896 : i32
      %dma_wait3A_360 = arith.constant 0 : i32
      %dma_wait3A_361 = tpu.memref_slice %arg9[%dma_wait3A_359, %dma_wait3A_360] : memref<1024x16xf32, #tpu.memory_space<vmem>> -> memref<128x16xf32, #tpu.memory_space<vmem>>
      %dma_wait3A_362 = arith.constant 0 : i32
      %dma_wait3A_363 = tpu.memref_slice %arg8[%dma_wait3A_358, %dma_wait3A_362] : memref<8x128xi32, #tpu.memory_space<vmem>> -> memref<1x128xi32, #tpu.memory_space<vmem>>
      %dma_wait3A_364 = tpu.memref_squeeze %dma_wait3A_363 : memref<1x128xi32, #tpu.memory_space<vmem>> -> memref<128xi32, #tpu.memory_space<vmem>>
      %dma_wait3A_365 = arith.constant 0 : i32
      %dma_wait3A_366 = arith.constant 0 : i32
      %dma_wait3A_367 = tpu.memref_slice %arg11[%dma_wait3A_365, %dma_wait3A_366] : memref<50048x16xf32, #tpu.memory_space<vmem_shared>> -> memref<50048x16xf32, #tpu.memory_space<vmem_shared>>
      tpu.wait_indirect_dma semaphore(%arg14 : memref<!tpu.dma_semaphore, #tpu.memory_space<semaphore_mem>>) src(%dma_wait3A_361 : memref<128x16xf32, #tpu.memory_space<vmem>>) dst(%dma_wait3A_367 : memref<50048x16xf32, #tpu.memory_space<vmem_shared>>)
    }
    %barrier3A_41 = arith.constant 0 : index
    tpu.barrier barrier_id(%barrier3A_41)
    %mul3A_42 = arith.constant 3128 : i32
    %mul3A_43 = arith.muli %arg1, %mul3A_42 : i32
    %mul3A_44 = arith.constant 3128 : i32
    %mul3A_45 = arith.muli %arg1, %mul3A_44 : i32
    "tpu.region"() ({
      %run_scoped3A = tpu.sem_alloc : memref<!tpu.dma_semaphore, #tpu.memory_space<semaphore_mem>>
      %dma_start3A = arith.constant 0 : i32
      %dma_start3A_46 = tpu.memref_slice %arg6[%arg0, %mul3A_45, %dma_start3A] : memref<2x50048x16xf32, #tpu.memory_space<hbm>> -> memref<1x3128x16xf32, #tpu.memory_space<hbm>>
      %dma_start3A_47 = tpu.memref_squeeze %dma_start3A_46 : memref<1x3128x16xf32, #tpu.memory_space<hbm>> -> memref<3128x16xf32, #tpu.memory_space<hbm>>
      %dma_start3A_48 = arith.constant 0 : i32
      %dma_start3A_49 = tpu.memref_slice %arg11[%mul3A_43, %dma_start3A_48] : memref<50048x16xf32, #tpu.memory_space<vmem_shared>> -> memref<3128x16xf32, #tpu.memory_space<vmem_shared>>
      tpu.enqueue_dma source(%dma_start3A_49 : memref<3128x16xf32, #tpu.memory_space<vmem_shared>>) target(%dma_start3A_47 : memref<3128x16xf32, #tpu.memory_space<hbm>>) target_semaphore(%run_scoped3A : memref<!tpu.dma_semaphore, #tpu.memory_space<semaphore_mem>>)
      %dma_wait3A = arith.constant 0 : i32
      %dma_wait3A_50 = tpu.memref_slice %arg6[%arg0, %mul3A_45, %dma_wait3A] : memref<2x50048x16xf32, #tpu.memory_space<hbm>> -> memref<1x3128x16xf32, #tpu.memory_space<hbm>>
      %dma_wait3A_51 = tpu.memref_squeeze %dma_wait3A_50 : memref<1x3128x16xf32, #tpu.memory_space<hbm>> -> memref<3128x16xf32, #tpu.memory_space<hbm>>
      %dma_wait3A_52 = arith.constant 0 : i32
      %dma_wait3A_53 = tpu.memref_slice %arg11[%mul3A_43, %dma_wait3A_52] : memref<50048x16xf32, #tpu.memory_space<vmem_shared>> -> memref<3128x16xf32, #tpu.memory_space<vmem_shared>>
      tpu.wait_dma2 semaphore(%run_scoped3A : memref<!tpu.dma_semaphore, #tpu.memory_space<semaphore_mem>>) src(%dma_wait3A_53 : memref<3128x16xf32, #tpu.memory_space<vmem_shared>>) dst(%dma_wait3A_51 : memref<3128x16xf32, #tpu.memory_space<hbm>>)
      tpu.yield
    }) : () -> ()
    return
  }
}

#map = affine_map<(d0, d1) -> (0, 0)>
#map1 = affine_map<(d0, d1) -> (0, 0, 0)>
module attributes {stable_mosaic.version = 14 : i64} {
  func.func @k(%arg0: i32, %arg1: i32, %arg2: memref<6400x128xi32, #tpu.memory_space<hbm>>, %arg3: memref<128x1xf32, #tpu.memory_space<hbm>>, %arg4: memref<3128x1xf32, #tpu.memory_space<hbm>>, %arg5: memref<2x50048x1xf32, #tpu.memory_space<hbm>>, %arg6: memref<8x128xi32, #tpu.memory_space<vmem>>, %arg7: memref<128x1xf32, #tpu.memory_space<vmem>>, %arg8: memref<50048x1xf32, #tpu.memory_space<vmem_shared>>, %arg9: memref<!tpu.dma_semaphore, #tpu.memory_space<semaphore_mem>>) attributes {dimension_semantics = [#tpu.dimension_semantics<core_parallel>, #tpu.dimension_semantics<subcore_parallel>], iteration_bounds = array<i64: 2, 16>, scalar_prefetch = 0 : i64, scratch_operands = 4 : i64, tpu.core_type = #tpu.core_type<sc_vector_subcore>, window_params = [{transform_indices = #map}, {transform_indices = #map}, {transform_indices = #map}, {transform_indices = #map1}]} {
    %mul3A = arith.constant 3128 : i32
    %mul3A_0 = arith.muli %arg1, %mul3A : i32
    "tpu.region"() ({
      %run_scoped3A = tpu.sem_alloc : memref<!tpu.dma_semaphore, #tpu.memory_space<semaphore_mem>>
      %dma_start3A = arith.constant 0 : i32
      %dma_start3A_46 = tpu.memref_slice %arg8[%mul3A_0, %dma_start3A] : memref<50048x1xf32, #tpu.memory_space<vmem_shared>> -> memref<3128x1xf32, #tpu.memory_space<vmem_shared>>
      tpu.enqueue_dma source(%arg4 : memref<3128x1xf32, #tpu.memory_space<hbm>>) target(%dma_start3A_46 : memref<3128x1xf32, #tpu.memory_space<vmem_shared>>) target_semaphore(%run_scoped3A : memref<!tpu.dma_semaphore, #tpu.memory_space<semaphore_mem>>)
      %dma_wait3A = arith.constant 0 : i32
      %dma_wait3A_47 = tpu.memref_slice %arg8[%mul3A_0, %dma_wait3A] : memref<50048x1xf32, #tpu.memory_space<vmem_shared>> -> memref<3128x1xf32, #tpu.memory_space<vmem_shared>>
      tpu.wait_dma2 semaphore(%run_scoped3A : memref<!tpu.dma_semaphore, #tpu.memory_space<semaphore_mem>>) src(%arg4 : memref<3128x1xf32, #tpu.memory_space<hbm>>) dst(%dma_wait3A_47 : memref<3128x1xf32, #tpu.memory_space<vmem_shared>>)
      tpu.yield
    }) : () -> ()
    "tpu.region"() ({
      %run_scoped3A = tpu.sem_alloc : memref<!tpu.dma_semaphore, #tpu.memory_space<semaphore_mem>>
      tpu.enqueue_dma source(%arg3 : memref<128x1xf32, #tpu.memory_space<hbm>>) target(%arg7 : memref<128x1xf32, #tpu.memory_space<vmem>>) target_semaphore(%run_scoped3A : memref<!tpu.dma_semaphore, #tpu.memory_space<semaphore_mem>>)
      tpu.wait_dma2 semaphore(%run_scoped3A : memref<!tpu.dma_semaphore, #tpu.memory_space<semaphore_mem>>) src(%arg3 : memref<128x1xf32, #tpu.memory_space<hbm>>) dst(%arg7 : memref<128x1xf32, #tpu.memory_space<vmem>>)
      tpu.yield
    }) : () -> ()
    %barrier3A = arith.constant 0 : index
    tpu.barrier barrier_id(%barrier3A)
    %eq3A = arith.constant 0 : i32
    %eq3A_1 = arith.cmpi eq, %arg0, %eq3A : i32
    %jit3A = arith.constant 400 : i32
    %jit3A_2 = arith.constant 400 : i32
    %select_n3A = arith.select %eq3A_1, %jit3A, %jit3A_2 : i32
    %eq3A_3 = arith.constant 0 : i32
    %eq3A_4 = arith.cmpi eq, %arg0, %eq3A_3 : i32
    %jit3A_5 = arith.constant 0 : i32
    %jit3A_6 = arith.constant 400 : i32
    %select_n3A_7 = arith.select %eq3A_4, %jit3A_5, %jit3A_6 : i32
    %jit3A_8 = arith.constant 16 : i32
    %div3A = arith.divsi %select_n3A, %jit3A_8 : i32
    %sign3A = arith.constant 0 : i32
    %sign3A_9 = arith.cmpi sgt, %select_n3A, %sign3A : i32
    %sign3A_10 = arith.extui %sign3A_9 : i1 to i32
    %sign3A_11 = arith.constant 0 : i32
    %sign3A_12 = arith.cmpi slt, %select_n3A, %sign3A_11 : i32
    %sign3A_13 = arith.extui %sign3A_12 : i1 to i32
    %sign3A_14 = arith.subi %sign3A_10, %sign3A_13 : i32
    %sign3A_15 = arith.constant 0 : i32
    %sign3A_16 = arith.cmpi sgt, %jit3A_8, %sign3A_15 : i32
    %sign3A_17 = arith.extui %sign3A_16 : i1 to i32
    %sign3A_18 = arith.constant 0 : i32
    %sign3A_19 = arith.cmpi slt, %jit3A_8, %sign3A_18 : i32
    %sign3A_20 = arith.extui %sign3A_19 : i1 to i32
    %sign3A_21 = arith.subi %sign3A_17, %sign3A_20 : i32
    %ne3A = arith.cmpi ne, %sign3A_14, %sign3A_21 : i32
    %rem3A = arith.remsi %select_n3A, %jit3A_8 : i32
    %ne3A_22 = arith.constant 0 : i32
    %ne3A_23 = arith.cmpi ne, %rem3A, %ne3A_22 : i32
    %and3A = arith.andi %ne3A, %ne3A_23 : i1
    %sub3A = arith.constant 1 : i32
    %sub3A_24 = arith.subi %div3A, %sub3A : i32
    %select_n3A_25 = arith.select %and3A, %sub3A_24, %div3A : i32
    %mul3A_26 = arith.constant 16 : i32
    %mul3A_27 = arith.muli %select_n3A_25, %mul3A_26 : i32
    %sub3A_28 = arith.subi %select_n3A, %mul3A_27 : i32
    %mul3A_29 = arith.muli %arg1, %select_n3A_25 : i32
    %add3A = arith.addi %select_n3A_7, %mul3A_29 : i32
    %min3A = arith.minsi %arg1, %sub3A_28 : i32
    %add3A_30 = arith.addi %add3A, %min3A : i32
    %lt3A = arith.cmpi slt, %arg1, %sub3A_28 : i32
    %convert_element_type3A = arith.extui %lt3A : i1 to i32
    %add3A_31 = arith.addi %select_n3A_25, %convert_element_type3A : i32
    %while3A = arith.constant 0 : i32
    %while3A_32 = arith.constant 0 : i32
    %while3A_33 = arith.subi %add3A_31, %while3A_32 : i32
    %while3A_34 = arith.addi %while3A_32, %while3A_33 : i32
    %while3A_35 = arith.constant 1 : i32
    %while3A_36 = arith.divsi %while3A_33, %while3A_35 : i32
    %while3A_37 = arith.muli %while3A_36, %while3A_35 : i32
    %while3A_38 = arith.addi %while3A_32, %while3A_37 : i32
    %while3A_39 = arith.constant 1 : i32
    scf.for %while3A_46 = %while3A_32 to %while3A_38 step %while3A_39  : i32 {
      %add3A_47 = arith.addi %add3A_30, %while3A_46 : i32
      %mul3A_48 = arith.constant 8 : i32
      %mul3A_49 = arith.muli %add3A_47, %mul3A_48 : i32
      "tpu.region"() ({
        %run_scoped3A = tpu.sem_alloc : memref<!tpu.dma_semaphore, #tpu.memory_space<semaphore_mem>>
        %dma_start3A_160 = arith.constant 0 : i32
        %dma_start3A_161 = tpu.memref_slice %arg2[%mul3A_49, %dma_start3A_160] : memref<6400x128xi32, #tpu.memory_space<hbm>> -> memref<8x128xi32, #tpu.memory_space<hbm>>
        %dma_start3A_162 = arith.constant 0 : i32
        %dma_start3A_163 = tpu.memref_slice %arg2[%mul3A_49, %dma_start3A_162] : memref<6400x128xi32, #tpu.memory_space<hbm>> -> memref<8x128xi32, #tpu.memory_space<hbm>>
        tpu.enqueue_dma source(%dma_start3A_163 : memref<8x128xi32, #tpu.memory_space<hbm>>) target(%arg6 : memref<8x128xi32, #tpu.memory_space<vmem>>) target_semaphore(%run_scoped3A : memref<!tpu.dma_semaphore, #tpu.memory_space<semaphore_mem>>)
        %dma_wait3A_164 = arith.constant 0 : i32
        %dma_wait3A_165 = tpu.memref_slice %arg2[%mul3A_49, %dma_wait3A_164] : memref<6400x128xi32, #tpu.memory_space<hbm>> -> memref<8x128xi32, #tpu.memory_space<hbm>>
        %dma_wait3A_166 = arith.constant 0 : i32
        %dma_wait3A_167 = tpu.memref_slice %arg2[%mul3A_49, %dma_wait3A_166] : memref<6400x128xi32, #tpu.memory_space<hbm>> -> memref<8x128xi32, #tpu.memory_space<hbm>>
        tpu.wait_dma2 semaphore(%run_scoped3A : memref<!tpu.dma_semaphore, #tpu.memory_space<semaphore_mem>>) src(%dma_wait3A_167 : memref<8x128xi32, #tpu.memory_space<hbm>>) dst(%arg6 : memref<8x128xi32, #tpu.memory_space<vmem>>)
        tpu.yield
      }) : () -> ()
      %dma_start3A = arith.constant 0 : i32
      %dma_start3A_50 = arith.constant 0 : i32
      %dma_start3A_51 = tpu.memref_slice %arg6[%dma_start3A, %dma_start3A_50] : memref<8x128xi32, #tpu.memory_space<vmem>> -> memref<1x128xi32, #tpu.memory_space<vmem>>
      %dma_start3A_52 = tpu.memref_squeeze %dma_start3A_51 : memref<1x128xi32, #tpu.memory_space<vmem>> -> memref<128xi32, #tpu.memory_space<vmem>>
      %dma_start3A_53 = arith.constant 0 : i32
      %dma_start3A_54 = arith.constant 0 : i32
      %dma_start3A_55 = tpu.memref_slice %arg8[%dma_start3A_53, %dma_start3A_54] : memref<50048x1xf32, #tpu.memory_space<vmem_shared>> -> memref<50048x1xf32, #tpu.memory_space<vmem_shared>>
      tpu.enqueue_indirect_dma source(%arg7 : memref<128x1xf32, #tpu.memory_space<vmem>>) target(%dma_start3A_55 : memref<50048x1xf32, #tpu.memory_space<vmem_shared>>) offsets(%dma_start3A_52 : memref<128xi32, #tpu.memory_space<vmem>>) semaphore(%arg9 : memref<!tpu.dma_semaphore, #tpu.memory_space<semaphore_mem>>) {add = true}
      %dma_start3A_56 = arith.constant 1 : i32
      %dma_start3A_57 = arith.constant 0 : i32
      %dma_start3A_58 = tpu.memref_slice %arg6[%dma_start3A_56, %dma_start3A_57] : memref<8x128xi32, #tpu.memory_space<vmem>> -> memref<1x128xi32, #tpu.memory_space<vmem>>
      %dma_start3A_59 = tpu.memref_squeeze %dma_start3A_58 : memref<1x128xi32, #tpu.memory_space<vmem>> -> memref<128xi32, #tpu.memory_space<vmem>>
      %dma_start3A_60 = arith.constant 0 : i32
      %dma_start3A_61 = arith.constant 0 : i32
      %dma_start3A_62 = tpu.memref_slice %arg8[%dma_start3A_60, %dma_start3A_61] : memref<50048x1xf32, #tpu.memory_space<vmem_shared>> -> memref<50048x1xf32, #tpu.memory_space<vmem_shared>>
      tpu.enqueue_indirect_dma source(%arg7 : memref<128x1xf32, #tpu.memory_space<vmem>>) target(%dma_start3A_62 : memref<50048x1xf32, #tpu.memory_space<vmem_shared>>) offsets(%dma_start3A_59 : memref<128xi32, #tpu.memory_space<vmem>>) semaphore(%arg9 : memref<!tpu.dma_semaphore, #tpu.memory_space<semaphore_mem>>) {add = true}
      %dma_start3A_63 = arith.constant 2 : i32
      %dma_start3A_64 = arith.constant 0 : i32
      %dma_start3A_65 = tpu.memref_slice %arg6[%dma_start3A_63, %dma_start3A_64] : memref<8x128xi32, #tpu.memory_space<vmem>> -> memref<1x128xi32, #tpu.memory_space<vmem>>
      %dma_start3A_66 = tpu.memref_squeeze %dma_start3A_65 : memref<1x128xi32, #tpu.memory_space<vmem>> -> memref<128xi32, #tpu.memory_space<vmem>>
      %dma_start3A_67 = arith.constant 0 : i32
      %dma_start3A_68 = arith.constant 0 : i32
      %dma_start3A_69 = tpu.memref_slice %arg8[%dma_start3A_67, %dma_start3A_68] : memref<50048x1xf32, #tpu.memory_space<vmem_shared>> -> memref<50048x1xf32, #tpu.memory_space<vmem_shared>>
      tpu.enqueue_indirect_dma source(%arg7 : memref<128x1xf32, #tpu.memory_space<vmem>>) target(%dma_start3A_69 : memref<50048x1xf32, #tpu.memory_space<vmem_shared>>) offsets(%dma_start3A_66 : memref<128xi32, #tpu.memory_space<vmem>>) semaphore(%arg9 : memref<!tpu.dma_semaphore, #tpu.memory_space<semaphore_mem>>) {add = true}
      %dma_start3A_70 = arith.constant 3 : i32
      %dma_start3A_71 = arith.constant 0 : i32
      %dma_start3A_72 = tpu.memref_slice %arg6[%dma_start3A_70, %dma_start3A_71] : memref<8x128xi32, #tpu.memory_space<vmem>> -> memref<1x128xi32, #tpu.memory_space<vmem>>
      %dma_start3A_73 = tpu.memref_squeeze %dma_start3A_72 : memref<1x128xi32, #tpu.memory_space<vmem>> -> memref<128xi32, #tpu.memory_space<vmem>>
      %dma_start3A_74 = arith.constant 0 : i32
      %dma_start3A_75 = arith.constant 0 : i32
      %dma_start3A_76 = tpu.memref_slice %arg8[%dma_start3A_74, %dma_start3A_75] : memref<50048x1xf32, #tpu.memory_space<vmem_shared>> -> memref<50048x1xf32, #tpu.memory_space<vmem_shared>>
      tpu.enqueue_indirect_dma source(%arg7 : memref<128x1xf32, #tpu.memory_space<vmem>>) target(%dma_start3A_76 : memref<50048x1xf32, #tpu.memory_space<vmem_shared>>) offsets(%dma_start3A_73 : memref<128xi32, #tpu.memory_space<vmem>>) semaphore(%arg9 : memref<!tpu.dma_semaphore, #tpu.memory_space<semaphore_mem>>) {add = true}
      %dma_start3A_77 = arith.constant 4 : i32
      %dma_start3A_78 = arith.constant 0 : i32
      %dma_start3A_79 = tpu.memref_slice %arg6[%dma_start3A_77, %dma_start3A_78] : memref<8x128xi32, #tpu.memory_space<vmem>> -> memref<1x128xi32, #tpu.memory_space<vmem>>
      %dma_start3A_80 = tpu.memref_squeeze %dma_start3A_79 : memref<1x128xi32, #tpu.memory_space<vmem>> -> memref<128xi32, #tpu.memory_space<vmem>>
      %dma_start3A_81 = arith.constant 0 : i32
      %dma_start3A_82 = arith.constant 0 : i32
      %dma_start3A_83 = tpu.memref_slice %arg8[%dma_start3A_81, %dma_start3A_82] : memref<50048x1xf32, #tpu.memory_space<vmem_shared>> -> memref<50048x1xf32, #tpu.memory_space<vmem_shared>>
      tpu.enqueue_indirect_dma source(%arg7 : memref<128x1xf32, #tpu.memory_space<vmem>>) target(%dma_start3A_83 : memref<50048x1xf32, #tpu.memory_space<vmem_shared>>) offsets(%dma_start3A_80 : memref<128xi32, #tpu.memory_space<vmem>>) semaphore(%arg9 : memref<!tpu.dma_semaphore, #tpu.memory_space<semaphore_mem>>) {add = true}
      %dma_start3A_84 = arith.constant 5 : i32
      %dma_start3A_85 = arith.constant 0 : i32
      %dma_start3A_86 = tpu.memref_slice %arg6[%dma_start3A_84, %dma_start3A_85] : memref<8x128xi32, #tpu.memory_space<vmem>> -> memref<1x128xi32, #tpu.memory_space<vmem>>
      %dma_start3A_87 = tpu.memref_squeeze %dma_start3A_86 : memref<1x128xi32, #tpu.memory_space<vmem>> -> memref<128xi32, #tpu.memory_space<vmem>>
      %dma_start3A_88 = arith.constant 0 : i32
      %dma_start3A_89 = arith.constant 0 : i32
      %dma_start3A_90 = tpu.memref_slice %arg8[%dma_start3A_88, %dma_start3A_89] : memref<50048x1xf32, #tpu.memory_space<vmem_shared>> -> memref<50048x1xf32, #tpu.memory_space<vmem_shared>>
      tpu.enqueue_indirect_dma source(%arg7 : memref<128x1xf32, #tpu.memory_space<vmem>>) target(%dma_start3A_90 : memref<50048x1xf32, #tpu.memory_space<vmem_shared>>) offsets(%dma_start3A_87 : memref<128xi32, #tpu.memory_space<vmem>>) semaphore(%arg9 : memref<!tpu.dma_semaphore, #tpu.memory_space<semaphore_mem>>) {add = true}
      %dma_start3A_91 = arith.constant 6 : i32
      %dma_start3A_92 = arith.constant 0 : i32
      %dma_start3A_93 = tpu.memref_slice %arg6[%dma_start3A_91, %dma_start3A_92] : memref<8x128xi32, #tpu.memory_space<vmem>> -> memref<1x128xi32, #tpu.memory_space<vmem>>
      %dma_start3A_94 = tpu.memref_squeeze %dma_start3A_93 : memref<1x128xi32, #tpu.memory_space<vmem>> -> memref<128xi32, #tpu.memory_space<vmem>>
      %dma_start3A_95 = arith.constant 0 : i32
      %dma_start3A_96 = arith.constant 0 : i32
      %dma_start3A_97 = tpu.memref_slice %arg8[%dma_start3A_95, %dma_start3A_96] : memref<50048x1xf32, #tpu.memory_space<vmem_shared>> -> memref<50048x1xf32, #tpu.memory_space<vmem_shared>>
      tpu.enqueue_indirect_dma source(%arg7 : memref<128x1xf32, #tpu.memory_space<vmem>>) target(%dma_start3A_97 : memref<50048x1xf32, #tpu.memory_space<vmem_shared>>) offsets(%dma_start3A_94 : memref<128xi32, #tpu.memory_space<vmem>>) semaphore(%arg9 : memref<!tpu.dma_semaphore, #tpu.memory_space<semaphore_mem>>) {add = true}
      %dma_start3A_98 = arith.constant 7 : i32
      %dma_start3A_99 = arith.constant 0 : i32
      %dma_start3A_100 = tpu.memref_slice %arg6[%dma_start3A_98, %dma_start3A_99] : memref<8x128xi32, #tpu.memory_space<vmem>> -> memref<1x128xi32, #tpu.memory_space<vmem>>
      %dma_start3A_101 = tpu.memref_squeeze %dma_start3A_100 : memref<1x128xi32, #tpu.memory_space<vmem>> -> memref<128xi32, #tpu.memory_space<vmem>>
      %dma_start3A_102 = arith.constant 0 : i32
      %dma_start3A_103 = arith.constant 0 : i32
      %dma_start3A_104 = tpu.memref_slice %arg8[%dma_start3A_102, %dma_start3A_103] : memref<50048x1xf32, #tpu.memory_space<vmem_shared>> -> memref<50048x1xf32, #tpu.memory_space<vmem_shared>>
      tpu.enqueue_indirect_dma source(%arg7 : memref<128x1xf32, #tpu.memory_space<vmem>>) target(%dma_start3A_104 : memref<50048x1xf32, #tpu.memory_space<vmem_shared>>) offsets(%dma_start3A_101 : memref<128xi32, #tpu.memory_space<vmem>>) semaphore(%arg9 : memref<!tpu.dma_semaphore, #tpu.memory_space<semaphore_mem>>) {add = true}
      %dma_wait3A = arith.constant 0 : i32
      %dma_wait3A_105 = arith.constant 0 : i32
      %dma_wait3A_106 = tpu.memref_slice %arg6[%dma_wait3A, %dma_wait3A_105] : memref<8x128xi32, #tpu.memory_space<vmem>> -> memref<1x128xi32, #tpu.memory_space<vmem>>
      %dma_wait3A_107 = tpu.memref_squeeze %dma_wait3A_106 : memref<1x128xi32, #tpu.memory_space<vmem>> -> memref<128xi32, #tpu.memory_space<vmem>>
      %dma_wait3A_108 = arith.constant 0 : i32
      %dma_wait3A_109 = arith.constant 0 : i32
      %dma_wait3A_110 = tpu.memref_slice %arg8[%dma_wait3A_108, %dma_wait3A_109] : memref<50048x1xf32, #tpu.memory_space<vmem_shared>> -> memref<50048x1xf32, #tpu.memory_space<vmem_shared>>
      tpu.wait_indirect_dma semaphore(%arg9 : memref<!tpu.dma_semaphore, #tpu.memory_space<semaphore_mem>>) src(%arg7 : memref<128x1xf32, #tpu.memory_space<vmem>>) dst(%dma_wait3A_110 : memref<50048x1xf32, #tpu.memory_space<vmem_shared>>)
      %dma_wait3A_111 = arith.constant 1 : i32
      %dma_wait3A_112 = arith.constant 0 : i32
      %dma_wait3A_113 = tpu.memref_slice %arg6[%dma_wait3A_111, %dma_wait3A_112] : memref<8x128xi32, #tpu.memory_space<vmem>> -> memref<1x128xi32, #tpu.memory_space<vmem>>
      %dma_wait3A_114 = tpu.memref_squeeze %dma_wait3A_113 : memref<1x128xi32, #tpu.memory_space<vmem>> -> memref<128xi32, #tpu.memory_space<vmem>>
      %dma_wait3A_115 = arith.constant 0 : i32
      %dma_wait3A_116 = arith.constant 0 : i32
      %dma_wait3A_117 = tpu.memref_slice %arg8[%dma_wait3A_115, %dma_wait3A_116] : memref<50048x1xf32, #tpu.memory_space<vmem_shared>> -> memref<50048x1xf32, #tpu.memory_space<vmem_shared>>
      tpu.wait_indirect_dma semaphore(%arg9 : memref<!tpu.dma_semaphore, #tpu.memory_space<semaphore_mem>>) src(%arg7 : memref<128x1xf32, #tpu.memory_space<vmem>>) dst(%dma_wait3A_117 : memref<50048x1xf32, #tpu.memory_space<vmem_shared>>)
      %dma_wait3A_118 = arith.constant 2 : i32
      %dma_wait3A_119 = arith.constant 0 : i32
      %dma_wait3A_120 = tpu.memref_slice %arg6[%dma_wait3A_118, %dma_wait3A_119] : memref<8x128xi32, #tpu.memory_space<vmem>> -> memref<1x128xi32, #tpu.memory_space<vmem>>
      %dma_wait3A_121 = tpu.memref_squeeze %dma_wait3A_120 : memref<1x128xi32, #tpu.memory_space<vmem>> -> memref<128xi32, #tpu.memory_space<vmem>>
      %dma_wait3A_122 = arith.constant 0 : i32
      %dma_wait3A_123 = arith.constant 0 : i32
      %dma_wait3A_124 = tpu.memref_slice %arg8[%dma_wait3A_122, %dma_wait3A_123] : memref<50048x1xf32, #tpu.memory_space<vmem_shared>> -> memref<50048x1xf32, #tpu.memory_space<vmem_shared>>
      tpu.wait_indirect_dma semaphore(%arg9 : memref<!tpu.dma_semaphore, #tpu.memory_space<semaphore_mem>>) src(%arg7 : memref<128x1xf32, #tpu.memory_space<vmem>>) dst(%dma_wait3A_124 : memref<50048x1xf32, #tpu.memory_space<vmem_shared>>)
      %dma_wait3A_125 = arith.constant 3 : i32
      %dma_wait3A_126 = arith.constant 0 : i32
      %dma_wait3A_127 = tpu.memref_slice %arg6[%dma_wait3A_125, %dma_wait3A_126] : memref<8x128xi32, #tpu.memory_space<vmem>> -> memref<1x128xi32, #tpu.memory_space<vmem>>
      %dma_wait3A_128 = tpu.memref_squeeze %dma_wait3A_127 : memref<1x128xi32, #tpu.memory_space<vmem>> -> memref<128xi32, #tpu.memory_space<vmem>>
      %dma_wait3A_129 = arith.constant 0 : i32
      %dma_wait3A_130 = arith.constant 0 : i32
      %dma_wait3A_131 = tpu.memref_slice %arg8[%dma_wait3A_129, %dma_wait3A_130] : memref<50048x1xf32, #tpu.memory_space<vmem_shared>> -> memref<50048x1xf32, #tpu.memory_space<vmem_shared>>
      tpu.wait_indirect_dma semaphore(%arg9 : memref<!tpu.dma_semaphore, #tpu.memory_space<semaphore_mem>>) src(%arg7 : memref<128x1xf32, #tpu.memory_space<vmem>>) dst(%dma_wait3A_131 : memref<50048x1xf32, #tpu.memory_space<vmem_shared>>)
      %dma_wait3A_132 = arith.constant 4 : i32
      %dma_wait3A_133 = arith.constant 0 : i32
      %dma_wait3A_134 = tpu.memref_slice %arg6[%dma_wait3A_132, %dma_wait3A_133] : memref<8x128xi32, #tpu.memory_space<vmem>> -> memref<1x128xi32, #tpu.memory_space<vmem>>
      %dma_wait3A_135 = tpu.memref_squeeze %dma_wait3A_134 : memref<1x128xi32, #tpu.memory_space<vmem>> -> memref<128xi32, #tpu.memory_space<vmem>>
      %dma_wait3A_136 = arith.constant 0 : i32
      %dma_wait3A_137 = arith.constant 0 : i32
      %dma_wait3A_138 = tpu.memref_slice %arg8[%dma_wait3A_136, %dma_wait3A_137] : memref<50048x1xf32, #tpu.memory_space<vmem_shared>> -> memref<50048x1xf32, #tpu.memory_space<vmem_shared>>
      tpu.wait_indirect_dma semaphore(%arg9 : memref<!tpu.dma_semaphore, #tpu.memory_space<semaphore_mem>>) src(%arg7 : memref<128x1xf32, #tpu.memory_space<vmem>>) dst(%dma_wait3A_138 : memref<50048x1xf32, #tpu.memory_space<vmem_shared>>)
      %dma_wait3A_139 = arith.constant 5 : i32
      %dma_wait3A_140 = arith.constant 0 : i32
      %dma_wait3A_141 = tpu.memref_slice %arg6[%dma_wait3A_139, %dma_wait3A_140] : memref<8x128xi32, #tpu.memory_space<vmem>> -> memref<1x128xi32, #tpu.memory_space<vmem>>
      %dma_wait3A_142 = tpu.memref_squeeze %dma_wait3A_141 : memref<1x128xi32, #tpu.memory_space<vmem>> -> memref<128xi32, #tpu.memory_space<vmem>>
      %dma_wait3A_143 = arith.constant 0 : i32
      %dma_wait3A_144 = arith.constant 0 : i32
      %dma_wait3A_145 = tpu.memref_slice %arg8[%dma_wait3A_143, %dma_wait3A_144] : memref<50048x1xf32, #tpu.memory_space<vmem_shared>> -> memref<50048x1xf32, #tpu.memory_space<vmem_shared>>
      tpu.wait_indirect_dma semaphore(%arg9 : memref<!tpu.dma_semaphore, #tpu.memory_space<semaphore_mem>>) src(%arg7 : memref<128x1xf32, #tpu.memory_space<vmem>>) dst(%dma_wait3A_145 : memref<50048x1xf32, #tpu.memory_space<vmem_shared>>)
      %dma_wait3A_146 = arith.constant 6 : i32
      %dma_wait3A_147 = arith.constant 0 : i32
      %dma_wait3A_148 = tpu.memref_slice %arg6[%dma_wait3A_146, %dma_wait3A_147] : memref<8x128xi32, #tpu.memory_space<vmem>> -> memref<1x128xi32, #tpu.memory_space<vmem>>
      %dma_wait3A_149 = tpu.memref_squeeze %dma_wait3A_148 : memref<1x128xi32, #tpu.memory_space<vmem>> -> memref<128xi32, #tpu.memory_space<vmem>>
      %dma_wait3A_150 = arith.constant 0 : i32
      %dma_wait3A_151 = arith.constant 0 : i32
      %dma_wait3A_152 = tpu.memref_slice %arg8[%dma_wait3A_150, %dma_wait3A_151] : memref<50048x1xf32, #tpu.memory_space<vmem_shared>> -> memref<50048x1xf32, #tpu.memory_space<vmem_shared>>
      tpu.wait_indirect_dma semaphore(%arg9 : memref<!tpu.dma_semaphore, #tpu.memory_space<semaphore_mem>>) src(%arg7 : memref<128x1xf32, #tpu.memory_space<vmem>>) dst(%dma_wait3A_152 : memref<50048x1xf32, #tpu.memory_space<vmem_shared>>)
      %dma_wait3A_153 = arith.constant 7 : i32
      %dma_wait3A_154 = arith.constant 0 : i32
      %dma_wait3A_155 = tpu.memref_slice %arg6[%dma_wait3A_153, %dma_wait3A_154] : memref<8x128xi32, #tpu.memory_space<vmem>> -> memref<1x128xi32, #tpu.memory_space<vmem>>
      %dma_wait3A_156 = tpu.memref_squeeze %dma_wait3A_155 : memref<1x128xi32, #tpu.memory_space<vmem>> -> memref<128xi32, #tpu.memory_space<vmem>>
      %dma_wait3A_157 = arith.constant 0 : i32
      %dma_wait3A_158 = arith.constant 0 : i32
      %dma_wait3A_159 = tpu.memref_slice %arg8[%dma_wait3A_157, %dma_wait3A_158] : memref<50048x1xf32, #tpu.memory_space<vmem_shared>> -> memref<50048x1xf32, #tpu.memory_space<vmem_shared>>
      tpu.wait_indirect_dma semaphore(%arg9 : memref<!tpu.dma_semaphore, #tpu.memory_space<semaphore_mem>>) src(%arg7 : memref<128x1xf32, #tpu.memory_space<vmem>>) dst(%dma_wait3A_159 : memref<50048x1xf32, #tpu.memory_space<vmem_shared>>)
    }
    %while3A_40 = arith.constant 1 : i32
    scf.for %while3A_46 = %while3A_38 to %while3A_34 step %while3A_40  : i32 {
      %add3A_47 = arith.addi %add3A_30, %while3A_46 : i32
      %mul3A_48 = arith.constant 8 : i32
      %mul3A_49 = arith.muli %add3A_47, %mul3A_48 : i32
      "tpu.region"() ({
        %run_scoped3A = tpu.sem_alloc : memref<!tpu.dma_semaphore, #tpu.memory_space<semaphore_mem>>
        %dma_start3A_160 = arith.constant 0 : i32
        %dma_start3A_161 = tpu.memref_slice %arg2[%mul3A_49, %dma_start3A_160] : memref<6400x128xi32, #tpu.memory_space<hbm>> -> memref<8x128xi32, #tpu.memory_space<hbm>>
        %dma_start3A_162 = arith.constant 0 : i32
        %dma_start3A_163 = tpu.memref_slice %arg2[%mul3A_49, %dma_start3A_162] : memref<6400x128xi32, #tpu.memory_space<hbm>> -> memref<8x128xi32, #tpu.memory_space<hbm>>
        tpu.enqueue_dma source(%dma_start3A_163 : memref<8x128xi32, #tpu.memory_space<hbm>>) target(%arg6 : memref<8x128xi32, #tpu.memory_space<vmem>>) target_semaphore(%run_scoped3A : memref<!tpu.dma_semaphore, #tpu.memory_space<semaphore_mem>>)
        %dma_wait3A_164 = arith.constant 0 : i32
        %dma_wait3A_165 = tpu.memref_slice %arg2[%mul3A_49, %dma_wait3A_164] : memref<6400x128xi32, #tpu.memory_space<hbm>> -> memref<8x128xi32, #tpu.memory_space<hbm>>
        %dma_wait3A_166 = arith.constant 0 : i32
        %dma_wait3A_167 = tpu.memref_slice %arg2[%mul3A_49, %dma_wait3A_166] : memref<6400x128xi32, #tpu.memory_space<hbm>> -> memref<8x128xi32, #tpu.memory_space<hbm>>
        tpu.wait_dma2 semaphore(%run_scoped3A : memref<!tpu.dma_semaphore, #tpu.memory_space<semaphore_mem>>) src(%dma_wait3A_167 : memref<8x128xi32, #tpu.memory_space<hbm>>) dst(%arg6 : memref<8x128xi32, #tpu.memory_space<vmem>>)
        tpu.yield
      }) : () -> ()
      %dma_start3A = arith.constant 0 : i32
      %dma_start3A_50 = arith.constant 0 : i32
      %dma_start3A_51 = tpu.memref_slice %arg6[%dma_start3A, %dma_start3A_50] : memref<8x128xi32, #tpu.memory_space<vmem>> -> memref<1x128xi32, #tpu.memory_space<vmem>>
      %dma_start3A_52 = tpu.memref_squeeze %dma_start3A_51 : memref<1x128xi32, #tpu.memory_space<vmem>> -> memref<128xi32, #tpu.memory_space<vmem>>
      %dma_start3A_53 = arith.constant 0 : i32
      %dma_start3A_54 = arith.constant 0 : i32
      %dma_start3A_55 = tpu.memref_slice %arg8[%dma_start3A_53, %dma_start3A_54] : memref<50048x1xf32, #tpu.memory_space<vmem_shared>> -> memref<50048x1xf32, #tpu.memory_space<vmem_shared>>
      tpu.enqueue_indirect_dma source(%arg7 : memref<128x1xf32, #tpu.memory_space<vmem>>) target(%dma_start3A_55 : memref<50048x1xf32, #tpu.memory_space<vmem_shared>>) offsets(%dma_start3A_52 : memref<128xi32, #tpu.memory_space<vmem>>) semaphore(%arg9 : memref<!tpu.dma_semaphore, #tpu.memory_space<semaphore_mem>>) {add = true}
      %dma_start3A_56 = arith.constant 1 : i32
      %dma_start3A_57 = arith.constant 0 : i32
      %dma_start3A_58 = tpu.memref_slice %arg6[%dma_start3A_56, %dma_start3A_57] : memref<8x128xi32, #tpu.memory_space<vmem>> -> memref<1x128xi32, #tpu.memory_space<vmem>>
      %dma_start3A_59 = tpu.memref_squeeze %dma_start3A_58 : memref<1x128xi32, #tpu.memory_space<vmem>> -> memref<128xi32, #tpu.memory_space<vmem>>
      %dma_start3A_60 = arith.constant 0 : i32
      %dma_start3A_61 = arith.constant 0 : i32
      %dma_start3A_62 = tpu.memref_slice %arg8[%dma_start3A_60, %dma_start3A_61] : memref<50048x1xf32, #tpu.memory_space<vmem_shared>> -> memref<50048x1xf32, #tpu.memory_space<vmem_shared>>
      tpu.enqueue_indirect_dma source(%arg7 : memref<128x1xf32, #tpu.memory_space<vmem>>) target(%dma_start3A_62 : memref<50048x1xf32, #tpu.memory_space<vmem_shared>>) offsets(%dma_start3A_59 : memref<128xi32, #tpu.memory_space<vmem>>) semaphore(%arg9 : memref<!tpu.dma_semaphore, #tpu.memory_space<semaphore_mem>>) {add = true}
      %dma_start3A_63 = arith.constant 2 : i32
      %dma_start3A_64 = arith.constant 0 : i32
      %dma_start3A_65 = tpu.memref_slice %arg6[%dma_start3A_63, %dma_start3A_64] : memref<8x128xi32, #tpu.memory_space<vmem>> -> memref<1x128xi32, #tpu.memory_space<vmem>>
      %dma_start3A_66 = tpu.memref_squeeze %dma_start3A_65 : memref<1x128xi32, #tpu.memory_space<vmem>> -> memref<128xi32, #tpu.memory_space<vmem>>
      %dma_start3A_67 = arith.constant 0 : i32
      %dma_start3A_68 = arith.constant 0 : i32
      %dma_start3A_69 = tpu.memref_slice %arg8[%dma_start3A_67, %dma_start3A_68] : memref<50048x1xf32, #tpu.memory_space<vmem_shared>> -> memref<50048x1xf32, #tpu.memory_space<vmem_shared>>
      tpu.enqueue_indirect_dma source(%arg7 : memref<128x1xf32, #tpu.memory_space<vmem>>) target(%dma_start3A_69 : memref<50048x1xf32, #tpu.memory_space<vmem_shared>>) offsets(%dma_start3A_66 : memref<128xi32, #tpu.memory_space<vmem>>) semaphore(%arg9 : memref<!tpu.dma_semaphore, #tpu.memory_space<semaphore_mem>>) {add = true}
      %dma_start3A_70 = arith.constant 3 : i32
      %dma_start3A_71 = arith.constant 0 : i32
      %dma_start3A_72 = tpu.memref_slice %arg6[%dma_start3A_70, %dma_start3A_71] : memref<8x128xi32, #tpu.memory_space<vmem>> -> memref<1x128xi32, #tpu.memory_space<vmem>>
      %dma_start3A_73 = tpu.memref_squeeze %dma_start3A_72 : memref<1x128xi32, #tpu.memory_space<vmem>> -> memref<128xi32, #tpu.memory_space<vmem>>
      %dma_start3A_74 = arith.constant 0 : i32
      %dma_start3A_75 = arith.constant 0 : i32
      %dma_start3A_76 = tpu.memref_slice %arg8[%dma_start3A_74, %dma_start3A_75] : memref<50048x1xf32, #tpu.memory_space<vmem_shared>> -> memref<50048x1xf32, #tpu.memory_space<vmem_shared>>
      tpu.enqueue_indirect_dma source(%arg7 : memref<128x1xf32, #tpu.memory_space<vmem>>) target(%dma_start3A_76 : memref<50048x1xf32, #tpu.memory_space<vmem_shared>>) offsets(%dma_start3A_73 : memref<128xi32, #tpu.memory_space<vmem>>) semaphore(%arg9 : memref<!tpu.dma_semaphore, #tpu.memory_space<semaphore_mem>>) {add = true}
      %dma_start3A_77 = arith.constant 4 : i32
      %dma_start3A_78 = arith.constant 0 : i32
      %dma_start3A_79 = tpu.memref_slice %arg6[%dma_start3A_77, %dma_start3A_78] : memref<8x128xi32, #tpu.memory_space<vmem>> -> memref<1x128xi32, #tpu.memory_space<vmem>>
      %dma_start3A_80 = tpu.memref_squeeze %dma_start3A_79 : memref<1x128xi32, #tpu.memory_space<vmem>> -> memref<128xi32, #tpu.memory_space<vmem>>
      %dma_start3A_81 = arith.constant 0 : i32
      %dma_start3A_82 = arith.constant 0 : i32
      %dma_start3A_83 = tpu.memref_slice %arg8[%dma_start3A_81, %dma_start3A_82] : memref<50048x1xf32, #tpu.memory_space<vmem_shared>> -> memref<50048x1xf32, #tpu.memory_space<vmem_shared>>
      tpu.enqueue_indirect_dma source(%arg7 : memref<128x1xf32, #tpu.memory_space<vmem>>) target(%dma_start3A_83 : memref<50048x1xf32, #tpu.memory_space<vmem_shared>>) offsets(%dma_start3A_80 : memref<128xi32, #tpu.memory_space<vmem>>) semaphore(%arg9 : memref<!tpu.dma_semaphore, #tpu.memory_space<semaphore_mem>>) {add = true}
      %dma_start3A_84 = arith.constant 5 : i32
      %dma_start3A_85 = arith.constant 0 : i32
      %dma_start3A_86 = tpu.memref_slice %arg6[%dma_start3A_84, %dma_start3A_85] : memref<8x128xi32, #tpu.memory_space<vmem>> -> memref<1x128xi32, #tpu.memory_space<vmem>>
      %dma_start3A_87 = tpu.memref_squeeze %dma_start3A_86 : memref<1x128xi32, #tpu.memory_space<vmem>> -> memref<128xi32, #tpu.memory_space<vmem>>
      %dma_start3A_88 = arith.constant 0 : i32
      %dma_start3A_89 = arith.constant 0 : i32
      %dma_start3A_90 = tpu.memref_slice %arg8[%dma_start3A_88, %dma_start3A_89] : memref<50048x1xf32, #tpu.memory_space<vmem_shared>> -> memref<50048x1xf32, #tpu.memory_space<vmem_shared>>
      tpu.enqueue_indirect_dma source(%arg7 : memref<128x1xf32, #tpu.memory_space<vmem>>) target(%dma_start3A_90 : memref<50048x1xf32, #tpu.memory_space<vmem_shared>>) offsets(%dma_start3A_87 : memref<128xi32, #tpu.memory_space<vmem>>) semaphore(%arg9 : memref<!tpu.dma_semaphore, #tpu.memory_space<semaphore_mem>>) {add = true}
      %dma_start3A_91 = arith.constant 6 : i32
      %dma_start3A_92 = arith.constant 0 : i32
      %dma_start3A_93 = tpu.memref_slice %arg6[%dma_start3A_91, %dma_start3A_92] : memref<8x128xi32, #tpu.memory_space<vmem>> -> memref<1x128xi32, #tpu.memory_space<vmem>>
      %dma_start3A_94 = tpu.memref_squeeze %dma_start3A_93 : memref<1x128xi32, #tpu.memory_space<vmem>> -> memref<128xi32, #tpu.memory_space<vmem>>
      %dma_start3A_95 = arith.constant 0 : i32
      %dma_start3A_96 = arith.constant 0 : i32
      %dma_start3A_97 = tpu.memref_slice %arg8[%dma_start3A_95, %dma_start3A_96] : memref<50048x1xf32, #tpu.memory_space<vmem_shared>> -> memref<50048x1xf32, #tpu.memory_space<vmem_shared>>
      tpu.enqueue_indirect_dma source(%arg7 : memref<128x1xf32, #tpu.memory_space<vmem>>) target(%dma_start3A_97 : memref<50048x1xf32, #tpu.memory_space<vmem_shared>>) offsets(%dma_start3A_94 : memref<128xi32, #tpu.memory_space<vmem>>) semaphore(%arg9 : memref<!tpu.dma_semaphore, #tpu.memory_space<semaphore_mem>>) {add = true}
      %dma_start3A_98 = arith.constant 7 : i32
      %dma_start3A_99 = arith.constant 0 : i32
      %dma_start3A_100 = tpu.memref_slice %arg6[%dma_start3A_98, %dma_start3A_99] : memref<8x128xi32, #tpu.memory_space<vmem>> -> memref<1x128xi32, #tpu.memory_space<vmem>>
      %dma_start3A_101 = tpu.memref_squeeze %dma_start3A_100 : memref<1x128xi32, #tpu.memory_space<vmem>> -> memref<128xi32, #tpu.memory_space<vmem>>
      %dma_start3A_102 = arith.constant 0 : i32
      %dma_start3A_103 = arith.constant 0 : i32
      %dma_start3A_104 = tpu.memref_slice %arg8[%dma_start3A_102, %dma_start3A_103] : memref<50048x1xf32, #tpu.memory_space<vmem_shared>> -> memref<50048x1xf32, #tpu.memory_space<vmem_shared>>
      tpu.enqueue_indirect_dma source(%arg7 : memref<128x1xf32, #tpu.memory_space<vmem>>) target(%dma_start3A_104 : memref<50048x1xf32, #tpu.memory_space<vmem_shared>>) offsets(%dma_start3A_101 : memref<128xi32, #tpu.memory_space<vmem>>) semaphore(%arg9 : memref<!tpu.dma_semaphore, #tpu.memory_space<semaphore_mem>>) {add = true}
      %dma_wait3A = arith.constant 0 : i32
      %dma_wait3A_105 = arith.constant 0 : i32
      %dma_wait3A_106 = tpu.memref_slice %arg6[%dma_wait3A, %dma_wait3A_105] : memref<8x128xi32, #tpu.memory_space<vmem>> -> memref<1x128xi32, #tpu.memory_space<vmem>>
      %dma_wait3A_107 = tpu.memref_squeeze %dma_wait3A_106 : memref<1x128xi32, #tpu.memory_space<vmem>> -> memref<128xi32, #tpu.memory_space<vmem>>
      %dma_wait3A_108 = arith.constant 0 : i32
      %dma_wait3A_109 = arith.constant 0 : i32
      %dma_wait3A_110 = tpu.memref_slice %arg8[%dma_wait3A_108, %dma_wait3A_109] : memref<50048x1xf32, #tpu.memory_space<vmem_shared>> -> memref<50048x1xf32, #tpu.memory_space<vmem_shared>>
      tpu.wait_indirect_dma semaphore(%arg9 : memref<!tpu.dma_semaphore, #tpu.memory_space<semaphore_mem>>) src(%arg7 : memref<128x1xf32, #tpu.memory_space<vmem>>) dst(%dma_wait3A_110 : memref<50048x1xf32, #tpu.memory_space<vmem_shared>>)
      %dma_wait3A_111 = arith.constant 1 : i32
      %dma_wait3A_112 = arith.constant 0 : i32
      %dma_wait3A_113 = tpu.memref_slice %arg6[%dma_wait3A_111, %dma_wait3A_112] : memref<8x128xi32, #tpu.memory_space<vmem>> -> memref<1x128xi32, #tpu.memory_space<vmem>>
      %dma_wait3A_114 = tpu.memref_squeeze %dma_wait3A_113 : memref<1x128xi32, #tpu.memory_space<vmem>> -> memref<128xi32, #tpu.memory_space<vmem>>
      %dma_wait3A_115 = arith.constant 0 : i32
      %dma_wait3A_116 = arith.constant 0 : i32
      %dma_wait3A_117 = tpu.memref_slice %arg8[%dma_wait3A_115, %dma_wait3A_116] : memref<50048x1xf32, #tpu.memory_space<vmem_shared>> -> memref<50048x1xf32, #tpu.memory_space<vmem_shared>>
      tpu.wait_indirect_dma semaphore(%arg9 : memref<!tpu.dma_semaphore, #tpu.memory_space<semaphore_mem>>) src(%arg7 : memref<128x1xf32, #tpu.memory_space<vmem>>) dst(%dma_wait3A_117 : memref<50048x1xf32, #tpu.memory_space<vmem_shared>>)
      %dma_wait3A_118 = arith.constant 2 : i32
      %dma_wait3A_119 = arith.constant 0 : i32
      %dma_wait3A_120 = tpu.memref_slice %arg6[%dma_wait3A_118, %dma_wait3A_119] : memref<8x128xi32, #tpu.memory_space<vmem>> -> memref<1x128xi32, #tpu.memory_space<vmem>>
      %dma_wait3A_121 = tpu.memref_squeeze %dma_wait3A_120 : memref<1x128xi32, #tpu.memory_space<vmem>> -> memref<128xi32, #tpu.memory_space<vmem>>
      %dma_wait3A_122 = arith.constant 0 : i32
      %dma_wait3A_123 = arith.constant 0 : i32
      %dma_wait3A_124 = tpu.memref_slice %arg8[%dma_wait3A_122, %dma_wait3A_123] : memref<50048x1xf32, #tpu.memory_space<vmem_shared>> -> memref<50048x1xf32, #tpu.memory_space<vmem_shared>>
      tpu.wait_indirect_dma semaphore(%arg9 : memref<!tpu.dma_semaphore, #tpu.memory_space<semaphore_mem>>) src(%arg7 : memref<128x1xf32, #tpu.memory_space<vmem>>) dst(%dma_wait3A_124 : memref<50048x1xf32, #tpu.memory_space<vmem_shared>>)
      %dma_wait3A_125 = arith.constant 3 : i32
      %dma_wait3A_126 = arith.constant 0 : i32
      %dma_wait3A_127 = tpu.memref_slice %arg6[%dma_wait3A_125, %dma_wait3A_126] : memref<8x128xi32, #tpu.memory_space<vmem>> -> memref<1x128xi32, #tpu.memory_space<vmem>>
      %dma_wait3A_128 = tpu.memref_squeeze %dma_wait3A_127 : memref<1x128xi32, #tpu.memory_space<vmem>> -> memref<128xi32, #tpu.memory_space<vmem>>
      %dma_wait3A_129 = arith.constant 0 : i32
      %dma_wait3A_130 = arith.constant 0 : i32
      %dma_wait3A_131 = tpu.memref_slice %arg8[%dma_wait3A_129, %dma_wait3A_130] : memref<50048x1xf32, #tpu.memory_space<vmem_shared>> -> memref<50048x1xf32, #tpu.memory_space<vmem_shared>>
      tpu.wait_indirect_dma semaphore(%arg9 : memref<!tpu.dma_semaphore, #tpu.memory_space<semaphore_mem>>) src(%arg7 : memref<128x1xf32, #tpu.memory_space<vmem>>) dst(%dma_wait3A_131 : memref<50048x1xf32, #tpu.memory_space<vmem_shared>>)
      %dma_wait3A_132 = arith.constant 4 : i32
      %dma_wait3A_133 = arith.constant 0 : i32
      %dma_wait3A_134 = tpu.memref_slice %arg6[%dma_wait3A_132, %dma_wait3A_133] : memref<8x128xi32, #tpu.memory_space<vmem>> -> memref<1x128xi32, #tpu.memory_space<vmem>>
      %dma_wait3A_135 = tpu.memref_squeeze %dma_wait3A_134 : memref<1x128xi32, #tpu.memory_space<vmem>> -> memref<128xi32, #tpu.memory_space<vmem>>
      %dma_wait3A_136 = arith.constant 0 : i32
      %dma_wait3A_137 = arith.constant 0 : i32
      %dma_wait3A_138 = tpu.memref_slice %arg8[%dma_wait3A_136, %dma_wait3A_137] : memref<50048x1xf32, #tpu.memory_space<vmem_shared>> -> memref<50048x1xf32, #tpu.memory_space<vmem_shared>>
      tpu.wait_indirect_dma semaphore(%arg9 : memref<!tpu.dma_semaphore, #tpu.memory_space<semaphore_mem>>) src(%arg7 : memref<128x1xf32, #tpu.memory_space<vmem>>) dst(%dma_wait3A_138 : memref<50048x1xf32, #tpu.memory_space<vmem_shared>>)
      %dma_wait3A_139 = arith.constant 5 : i32
      %dma_wait3A_140 = arith.constant 0 : i32
      %dma_wait3A_141 = tpu.memref_slice %arg6[%dma_wait3A_139, %dma_wait3A_140] : memref<8x128xi32, #tpu.memory_space<vmem>> -> memref<1x128xi32, #tpu.memory_space<vmem>>
      %dma_wait3A_142 = tpu.memref_squeeze %dma_wait3A_141 : memref<1x128xi32, #tpu.memory_space<vmem>> -> memref<128xi32, #tpu.memory_space<vmem>>
      %dma_wait3A_143 = arith.constant 0 : i32
      %dma_wait3A_144 = arith.constant 0 : i32
      %dma_wait3A_145 = tpu.memref_slice %arg8[%dma_wait3A_143, %dma_wait3A_144] : memref<50048x1xf32, #tpu.memory_space<vmem_shared>> -> memref<50048x1xf32, #tpu.memory_space<vmem_shared>>
      tpu.wait_indirect_dma semaphore(%arg9 : memref<!tpu.dma_semaphore, #tpu.memory_space<semaphore_mem>>) src(%arg7 : memref<128x1xf32, #tpu.memory_space<vmem>>) dst(%dma_wait3A_145 : memref<50048x1xf32, #tpu.memory_space<vmem_shared>>)
      %dma_wait3A_146 = arith.constant 6 : i32
      %dma_wait3A_147 = arith.constant 0 : i32
      %dma_wait3A_148 = tpu.memref_slice %arg6[%dma_wait3A_146, %dma_wait3A_147] : memref<8x128xi32, #tpu.memory_space<vmem>> -> memref<1x128xi32, #tpu.memory_space<vmem>>
      %dma_wait3A_149 = tpu.memref_squeeze %dma_wait3A_148 : memref<1x128xi32, #tpu.memory_space<vmem>> -> memref<128xi32, #tpu.memory_space<vmem>>
      %dma_wait3A_150 = arith.constant 0 : i32
      %dma_wait3A_151 = arith.constant 0 : i32
      %dma_wait3A_152 = tpu.memref_slice %arg8[%dma_wait3A_150, %dma_wait3A_151] : memref<50048x1xf32, #tpu.memory_space<vmem_shared>> -> memref<50048x1xf32, #tpu.memory_space<vmem_shared>>
      tpu.wait_indirect_dma semaphore(%arg9 : memref<!tpu.dma_semaphore, #tpu.memory_space<semaphore_mem>>) src(%arg7 : memref<128x1xf32, #tpu.memory_space<vmem>>) dst(%dma_wait3A_152 : memref<50048x1xf32, #tpu.memory_space<vmem_shared>>)
      %dma_wait3A_153 = arith.constant 7 : i32
      %dma_wait3A_154 = arith.constant 0 : i32
      %dma_wait3A_155 = tpu.memref_slice %arg6[%dma_wait3A_153, %dma_wait3A_154] : memref<8x128xi32, #tpu.memory_space<vmem>> -> memref<1x128xi32, #tpu.memory_space<vmem>>
      %dma_wait3A_156 = tpu.memref_squeeze %dma_wait3A_155 : memref<1x128xi32, #tpu.memory_space<vmem>> -> memref<128xi32, #tpu.memory_space<vmem>>
      %dma_wait3A_157 = arith.constant 0 : i32
      %dma_wait3A_158 = arith.constant 0 : i32
      %dma_wait3A_159 = tpu.memref_slice %arg8[%dma_wait3A_157, %dma_wait3A_158] : memref<50048x1xf32, #tpu.memory_space<vmem_shared>> -> memref<50048x1xf32, #tpu.memory_space<vmem_shared>>
      tpu.wait_indirect_dma semaphore(%arg9 : memref<!tpu.dma_semaphore, #tpu.memory_space<semaphore_mem>>) src(%arg7 : memref<128x1xf32, #tpu.memory_space<vmem>>) dst(%dma_wait3A_159 : memref<50048x1xf32, #tpu.memory_space<vmem_shared>>)
    }
    %barrier3A_41 = arith.constant 0 : index
    tpu.barrier barrier_id(%barrier3A_41)
    %mul3A_42 = arith.constant 3128 : i32
    %mul3A_43 = arith.muli %arg1, %mul3A_42 : i32
    %mul3A_44 = arith.constant 3128 : i32
    %mul3A_45 = arith.muli %arg1, %mul3A_44 : i32
    "tpu.region"() ({
      %run_scoped3A = tpu.sem_alloc : memref<!tpu.dma_semaphore, #tpu.memory_space<semaphore_mem>>
      %dma_start3A = arith.constant 0 : i32
      %dma_start3A_46 = tpu.memref_slice %arg5[%arg0, %mul3A_45, %dma_start3A] : memref<2x50048x1xf32, #tpu.memory_space<hbm>> -> memref<1x3128x1xf32, #tpu.memory_space<hbm>>
      %dma_start3A_47 = tpu.memref_squeeze %dma_start3A_46 : memref<1x3128x1xf32, #tpu.memory_space<hbm>> -> memref<3128x1xf32, #tpu.memory_space<hbm>>
      %dma_start3A_48 = arith.constant 0 : i32
      %dma_start3A_49 = tpu.memref_slice %arg8[%mul3A_43, %dma_start3A_48] : memref<50048x1xf32, #tpu.memory_space<vmem_shared>> -> memref<3128x1xf32, #tpu.memory_space<vmem_shared>>
      tpu.enqueue_dma source(%dma_start3A_49 : memref<3128x1xf32, #tpu.memory_space<vmem_shared>>) target(%dma_start3A_47 : memref<3128x1xf32, #tpu.memory_space<hbm>>) target_semaphore(%run_scoped3A : memref<!tpu.dma_semaphore, #tpu.memory_space<semaphore_mem>>)
      %dma_wait3A = arith.constant 0 : i32
      %dma_wait3A_50 = tpu.memref_slice %arg5[%arg0, %mul3A_45, %dma_wait3A] : memref<2x50048x1xf32, #tpu.memory_space<hbm>> -> memref<1x3128x1xf32, #tpu.memory_space<hbm>>
      %dma_wait3A_51 = tpu.memref_squeeze %dma_wait3A_50 : memref<1x3128x1xf32, #tpu.memory_space<hbm>> -> memref<3128x1xf32, #tpu.memory_space<hbm>>
      %dma_wait3A_52 = arith.constant 0 : i32
      %dma_wait3A_53 = tpu.memref_slice %arg8[%mul3A_43, %dma_wait3A_52] : memref<50048x1xf32, #tpu.memory_space<vmem_shared>> -> memref<3128x1xf32, #tpu.memory_space<vmem_shared>>
      tpu.wait_dma2 semaphore(%run_scoped3A : memref<!tpu.dma_semaphore, #tpu.memory_space<semaphore_mem>>) src(%dma_wait3A_53 : memref<3128x1xf32, #tpu.memory_space<vmem_shared>>) dst(%dma_wait3A_51 : memref<3128x1xf32, #tpu.memory_space<hbm>>)
      tpu.yield
    }) : () -> ()
    return
  }
}

#map = affine_map<(d0, d1) -> (0, 0)>
#map1 = affine_map<(d0, d1) -> (0, 0, 0)>
module attributes {stable_mosaic.version = 14 : i64} {
  func.func @k(%arg0: i32, %arg1: i32, %arg2: memref<50000x16xf32, #tpu.memory_space<hbm>>, %arg3: memref<6400x128xi32, #tpu.memory_space<hbm>>, %arg4: memref<6400x128xi32, #tpu.memory_space<hbm>>, %arg5: memref<3128x16xf32, #tpu.memory_space<hbm>>, %arg6: memref<2x50048x16xf32, #tpu.memory_space<hbm>>, %arg7: memref<8x128xi32, #tpu.memory_space<vmem>>, %arg8: memref<8x128xi32, #tpu.memory_space<vmem>>, %arg9: memref<1024x16xf32, #tpu.memory_space<vmem>>, %arg10: memref<1024x16xf32, #tpu.memory_space<vmem>>, %arg11: memref<50048x16xf32, #tpu.memory_space<vmem_shared>>, %arg12: memref<!tpu.dma_semaphore, #tpu.memory_space<semaphore_mem>>, %arg13: memref<!tpu.dma_semaphore, #tpu.memory_space<semaphore_mem>>, %arg14: memref<!tpu.dma_semaphore, #tpu.memory_space<semaphore_mem>>, %arg15: memref<!tpu.dma_semaphore, #tpu.memory_space<semaphore_mem>>) attributes {dimension_semantics = [#tpu.dimension_semantics<core_parallel>, #tpu.dimension_semantics<subcore_parallel>], iteration_bounds = array<i64: 2, 16>, scalar_prefetch = 0 : i64, scratch_operands = 9 : i64, tpu.core_type = #tpu.core_type<sc_vector_subcore>, window_params = [{transform_indices = #map}, {transform_indices = #map}, {transform_indices = #map}, {transform_indices = #map}, {transform_indices = #map1}]} {
    %mul3A = arith.constant 3128 : i32
    %mul3A_0 = arith.muli %arg1, %mul3A : i32
    "tpu.region"() ({
      %run_scoped3A = tpu.sem_alloc : memref<!tpu.dma_semaphore, #tpu.memory_space<semaphore_mem>>
      %dma_start3A = arith.constant 0 : i32
      %dma_start3A_46 = tpu.memref_slice %arg11[%mul3A_0, %dma_start3A] : memref<50048x16xf32, #tpu.memory_space<vmem_shared>> -> memref<3128x16xf32, #tpu.memory_space<vmem_shared>>
      tpu.enqueue_dma source(%arg5 : memref<3128x16xf32, #tpu.memory_space<hbm>>) target(%dma_start3A_46 : memref<3128x16xf32, #tpu.memory_space<vmem_shared>>) target_semaphore(%run_scoped3A : memref<!tpu.dma_semaphore, #tpu.memory_space<semaphore_mem>>)
      %dma_wait3A = arith.constant 0 : i32
      %dma_wait3A_47 = tpu.memref_slice %arg11[%mul3A_0, %dma_wait3A] : memref<50048x16xf32, #tpu.memory_space<vmem_shared>> -> memref<3128x16xf32, #tpu.memory_space<vmem_shared>>
      tpu.wait_dma2 semaphore(%run_scoped3A : memref<!tpu.dma_semaphore, #tpu.memory_space<semaphore_mem>>) src(%arg5 : memref<3128x16xf32, #tpu.memory_space<hbm>>) dst(%dma_wait3A_47 : memref<3128x16xf32, #tpu.memory_space<vmem_shared>>)
      tpu.yield
    }) : () -> ()
    %barrier3A = arith.constant 0 : index
    tpu.barrier barrier_id(%barrier3A)
    %eq3A = arith.constant 0 : i32
    %eq3A_1 = arith.cmpi eq, %arg0, %eq3A : i32
    %jit3A = arith.constant 400 : i32
    %jit3A_2 = arith.constant 400 : i32
    %select_n3A = arith.select %eq3A_1, %jit3A, %jit3A_2 : i32
    %eq3A_3 = arith.constant 0 : i32
    %eq3A_4 = arith.cmpi eq, %arg0, %eq3A_3 : i32
    %jit3A_5 = arith.constant 0 : i32
    %jit3A_6 = arith.constant 400 : i32
    %select_n3A_7 = arith.select %eq3A_4, %jit3A_5, %jit3A_6 : i32
    %jit3A_8 = arith.constant 16 : i32
    %div3A = arith.divsi %select_n3A, %jit3A_8 : i32
    %sign3A = arith.constant 0 : i32
    %sign3A_9 = arith.cmpi sgt, %select_n3A, %sign3A : i32
    %sign3A_10 = arith.extui %sign3A_9 : i1 to i32
    %sign3A_11 = arith.constant 0 : i32
    %sign3A_12 = arith.cmpi slt, %select_n3A, %sign3A_11 : i32
    %sign3A_13 = arith.extui %sign3A_12 : i1 to i32
    %sign3A_14 = arith.subi %sign3A_10, %sign3A_13 : i32
    %sign3A_15 = arith.constant 0 : i32
    %sign3A_16 = arith.cmpi sgt, %jit3A_8, %sign3A_15 : i32
    %sign3A_17 = arith.extui %sign3A_16 : i1 to i32
    %sign3A_18 = arith.constant 0 : i32
    %sign3A_19 = arith.cmpi slt, %jit3A_8, %sign3A_18 : i32
    %sign3A_20 = arith.extui %sign3A_19 : i1 to i32
    %sign3A_21 = arith.subi %sign3A_17, %sign3A_20 : i32
    %ne3A = arith.cmpi ne, %sign3A_14, %sign3A_21 : i32
    %rem3A = arith.remsi %select_n3A, %jit3A_8 : i32
    %ne3A_22 = arith.constant 0 : i32
    %ne3A_23 = arith.cmpi ne, %rem3A, %ne3A_22 : i32
    %and3A = arith.andi %ne3A, %ne3A_23 : i1
    %sub3A = arith.constant 1 : i32
    %sub3A_24 = arith.subi %div3A, %sub3A : i32
    %select_n3A_25 = arith.select %and3A, %sub3A_24, %div3A : i32
    %mul3A_26 = arith.constant 16 : i32
    %mul3A_27 = arith.muli %select_n3A_25, %mul3A_26 : i32
    %sub3A_28 = arith.subi %select_n3A, %mul3A_27 : i32
    %mul3A_29 = arith.muli %arg1, %select_n3A_25 : i32
    %add3A = arith.addi %select_n3A_7, %mul3A_29 : i32
    %min3A = arith.minsi %arg1, %sub3A_28 : i32
    %add3A_30 = arith.addi %add3A, %min3A : i32
    %lt3A = arith.cmpi slt, %arg1, %sub3A_28 : i32
    %convert_element_type3A = arith.extui %lt3A : i1 to i32
    %add3A_31 = arith.addi %select_n3A_25, %convert_element_type3A : i32
    %while3A = arith.constant 0 : i32
    %while3A_32 = arith.constant 0 : i32
    %while3A_33 = arith.subi %add3A_31, %while3A_32 : i32
    %while3A_34 = arith.addi %while3A_32, %while3A_33 : i32
    %while3A_35 = arith.constant 1 : i32
    %while3A_36 = arith.divsi %while3A_33, %while3A_35 : i32
    %while3A_37 = arith.muli %while3A_36, %while3A_35 : i32
    %while3A_38 = arith.addi %while3A_32, %while3A_37 : i32
    %while3A_39 = arith.constant 1 : i32
    scf.for %while3A_46 = %while3A_32 to %while3A_38 step %while3A_39  : i32 {
      %add3A_47 = arith.addi %add3A_30, %while3A_46 : i32
      %mul3A_48 = arith.constant 8 : i32
      %mul3A_49 = arith.muli %add3A_47, %mul3A_48 : i32
      "tpu.region"() ({
        %run_scoped3A = tpu.sem_alloc : memref<!tpu.dma_semaphore, #tpu.memory_space<semaphore_mem>>
        %dma_start3A_368 = arith.constant 0 : i32
        %dma_start3A_369 = tpu.memref_slice %arg3[%mul3A_49, %dma_start3A_368] : memref<6400x128xi32, #tpu.memory_space<hbm>> -> memref<8x128xi32, #tpu.memory_space<hbm>>
        %dma_start3A_370 = arith.constant 0 : i32
        %dma_start3A_371 = tpu.memref_slice %arg3[%mul3A_49, %dma_start3A_370] : memref<6400x128xi32, #tpu.memory_space<hbm>> -> memref<8x128xi32, #tpu.memory_space<hbm>>
        tpu.enqueue_dma source(%dma_start3A_371 : memref<8x128xi32, #tpu.memory_space<hbm>>) target(%arg7 : memref<8x128xi32, #tpu.memory_space<vmem>>) target_semaphore(%run_scoped3A : memref<!tpu.dma_semaphore, #tpu.memory_space<semaphore_mem>>)
        %dma_wait3A_372 = arith.constant 0 : i32
        %dma_wait3A_373 = tpu.memref_slice %arg3[%mul3A_49, %dma_wait3A_372] : memref<6400x128xi32, #tpu.memory_space<hbm>> -> memref<8x128xi32, #tpu.memory_space<hbm>>
        %dma_wait3A_374 = arith.constant 0 : i32
        %dma_wait3A_375 = tpu.memref_slice %arg3[%mul3A_49, %dma_wait3A_374] : memref<6400x128xi32, #tpu.memory_space<hbm>> -> memref<8x128xi32, #tpu.memory_space<hbm>>
        tpu.wait_dma2 semaphore(%run_scoped3A : memref<!tpu.dma_semaphore, #tpu.memory_space<semaphore_mem>>) src(%dma_wait3A_375 : memref<8x128xi32, #tpu.memory_space<hbm>>) dst(%arg7 : memref<8x128xi32, #tpu.memory_space<vmem>>)
        tpu.yield
      }) : () -> ()
      "tpu.region"() ({
        %run_scoped3A = tpu.sem_alloc : memref<!tpu.dma_semaphore, #tpu.memory_space<semaphore_mem>>
        %dma_start3A_368 = arith.constant 0 : i32
        %dma_start3A_369 = tpu.memref_slice %arg4[%mul3A_49, %dma_start3A_368] : memref<6400x128xi32, #tpu.memory_space<hbm>> -> memref<8x128xi32, #tpu.memory_space<hbm>>
        %dma_start3A_370 = arith.constant 0 : i32
        %dma_start3A_371 = tpu.memref_slice %arg4[%mul3A_49, %dma_start3A_370] : memref<6400x128xi32, #tpu.memory_space<hbm>> -> memref<8x128xi32, #tpu.memory_space<hbm>>
        tpu.enqueue_dma source(%dma_start3A_371 : memref<8x128xi32, #tpu.memory_space<hbm>>) target(%arg8 : memref<8x128xi32, #tpu.memory_space<vmem>>) target_semaphore(%run_scoped3A : memref<!tpu.dma_semaphore, #tpu.memory_space<semaphore_mem>>)
        %dma_wait3A_372 = arith.constant 0 : i32
        %dma_wait3A_373 = tpu.memref_slice %arg4[%mul3A_49, %dma_wait3A_372] : memref<6400x128xi32, #tpu.memory_space<hbm>> -> memref<8x128xi32, #tpu.memory_space<hbm>>
        %dma_wait3A_374 = arith.constant 0 : i32
        %dma_wait3A_375 = tpu.memref_slice %arg4[%mul3A_49, %dma_wait3A_374] : memref<6400x128xi32, #tpu.memory_space<hbm>> -> memref<8x128xi32, #tpu.memory_space<hbm>>
        tpu.wait_dma2 semaphore(%run_scoped3A : memref<!tpu.dma_semaphore, #tpu.memory_space<semaphore_mem>>) src(%dma_wait3A_375 : memref<8x128xi32, #tpu.memory_space<hbm>>) dst(%arg8 : memref<8x128xi32, #tpu.memory_space<vmem>>)
        tpu.yield
      }) : () -> ()
      %dma_start3A = arith.constant 0 : i32
      %dma_start3A_50 = arith.constant 0 : i32
      %dma_start3A_51 = arith.constant 0 : i32
      %dma_start3A_52 = tpu.memref_slice %arg9[%dma_start3A_50, %dma_start3A_51] : memref<1024x16xf32, #tpu.memory_space<vmem>> -> memref<128x16xf32, #tpu.memory_space<vmem>>
      %dma_start3A_53 = arith.constant 0 : i32
      %dma_start3A_54 = tpu.memref_slice %arg7[%dma_start3A, %dma_start3A_53] : memref<8x128xi32, #tpu.memory_space<vmem>> -> memref<1x128xi32, #tpu.memory_space<vmem>>
      %dma_start3A_55 = tpu.memref_squeeze %dma_start3A_54 : memref<1x128xi32, #tpu.memory_space<vmem>> -> memref<128xi32, #tpu.memory_space<vmem>>
      %dma_start3A_56 = arith.constant 0 : i32
      %dma_start3A_57 = arith.constant 0 : i32
      %dma_start3A_58 = tpu.memref_slice %arg2[%dma_start3A_56, %dma_start3A_57] : memref<50000x16xf32, #tpu.memory_space<hbm>> -> memref<50000x16xf32, #tpu.memory_space<hbm>>
      tpu.enqueue_indirect_dma source(%dma_start3A_58 : memref<50000x16xf32, #tpu.memory_space<hbm>>) target(%dma_start3A_52 : memref<128x16xf32, #tpu.memory_space<vmem>>) offsets(%dma_start3A_55 : memref<128xi32, #tpu.memory_space<vmem>>) semaphore(%arg12 : memref<!tpu.dma_semaphore, #tpu.memory_space<semaphore_mem>>)
      %dma_start3A_59 = arith.constant 1 : i32
      %dma_start3A_60 = arith.constant 128 : i32
      %dma_start3A_61 = arith.constant 0 : i32
      %dma_start3A_62 = tpu.memref_slice %arg9[%dma_start3A_60, %dma_start3A_61] : memref<1024x16xf32, #tpu.memory_space<vmem>> -> memref<128x16xf32, #tpu.memory_space<vmem>>
      %dma_start3A_63 = arith.constant 0 : i32
      %dma_start3A_64 = tpu.memref_slice %arg7[%dma_start3A_59, %dma_start3A_63] : memref<8x128xi32, #tpu.memory_space<vmem>> -> memref<1x128xi32, #tpu.memory_space<vmem>>
      %dma_start3A_65 = tpu.memref_squeeze %dma_start3A_64 : memref<1x128xi32, #tpu.memory_space<vmem>> -> memref<128xi32, #tpu.memory_space<vmem>>
      %dma_start3A_66 = arith.constant 0 : i32
      %dma_start3A_67 = arith.constant 0 : i32
      %dma_start3A_68 = tpu.memref_slice %arg2[%dma_start3A_66, %dma_start3A_67] : memref<50000x16xf32, #tpu.memory_space<hbm>> -> memref<50000x16xf32, #tpu.memory_space<hbm>>
      tpu.enqueue_indirect_dma source(%dma_start3A_68 : memref<50000x16xf32, #tpu.memory_space<hbm>>) target(%dma_start3A_62 : memref<128x16xf32, #tpu.memory_space<vmem>>) offsets(%dma_start3A_65 : memref<128xi32, #tpu.memory_space<vmem>>) semaphore(%arg12 : memref<!tpu.dma_semaphore, #tpu.memory_space<semaphore_mem>>)
      %dma_start3A_69 = arith.constant 2 : i32
      %dma_start3A_70 = arith.constant 256 : i32
      %dma_start3A_71 = arith.constant 0 : i32
      %dma_start3A_72 = tpu.memref_slice %arg9[%dma_start3A_70, %dma_start3A_71] : memref<1024x16xf32, #tpu.memory_space<vmem>> -> memref<128x16xf32, #tpu.memory_space<vmem>>
      %dma_start3A_73 = arith.constant 0 : i32
      %dma_start3A_74 = tpu.memref_slice %arg7[%dma_start3A_69, %dma_start3A_73] : memref<8x128xi32, #tpu.memory_space<vmem>> -> memref<1x128xi32, #tpu.memory_space<vmem>>
      %dma_start3A_75 = tpu.memref_squeeze %dma_start3A_74 : memref<1x128xi32, #tpu.memory_space<vmem>> -> memref<128xi32, #tpu.memory_space<vmem>>
      %dma_start3A_76 = arith.constant 0 : i32
      %dma_start3A_77 = arith.constant 0 : i32
      %dma_start3A_78 = tpu.memref_slice %arg2[%dma_start3A_76, %dma_start3A_77] : memref<50000x16xf32, #tpu.memory_space<hbm>> -> memref<50000x16xf32, #tpu.memory_space<hbm>>
      tpu.enqueue_indirect_dma source(%dma_start3A_78 : memref<50000x16xf32, #tpu.memory_space<hbm>>) target(%dma_start3A_72 : memref<128x16xf32, #tpu.memory_space<vmem>>) offsets(%dma_start3A_75 : memref<128xi32, #tpu.memory_space<vmem>>) semaphore(%arg12 : memref<!tpu.dma_semaphore, #tpu.memory_space<semaphore_mem>>)
      %dma_start3A_79 = arith.constant 3 : i32
      %dma_start3A_80 = arith.constant 384 : i32
      %dma_start3A_81 = arith.constant 0 : i32
      %dma_start3A_82 = tpu.memref_slice %arg9[%dma_start3A_80, %dma_start3A_81] : memref<1024x16xf32, #tpu.memory_space<vmem>> -> memref<128x16xf32, #tpu.memory_space<vmem>>
      %dma_start3A_83 = arith.constant 0 : i32
      %dma_start3A_84 = tpu.memref_slice %arg7[%dma_start3A_79, %dma_start3A_83] : memref<8x128xi32, #tpu.memory_space<vmem>> -> memref<1x128xi32, #tpu.memory_space<vmem>>
      %dma_start3A_85 = tpu.memref_squeeze %dma_start3A_84 : memref<1x128xi32, #tpu.memory_space<vmem>> -> memref<128xi32, #tpu.memory_space<vmem>>
      %dma_start3A_86 = arith.constant 0 : i32
      %dma_start3A_87 = arith.constant 0 : i32
      %dma_start3A_88 = tpu.memref_slice %arg2[%dma_start3A_86, %dma_start3A_87] : memref<50000x16xf32, #tpu.memory_space<hbm>> -> memref<50000x16xf32, #tpu.memory_space<hbm>>
      tpu.enqueue_indirect_dma source(%dma_start3A_88 : memref<50000x16xf32, #tpu.memory_space<hbm>>) target(%dma_start3A_82 : memref<128x16xf32, #tpu.memory_space<vmem>>) offsets(%dma_start3A_85 : memref<128xi32, #tpu.memory_space<vmem>>) semaphore(%arg12 : memref<!tpu.dma_semaphore, #tpu.memory_space<semaphore_mem>>)
      %dma_start3A_89 = arith.constant 4 : i32
      %dma_start3A_90 = arith.constant 512 : i32
      %dma_start3A_91 = arith.constant 0 : i32
      %dma_start3A_92 = tpu.memref_slice %arg9[%dma_start3A_90, %dma_start3A_91] : memref<1024x16xf32, #tpu.memory_space<vmem>> -> memref<128x16xf32, #tpu.memory_space<vmem>>
      %dma_start3A_93 = arith.constant 0 : i32
      %dma_start3A_94 = tpu.memref_slice %arg7[%dma_start3A_89, %dma_start3A_93] : memref<8x128xi32, #tpu.memory_space<vmem>> -> memref<1x128xi32, #tpu.memory_space<vmem>>
      %dma_start3A_95 = tpu.memref_squeeze %dma_start3A_94 : memref<1x128xi32, #tpu.memory_space<vmem>> -> memref<128xi32, #tpu.memory_space<vmem>>
      %dma_start3A_96 = arith.constant 0 : i32
      %dma_start3A_97 = arith.constant 0 : i32
      %dma_start3A_98 = tpu.memref_slice %arg2[%dma_start3A_96, %dma_start3A_97] : memref<50000x16xf32, #tpu.memory_space<hbm>> -> memref<50000x16xf32, #tpu.memory_space<hbm>>
      tpu.enqueue_indirect_dma source(%dma_start3A_98 : memref<50000x16xf32, #tpu.memory_space<hbm>>) target(%dma_start3A_92 : memref<128x16xf32, #tpu.memory_space<vmem>>) offsets(%dma_start3A_95 : memref<128xi32, #tpu.memory_space<vmem>>) semaphore(%arg12 : memref<!tpu.dma_semaphore, #tpu.memory_space<semaphore_mem>>)
      %dma_start3A_99 = arith.constant 5 : i32
      %dma_start3A_100 = arith.constant 640 : i32
      %dma_start3A_101 = arith.constant 0 : i32
      %dma_start3A_102 = tpu.memref_slice %arg9[%dma_start3A_100, %dma_start3A_101] : memref<1024x16xf32, #tpu.memory_space<vmem>> -> memref<128x16xf32, #tpu.memory_space<vmem>>
      %dma_start3A_103 = arith.constant 0 : i32
      %dma_start3A_104 = tpu.memref_slice %arg7[%dma_start3A_99, %dma_start3A_103] : memref<8x128xi32, #tpu.memory_space<vmem>> -> memref<1x128xi32, #tpu.memory_space<vmem>>
      %dma_start3A_105 = tpu.memref_squeeze %dma_start3A_104 : memref<1x128xi32, #tpu.memory_space<vmem>> -> memref<128xi32, #tpu.memory_space<vmem>>
      %dma_start3A_106 = arith.constant 0 : i32
      %dma_start3A_107 = arith.constant 0 : i32
      %dma_start3A_108 = tpu.memref_slice %arg2[%dma_start3A_106, %dma_start3A_107] : memref<50000x16xf32, #tpu.memory_space<hbm>> -> memref<50000x16xf32, #tpu.memory_space<hbm>>
      tpu.enqueue_indirect_dma source(%dma_start3A_108 : memref<50000x16xf32, #tpu.memory_space<hbm>>) target(%dma_start3A_102 : memref<128x16xf32, #tpu.memory_space<vmem>>) offsets(%dma_start3A_105 : memref<128xi32, #tpu.memory_space<vmem>>) semaphore(%arg12 : memref<!tpu.dma_semaphore, #tpu.memory_space<semaphore_mem>>)
      %dma_start3A_109 = arith.constant 6 : i32
      %dma_start3A_110 = arith.constant 768 : i32
      %dma_start3A_111 = arith.constant 0 : i32
      %dma_start3A_112 = tpu.memref_slice %arg9[%dma_start3A_110, %dma_start3A_111] : memref<1024x16xf32, #tpu.memory_space<vmem>> -> memref<128x16xf32, #tpu.memory_space<vmem>>
      %dma_start3A_113 = arith.constant 0 : i32
      %dma_start3A_114 = tpu.memref_slice %arg7[%dma_start3A_109, %dma_start3A_113] : memref<8x128xi32, #tpu.memory_space<vmem>> -> memref<1x128xi32, #tpu.memory_space<vmem>>
      %dma_start3A_115 = tpu.memref_squeeze %dma_start3A_114 : memref<1x128xi32, #tpu.memory_space<vmem>> -> memref<128xi32, #tpu.memory_space<vmem>>
      %dma_start3A_116 = arith.constant 0 : i32
      %dma_start3A_117 = arith.constant 0 : i32
      %dma_start3A_118 = tpu.memref_slice %arg2[%dma_start3A_116, %dma_start3A_117] : memref<50000x16xf32, #tpu.memory_space<hbm>> -> memref<50000x16xf32, #tpu.memory_space<hbm>>
      tpu.enqueue_indirect_dma source(%dma_start3A_118 : memref<50000x16xf32, #tpu.memory_space<hbm>>) target(%dma_start3A_112 : memref<128x16xf32, #tpu.memory_space<vmem>>) offsets(%dma_start3A_115 : memref<128xi32, #tpu.memory_space<vmem>>) semaphore(%arg12 : memref<!tpu.dma_semaphore, #tpu.memory_space<semaphore_mem>>)
      %dma_start3A_119 = arith.constant 7 : i32
      %dma_start3A_120 = arith.constant 896 : i32
      %dma_start3A_121 = arith.constant 0 : i32
      %dma_start3A_122 = tpu.memref_slice %arg9[%dma_start3A_120, %dma_start3A_121] : memref<1024x16xf32, #tpu.memory_space<vmem>> -> memref<128x16xf32, #tpu.memory_space<vmem>>
      %dma_start3A_123 = arith.constant 0 : i32
      %dma_start3A_124 = tpu.memref_slice %arg7[%dma_start3A_119, %dma_start3A_123] : memref<8x128xi32, #tpu.memory_space<vmem>> -> memref<1x128xi32, #tpu.memory_space<vmem>>
      %dma_start3A_125 = tpu.memref_squeeze %dma_start3A_124 : memref<1x128xi32, #tpu.memory_space<vmem>> -> memref<128xi32, #tpu.memory_space<vmem>>
      %dma_start3A_126 = arith.constant 0 : i32
      %dma_start3A_127 = arith.constant 0 : i32
      %dma_start3A_128 = tpu.memref_slice %arg2[%dma_start3A_126, %dma_start3A_127] : memref<50000x16xf32, #tpu.memory_space<hbm>> -> memref<50000x16xf32, #tpu.memory_space<hbm>>
      tpu.enqueue_indirect_dma source(%dma_start3A_128 : memref<50000x16xf32, #tpu.memory_space<hbm>>) target(%dma_start3A_122 : memref<128x16xf32, #tpu.memory_space<vmem>>) offsets(%dma_start3A_125 : memref<128xi32, #tpu.memory_space<vmem>>) semaphore(%arg12 : memref<!tpu.dma_semaphore, #tpu.memory_space<semaphore_mem>>)
      %dma_wait3A = arith.constant 0 : i32
      %dma_wait3A_129 = arith.constant 0 : i32
      %dma_wait3A_130 = arith.constant 0 : i32
      %dma_wait3A_131 = tpu.memref_slice %arg9[%dma_wait3A_129, %dma_wait3A_130] : memref<1024x16xf32, #tpu.memory_space<vmem>> -> memref<128x16xf32, #tpu.memory_space<vmem>>
      %dma_wait3A_132 = arith.constant 0 : i32
      %dma_wait3A_133 = tpu.memref_slice %arg7[%dma_wait3A, %dma_wait3A_132] : memref<8x128xi32, #tpu.memory_space<vmem>> -> memref<1x128xi32, #tpu.memory_space<vmem>>
      %dma_wait3A_134 = tpu.memref_squeeze %dma_wait3A_133 : memref<1x128xi32, #tpu.memory_space<vmem>> -> memref<128xi32, #tpu.memory_space<vmem>>
      %dma_wait3A_135 = arith.constant 0 : i32
      %dma_wait3A_136 = arith.constant 0 : i32
      %dma_wait3A_137 = tpu.memref_slice %arg2[%dma_wait3A_135, %dma_wait3A_136] : memref<50000x16xf32, #tpu.memory_space<hbm>> -> memref<50000x16xf32, #tpu.memory_space<hbm>>
      tpu.wait_indirect_dma semaphore(%arg12 : memref<!tpu.dma_semaphore, #tpu.memory_space<semaphore_mem>>) src(%dma_wait3A_137 : memref<50000x16xf32, #tpu.memory_space<hbm>>) dst(%dma_wait3A_131 : memref<128x16xf32, #tpu.memory_space<vmem>>)
      %dma_wait3A_138 = arith.constant 1 : i32
      %dma_wait3A_139 = arith.constant 128 : i32
      %dma_wait3A_140 = arith.constant 0 : i32
      %dma_wait3A_141 = tpu.memref_slice %arg9[%dma_wait3A_139, %dma_wait3A_140] : memref<1024x16xf32, #tpu.memory_space<vmem>> -> memref<128x16xf32, #tpu.memory_space<vmem>>
      %dma_wait3A_142 = arith.constant 0 : i32
      %dma_wait3A_143 = tpu.memref_slice %arg7[%dma_wait3A_138, %dma_wait3A_142] : memref<8x128xi32, #tpu.memory_space<vmem>> -> memref<1x128xi32, #tpu.memory_space<vmem>>
      %dma_wait3A_144 = tpu.memref_squeeze %dma_wait3A_143 : memref<1x128xi32, #tpu.memory_space<vmem>> -> memref<128xi32, #tpu.memory_space<vmem>>
      %dma_wait3A_145 = arith.constant 0 : i32
      %dma_wait3A_146 = arith.constant 0 : i32
      %dma_wait3A_147 = tpu.memref_slice %arg2[%dma_wait3A_145, %dma_wait3A_146] : memref<50000x16xf32, #tpu.memory_space<hbm>> -> memref<50000x16xf32, #tpu.memory_space<hbm>>
      tpu.wait_indirect_dma semaphore(%arg12 : memref<!tpu.dma_semaphore, #tpu.memory_space<semaphore_mem>>) src(%dma_wait3A_147 : memref<50000x16xf32, #tpu.memory_space<hbm>>) dst(%dma_wait3A_141 : memref<128x16xf32, #tpu.memory_space<vmem>>)
      %dma_wait3A_148 = arith.constant 2 : i32
      %dma_wait3A_149 = arith.constant 256 : i32
      %dma_wait3A_150 = arith.constant 0 : i32
      %dma_wait3A_151 = tpu.memref_slice %arg9[%dma_wait3A_149, %dma_wait3A_150] : memref<1024x16xf32, #tpu.memory_space<vmem>> -> memref<128x16xf32, #tpu.memory_space<vmem>>
      %dma_wait3A_152 = arith.constant 0 : i32
      %dma_wait3A_153 = tpu.memref_slice %arg7[%dma_wait3A_148, %dma_wait3A_152] : memref<8x128xi32, #tpu.memory_space<vmem>> -> memref<1x128xi32, #tpu.memory_space<vmem>>
      %dma_wait3A_154 = tpu.memref_squeeze %dma_wait3A_153 : memref<1x128xi32, #tpu.memory_space<vmem>> -> memref<128xi32, #tpu.memory_space<vmem>>
      %dma_wait3A_155 = arith.constant 0 : i32
      %dma_wait3A_156 = arith.constant 0 : i32
      %dma_wait3A_157 = tpu.memref_slice %arg2[%dma_wait3A_155, %dma_wait3A_156] : memref<50000x16xf32, #tpu.memory_space<hbm>> -> memref<50000x16xf32, #tpu.memory_space<hbm>>
      tpu.wait_indirect_dma semaphore(%arg12 : memref<!tpu.dma_semaphore, #tpu.memory_space<semaphore_mem>>) src(%dma_wait3A_157 : memref<50000x16xf32, #tpu.memory_space<hbm>>) dst(%dma_wait3A_151 : memref<128x16xf32, #tpu.memory_space<vmem>>)
      %dma_wait3A_158 = arith.constant 3 : i32
      %dma_wait3A_159 = arith.constant 384 : i32
      %dma_wait3A_160 = arith.constant 0 : i32
      %dma_wait3A_161 = tpu.memref_slice %arg9[%dma_wait3A_159, %dma_wait3A_160] : memref<1024x16xf32, #tpu.memory_space<vmem>> -> memref<128x16xf32, #tpu.memory_space<vmem>>
      %dma_wait3A_162 = arith.constant 0 : i32
      %dma_wait3A_163 = tpu.memref_slice %arg7[%dma_wait3A_158, %dma_wait3A_162] : memref<8x128xi32, #tpu.memory_space<vmem>> -> memref<1x128xi32, #tpu.memory_space<vmem>>
      %dma_wait3A_164 = tpu.memref_squeeze %dma_wait3A_163 : memref<1x128xi32, #tpu.memory_space<vmem>> -> memref<128xi32, #tpu.memory_space<vmem>>
      %dma_wait3A_165 = arith.constant 0 : i32
      %dma_wait3A_166 = arith.constant 0 : i32
      %dma_wait3A_167 = tpu.memref_slice %arg2[%dma_wait3A_165, %dma_wait3A_166] : memref<50000x16xf32, #tpu.memory_space<hbm>> -> memref<50000x16xf32, #tpu.memory_space<hbm>>
      tpu.wait_indirect_dma semaphore(%arg12 : memref<!tpu.dma_semaphore, #tpu.memory_space<semaphore_mem>>) src(%dma_wait3A_167 : memref<50000x16xf32, #tpu.memory_space<hbm>>) dst(%dma_wait3A_161 : memref<128x16xf32, #tpu.memory_space<vmem>>)
      %dma_wait3A_168 = arith.constant 4 : i32
      %dma_wait3A_169 = arith.constant 512 : i32
      %dma_wait3A_170 = arith.constant 0 : i32
      %dma_wait3A_171 = tpu.memref_slice %arg9[%dma_wait3A_169, %dma_wait3A_170] : memref<1024x16xf32, #tpu.memory_space<vmem>> -> memref<128x16xf32, #tpu.memory_space<vmem>>
      %dma_wait3A_172 = arith.constant 0 : i32
      %dma_wait3A_173 = tpu.memref_slice %arg7[%dma_wait3A_168, %dma_wait3A_172] : memref<8x128xi32, #tpu.memory_space<vmem>> -> memref<1x128xi32, #tpu.memory_space<vmem>>
      %dma_wait3A_174 = tpu.memref_squeeze %dma_wait3A_173 : memref<1x128xi32, #tpu.memory_space<vmem>> -> memref<128xi32, #tpu.memory_space<vmem>>
      %dma_wait3A_175 = arith.constant 0 : i32
      %dma_wait3A_176 = arith.constant 0 : i32
      %dma_wait3A_177 = tpu.memref_slice %arg2[%dma_wait3A_175, %dma_wait3A_176] : memref<50000x16xf32, #tpu.memory_space<hbm>> -> memref<50000x16xf32, #tpu.memory_space<hbm>>
      tpu.wait_indirect_dma semaphore(%arg12 : memref<!tpu.dma_semaphore, #tpu.memory_space<semaphore_mem>>) src(%dma_wait3A_177 : memref<50000x16xf32, #tpu.memory_space<hbm>>) dst(%dma_wait3A_171 : memref<128x16xf32, #tpu.memory_space<vmem>>)
      %dma_wait3A_178 = arith.constant 5 : i32
      %dma_wait3A_179 = arith.constant 640 : i32
      %dma_wait3A_180 = arith.constant 0 : i32
      %dma_wait3A_181 = tpu.memref_slice %arg9[%dma_wait3A_179, %dma_wait3A_180] : memref<1024x16xf32, #tpu.memory_space<vmem>> -> memref<128x16xf32, #tpu.memory_space<vmem>>
      %dma_wait3A_182 = arith.constant 0 : i32
      %dma_wait3A_183 = tpu.memref_slice %arg7[%dma_wait3A_178, %dma_wait3A_182] : memref<8x128xi32, #tpu.memory_space<vmem>> -> memref<1x128xi32, #tpu.memory_space<vmem>>
      %dma_wait3A_184 = tpu.memref_squeeze %dma_wait3A_183 : memref<1x128xi32, #tpu.memory_space<vmem>> -> memref<128xi32, #tpu.memory_space<vmem>>
      %dma_wait3A_185 = arith.constant 0 : i32
      %dma_wait3A_186 = arith.constant 0 : i32
      %dma_wait3A_187 = tpu.memref_slice %arg2[%dma_wait3A_185, %dma_wait3A_186] : memref<50000x16xf32, #tpu.memory_space<hbm>> -> memref<50000x16xf32, #tpu.memory_space<hbm>>
      tpu.wait_indirect_dma semaphore(%arg12 : memref<!tpu.dma_semaphore, #tpu.memory_space<semaphore_mem>>) src(%dma_wait3A_187 : memref<50000x16xf32, #tpu.memory_space<hbm>>) dst(%dma_wait3A_181 : memref<128x16xf32, #tpu.memory_space<vmem>>)
      %dma_wait3A_188 = arith.constant 6 : i32
      %dma_wait3A_189 = arith.constant 768 : i32
      %dma_wait3A_190 = arith.constant 0 : i32
      %dma_wait3A_191 = tpu.memref_slice %arg9[%dma_wait3A_189, %dma_wait3A_190] : memref<1024x16xf32, #tpu.memory_space<vmem>> -> memref<128x16xf32, #tpu.memory_space<vmem>>
      %dma_wait3A_192 = arith.constant 0 : i32
      %dma_wait3A_193 = tpu.memref_slice %arg7[%dma_wait3A_188, %dma_wait3A_192] : memref<8x128xi32, #tpu.memory_space<vmem>> -> memref<1x128xi32, #tpu.memory_space<vmem>>
      %dma_wait3A_194 = tpu.memref_squeeze %dma_wait3A_193 : memref<1x128xi32, #tpu.memory_space<vmem>> -> memref<128xi32, #tpu.memory_space<vmem>>
      %dma_wait3A_195 = arith.constant 0 : i32
      %dma_wait3A_196 = arith.constant 0 : i32
      %dma_wait3A_197 = tpu.memref_slice %arg2[%dma_wait3A_195, %dma_wait3A_196] : memref<50000x16xf32, #tpu.memory_space<hbm>> -> memref<50000x16xf32, #tpu.memory_space<hbm>>
      tpu.wait_indirect_dma semaphore(%arg12 : memref<!tpu.dma_semaphore, #tpu.memory_space<semaphore_mem>>) src(%dma_wait3A_197 : memref<50000x16xf32, #tpu.memory_space<hbm>>) dst(%dma_wait3A_191 : memref<128x16xf32, #tpu.memory_space<vmem>>)
      %dma_wait3A_198 = arith.constant 7 : i32
      %dma_wait3A_199 = arith.constant 896 : i32
      %dma_wait3A_200 = arith.constant 0 : i32
      %dma_wait3A_201 = tpu.memref_slice %arg9[%dma_wait3A_199, %dma_wait3A_200] : memref<1024x16xf32, #tpu.memory_space<vmem>> -> memref<128x16xf32, #tpu.memory_space<vmem>>
      %dma_wait3A_202 = arith.constant 0 : i32
      %dma_wait3A_203 = tpu.memref_slice %arg7[%dma_wait3A_198, %dma_wait3A_202] : memref<8x128xi32, #tpu.memory_space<vmem>> -> memref<1x128xi32, #tpu.memory_space<vmem>>
      %dma_wait3A_204 = tpu.memref_squeeze %dma_wait3A_203 : memref<1x128xi32, #tpu.memory_space<vmem>> -> memref<128xi32, #tpu.memory_space<vmem>>
      %dma_wait3A_205 = arith.constant 0 : i32
      %dma_wait3A_206 = arith.constant 0 : i32
      %dma_wait3A_207 = tpu.memref_slice %arg2[%dma_wait3A_205, %dma_wait3A_206] : memref<50000x16xf32, #tpu.memory_space<hbm>> -> memref<50000x16xf32, #tpu.memory_space<hbm>>
      tpu.wait_indirect_dma semaphore(%arg12 : memref<!tpu.dma_semaphore, #tpu.memory_space<semaphore_mem>>) src(%dma_wait3A_207 : memref<50000x16xf32, #tpu.memory_space<hbm>>) dst(%dma_wait3A_201 : memref<128x16xf32, #tpu.memory_space<vmem>>)
      %dma_start3A_208 = arith.constant 0 : i32
      %dma_start3A_209 = arith.constant 0 : i32
      %dma_start3A_210 = arith.constant 0 : i32
      %dma_start3A_211 = tpu.memref_slice %arg9[%dma_start3A_209, %dma_start3A_210] : memref<1024x16xf32, #tpu.memory_space<vmem>> -> memref<128x16xf32, #tpu.memory_space<vmem>>
      %dma_start3A_212 = arith.constant 0 : i32
      %dma_start3A_213 = tpu.memref_slice %arg8[%dma_start3A_208, %dma_start3A_212] : memref<8x128xi32, #tpu.memory_space<vmem>> -> memref<1x128xi32, #tpu.memory_space<vmem>>
      %dma_start3A_214 = tpu.memref_squeeze %dma_start3A_213 : memref<1x128xi32, #tpu.memory_space<vmem>> -> memref<128xi32, #tpu.memory_space<vmem>>
      %dma_start3A_215 = arith.constant 0 : i32
      %dma_start3A_216 = arith.constant 0 : i32
      %dma_start3A_217 = tpu.memref_slice %arg11[%dma_start3A_215, %dma_start3A_216] : memref<50048x16xf32, #tpu.memory_space<vmem_shared>> -> memref<50048x16xf32, #tpu.memory_space<vmem_shared>>
      tpu.enqueue_indirect_dma source(%dma_start3A_211 : memref<128x16xf32, #tpu.memory_space<vmem>>) target(%dma_start3A_217 : memref<50048x16xf32, #tpu.memory_space<vmem_shared>>) offsets(%dma_start3A_214 : memref<128xi32, #tpu.memory_space<vmem>>) semaphore(%arg14 : memref<!tpu.dma_semaphore, #tpu.memory_space<semaphore_mem>>) {add = true}
      %dma_start3A_218 = arith.constant 1 : i32
      %dma_start3A_219 = arith.constant 128 : i32
      %dma_start3A_220 = arith.constant 0 : i32
      %dma_start3A_221 = tpu.memref_slice %arg9[%dma_start3A_219, %dma_start3A_220] : memref<1024x16xf32, #tpu.memory_space<vmem>> -> memref<128x16xf32, #tpu.memory_space<vmem>>
      %dma_start3A_222 = arith.constant 0 : i32
      %dma_start3A_223 = tpu.memref_slice %arg8[%dma_start3A_218, %dma_start3A_222] : memref<8x128xi32, #tpu.memory_space<vmem>> -> memref<1x128xi32, #tpu.memory_space<vmem>>
      %dma_start3A_224 = tpu.memref_squeeze %dma_start3A_223 : memref<1x128xi32, #tpu.memory_space<vmem>> -> memref<128xi32, #tpu.memory_space<vmem>>
      %dma_start3A_225 = arith.constant 0 : i32
      %dma_start3A_226 = arith.constant 0 : i32
      %dma_start3A_227 = tpu.memref_slice %arg11[%dma_start3A_225, %dma_start3A_226] : memref<50048x16xf32, #tpu.memory_space<vmem_shared>> -> memref<50048x16xf32, #tpu.memory_space<vmem_shared>>
      tpu.enqueue_indirect_dma source(%dma_start3A_221 : memref<128x16xf32, #tpu.memory_space<vmem>>) target(%dma_start3A_227 : memref<50048x16xf32, #tpu.memory_space<vmem_shared>>) offsets(%dma_start3A_224 : memref<128xi32, #tpu.memory_space<vmem>>) semaphore(%arg14 : memref<!tpu.dma_semaphore, #tpu.memory_space<semaphore_mem>>) {add = true}
      %dma_start3A_228 = arith.constant 2 : i32
      %dma_start3A_229 = arith.constant 256 : i32
      %dma_start3A_230 = arith.constant 0 : i32
      %dma_start3A_231 = tpu.memref_slice %arg9[%dma_start3A_229, %dma_start3A_230] : memref<1024x16xf32, #tpu.memory_space<vmem>> -> memref<128x16xf32, #tpu.memory_space<vmem>>
      %dma_start3A_232 = arith.constant 0 : i32
      %dma_start3A_233 = tpu.memref_slice %arg8[%dma_start3A_228, %dma_start3A_232] : memref<8x128xi32, #tpu.memory_space<vmem>> -> memref<1x128xi32, #tpu.memory_space<vmem>>
      %dma_start3A_234 = tpu.memref_squeeze %dma_start3A_233 : memref<1x128xi32, #tpu.memory_space<vmem>> -> memref<128xi32, #tpu.memory_space<vmem>>
      %dma_start3A_235 = arith.constant 0 : i32
      %dma_start3A_236 = arith.constant 0 : i32
      %dma_start3A_237 = tpu.memref_slice %arg11[%dma_start3A_235, %dma_start3A_236] : memref<50048x16xf32, #tpu.memory_space<vmem_shared>> -> memref<50048x16xf32, #tpu.memory_space<vmem_shared>>
      tpu.enqueue_indirect_dma source(%dma_start3A_231 : memref<128x16xf32, #tpu.memory_space<vmem>>) target(%dma_start3A_237 : memref<50048x16xf32, #tpu.memory_space<vmem_shared>>) offsets(%dma_start3A_234 : memref<128xi32, #tpu.memory_space<vmem>>) semaphore(%arg14 : memref<!tpu.dma_semaphore, #tpu.memory_space<semaphore_mem>>) {add = true}
      %dma_start3A_238 = arith.constant 3 : i32
      %dma_start3A_239 = arith.constant 384 : i32
      %dma_start3A_240 = arith.constant 0 : i32
      %dma_start3A_241 = tpu.memref_slice %arg9[%dma_start3A_239, %dma_start3A_240] : memref<1024x16xf32, #tpu.memory_space<vmem>> -> memref<128x16xf32, #tpu.memory_space<vmem>>
      %dma_start3A_242 = arith.constant 0 : i32
      %dma_start3A_243 = tpu.memref_slice %arg8[%dma_start3A_238, %dma_start3A_242] : memref<8x128xi32, #tpu.memory_space<vmem>> -> memref<1x128xi32, #tpu.memory_space<vmem>>
      %dma_start3A_244 = tpu.memref_squeeze %dma_start3A_243 : memref<1x128xi32, #tpu.memory_space<vmem>> -> memref<128xi32, #tpu.memory_space<vmem>>
      %dma_start3A_245 = arith.constant 0 : i32
      %dma_start3A_246 = arith.constant 0 : i32
      %dma_start3A_247 = tpu.memref_slice %arg11[%dma_start3A_245, %dma_start3A_246] : memref<50048x16xf32, #tpu.memory_space<vmem_shared>> -> memref<50048x16xf32, #tpu.memory_space<vmem_shared>>
      tpu.enqueue_indirect_dma source(%dma_start3A_241 : memref<128x16xf32, #tpu.memory_space<vmem>>) target(%dma_start3A_247 : memref<50048x16xf32, #tpu.memory_space<vmem_shared>>) offsets(%dma_start3A_244 : memref<128xi32, #tpu.memory_space<vmem>>) semaphore(%arg14 : memref<!tpu.dma_semaphore, #tpu.memory_space<semaphore_mem>>) {add = true}
      %dma_start3A_248 = arith.constant 4 : i32
      %dma_start3A_249 = arith.constant 512 : i32
      %dma_start3A_250 = arith.constant 0 : i32
      %dma_start3A_251 = tpu.memref_slice %arg9[%dma_start3A_249, %dma_start3A_250] : memref<1024x16xf32, #tpu.memory_space<vmem>> -> memref<128x16xf32, #tpu.memory_space<vmem>>
      %dma_start3A_252 = arith.constant 0 : i32
      %dma_start3A_253 = tpu.memref_slice %arg8[%dma_start3A_248, %dma_start3A_252] : memref<8x128xi32, #tpu.memory_space<vmem>> -> memref<1x128xi32, #tpu.memory_space<vmem>>
      %dma_start3A_254 = tpu.memref_squeeze %dma_start3A_253 : memref<1x128xi32, #tpu.memory_space<vmem>> -> memref<128xi32, #tpu.memory_space<vmem>>
      %dma_start3A_255 = arith.constant 0 : i32
      %dma_start3A_256 = arith.constant 0 : i32
      %dma_start3A_257 = tpu.memref_slice %arg11[%dma_start3A_255, %dma_start3A_256] : memref<50048x16xf32, #tpu.memory_space<vmem_shared>> -> memref<50048x16xf32, #tpu.memory_space<vmem_shared>>
      tpu.enqueue_indirect_dma source(%dma_start3A_251 : memref<128x16xf32, #tpu.memory_space<vmem>>) target(%dma_start3A_257 : memref<50048x16xf32, #tpu.memory_space<vmem_shared>>) offsets(%dma_start3A_254 : memref<128xi32, #tpu.memory_space<vmem>>) semaphore(%arg14 : memref<!tpu.dma_semaphore, #tpu.memory_space<semaphore_mem>>) {add = true}
      %dma_start3A_258 = arith.constant 5 : i32
      %dma_start3A_259 = arith.constant 640 : i32
      %dma_start3A_260 = arith.constant 0 : i32
      %dma_start3A_261 = tpu.memref_slice %arg9[%dma_start3A_259, %dma_start3A_260] : memref<1024x16xf32, #tpu.memory_space<vmem>> -> memref<128x16xf32, #tpu.memory_space<vmem>>
      %dma_start3A_262 = arith.constant 0 : i32
      %dma_start3A_263 = tpu.memref_slice %arg8[%dma_start3A_258, %dma_start3A_262] : memref<8x128xi32, #tpu.memory_space<vmem>> -> memref<1x128xi32, #tpu.memory_space<vmem>>
      %dma_start3A_264 = tpu.memref_squeeze %dma_start3A_263 : memref<1x128xi32, #tpu.memory_space<vmem>> -> memref<128xi32, #tpu.memory_space<vmem>>
      %dma_start3A_265 = arith.constant 0 : i32
      %dma_start3A_266 = arith.constant 0 : i32
      %dma_start3A_267 = tpu.memref_slice %arg11[%dma_start3A_265, %dma_start3A_266] : memref<50048x16xf32, #tpu.memory_space<vmem_shared>> -> memref<50048x16xf32, #tpu.memory_space<vmem_shared>>
      tpu.enqueue_indirect_dma source(%dma_start3A_261 : memref<128x16xf32, #tpu.memory_space<vmem>>) target(%dma_start3A_267 : memref<50048x16xf32, #tpu.memory_space<vmem_shared>>) offsets(%dma_start3A_264 : memref<128xi32, #tpu.memory_space<vmem>>) semaphore(%arg14 : memref<!tpu.dma_semaphore, #tpu.memory_space<semaphore_mem>>) {add = true}
      %dma_start3A_268 = arith.constant 6 : i32
      %dma_start3A_269 = arith.constant 768 : i32
      %dma_start3A_270 = arith.constant 0 : i32
      %dma_start3A_271 = tpu.memref_slice %arg9[%dma_start3A_269, %dma_start3A_270] : memref<1024x16xf32, #tpu.memory_space<vmem>> -> memref<128x16xf32, #tpu.memory_space<vmem>>
      %dma_start3A_272 = arith.constant 0 : i32
      %dma_start3A_273 = tpu.memref_slice %arg8[%dma_start3A_268, %dma_start3A_272] : memref<8x128xi32, #tpu.memory_space<vmem>> -> memref<1x128xi32, #tpu.memory_space<vmem>>
      %dma_start3A_274 = tpu.memref_squeeze %dma_start3A_273 : memref<1x128xi32, #tpu.memory_space<vmem>> -> memref<128xi32, #tpu.memory_space<vmem>>
      %dma_start3A_275 = arith.constant 0 : i32
      %dma_start3A_276 = arith.constant 0 : i32
      %dma_start3A_277 = tpu.memref_slice %arg11[%dma_start3A_275, %dma_start3A_276] : memref<50048x16xf32, #tpu.memory_space<vmem_shared>> -> memref<50048x16xf32, #tpu.memory_space<vmem_shared>>
      tpu.enqueue_indirect_dma source(%dma_start3A_271 : memref<128x16xf32, #tpu.memory_space<vmem>>) target(%dma_start3A_277 : memref<50048x16xf32, #tpu.memory_space<vmem_shared>>) offsets(%dma_start3A_274 : memref<128xi32, #tpu.memory_space<vmem>>) semaphore(%arg14 : memref<!tpu.dma_semaphore, #tpu.memory_space<semaphore_mem>>) {add = true}
      %dma_start3A_278 = arith.constant 7 : i32
      %dma_start3A_279 = arith.constant 896 : i32
      %dma_start3A_280 = arith.constant 0 : i32
      %dma_start3A_281 = tpu.memref_slice %arg9[%dma_start3A_279, %dma_start3A_280] : memref<1024x16xf32, #tpu.memory_space<vmem>> -> memref<128x16xf32, #tpu.memory_space<vmem>>
      %dma_start3A_282 = arith.constant 0 : i32
      %dma_start3A_283 = tpu.memref_slice %arg8[%dma_start3A_278, %dma_start3A_282] : memref<8x128xi32, #tpu.memory_space<vmem>> -> memref<1x128xi32, #tpu.memory_space<vmem>>
      %dma_start3A_284 = tpu.memref_squeeze %dma_start3A_283 : memref<1x128xi32, #tpu.memory_space<vmem>> -> memref<128xi32, #tpu.memory_space<vmem>>
      %dma_start3A_285 = arith.constant 0 : i32
      %dma_start3A_286 = arith.constant 0 : i32
      %dma_start3A_287 = tpu.memref_slice %arg11[%dma_start3A_285, %dma_start3A_286] : memref<50048x16xf32, #tpu.memory_space<vmem_shared>> -> memref<50048x16xf32, #tpu.memory_space<vmem_shared>>
      tpu.enqueue_indirect_dma source(%dma_start3A_281 : memref<128x16xf32, #tpu.memory_space<vmem>>) target(%dma_start3A_287 : memref<50048x16xf32, #tpu.memory_space<vmem_shared>>) offsets(%dma_start3A_284 : memref<128xi32, #tpu.memory_space<vmem>>) semaphore(%arg14 : memref<!tpu.dma_semaphore, #tpu.memory_space<semaphore_mem>>) {add = true}
      %dma_wait3A_288 = arith.constant 0 : i32
      %dma_wait3A_289 = arith.constant 0 : i32
      %dma_wait3A_290 = arith.constant 0 : i32
      %dma_wait3A_291 = tpu.memref_slice %arg9[%dma_wait3A_289, %dma_wait3A_290] : memref<1024x16xf32, #tpu.memory_space<vmem>> -> memref<128x16xf32, #tpu.memory_space<vmem>>
      %dma_wait3A_292 = arith.constant 0 : i32
      %dma_wait3A_293 = tpu.memref_slice %arg8[%dma_wait3A_288, %dma_wait3A_292] : memref<8x128xi32, #tpu.memory_space<vmem>> -> memref<1x128xi32, #tpu.memory_space<vmem>>
      %dma_wait3A_294 = tpu.memref_squeeze %dma_wait3A_293 : memref<1x128xi32, #tpu.memory_space<vmem>> -> memref<128xi32, #tpu.memory_space<vmem>>
      %dma_wait3A_295 = arith.constant 0 : i32
      %dma_wait3A_296 = arith.constant 0 : i32
      %dma_wait3A_297 = tpu.memref_slice %arg11[%dma_wait3A_295, %dma_wait3A_296] : memref<50048x16xf32, #tpu.memory_space<vmem_shared>> -> memref<50048x16xf32, #tpu.memory_space<vmem_shared>>
      tpu.wait_indirect_dma semaphore(%arg14 : memref<!tpu.dma_semaphore, #tpu.memory_space<semaphore_mem>>) src(%dma_wait3A_291 : memref<128x16xf32, #tpu.memory_space<vmem>>) dst(%dma_wait3A_297 : memref<50048x16xf32, #tpu.memory_space<vmem_shared>>)
      %dma_wait3A_298 = arith.constant 1 : i32
      %dma_wait3A_299 = arith.constant 128 : i32
      %dma_wait3A_300 = arith.constant 0 : i32
      %dma_wait3A_301 = tpu.memref_slice %arg9[%dma_wait3A_299, %dma_wait3A_300] : memref<1024x16xf32, #tpu.memory_space<vmem>> -> memref<128x16xf32, #tpu.memory_space<vmem>>
      %dma_wait3A_302 = arith.constant 0 : i32
      %dma_wait3A_303 = tpu.memref_slice %arg8[%dma_wait3A_298, %dma_wait3A_302] : memref<8x128xi32, #tpu.memory_space<vmem>> -> memref<1x128xi32, #tpu.memory_space<vmem>>
      %dma_wait3A_304 = tpu.memref_squeeze %dma_wait3A_303 : memref<1x128xi32, #tpu.memory_space<vmem>> -> memref<128xi32, #tpu.memory_space<vmem>>
      %dma_wait3A_305 = arith.constant 0 : i32
      %dma_wait3A_306 = arith.constant 0 : i32
      %dma_wait3A_307 = tpu.memref_slice %arg11[%dma_wait3A_305, %dma_wait3A_306] : memref<50048x16xf32, #tpu.memory_space<vmem_shared>> -> memref<50048x16xf32, #tpu.memory_space<vmem_shared>>
      tpu.wait_indirect_dma semaphore(%arg14 : memref<!tpu.dma_semaphore, #tpu.memory_space<semaphore_mem>>) src(%dma_wait3A_301 : memref<128x16xf32, #tpu.memory_space<vmem>>) dst(%dma_wait3A_307 : memref<50048x16xf32, #tpu.memory_space<vmem_shared>>)
      %dma_wait3A_308 = arith.constant 2 : i32
      %dma_wait3A_309 = arith.constant 256 : i32
      %dma_wait3A_310 = arith.constant 0 : i32
      %dma_wait3A_311 = tpu.memref_slice %arg9[%dma_wait3A_309, %dma_wait3A_310] : memref<1024x16xf32, #tpu.memory_space<vmem>> -> memref<128x16xf32, #tpu.memory_space<vmem>>
      %dma_wait3A_312 = arith.constant 0 : i32
      %dma_wait3A_313 = tpu.memref_slice %arg8[%dma_wait3A_308, %dma_wait3A_312] : memref<8x128xi32, #tpu.memory_space<vmem>> -> memref<1x128xi32, #tpu.memory_space<vmem>>
      %dma_wait3A_314 = tpu.memref_squeeze %dma_wait3A_313 : memref<1x128xi32, #tpu.memory_space<vmem>> -> memref<128xi32, #tpu.memory_space<vmem>>
      %dma_wait3A_315 = arith.constant 0 : i32
      %dma_wait3A_316 = arith.constant 0 : i32
      %dma_wait3A_317 = tpu.memref_slice %arg11[%dma_wait3A_315, %dma_wait3A_316] : memref<50048x16xf32, #tpu.memory_space<vmem_shared>> -> memref<50048x16xf32, #tpu.memory_space<vmem_shared>>
      tpu.wait_indirect_dma semaphore(%arg14 : memref<!tpu.dma_semaphore, #tpu.memory_space<semaphore_mem>>) src(%dma_wait3A_311 : memref<128x16xf32, #tpu.memory_space<vmem>>) dst(%dma_wait3A_317 : memref<50048x16xf32, #tpu.memory_space<vmem_shared>>)
      %dma_wait3A_318 = arith.constant 3 : i32
      %dma_wait3A_319 = arith.constant 384 : i32
      %dma_wait3A_320 = arith.constant 0 : i32
      %dma_wait3A_321 = tpu.memref_slice %arg9[%dma_wait3A_319, %dma_wait3A_320] : memref<1024x16xf32, #tpu.memory_space<vmem>> -> memref<128x16xf32, #tpu.memory_space<vmem>>
      %dma_wait3A_322 = arith.constant 0 : i32
      %dma_wait3A_323 = tpu.memref_slice %arg8[%dma_wait3A_318, %dma_wait3A_322] : memref<8x128xi32, #tpu.memory_space<vmem>> -> memref<1x128xi32, #tpu.memory_space<vmem>>
      %dma_wait3A_324 = tpu.memref_squeeze %dma_wait3A_323 : memref<1x128xi32, #tpu.memory_space<vmem>> -> memref<128xi32, #tpu.memory_space<vmem>>
      %dma_wait3A_325 = arith.constant 0 : i32
      %dma_wait3A_326 = arith.constant 0 : i32
      %dma_wait3A_327 = tpu.memref_slice %arg11[%dma_wait3A_325, %dma_wait3A_326] : memref<50048x16xf32, #tpu.memory_space<vmem_shared>> -> memref<50048x16xf32, #tpu.memory_space<vmem_shared>>
      tpu.wait_indirect_dma semaphore(%arg14 : memref<!tpu.dma_semaphore, #tpu.memory_space<semaphore_mem>>) src(%dma_wait3A_321 : memref<128x16xf32, #tpu.memory_space<vmem>>) dst(%dma_wait3A_327 : memref<50048x16xf32, #tpu.memory_space<vmem_shared>>)
      %dma_wait3A_328 = arith.constant 4 : i32
      %dma_wait3A_329 = arith.constant 512 : i32
      %dma_wait3A_330 = arith.constant 0 : i32
      %dma_wait3A_331 = tpu.memref_slice %arg9[%dma_wait3A_329, %dma_wait3A_330] : memref<1024x16xf32, #tpu.memory_space<vmem>> -> memref<128x16xf32, #tpu.memory_space<vmem>>
      %dma_wait3A_332 = arith.constant 0 : i32
      %dma_wait3A_333 = tpu.memref_slice %arg8[%dma_wait3A_328, %dma_wait3A_332] : memref<8x128xi32, #tpu.memory_space<vmem>> -> memref<1x128xi32, #tpu.memory_space<vmem>>
      %dma_wait3A_334 = tpu.memref_squeeze %dma_wait3A_333 : memref<1x128xi32, #tpu.memory_space<vmem>> -> memref<128xi32, #tpu.memory_space<vmem>>
      %dma_wait3A_335 = arith.constant 0 : i32
      %dma_wait3A_336 = arith.constant 0 : i32
      %dma_wait3A_337 = tpu.memref_slice %arg11[%dma_wait3A_335, %dma_wait3A_336] : memref<50048x16xf32, #tpu.memory_space<vmem_shared>> -> memref<50048x16xf32, #tpu.memory_space<vmem_shared>>
      tpu.wait_indirect_dma semaphore(%arg14 : memref<!tpu.dma_semaphore, #tpu.memory_space<semaphore_mem>>) src(%dma_wait3A_331 : memref<128x16xf32, #tpu.memory_space<vmem>>) dst(%dma_wait3A_337 : memref<50048x16xf32, #tpu.memory_space<vmem_shared>>)
      %dma_wait3A_338 = arith.constant 5 : i32
      %dma_wait3A_339 = arith.constant 640 : i32
      %dma_wait3A_340 = arith.constant 0 : i32
      %dma_wait3A_341 = tpu.memref_slice %arg9[%dma_wait3A_339, %dma_wait3A_340] : memref<1024x16xf32, #tpu.memory_space<vmem>> -> memref<128x16xf32, #tpu.memory_space<vmem>>
      %dma_wait3A_342 = arith.constant 0 : i32
      %dma_wait3A_343 = tpu.memref_slice %arg8[%dma_wait3A_338, %dma_wait3A_342] : memref<8x128xi32, #tpu.memory_space<vmem>> -> memref<1x128xi32, #tpu.memory_space<vmem>>
      %dma_wait3A_344 = tpu.memref_squeeze %dma_wait3A_343 : memref<1x128xi32, #tpu.memory_space<vmem>> -> memref<128xi32, #tpu.memory_space<vmem>>
      %dma_wait3A_345 = arith.constant 0 : i32
      %dma_wait3A_346 = arith.constant 0 : i32
      %dma_wait3A_347 = tpu.memref_slice %arg11[%dma_wait3A_345, %dma_wait3A_346] : memref<50048x16xf32, #tpu.memory_space<vmem_shared>> -> memref<50048x16xf32, #tpu.memory_space<vmem_shared>>
      tpu.wait_indirect_dma semaphore(%arg14 : memref<!tpu.dma_semaphore, #tpu.memory_space<semaphore_mem>>) src(%dma_wait3A_341 : memref<128x16xf32, #tpu.memory_space<vmem>>) dst(%dma_wait3A_347 : memref<50048x16xf32, #tpu.memory_space<vmem_shared>>)
      %dma_wait3A_348 = arith.constant 6 : i32
      %dma_wait3A_349 = arith.constant 768 : i32
      %dma_wait3A_350 = arith.constant 0 : i32
      %dma_wait3A_351 = tpu.memref_slice %arg9[%dma_wait3A_349, %dma_wait3A_350] : memref<1024x16xf32, #tpu.memory_space<vmem>> -> memref<128x16xf32, #tpu.memory_space<vmem>>
      %dma_wait3A_352 = arith.constant 0 : i32
      %dma_wait3A_353 = tpu.memref_slice %arg8[%dma_wait3A_348, %dma_wait3A_352] : memref<8x128xi32, #tpu.memory_space<vmem>> -> memref<1x128xi32, #tpu.memory_space<vmem>>
      %dma_wait3A_354 = tpu.memref_squeeze %dma_wait3A_353 : memref<1x128xi32, #tpu.memory_space<vmem>> -> memref<128xi32, #tpu.memory_space<vmem>>
      %dma_wait3A_355 = arith.constant 0 : i32
      %dma_wait3A_356 = arith.constant 0 : i32
      %dma_wait3A_357 = tpu.memref_slice %arg11[%dma_wait3A_355, %dma_wait3A_356] : memref<50048x16xf32, #tpu.memory_space<vmem_shared>> -> memref<50048x16xf32, #tpu.memory_space<vmem_shared>>
      tpu.wait_indirect_dma semaphore(%arg14 : memref<!tpu.dma_semaphore, #tpu.memory_space<semaphore_mem>>) src(%dma_wait3A_351 : memref<128x16xf32, #tpu.memory_space<vmem>>) dst(%dma_wait3A_357 : memref<50048x16xf32, #tpu.memory_space<vmem_shared>>)
      %dma_wait3A_358 = arith.constant 7 : i32
      %dma_wait3A_359 = arith.constant 896 : i32
      %dma_wait3A_360 = arith.constant 0 : i32
      %dma_wait3A_361 = tpu.memref_slice %arg9[%dma_wait3A_359, %dma_wait3A_360] : memref<1024x16xf32, #tpu.memory_space<vmem>> -> memref<128x16xf32, #tpu.memory_space<vmem>>
      %dma_wait3A_362 = arith.constant 0 : i32
      %dma_wait3A_363 = tpu.memref_slice %arg8[%dma_wait3A_358, %dma_wait3A_362] : memref<8x128xi32, #tpu.memory_space<vmem>> -> memref<1x128xi32, #tpu.memory_space<vmem>>
      %dma_wait3A_364 = tpu.memref_squeeze %dma_wait3A_363 : memref<1x128xi32, #tpu.memory_space<vmem>> -> memref<128xi32, #tpu.memory_space<vmem>>
      %dma_wait3A_365 = arith.constant 0 : i32
      %dma_wait3A_366 = arith.constant 0 : i32
      %dma_wait3A_367 = tpu.memref_slice %arg11[%dma_wait3A_365, %dma_wait3A_366] : memref<50048x16xf32, #tpu.memory_space<vmem_shared>> -> memref<50048x16xf32, #tpu.memory_space<vmem_shared>>
      tpu.wait_indirect_dma semaphore(%arg14 : memref<!tpu.dma_semaphore, #tpu.memory_space<semaphore_mem>>) src(%dma_wait3A_361 : memref<128x16xf32, #tpu.memory_space<vmem>>) dst(%dma_wait3A_367 : memref<50048x16xf32, #tpu.memory_space<vmem_shared>>)
    }
    %while3A_40 = arith.constant 1 : i32
    scf.for %while3A_46 = %while3A_38 to %while3A_34 step %while3A_40  : i32 {
      %add3A_47 = arith.addi %add3A_30, %while3A_46 : i32
      %mul3A_48 = arith.constant 8 : i32
      %mul3A_49 = arith.muli %add3A_47, %mul3A_48 : i32
      "tpu.region"() ({
        %run_scoped3A = tpu.sem_alloc : memref<!tpu.dma_semaphore, #tpu.memory_space<semaphore_mem>>
        %dma_start3A_368 = arith.constant 0 : i32
        %dma_start3A_369 = tpu.memref_slice %arg3[%mul3A_49, %dma_start3A_368] : memref<6400x128xi32, #tpu.memory_space<hbm>> -> memref<8x128xi32, #tpu.memory_space<hbm>>
        %dma_start3A_370 = arith.constant 0 : i32
        %dma_start3A_371 = tpu.memref_slice %arg3[%mul3A_49, %dma_start3A_370] : memref<6400x128xi32, #tpu.memory_space<hbm>> -> memref<8x128xi32, #tpu.memory_space<hbm>>
        tpu.enqueue_dma source(%dma_start3A_371 : memref<8x128xi32, #tpu.memory_space<hbm>>) target(%arg7 : memref<8x128xi32, #tpu.memory_space<vmem>>) target_semaphore(%run_scoped3A : memref<!tpu.dma_semaphore, #tpu.memory_space<semaphore_mem>>)
        %dma_wait3A_372 = arith.constant 0 : i32
        %dma_wait3A_373 = tpu.memref_slice %arg3[%mul3A_49, %dma_wait3A_372] : memref<6400x128xi32, #tpu.memory_space<hbm>> -> memref<8x128xi32, #tpu.memory_space<hbm>>
        %dma_wait3A_374 = arith.constant 0 : i32
        %dma_wait3A_375 = tpu.memref_slice %arg3[%mul3A_49, %dma_wait3A_374] : memref<6400x128xi32, #tpu.memory_space<hbm>> -> memref<8x128xi32, #tpu.memory_space<hbm>>
        tpu.wait_dma2 semaphore(%run_scoped3A : memref<!tpu.dma_semaphore, #tpu.memory_space<semaphore_mem>>) src(%dma_wait3A_375 : memref<8x128xi32, #tpu.memory_space<hbm>>) dst(%arg7 : memref<8x128xi32, #tpu.memory_space<vmem>>)
        tpu.yield
      }) : () -> ()
      "tpu.region"() ({
        %run_scoped3A = tpu.sem_alloc : memref<!tpu.dma_semaphore, #tpu.memory_space<semaphore_mem>>
        %dma_start3A_368 = arith.constant 0 : i32
        %dma_start3A_369 = tpu.memref_slice %arg4[%mul3A_49, %dma_start3A_368] : memref<6400x128xi32, #tpu.memory_space<hbm>> -> memref<8x128xi32, #tpu.memory_space<hbm>>
        %dma_start3A_370 = arith.constant 0 : i32
        %dma_start3A_371 = tpu.memref_slice %arg4[%mul3A_49, %dma_start3A_370] : memref<6400x128xi32, #tpu.memory_space<hbm>> -> memref<8x128xi32, #tpu.memory_space<hbm>>
        tpu.enqueue_dma source(%dma_start3A_371 : memref<8x128xi32, #tpu.memory_space<hbm>>) target(%arg8 : memref<8x128xi32, #tpu.memory_space<vmem>>) target_semaphore(%run_scoped3A : memref<!tpu.dma_semaphore, #tpu.memory_space<semaphore_mem>>)
        %dma_wait3A_372 = arith.constant 0 : i32
        %dma_wait3A_373 = tpu.memref_slice %arg4[%mul3A_49, %dma_wait3A_372] : memref<6400x128xi32, #tpu.memory_space<hbm>> -> memref<8x128xi32, #tpu.memory_space<hbm>>
        %dma_wait3A_374 = arith.constant 0 : i32
        %dma_wait3A_375 = tpu.memref_slice %arg4[%mul3A_49, %dma_wait3A_374] : memref<6400x128xi32, #tpu.memory_space<hbm>> -> memref<8x128xi32, #tpu.memory_space<hbm>>
        tpu.wait_dma2 semaphore(%run_scoped3A : memref<!tpu.dma_semaphore, #tpu.memory_space<semaphore_mem>>) src(%dma_wait3A_375 : memref<8x128xi32, #tpu.memory_space<hbm>>) dst(%arg8 : memref<8x128xi32, #tpu.memory_space<vmem>>)
        tpu.yield
      }) : () -> ()
      %dma_start3A = arith.constant 0 : i32
      %dma_start3A_50 = arith.constant 0 : i32
      %dma_start3A_51 = arith.constant 0 : i32
      %dma_start3A_52 = tpu.memref_slice %arg9[%dma_start3A_50, %dma_start3A_51] : memref<1024x16xf32, #tpu.memory_space<vmem>> -> memref<128x16xf32, #tpu.memory_space<vmem>>
      %dma_start3A_53 = arith.constant 0 : i32
      %dma_start3A_54 = tpu.memref_slice %arg7[%dma_start3A, %dma_start3A_53] : memref<8x128xi32, #tpu.memory_space<vmem>> -> memref<1x128xi32, #tpu.memory_space<vmem>>
      %dma_start3A_55 = tpu.memref_squeeze %dma_start3A_54 : memref<1x128xi32, #tpu.memory_space<vmem>> -> memref<128xi32, #tpu.memory_space<vmem>>
      %dma_start3A_56 = arith.constant 0 : i32
      %dma_start3A_57 = arith.constant 0 : i32
      %dma_start3A_58 = tpu.memref_slice %arg2[%dma_start3A_56, %dma_start3A_57] : memref<50000x16xf32, #tpu.memory_space<hbm>> -> memref<50000x16xf32, #tpu.memory_space<hbm>>
      tpu.enqueue_indirect_dma source(%dma_start3A_58 : memref<50000x16xf32, #tpu.memory_space<hbm>>) target(%dma_start3A_52 : memref<128x16xf32, #tpu.memory_space<vmem>>) offsets(%dma_start3A_55 : memref<128xi32, #tpu.memory_space<vmem>>) semaphore(%arg12 : memref<!tpu.dma_semaphore, #tpu.memory_space<semaphore_mem>>)
      %dma_start3A_59 = arith.constant 1 : i32
      %dma_start3A_60 = arith.constant 128 : i32
      %dma_start3A_61 = arith.constant 0 : i32
      %dma_start3A_62 = tpu.memref_slice %arg9[%dma_start3A_60, %dma_start3A_61] : memref<1024x16xf32, #tpu.memory_space<vmem>> -> memref<128x16xf32, #tpu.memory_space<vmem>>
      %dma_start3A_63 = arith.constant 0 : i32
      %dma_start3A_64 = tpu.memref_slice %arg7[%dma_start3A_59, %dma_start3A_63] : memref<8x128xi32, #tpu.memory_space<vmem>> -> memref<1x128xi32, #tpu.memory_space<vmem>>
      %dma_start3A_65 = tpu.memref_squeeze %dma_start3A_64 : memref<1x128xi32, #tpu.memory_space<vmem>> -> memref<128xi32, #tpu.memory_space<vmem>>
      %dma_start3A_66 = arith.constant 0 : i32
      %dma_start3A_67 = arith.constant 0 : i32
      %dma_start3A_68 = tpu.memref_slice %arg2[%dma_start3A_66, %dma_start3A_67] : memref<50000x16xf32, #tpu.memory_space<hbm>> -> memref<50000x16xf32, #tpu.memory_space<hbm>>
      tpu.enqueue_indirect_dma source(%dma_start3A_68 : memref<50000x16xf32, #tpu.memory_space<hbm>>) target(%dma_start3A_62 : memref<128x16xf32, #tpu.memory_space<vmem>>) offsets(%dma_start3A_65 : memref<128xi32, #tpu.memory_space<vmem>>) semaphore(%arg12 : memref<!tpu.dma_semaphore, #tpu.memory_space<semaphore_mem>>)
      %dma_start3A_69 = arith.constant 2 : i32
      %dma_start3A_70 = arith.constant 256 : i32
      %dma_start3A_71 = arith.constant 0 : i32
      %dma_start3A_72 = tpu.memref_slice %arg9[%dma_start3A_70, %dma_start3A_71] : memref<1024x16xf32, #tpu.memory_space<vmem>> -> memref<128x16xf32, #tpu.memory_space<vmem>>
      %dma_start3A_73 = arith.constant 0 : i32
      %dma_start3A_74 = tpu.memref_slice %arg7[%dma_start3A_69, %dma_start3A_73] : memref<8x128xi32, #tpu.memory_space<vmem>> -> memref<1x128xi32, #tpu.memory_space<vmem>>
      %dma_start3A_75 = tpu.memref_squeeze %dma_start3A_74 : memref<1x128xi32, #tpu.memory_space<vmem>> -> memref<128xi32, #tpu.memory_space<vmem>>
      %dma_start3A_76 = arith.constant 0 : i32
      %dma_start3A_77 = arith.constant 0 : i32
      %dma_start3A_78 = tpu.memref_slice %arg2[%dma_start3A_76, %dma_start3A_77] : memref<50000x16xf32, #tpu.memory_space<hbm>> -> memref<50000x16xf32, #tpu.memory_space<hbm>>
      tpu.enqueue_indirect_dma source(%dma_start3A_78 : memref<50000x16xf32, #tpu.memory_space<hbm>>) target(%dma_start3A_72 : memref<128x16xf32, #tpu.memory_space<vmem>>) offsets(%dma_start3A_75 : memref<128xi32, #tpu.memory_space<vmem>>) semaphore(%arg12 : memref<!tpu.dma_semaphore, #tpu.memory_space<semaphore_mem>>)
      %dma_start3A_79 = arith.constant 3 : i32
      %dma_start3A_80 = arith.constant 384 : i32
      %dma_start3A_81 = arith.constant 0 : i32
      %dma_start3A_82 = tpu.memref_slice %arg9[%dma_start3A_80, %dma_start3A_81] : memref<1024x16xf32, #tpu.memory_space<vmem>> -> memref<128x16xf32, #tpu.memory_space<vmem>>
      %dma_start3A_83 = arith.constant 0 : i32
      %dma_start3A_84 = tpu.memref_slice %arg7[%dma_start3A_79, %dma_start3A_83] : memref<8x128xi32, #tpu.memory_space<vmem>> -> memref<1x128xi32, #tpu.memory_space<vmem>>
      %dma_start3A_85 = tpu.memref_squeeze %dma_start3A_84 : memref<1x128xi32, #tpu.memory_space<vmem>> -> memref<128xi32, #tpu.memory_space<vmem>>
      %dma_start3A_86 = arith.constant 0 : i32
      %dma_start3A_87 = arith.constant 0 : i32
      %dma_start3A_88 = tpu.memref_slice %arg2[%dma_start3A_86, %dma_start3A_87] : memref<50000x16xf32, #tpu.memory_space<hbm>> -> memref<50000x16xf32, #tpu.memory_space<hbm>>
      tpu.enqueue_indirect_dma source(%dma_start3A_88 : memref<50000x16xf32, #tpu.memory_space<hbm>>) target(%dma_start3A_82 : memref<128x16xf32, #tpu.memory_space<vmem>>) offsets(%dma_start3A_85 : memref<128xi32, #tpu.memory_space<vmem>>) semaphore(%arg12 : memref<!tpu.dma_semaphore, #tpu.memory_space<semaphore_mem>>)
      %dma_start3A_89 = arith.constant 4 : i32
      %dma_start3A_90 = arith.constant 512 : i32
      %dma_start3A_91 = arith.constant 0 : i32
      %dma_start3A_92 = tpu.memref_slice %arg9[%dma_start3A_90, %dma_start3A_91] : memref<1024x16xf32, #tpu.memory_space<vmem>> -> memref<128x16xf32, #tpu.memory_space<vmem>>
      %dma_start3A_93 = arith.constant 0 : i32
      %dma_start3A_94 = tpu.memref_slice %arg7[%dma_start3A_89, %dma_start3A_93] : memref<8x128xi32, #tpu.memory_space<vmem>> -> memref<1x128xi32, #tpu.memory_space<vmem>>
      %dma_start3A_95 = tpu.memref_squeeze %dma_start3A_94 : memref<1x128xi32, #tpu.memory_space<vmem>> -> memref<128xi32, #tpu.memory_space<vmem>>
      %dma_start3A_96 = arith.constant 0 : i32
      %dma_start3A_97 = arith.constant 0 : i32
      %dma_start3A_98 = tpu.memref_slice %arg2[%dma_start3A_96, %dma_start3A_97] : memref<50000x16xf32, #tpu.memory_space<hbm>> -> memref<50000x16xf32, #tpu.memory_space<hbm>>
      tpu.enqueue_indirect_dma source(%dma_start3A_98 : memref<50000x16xf32, #tpu.memory_space<hbm>>) target(%dma_start3A_92 : memref<128x16xf32, #tpu.memory_space<vmem>>) offsets(%dma_start3A_95 : memref<128xi32, #tpu.memory_space<vmem>>) semaphore(%arg12 : memref<!tpu.dma_semaphore, #tpu.memory_space<semaphore_mem>>)
      %dma_start3A_99 = arith.constant 5 : i32
      %dma_start3A_100 = arith.constant 640 : i32
      %dma_start3A_101 = arith.constant 0 : i32
      %dma_start3A_102 = tpu.memref_slice %arg9[%dma_start3A_100, %dma_start3A_101] : memref<1024x16xf32, #tpu.memory_space<vmem>> -> memref<128x16xf32, #tpu.memory_space<vmem>>
      %dma_start3A_103 = arith.constant 0 : i32
      %dma_start3A_104 = tpu.memref_slice %arg7[%dma_start3A_99, %dma_start3A_103] : memref<8x128xi32, #tpu.memory_space<vmem>> -> memref<1x128xi32, #tpu.memory_space<vmem>>
      %dma_start3A_105 = tpu.memref_squeeze %dma_start3A_104 : memref<1x128xi32, #tpu.memory_space<vmem>> -> memref<128xi32, #tpu.memory_space<vmem>>
      %dma_start3A_106 = arith.constant 0 : i32
      %dma_start3A_107 = arith.constant 0 : i32
      %dma_start3A_108 = tpu.memref_slice %arg2[%dma_start3A_106, %dma_start3A_107] : memref<50000x16xf32, #tpu.memory_space<hbm>> -> memref<50000x16xf32, #tpu.memory_space<hbm>>
      tpu.enqueue_indirect_dma source(%dma_start3A_108 : memref<50000x16xf32, #tpu.memory_space<hbm>>) target(%dma_start3A_102 : memref<128x16xf32, #tpu.memory_space<vmem>>) offsets(%dma_start3A_105 : memref<128xi32, #tpu.memory_space<vmem>>) semaphore(%arg12 : memref<!tpu.dma_semaphore, #tpu.memory_space<semaphore_mem>>)
      %dma_start3A_109 = arith.constant 6 : i32
      %dma_start3A_110 = arith.constant 768 : i32
      %dma_start3A_111 = arith.constant 0 : i32
      %dma_start3A_112 = tpu.memref_slice %arg9[%dma_start3A_110, %dma_start3A_111] : memref<1024x16xf32, #tpu.memory_space<vmem>> -> memref<128x16xf32, #tpu.memory_space<vmem>>
      %dma_start3A_113 = arith.constant 0 : i32
      %dma_start3A_114 = tpu.memref_slice %arg7[%dma_start3A_109, %dma_start3A_113] : memref<8x128xi32, #tpu.memory_space<vmem>> -> memref<1x128xi32, #tpu.memory_space<vmem>>
      %dma_start3A_115 = tpu.memref_squeeze %dma_start3A_114 : memref<1x128xi32, #tpu.memory_space<vmem>> -> memref<128xi32, #tpu.memory_space<vmem>>
      %dma_start3A_116 = arith.constant 0 : i32
      %dma_start3A_117 = arith.constant 0 : i32
      %dma_start3A_118 = tpu.memref_slice %arg2[%dma_start3A_116, %dma_start3A_117] : memref<50000x16xf32, #tpu.memory_space<hbm>> -> memref<50000x16xf32, #tpu.memory_space<hbm>>
      tpu.enqueue_indirect_dma source(%dma_start3A_118 : memref<50000x16xf32, #tpu.memory_space<hbm>>) target(%dma_start3A_112 : memref<128x16xf32, #tpu.memory_space<vmem>>) offsets(%dma_start3A_115 : memref<128xi32, #tpu.memory_space<vmem>>) semaphore(%arg12 : memref<!tpu.dma_semaphore, #tpu.memory_space<semaphore_mem>>)
      %dma_start3A_119 = arith.constant 7 : i32
      %dma_start3A_120 = arith.constant 896 : i32
      %dma_start3A_121 = arith.constant 0 : i32
      %dma_start3A_122 = tpu.memref_slice %arg9[%dma_start3A_120, %dma_start3A_121] : memref<1024x16xf32, #tpu.memory_space<vmem>> -> memref<128x16xf32, #tpu.memory_space<vmem>>
      %dma_start3A_123 = arith.constant 0 : i32
      %dma_start3A_124 = tpu.memref_slice %arg7[%dma_start3A_119, %dma_start3A_123] : memref<8x128xi32, #tpu.memory_space<vmem>> -> memref<1x128xi32, #tpu.memory_space<vmem>>
      %dma_start3A_125 = tpu.memref_squeeze %dma_start3A_124 : memref<1x128xi32, #tpu.memory_space<vmem>> -> memref<128xi32, #tpu.memory_space<vmem>>
      %dma_start3A_126 = arith.constant 0 : i32
      %dma_start3A_127 = arith.constant 0 : i32
      %dma_start3A_128 = tpu.memref_slice %arg2[%dma_start3A_126, %dma_start3A_127] : memref<50000x16xf32, #tpu.memory_space<hbm>> -> memref<50000x16xf32, #tpu.memory_space<hbm>>
      tpu.enqueue_indirect_dma source(%dma_start3A_128 : memref<50000x16xf32, #tpu.memory_space<hbm>>) target(%dma_start3A_122 : memref<128x16xf32, #tpu.memory_space<vmem>>) offsets(%dma_start3A_125 : memref<128xi32, #tpu.memory_space<vmem>>) semaphore(%arg12 : memref<!tpu.dma_semaphore, #tpu.memory_space<semaphore_mem>>)
      %dma_wait3A = arith.constant 0 : i32
      %dma_wait3A_129 = arith.constant 0 : i32
      %dma_wait3A_130 = arith.constant 0 : i32
      %dma_wait3A_131 = tpu.memref_slice %arg9[%dma_wait3A_129, %dma_wait3A_130] : memref<1024x16xf32, #tpu.memory_space<vmem>> -> memref<128x16xf32, #tpu.memory_space<vmem>>
      %dma_wait3A_132 = arith.constant 0 : i32
      %dma_wait3A_133 = tpu.memref_slice %arg7[%dma_wait3A, %dma_wait3A_132] : memref<8x128xi32, #tpu.memory_space<vmem>> -> memref<1x128xi32, #tpu.memory_space<vmem>>
      %dma_wait3A_134 = tpu.memref_squeeze %dma_wait3A_133 : memref<1x128xi32, #tpu.memory_space<vmem>> -> memref<128xi32, #tpu.memory_space<vmem>>
      %dma_wait3A_135 = arith.constant 0 : i32
      %dma_wait3A_136 = arith.constant 0 : i32
      %dma_wait3A_137 = tpu.memref_slice %arg2[%dma_wait3A_135, %dma_wait3A_136] : memref<50000x16xf32, #tpu.memory_space<hbm>> -> memref<50000x16xf32, #tpu.memory_space<hbm>>
      tpu.wait_indirect_dma semaphore(%arg12 : memref<!tpu.dma_semaphore, #tpu.memory_space<semaphore_mem>>) src(%dma_wait3A_137 : memref<50000x16xf32, #tpu.memory_space<hbm>>) dst(%dma_wait3A_131 : memref<128x16xf32, #tpu.memory_space<vmem>>)
      %dma_wait3A_138 = arith.constant 1 : i32
      %dma_wait3A_139 = arith.constant 128 : i32
      %dma_wait3A_140 = arith.constant 0 : i32
      %dma_wait3A_141 = tpu.memref_slice %arg9[%dma_wait3A_139, %dma_wait3A_140] : memref<1024x16xf32, #tpu.memory_space<vmem>> -> memref<128x16xf32, #tpu.memory_space<vmem>>
      %dma_wait3A_142 = arith.constant 0 : i32
      %dma_wait3A_143 = tpu.memref_slice %arg7[%dma_wait3A_138, %dma_wait3A_142] : memref<8x128xi32, #tpu.memory_space<vmem>> -> memref<1x128xi32, #tpu.memory_space<vmem>>
      %dma_wait3A_144 = tpu.memref_squeeze %dma_wait3A_143 : memref<1x128xi32, #tpu.memory_space<vmem>> -> memref<128xi32, #tpu.memory_space<vmem>>
      %dma_wait3A_145 = arith.constant 0 : i32
      %dma_wait3A_146 = arith.constant 0 : i32
      %dma_wait3A_147 = tpu.memref_slice %arg2[%dma_wait3A_145, %dma_wait3A_146] : memref<50000x16xf32, #tpu.memory_space<hbm>> -> memref<50000x16xf32, #tpu.memory_space<hbm>>
      tpu.wait_indirect_dma semaphore(%arg12 : memref<!tpu.dma_semaphore, #tpu.memory_space<semaphore_mem>>) src(%dma_wait3A_147 : memref<50000x16xf32, #tpu.memory_space<hbm>>) dst(%dma_wait3A_141 : memref<128x16xf32, #tpu.memory_space<vmem>>)
      %dma_wait3A_148 = arith.constant 2 : i32
      %dma_wait3A_149 = arith.constant 256 : i32
      %dma_wait3A_150 = arith.constant 0 : i32
      %dma_wait3A_151 = tpu.memref_slice %arg9[%dma_wait3A_149, %dma_wait3A_150] : memref<1024x16xf32, #tpu.memory_space<vmem>> -> memref<128x16xf32, #tpu.memory_space<vmem>>
      %dma_wait3A_152 = arith.constant 0 : i32
      %dma_wait3A_153 = tpu.memref_slice %arg7[%dma_wait3A_148, %dma_wait3A_152] : memref<8x128xi32, #tpu.memory_space<vmem>> -> memref<1x128xi32, #tpu.memory_space<vmem>>
      %dma_wait3A_154 = tpu.memref_squeeze %dma_wait3A_153 : memref<1x128xi32, #tpu.memory_space<vmem>> -> memref<128xi32, #tpu.memory_space<vmem>>
      %dma_wait3A_155 = arith.constant 0 : i32
      %dma_wait3A_156 = arith.constant 0 : i32
      %dma_wait3A_157 = tpu.memref_slice %arg2[%dma_wait3A_155, %dma_wait3A_156] : memref<50000x16xf32, #tpu.memory_space<hbm>> -> memref<50000x16xf32, #tpu.memory_space<hbm>>
      tpu.wait_indirect_dma semaphore(%arg12 : memref<!tpu.dma_semaphore, #tpu.memory_space<semaphore_mem>>) src(%dma_wait3A_157 : memref<50000x16xf32, #tpu.memory_space<hbm>>) dst(%dma_wait3A_151 : memref<128x16xf32, #tpu.memory_space<vmem>>)
      %dma_wait3A_158 = arith.constant 3 : i32
      %dma_wait3A_159 = arith.constant 384 : i32
      %dma_wait3A_160 = arith.constant 0 : i32
      %dma_wait3A_161 = tpu.memref_slice %arg9[%dma_wait3A_159, %dma_wait3A_160] : memref<1024x16xf32, #tpu.memory_space<vmem>> -> memref<128x16xf32, #tpu.memory_space<vmem>>
      %dma_wait3A_162 = arith.constant 0 : i32
      %dma_wait3A_163 = tpu.memref_slice %arg7[%dma_wait3A_158, %dma_wait3A_162] : memref<8x128xi32, #tpu.memory_space<vmem>> -> memref<1x128xi32, #tpu.memory_space<vmem>>
      %dma_wait3A_164 = tpu.memref_squeeze %dma_wait3A_163 : memref<1x128xi32, #tpu.memory_space<vmem>> -> memref<128xi32, #tpu.memory_space<vmem>>
      %dma_wait3A_165 = arith.constant 0 : i32
      %dma_wait3A_166 = arith.constant 0 : i32
      %dma_wait3A_167 = tpu.memref_slice %arg2[%dma_wait3A_165, %dma_wait3A_166] : memref<50000x16xf32, #tpu.memory_space<hbm>> -> memref<50000x16xf32, #tpu.memory_space<hbm>>
      tpu.wait_indirect_dma semaphore(%arg12 : memref<!tpu.dma_semaphore, #tpu.memory_space<semaphore_mem>>) src(%dma_wait3A_167 : memref<50000x16xf32, #tpu.memory_space<hbm>>) dst(%dma_wait3A_161 : memref<128x16xf32, #tpu.memory_space<vmem>>)
      %dma_wait3A_168 = arith.constant 4 : i32
      %dma_wait3A_169 = arith.constant 512 : i32
      %dma_wait3A_170 = arith.constant 0 : i32
      %dma_wait3A_171 = tpu.memref_slice %arg9[%dma_wait3A_169, %dma_wait3A_170] : memref<1024x16xf32, #tpu.memory_space<vmem>> -> memref<128x16xf32, #tpu.memory_space<vmem>>
      %dma_wait3A_172 = arith.constant 0 : i32
      %dma_wait3A_173 = tpu.memref_slice %arg7[%dma_wait3A_168, %dma_wait3A_172] : memref<8x128xi32, #tpu.memory_space<vmem>> -> memref<1x128xi32, #tpu.memory_space<vmem>>
      %dma_wait3A_174 = tpu.memref_squeeze %dma_wait3A_173 : memref<1x128xi32, #tpu.memory_space<vmem>> -> memref<128xi32, #tpu.memory_space<vmem>>
      %dma_wait3A_175 = arith.constant 0 : i32
      %dma_wait3A_176 = arith.constant 0 : i32
      %dma_wait3A_177 = tpu.memref_slice %arg2[%dma_wait3A_175, %dma_wait3A_176] : memref<50000x16xf32, #tpu.memory_space<hbm>> -> memref<50000x16xf32, #tpu.memory_space<hbm>>
      tpu.wait_indirect_dma semaphore(%arg12 : memref<!tpu.dma_semaphore, #tpu.memory_space<semaphore_mem>>) src(%dma_wait3A_177 : memref<50000x16xf32, #tpu.memory_space<hbm>>) dst(%dma_wait3A_171 : memref<128x16xf32, #tpu.memory_space<vmem>>)
      %dma_wait3A_178 = arith.constant 5 : i32
      %dma_wait3A_179 = arith.constant 640 : i32
      %dma_wait3A_180 = arith.constant 0 : i32
      %dma_wait3A_181 = tpu.memref_slice %arg9[%dma_wait3A_179, %dma_wait3A_180] : memref<1024x16xf32, #tpu.memory_space<vmem>> -> memref<128x16xf32, #tpu.memory_space<vmem>>
      %dma_wait3A_182 = arith.constant 0 : i32
      %dma_wait3A_183 = tpu.memref_slice %arg7[%dma_wait3A_178, %dma_wait3A_182] : memref<8x128xi32, #tpu.memory_space<vmem>> -> memref<1x128xi32, #tpu.memory_space<vmem>>
      %dma_wait3A_184 = tpu.memref_squeeze %dma_wait3A_183 : memref<1x128xi32, #tpu.memory_space<vmem>> -> memref<128xi32, #tpu.memory_space<vmem>>
      %dma_wait3A_185 = arith.constant 0 : i32
      %dma_wait3A_186 = arith.constant 0 : i32
      %dma_wait3A_187 = tpu.memref_slice %arg2[%dma_wait3A_185, %dma_wait3A_186] : memref<50000x16xf32, #tpu.memory_space<hbm>> -> memref<50000x16xf32, #tpu.memory_space<hbm>>
      tpu.wait_indirect_dma semaphore(%arg12 : memref<!tpu.dma_semaphore, #tpu.memory_space<semaphore_mem>>) src(%dma_wait3A_187 : memref<50000x16xf32, #tpu.memory_space<hbm>>) dst(%dma_wait3A_181 : memref<128x16xf32, #tpu.memory_space<vmem>>)
      %dma_wait3A_188 = arith.constant 6 : i32
      %dma_wait3A_189 = arith.constant 768 : i32
      %dma_wait3A_190 = arith.constant 0 : i32
      %dma_wait3A_191 = tpu.memref_slice %arg9[%dma_wait3A_189, %dma_wait3A_190] : memref<1024x16xf32, #tpu.memory_space<vmem>> -> memref<128x16xf32, #tpu.memory_space<vmem>>
      %dma_wait3A_192 = arith.constant 0 : i32
      %dma_wait3A_193 = tpu.memref_slice %arg7[%dma_wait3A_188, %dma_wait3A_192] : memref<8x128xi32, #tpu.memory_space<vmem>> -> memref<1x128xi32, #tpu.memory_space<vmem>>
      %dma_wait3A_194 = tpu.memref_squeeze %dma_wait3A_193 : memref<1x128xi32, #tpu.memory_space<vmem>> -> memref<128xi32, #tpu.memory_space<vmem>>
      %dma_wait3A_195 = arith.constant 0 : i32
      %dma_wait3A_196 = arith.constant 0 : i32
      %dma_wait3A_197 = tpu.memref_slice %arg2[%dma_wait3A_195, %dma_wait3A_196] : memref<50000x16xf32, #tpu.memory_space<hbm>> -> memref<50000x16xf32, #tpu.memory_space<hbm>>
      tpu.wait_indirect_dma semaphore(%arg12 : memref<!tpu.dma_semaphore, #tpu.memory_space<semaphore_mem>>) src(%dma_wait3A_197 : memref<50000x16xf32, #tpu.memory_space<hbm>>) dst(%dma_wait3A_191 : memref<128x16xf32, #tpu.memory_space<vmem>>)
      %dma_wait3A_198 = arith.constant 7 : i32
      %dma_wait3A_199 = arith.constant 896 : i32
      %dma_wait3A_200 = arith.constant 0 : i32
      %dma_wait3A_201 = tpu.memref_slice %arg9[%dma_wait3A_199, %dma_wait3A_200] : memref<1024x16xf32, #tpu.memory_space<vmem>> -> memref<128x16xf32, #tpu.memory_space<vmem>>
      %dma_wait3A_202 = arith.constant 0 : i32
      %dma_wait3A_203 = tpu.memref_slice %arg7[%dma_wait3A_198, %dma_wait3A_202] : memref<8x128xi32, #tpu.memory_space<vmem>> -> memref<1x128xi32, #tpu.memory_space<vmem>>
      %dma_wait3A_204 = tpu.memref_squeeze %dma_wait3A_203 : memref<1x128xi32, #tpu.memory_space<vmem>> -> memref<128xi32, #tpu.memory_space<vmem>>
      %dma_wait3A_205 = arith.constant 0 : i32
      %dma_wait3A_206 = arith.constant 0 : i32
      %dma_wait3A_207 = tpu.memref_slice %arg2[%dma_wait3A_205, %dma_wait3A_206] : memref<50000x16xf32, #tpu.memory_space<hbm>> -> memref<50000x16xf32, #tpu.memory_space<hbm>>
      tpu.wait_indirect_dma semaphore(%arg12 : memref<!tpu.dma_semaphore, #tpu.memory_space<semaphore_mem>>) src(%dma_wait3A_207 : memref<50000x16xf32, #tpu.memory_space<hbm>>) dst(%dma_wait3A_201 : memref<128x16xf32, #tpu.memory_space<vmem>>)
      %dma_start3A_208 = arith.constant 0 : i32
      %dma_start3A_209 = arith.constant 0 : i32
      %dma_start3A_210 = arith.constant 0 : i32
      %dma_start3A_211 = tpu.memref_slice %arg9[%dma_start3A_209, %dma_start3A_210] : memref<1024x16xf32, #tpu.memory_space<vmem>> -> memref<128x16xf32, #tpu.memory_space<vmem>>
      %dma_start3A_212 = arith.constant 0 : i32
      %dma_start3A_213 = tpu.memref_slice %arg8[%dma_start3A_208, %dma_start3A_212] : memref<8x128xi32, #tpu.memory_space<vmem>> -> memref<1x128xi32, #tpu.memory_space<vmem>>
      %dma_start3A_214 = tpu.memref_squeeze %dma_start3A_213 : memref<1x128xi32, #tpu.memory_space<vmem>> -> memref<128xi32, #tpu.memory_space<vmem>>
      %dma_start3A_215 = arith.constant 0 : i32
      %dma_start3A_216 = arith.constant 0 : i32
      %dma_start3A_217 = tpu.memref_slice %arg11[%dma_start3A_215, %dma_start3A_216] : memref<50048x16xf32, #tpu.memory_space<vmem_shared>> -> memref<50048x16xf32, #tpu.memory_space<vmem_shared>>
      tpu.enqueue_indirect_dma source(%dma_start3A_211 : memref<128x16xf32, #tpu.memory_space<vmem>>) target(%dma_start3A_217 : memref<50048x16xf32, #tpu.memory_space<vmem_shared>>) offsets(%dma_start3A_214 : memref<128xi32, #tpu.memory_space<vmem>>) semaphore(%arg14 : memref<!tpu.dma_semaphore, #tpu.memory_space<semaphore_mem>>) {add = true}
      %dma_start3A_218 = arith.constant 1 : i32
      %dma_start3A_219 = arith.constant 128 : i32
      %dma_start3A_220 = arith.constant 0 : i32
      %dma_start3A_221 = tpu.memref_slice %arg9[%dma_start3A_219, %dma_start3A_220] : memref<1024x16xf32, #tpu.memory_space<vmem>> -> memref<128x16xf32, #tpu.memory_space<vmem>>
      %dma_start3A_222 = arith.constant 0 : i32
      %dma_start3A_223 = tpu.memref_slice %arg8[%dma_start3A_218, %dma_start3A_222] : memref<8x128xi32, #tpu.memory_space<vmem>> -> memref<1x128xi32, #tpu.memory_space<vmem>>
      %dma_start3A_224 = tpu.memref_squeeze %dma_start3A_223 : memref<1x128xi32, #tpu.memory_space<vmem>> -> memref<128xi32, #tpu.memory_space<vmem>>
      %dma_start3A_225 = arith.constant 0 : i32
      %dma_start3A_226 = arith.constant 0 : i32
      %dma_start3A_227 = tpu.memref_slice %arg11[%dma_start3A_225, %dma_start3A_226] : memref<50048x16xf32, #tpu.memory_space<vmem_shared>> -> memref<50048x16xf32, #tpu.memory_space<vmem_shared>>
      tpu.enqueue_indirect_dma source(%dma_start3A_221 : memref<128x16xf32, #tpu.memory_space<vmem>>) target(%dma_start3A_227 : memref<50048x16xf32, #tpu.memory_space<vmem_shared>>) offsets(%dma_start3A_224 : memref<128xi32, #tpu.memory_space<vmem>>) semaphore(%arg14 : memref<!tpu.dma_semaphore, #tpu.memory_space<semaphore_mem>>) {add = true}
      %dma_start3A_228 = arith.constant 2 : i32
      %dma_start3A_229 = arith.constant 256 : i32
      %dma_start3A_230 = arith.constant 0 : i32
      %dma_start3A_231 = tpu.memref_slice %arg9[%dma_start3A_229, %dma_start3A_230] : memref<1024x16xf32, #tpu.memory_space<vmem>> -> memref<128x16xf32, #tpu.memory_space<vmem>>
      %dma_start3A_232 = arith.constant 0 : i32
      %dma_start3A_233 = tpu.memref_slice %arg8[%dma_start3A_228, %dma_start3A_232] : memref<8x128xi32, #tpu.memory_space<vmem>> -> memref<1x128xi32, #tpu.memory_space<vmem>>
      %dma_start3A_234 = tpu.memref_squeeze %dma_start3A_233 : memref<1x128xi32, #tpu.memory_space<vmem>> -> memref<128xi32, #tpu.memory_space<vmem>>
      %dma_start3A_235 = arith.constant 0 : i32
      %dma_start3A_236 = arith.constant 0 : i32
      %dma_start3A_237 = tpu.memref_slice %arg11[%dma_start3A_235, %dma_start3A_236] : memref<50048x16xf32, #tpu.memory_space<vmem_shared>> -> memref<50048x16xf32, #tpu.memory_space<vmem_shared>>
      tpu.enqueue_indirect_dma source(%dma_start3A_231 : memref<128x16xf32, #tpu.memory_space<vmem>>) target(%dma_start3A_237 : memref<50048x16xf32, #tpu.memory_space<vmem_shared>>) offsets(%dma_start3A_234 : memref<128xi32, #tpu.memory_space<vmem>>) semaphore(%arg14 : memref<!tpu.dma_semaphore, #tpu.memory_space<semaphore_mem>>) {add = true}
      %dma_start3A_238 = arith.constant 3 : i32
      %dma_start3A_239 = arith.constant 384 : i32
      %dma_start3A_240 = arith.constant 0 : i32
      %dma_start3A_241 = tpu.memref_slice %arg9[%dma_start3A_239, %dma_start3A_240] : memref<1024x16xf32, #tpu.memory_space<vmem>> -> memref<128x16xf32, #tpu.memory_space<vmem>>
      %dma_start3A_242 = arith.constant 0 : i32
      %dma_start3A_243 = tpu.memref_slice %arg8[%dma_start3A_238, %dma_start3A_242] : memref<8x128xi32, #tpu.memory_space<vmem>> -> memref<1x128xi32, #tpu.memory_space<vmem>>
      %dma_start3A_244 = tpu.memref_squeeze %dma_start3A_243 : memref<1x128xi32, #tpu.memory_space<vmem>> -> memref<128xi32, #tpu.memory_space<vmem>>
      %dma_start3A_245 = arith.constant 0 : i32
      %dma_start3A_246 = arith.constant 0 : i32
      %dma_start3A_247 = tpu.memref_slice %arg11[%dma_start3A_245, %dma_start3A_246] : memref<50048x16xf32, #tpu.memory_space<vmem_shared>> -> memref<50048x16xf32, #tpu.memory_space<vmem_shared>>
      tpu.enqueue_indirect_dma source(%dma_start3A_241 : memref<128x16xf32, #tpu.memory_space<vmem>>) target(%dma_start3A_247 : memref<50048x16xf32, #tpu.memory_space<vmem_shared>>) offsets(%dma_start3A_244 : memref<128xi32, #tpu.memory_space<vmem>>) semaphore(%arg14 : memref<!tpu.dma_semaphore, #tpu.memory_space<semaphore_mem>>) {add = true}
      %dma_start3A_248 = arith.constant 4 : i32
      %dma_start3A_249 = arith.constant 512 : i32
      %dma_start3A_250 = arith.constant 0 : i32
      %dma_start3A_251 = tpu.memref_slice %arg9[%dma_start3A_249, %dma_start3A_250] : memref<1024x16xf32, #tpu.memory_space<vmem>> -> memref<128x16xf32, #tpu.memory_space<vmem>>
      %dma_start3A_252 = arith.constant 0 : i32
      %dma_start3A_253 = tpu.memref_slice %arg8[%dma_start3A_248, %dma_start3A_252] : memref<8x128xi32, #tpu.memory_space<vmem>> -> memref<1x128xi32, #tpu.memory_space<vmem>>
      %dma_start3A_254 = tpu.memref_squeeze %dma_start3A_253 : memref<1x128xi32, #tpu.memory_space<vmem>> -> memref<128xi32, #tpu.memory_space<vmem>>
      %dma_start3A_255 = arith.constant 0 : i32
      %dma_start3A_256 = arith.constant 0 : i32
      %dma_start3A_257 = tpu.memref_slice %arg11[%dma_start3A_255, %dma_start3A_256] : memref<50048x16xf32, #tpu.memory_space<vmem_shared>> -> memref<50048x16xf32, #tpu.memory_space<vmem_shared>>
      tpu.enqueue_indirect_dma source(%dma_start3A_251 : memref<128x16xf32, #tpu.memory_space<vmem>>) target(%dma_start3A_257 : memref<50048x16xf32, #tpu.memory_space<vmem_shared>>) offsets(%dma_start3A_254 : memref<128xi32, #tpu.memory_space<vmem>>) semaphore(%arg14 : memref<!tpu.dma_semaphore, #tpu.memory_space<semaphore_mem>>) {add = true}
      %dma_start3A_258 = arith.constant 5 : i32
      %dma_start3A_259 = arith.constant 640 : i32
      %dma_start3A_260 = arith.constant 0 : i32
      %dma_start3A_261 = tpu.memref_slice %arg9[%dma_start3A_259, %dma_start3A_260] : memref<1024x16xf32, #tpu.memory_space<vmem>> -> memref<128x16xf32, #tpu.memory_space<vmem>>
      %dma_start3A_262 = arith.constant 0 : i32
      %dma_start3A_263 = tpu.memref_slice %arg8[%dma_start3A_258, %dma_start3A_262] : memref<8x128xi32, #tpu.memory_space<vmem>> -> memref<1x128xi32, #tpu.memory_space<vmem>>
      %dma_start3A_264 = tpu.memref_squeeze %dma_start3A_263 : memref<1x128xi32, #tpu.memory_space<vmem>> -> memref<128xi32, #tpu.memory_space<vmem>>
      %dma_start3A_265 = arith.constant 0 : i32
      %dma_start3A_266 = arith.constant 0 : i32
      %dma_start3A_267 = tpu.memref_slice %arg11[%dma_start3A_265, %dma_start3A_266] : memref<50048x16xf32, #tpu.memory_space<vmem_shared>> -> memref<50048x16xf32, #tpu.memory_space<vmem_shared>>
      tpu.enqueue_indirect_dma source(%dma_start3A_261 : memref<128x16xf32, #tpu.memory_space<vmem>>) target(%dma_start3A_267 : memref<50048x16xf32, #tpu.memory_space<vmem_shared>>) offsets(%dma_start3A_264 : memref<128xi32, #tpu.memory_space<vmem>>) semaphore(%arg14 : memref<!tpu.dma_semaphore, #tpu.memory_space<semaphore_mem>>) {add = true}
      %dma_start3A_268 = arith.constant 6 : i32
      %dma_start3A_269 = arith.constant 768 : i32
      %dma_start3A_270 = arith.constant 0 : i32
      %dma_start3A_271 = tpu.memref_slice %arg9[%dma_start3A_269, %dma_start3A_270] : memref<1024x16xf32, #tpu.memory_space<vmem>> -> memref<128x16xf32, #tpu.memory_space<vmem>>
      %dma_start3A_272 = arith.constant 0 : i32
      %dma_start3A_273 = tpu.memref_slice %arg8[%dma_start3A_268, %dma_start3A_272] : memref<8x128xi32, #tpu.memory_space<vmem>> -> memref<1x128xi32, #tpu.memory_space<vmem>>
      %dma_start3A_274 = tpu.memref_squeeze %dma_start3A_273 : memref<1x128xi32, #tpu.memory_space<vmem>> -> memref<128xi32, #tpu.memory_space<vmem>>
      %dma_start3A_275 = arith.constant 0 : i32
      %dma_start3A_276 = arith.constant 0 : i32
      %dma_start3A_277 = tpu.memref_slice %arg11[%dma_start3A_275, %dma_start3A_276] : memref<50048x16xf32, #tpu.memory_space<vmem_shared>> -> memref<50048x16xf32, #tpu.memory_space<vmem_shared>>
      tpu.enqueue_indirect_dma source(%dma_start3A_271 : memref<128x16xf32, #tpu.memory_space<vmem>>) target(%dma_start3A_277 : memref<50048x16xf32, #tpu.memory_space<vmem_shared>>) offsets(%dma_start3A_274 : memref<128xi32, #tpu.memory_space<vmem>>) semaphore(%arg14 : memref<!tpu.dma_semaphore, #tpu.memory_space<semaphore_mem>>) {add = true}
      %dma_start3A_278 = arith.constant 7 : i32
      %dma_start3A_279 = arith.constant 896 : i32
      %dma_start3A_280 = arith.constant 0 : i32
      %dma_start3A_281 = tpu.memref_slice %arg9[%dma_start3A_279, %dma_start3A_280] : memref<1024x16xf32, #tpu.memory_space<vmem>> -> memref<128x16xf32, #tpu.memory_space<vmem>>
      %dma_start3A_282 = arith.constant 0 : i32
      %dma_start3A_283 = tpu.memref_slice %arg8[%dma_start3A_278, %dma_start3A_282] : memref<8x128xi32, #tpu.memory_space<vmem>> -> memref<1x128xi32, #tpu.memory_space<vmem>>
      %dma_start3A_284 = tpu.memref_squeeze %dma_start3A_283 : memref<1x128xi32, #tpu.memory_space<vmem>> -> memref<128xi32, #tpu.memory_space<vmem>>
      %dma_start3A_285 = arith.constant 0 : i32
      %dma_start3A_286 = arith.constant 0 : i32
      %dma_start3A_287 = tpu.memref_slice %arg11[%dma_start3A_285, %dma_start3A_286] : memref<50048x16xf32, #tpu.memory_space<vmem_shared>> -> memref<50048x16xf32, #tpu.memory_space<vmem_shared>>
      tpu.enqueue_indirect_dma source(%dma_start3A_281 : memref<128x16xf32, #tpu.memory_space<vmem>>) target(%dma_start3A_287 : memref<50048x16xf32, #tpu.memory_space<vmem_shared>>) offsets(%dma_start3A_284 : memref<128xi32, #tpu.memory_space<vmem>>) semaphore(%arg14 : memref<!tpu.dma_semaphore, #tpu.memory_space<semaphore_mem>>) {add = true}
      %dma_wait3A_288 = arith.constant 0 : i32
      %dma_wait3A_289 = arith.constant 0 : i32
      %dma_wait3A_290 = arith.constant 0 : i32
      %dma_wait3A_291 = tpu.memref_slice %arg9[%dma_wait3A_289, %dma_wait3A_290] : memref<1024x16xf32, #tpu.memory_space<vmem>> -> memref<128x16xf32, #tpu.memory_space<vmem>>
      %dma_wait3A_292 = arith.constant 0 : i32
      %dma_wait3A_293 = tpu.memref_slice %arg8[%dma_wait3A_288, %dma_wait3A_292] : memref<8x128xi32, #tpu.memory_space<vmem>> -> memref<1x128xi32, #tpu.memory_space<vmem>>
      %dma_wait3A_294 = tpu.memref_squeeze %dma_wait3A_293 : memref<1x128xi32, #tpu.memory_space<vmem>> -> memref<128xi32, #tpu.memory_space<vmem>>
      %dma_wait3A_295 = arith.constant 0 : i32
      %dma_wait3A_296 = arith.constant 0 : i32
      %dma_wait3A_297 = tpu.memref_slice %arg11[%dma_wait3A_295, %dma_wait3A_296] : memref<50048x16xf32, #tpu.memory_space<vmem_shared>> -> memref<50048x16xf32, #tpu.memory_space<vmem_shared>>
      tpu.wait_indirect_dma semaphore(%arg14 : memref<!tpu.dma_semaphore, #tpu.memory_space<semaphore_mem>>) src(%dma_wait3A_291 : memref<128x16xf32, #tpu.memory_space<vmem>>) dst(%dma_wait3A_297 : memref<50048x16xf32, #tpu.memory_space<vmem_shared>>)
      %dma_wait3A_298 = arith.constant 1 : i32
      %dma_wait3A_299 = arith.constant 128 : i32
      %dma_wait3A_300 = arith.constant 0 : i32
      %dma_wait3A_301 = tpu.memref_slice %arg9[%dma_wait3A_299, %dma_wait3A_300] : memref<1024x16xf32, #tpu.memory_space<vmem>> -> memref<128x16xf32, #tpu.memory_space<vmem>>
      %dma_wait3A_302 = arith.constant 0 : i32
      %dma_wait3A_303 = tpu.memref_slice %arg8[%dma_wait3A_298, %dma_wait3A_302] : memref<8x128xi32, #tpu.memory_space<vmem>> -> memref<1x128xi32, #tpu.memory_space<vmem>>
      %dma_wait3A_304 = tpu.memref_squeeze %dma_wait3A_303 : memref<1x128xi32, #tpu.memory_space<vmem>> -> memref<128xi32, #tpu.memory_space<vmem>>
      %dma_wait3A_305 = arith.constant 0 : i32
      %dma_wait3A_306 = arith.constant 0 : i32
      %dma_wait3A_307 = tpu.memref_slice %arg11[%dma_wait3A_305, %dma_wait3A_306] : memref<50048x16xf32, #tpu.memory_space<vmem_shared>> -> memref<50048x16xf32, #tpu.memory_space<vmem_shared>>
      tpu.wait_indirect_dma semaphore(%arg14 : memref<!tpu.dma_semaphore, #tpu.memory_space<semaphore_mem>>) src(%dma_wait3A_301 : memref<128x16xf32, #tpu.memory_space<vmem>>) dst(%dma_wait3A_307 : memref<50048x16xf32, #tpu.memory_space<vmem_shared>>)
      %dma_wait3A_308 = arith.constant 2 : i32
      %dma_wait3A_309 = arith.constant 256 : i32
      %dma_wait3A_310 = arith.constant 0 : i32
      %dma_wait3A_311 = tpu.memref_slice %arg9[%dma_wait3A_309, %dma_wait3A_310] : memref<1024x16xf32, #tpu.memory_space<vmem>> -> memref<128x16xf32, #tpu.memory_space<vmem>>
      %dma_wait3A_312 = arith.constant 0 : i32
      %dma_wait3A_313 = tpu.memref_slice %arg8[%dma_wait3A_308, %dma_wait3A_312] : memref<8x128xi32, #tpu.memory_space<vmem>> -> memref<1x128xi32, #tpu.memory_space<vmem>>
      %dma_wait3A_314 = tpu.memref_squeeze %dma_wait3A_313 : memref<1x128xi32, #tpu.memory_space<vmem>> -> memref<128xi32, #tpu.memory_space<vmem>>
      %dma_wait3A_315 = arith.constant 0 : i32
      %dma_wait3A_316 = arith.constant 0 : i32
      %dma_wait3A_317 = tpu.memref_slice %arg11[%dma_wait3A_315, %dma_wait3A_316] : memref<50048x16xf32, #tpu.memory_space<vmem_shared>> -> memref<50048x16xf32, #tpu.memory_space<vmem_shared>>
      tpu.wait_indirect_dma semaphore(%arg14 : memref<!tpu.dma_semaphore, #tpu.memory_space<semaphore_mem>>) src(%dma_wait3A_311 : memref<128x16xf32, #tpu.memory_space<vmem>>) dst(%dma_wait3A_317 : memref<50048x16xf32, #tpu.memory_space<vmem_shared>>)
      %dma_wait3A_318 = arith.constant 3 : i32
      %dma_wait3A_319 = arith.constant 384 : i32
      %dma_wait3A_320 = arith.constant 0 : i32
      %dma_wait3A_321 = tpu.memref_slice %arg9[%dma_wait3A_319, %dma_wait3A_320] : memref<1024x16xf32, #tpu.memory_space<vmem>> -> memref<128x16xf32, #tpu.memory_space<vmem>>
      %dma_wait3A_322 = arith.constant 0 : i32
      %dma_wait3A_323 = tpu.memref_slice %arg8[%dma_wait3A_318, %dma_wait3A_322] : memref<8x128xi32, #tpu.memory_space<vmem>> -> memref<1x128xi32, #tpu.memory_space<vmem>>
      %dma_wait3A_324 = tpu.memref_squeeze %dma_wait3A_323 : memref<1x128xi32, #tpu.memory_space<vmem>> -> memref<128xi32, #tpu.memory_space<vmem>>
      %dma_wait3A_325 = arith.constant 0 : i32
      %dma_wait3A_326 = arith.constant 0 : i32
      %dma_wait3A_327 = tpu.memref_slice %arg11[%dma_wait3A_325, %dma_wait3A_326] : memref<50048x16xf32, #tpu.memory_space<vmem_shared>> -> memref<50048x16xf32, #tpu.memory_space<vmem_shared>>
      tpu.wait_indirect_dma semaphore(%arg14 : memref<!tpu.dma_semaphore, #tpu.memory_space<semaphore_mem>>) src(%dma_wait3A_321 : memref<128x16xf32, #tpu.memory_space<vmem>>) dst(%dma_wait3A_327 : memref<50048x16xf32, #tpu.memory_space<vmem_shared>>)
      %dma_wait3A_328 = arith.constant 4 : i32
      %dma_wait3A_329 = arith.constant 512 : i32
      %dma_wait3A_330 = arith.constant 0 : i32
      %dma_wait3A_331 = tpu.memref_slice %arg9[%dma_wait3A_329, %dma_wait3A_330] : memref<1024x16xf32, #tpu.memory_space<vmem>> -> memref<128x16xf32, #tpu.memory_space<vmem>>
      %dma_wait3A_332 = arith.constant 0 : i32
      %dma_wait3A_333 = tpu.memref_slice %arg8[%dma_wait3A_328, %dma_wait3A_332] : memref<8x128xi32, #tpu.memory_space<vmem>> -> memref<1x128xi32, #tpu.memory_space<vmem>>
      %dma_wait3A_334 = tpu.memref_squeeze %dma_wait3A_333 : memref<1x128xi32, #tpu.memory_space<vmem>> -> memref<128xi32, #tpu.memory_space<vmem>>
      %dma_wait3A_335 = arith.constant 0 : i32
      %dma_wait3A_336 = arith.constant 0 : i32
      %dma_wait3A_337 = tpu.memref_slice %arg11[%dma_wait3A_335, %dma_wait3A_336] : memref<50048x16xf32, #tpu.memory_space<vmem_shared>> -> memref<50048x16xf32, #tpu.memory_space<vmem_shared>>
      tpu.wait_indirect_dma semaphore(%arg14 : memref<!tpu.dma_semaphore, #tpu.memory_space<semaphore_mem>>) src(%dma_wait3A_331 : memref<128x16xf32, #tpu.memory_space<vmem>>) dst(%dma_wait3A_337 : memref<50048x16xf32, #tpu.memory_space<vmem_shared>>)
      %dma_wait3A_338 = arith.constant 5 : i32
      %dma_wait3A_339 = arith.constant 640 : i32
      %dma_wait3A_340 = arith.constant 0 : i32
      %dma_wait3A_341 = tpu.memref_slice %arg9[%dma_wait3A_339, %dma_wait3A_340] : memref<1024x16xf32, #tpu.memory_space<vmem>> -> memref<128x16xf32, #tpu.memory_space<vmem>>
      %dma_wait3A_342 = arith.constant 0 : i32
      %dma_wait3A_343 = tpu.memref_slice %arg8[%dma_wait3A_338, %dma_wait3A_342] : memref<8x128xi32, #tpu.memory_space<vmem>> -> memref<1x128xi32, #tpu.memory_space<vmem>>
      %dma_wait3A_344 = tpu.memref_squeeze %dma_wait3A_343 : memref<1x128xi32, #tpu.memory_space<vmem>> -> memref<128xi32, #tpu.memory_space<vmem>>
      %dma_wait3A_345 = arith.constant 0 : i32
      %dma_wait3A_346 = arith.constant 0 : i32
      %dma_wait3A_347 = tpu.memref_slice %arg11[%dma_wait3A_345, %dma_wait3A_346] : memref<50048x16xf32, #tpu.memory_space<vmem_shared>> -> memref<50048x16xf32, #tpu.memory_space<vmem_shared>>
      tpu.wait_indirect_dma semaphore(%arg14 : memref<!tpu.dma_semaphore, #tpu.memory_space<semaphore_mem>>) src(%dma_wait3A_341 : memref<128x16xf32, #tpu.memory_space<vmem>>) dst(%dma_wait3A_347 : memref<50048x16xf32, #tpu.memory_space<vmem_shared>>)
      %dma_wait3A_348 = arith.constant 6 : i32
      %dma_wait3A_349 = arith.constant 768 : i32
      %dma_wait3A_350 = arith.constant 0 : i32
      %dma_wait3A_351 = tpu.memref_slice %arg9[%dma_wait3A_349, %dma_wait3A_350] : memref<1024x16xf32, #tpu.memory_space<vmem>> -> memref<128x16xf32, #tpu.memory_space<vmem>>
      %dma_wait3A_352 = arith.constant 0 : i32
      %dma_wait3A_353 = tpu.memref_slice %arg8[%dma_wait3A_348, %dma_wait3A_352] : memref<8x128xi32, #tpu.memory_space<vmem>> -> memref<1x128xi32, #tpu.memory_space<vmem>>
      %dma_wait3A_354 = tpu.memref_squeeze %dma_wait3A_353 : memref<1x128xi32, #tpu.memory_space<vmem>> -> memref<128xi32, #tpu.memory_space<vmem>>
      %dma_wait3A_355 = arith.constant 0 : i32
      %dma_wait3A_356 = arith.constant 0 : i32
      %dma_wait3A_357 = tpu.memref_slice %arg11[%dma_wait3A_355, %dma_wait3A_356] : memref<50048x16xf32, #tpu.memory_space<vmem_shared>> -> memref<50048x16xf32, #tpu.memory_space<vmem_shared>>
      tpu.wait_indirect_dma semaphore(%arg14 : memref<!tpu.dma_semaphore, #tpu.memory_space<semaphore_mem>>) src(%dma_wait3A_351 : memref<128x16xf32, #tpu.memory_space<vmem>>) dst(%dma_wait3A_357 : memref<50048x16xf32, #tpu.memory_space<vmem_shared>>)
      %dma_wait3A_358 = arith.constant 7 : i32
      %dma_wait3A_359 = arith.constant 896 : i32
      %dma_wait3A_360 = arith.constant 0 : i32
      %dma_wait3A_361 = tpu.memref_slice %arg9[%dma_wait3A_359, %dma_wait3A_360] : memref<1024x16xf32, #tpu.memory_space<vmem>> -> memref<128x16xf32, #tpu.memory_space<vmem>>
      %dma_wait3A_362 = arith.constant 0 : i32
      %dma_wait3A_363 = tpu.memref_slice %arg8[%dma_wait3A_358, %dma_wait3A_362] : memref<8x128xi32, #tpu.memory_space<vmem>> -> memref<1x128xi32, #tpu.memory_space<vmem>>
      %dma_wait3A_364 = tpu.memref_squeeze %dma_wait3A_363 : memref<1x128xi32, #tpu.memory_space<vmem>> -> memref<128xi32, #tpu.memory_space<vmem>>
      %dma_wait3A_365 = arith.constant 0 : i32
      %dma_wait3A_366 = arith.constant 0 : i32
      %dma_wait3A_367 = tpu.memref_slice %arg11[%dma_wait3A_365, %dma_wait3A_366] : memref<50048x16xf32, #tpu.memory_space<vmem_shared>> -> memref<50048x16xf32, #tpu.memory_space<vmem_shared>>
      tpu.wait_indirect_dma semaphore(%arg14 : memref<!tpu.dma_semaphore, #tpu.memory_space<semaphore_mem>>) src(%dma_wait3A_361 : memref<128x16xf32, #tpu.memory_space<vmem>>) dst(%dma_wait3A_367 : memref<50048x16xf32, #tpu.memory_space<vmem_shared>>)
    }
    %barrier3A_41 = arith.constant 0 : index
    tpu.barrier barrier_id(%barrier3A_41)
    %mul3A_42 = arith.constant 3128 : i32
    %mul3A_43 = arith.muli %arg1, %mul3A_42 : i32
    %mul3A_44 = arith.constant 3128 : i32
    %mul3A_45 = arith.muli %arg1, %mul3A_44 : i32
    "tpu.region"() ({
      %run_scoped3A = tpu.sem_alloc : memref<!tpu.dma_semaphore, #tpu.memory_space<semaphore_mem>>
      %dma_start3A = arith.constant 0 : i32
      %dma_start3A_46 = tpu.memref_slice %arg6[%arg0, %mul3A_45, %dma_start3A] : memref<2x50048x16xf32, #tpu.memory_space<hbm>> -> memref<1x3128x16xf32, #tpu.memory_space<hbm>>
      %dma_start3A_47 = tpu.memref_squeeze %dma_start3A_46 : memref<1x3128x16xf32, #tpu.memory_space<hbm>> -> memref<3128x16xf32, #tpu.memory_space<hbm>>
      %dma_start3A_48 = arith.constant 0 : i32
      %dma_start3A_49 = tpu.memref_slice %arg11[%mul3A_43, %dma_start3A_48] : memref<50048x16xf32, #tpu.memory_space<vmem_shared>> -> memref<3128x16xf32, #tpu.memory_space<vmem_shared>>
      tpu.enqueue_dma source(%dma_start3A_49 : memref<3128x16xf32, #tpu.memory_space<vmem_shared>>) target(%dma_start3A_47 : memref<3128x16xf32, #tpu.memory_space<hbm>>) target_semaphore(%run_scoped3A : memref<!tpu.dma_semaphore, #tpu.memory_space<semaphore_mem>>)
      %dma_wait3A = arith.constant 0 : i32
      %dma_wait3A_50 = tpu.memref_slice %arg6[%arg0, %mul3A_45, %dma_wait3A] : memref<2x50048x16xf32, #tpu.memory_space<hbm>> -> memref<1x3128x16xf32, #tpu.memory_space<hbm>>
      %dma_wait3A_51 = tpu.memref_squeeze %dma_wait3A_50 : memref<1x3128x16xf32, #tpu.memory_space<hbm>> -> memref<3128x16xf32, #tpu.memory_space<hbm>>
      %dma_wait3A_52 = arith.constant 0 : i32
      %dma_wait3A_53 = tpu.memref_slice %arg11[%mul3A_43, %dma_wait3A_52] : memref<50048x16xf32, #tpu.memory_space<vmem_shared>> -> memref<3128x16xf32, #tpu.memory_space<vmem_shared>>
      tpu.wait_dma2 semaphore(%run_scoped3A : memref<!tpu.dma_semaphore, #tpu.memory_space<semaphore_mem>>) src(%dma_wait3A_53 : memref<3128x16xf32, #tpu.memory_space<vmem_shared>>) dst(%dma_wait3A_51 : memref<3128x16xf32, #tpu.memory_space<hbm>>)
      tpu.yield
    }) : () -> ()
    return
  }
}

module attributes {stable_mosaic.version = 14 : i64} {
  func.func @body(%arg0: i32, %arg1: memref<2000x128xf32, #tpu.memory_space<vmem>>, %arg2: memref<2000x3xf32, #tpu.memory_space<vmem>>, %arg3: memref<1x2000x1xf32, #tpu.memory_space<vmem>>, %arg4: memref<1x2000x1xf32, #tpu.memory_space<vmem>>, %arg5: memref<128x512xf32, #tpu.memory_space<vmem>>, %arg6: memref<1x512xf32, #tpu.memory_space<vmem>>, %arg7: memref<512x96xf32, #tpu.memory_space<vmem>>, %arg8: memref<1x96xf32, #tpu.memory_space<vmem>>, %arg9: memref<96x32xf32, #tpu.memory_space<vmem>>, %arg10: memref<1x96xf32, #tpu.memory_space<vmem>>, %arg11: memref<1x96xf32, #tpu.memory_space<vmem>>, %arg12: memref<2000x96xf32, #tpu.memory_space<vmem>>, %arg13: memref<2000x16xf32, #tpu.memory_space<vmem>>, %arg14: memref<2000x16xf32, #tpu.memory_space<vmem>>, %arg15: memref<2000x1xf32, #tpu.memory_space<vmem>>) attributes {dimension_semantics = [#tpu.dimension_semantics<arbitrary>], iteration_bounds = array<i64: 25>, scalar_prefetch = 0 : i64, scratch_operands = 0 : i64, tpu.core_type = #tpu.core_type<tc>, window_params = [{transform_indices = @transform_0, window_bounds = array<i64: 2000, 128>}, {transform_indices = @transform_1, window_bounds = array<i64: 2000, 3>}, {transform_indices = @transform_2, window_bounds = array<i64: 1, 2000, 1>}, {transform_indices = @transform_3, window_bounds = array<i64: 1, 2000, 1>}, {pipeline_mode = #tpu.pipeline_mode<synchronous>, transform_indices = @transform_4, window_bounds = array<i64: 128, 512>}, {pipeline_mode = #tpu.pipeline_mode<synchronous>, transform_indices = @transform_5, window_bounds = array<i64: 1, 512>}, {pipeline_mode = #tpu.pipeline_mode<synchronous>, transform_indices = @transform_6, window_bounds = array<i64: 512, 96>}, {pipeline_mode = #tpu.pipeline_mode<synchronous>, transform_indices = @transform_7, window_bounds = array<i64: 1, 96>}, {pipeline_mode = #tpu.pipeline_mode<synchronous>, transform_indices = @transform_8, window_bounds = array<i64: 96, 32>}, {pipeline_mode = #tpu.pipeline_mode<synchronous>, transform_indices = @transform_9, window_bounds = array<i64: 1, 96>}, {pipeline_mode = #tpu.pipeline_mode<synchronous>, transform_indices = @transform_10, window_bounds = array<i64: 1, 96>}, {transform_indices = @transform_11, window_bounds = array<i64: 2000, 96>}, {transform_indices = @transform_12, window_bounds = array<i64: 2000, 16>}, {transform_indices = @transform_13, window_bounds = array<i64: 2000, 16>}, {transform_indices = @transform_14, window_bounds = array<i64: 2000, 1>}]} {
    %get3A = arith.constant 0 : index
    %get3A_0 = arith.constant 0 : index
    %get3A_1 = vector.load %arg1[%get3A, %get3A_0] : memref<2000x128xf32, #tpu.memory_space<vmem>>, vector<2000x128xf32>
    %get3A_2 = arith.constant 0 : index
    %get3A_3 = arith.constant 0 : index
    %get3A_4 = vector.load %arg5[%get3A_2, %get3A_3] : memref<128x512xf32, #tpu.memory_space<vmem>>, vector<128x512xf32>
    %dot_general3A = arith.constant dense<0.000000e+00> : vector<2000x512xf32>
    %dot_general3A_5 = tpu.matmul %get3A_1, %get3A_4, %dot_general3A {dimension_numbers = #tpu.dot_dimension_numbers<[1], [0], [0], [1], [0, 0, 1, 1], [], []>, transpose_lhs_hint = false} : vector<2000x128xf32>, vector<128x512xf32>, vector<2000x512xf32> -> vector<2000x512xf32>
    %get3A_6 = arith.constant 0 : index
    %get3A_7 = arith.constant 0 : index
    %get3A_8 = vector.load %arg6[%get3A_6, %get3A_7] : memref<1x512xf32, #tpu.memory_space<vmem>>, vector<1x512xf32>
    %add3A = vector.broadcast %get3A_8 : vector<1x512xf32> to vector<2000x512xf32>
    %add3A_9 = arith.addf %dot_general3A_5, %add3A : vector<2000x512xf32>
    %max3A = arith.constant 0.000000e+00 : f32
    %max3A_10 = vector.broadcast %max3A : f32 to vector<2000x512xf32>
    %max3A_11 = arith.maximumf %add3A_9, %max3A_10 : vector<2000x512xf32>
    %get3A_12 = arith.constant 0 : index
    %get3A_13 = arith.constant 0 : index
    %get3A_14 = vector.load %arg7[%get3A_12, %get3A_13] : memref<512x96xf32, #tpu.memory_space<vmem>>, vector<512x96xf32>
    %dot_general3A_15 = arith.constant dense<0.000000e+00> : vector<2000x96xf32>
    %dot_general3A_16 = tpu.matmul %max3A_11, %get3A_14, %dot_general3A_15 {dimension_numbers = #tpu.dot_dimension_numbers<[1], [0], [0], [1], [0, 0, 1, 1], [], []>, transpose_lhs_hint = false} : vector<2000x512xf32>, vector<512x96xf32>, vector<2000x96xf32> -> vector<2000x96xf32>
    %get3A_17 = arith.constant 0 : index
    %get3A_18 = arith.constant 0 : index
    %get3A_19 = vector.load %arg8[%get3A_17, %get3A_18] : memref<1x96xf32, #tpu.memory_space<vmem>>, vector<1x96xf32>
    %add3A_20 = vector.broadcast %get3A_19 : vector<1x96xf32> to vector<2000x96xf32>
    %add3A_21 = arith.addf %dot_general3A_16, %add3A_20 : vector<2000x96xf32>
    %max3A_22 = arith.constant 0.000000e+00 : f32
    %max3A_23 = vector.broadcast %max3A_22 : f32 to vector<2000x96xf32>
    %max3A_24 = arith.maximumf %add3A_21, %max3A_23 : vector<2000x96xf32>
    %get3A_25 = arith.constant 0 : index
    %get3A_26 = arith.constant 0 : index
    %get3A_27 = vector.load %arg9[%get3A_25, %get3A_26] : memref<96x32xf32, #tpu.memory_space<vmem>>, vector<96x32xf32>
    %dot_general3A_28 = arith.constant dense<0.000000e+00> : vector<2000x32xf32>
    %dot_general3A_29 = tpu.matmul %max3A_24, %get3A_27, %dot_general3A_28 {dimension_numbers = #tpu.dot_dimension_numbers<[1], [0], [0], [1], [0, 0, 1, 1], [], []>, transpose_lhs_hint = false} : vector<2000x96xf32>, vector<96x32xf32>, vector<2000x32xf32> -> vector<2000x32xf32>
    %get3A_30 = arith.constant 0 : index
    %get3A_31 = arith.constant 0 : index
    %get3A_32 = arith.constant 0 : index
    %get3A_33 = vector.load %arg3[%get3A_30, %get3A_31, %get3A_32] : memref<1x2000x1xf32, #tpu.memory_space<vmem>>, vector<1x2000x1xf32>
    %get3A_34 = vector.shape_cast %get3A_33 : vector<1x2000x1xf32> to vector<2000x1xf32>
    %get3A_35 = arith.constant 0 : index
    %get3A_36 = arith.constant 0 : index
    %get3A_37 = arith.constant 0 : index
    %get3A_38 = vector.load %arg4[%get3A_35, %get3A_36, %get3A_37] : memref<1x2000x1xf32, #tpu.memory_space<vmem>>, vector<1x2000x1xf32>
    %get3A_39 = vector.shape_cast %get3A_38 : vector<1x2000x1xf32> to vector<2000x1xf32>
    %add3A_40 = arith.addf %get3A_34, %get3A_39 : vector<2000x1xf32>
    %add3A_41 = arith.constant 1.000000e+00 : f32
    %add3A_42 = vector.broadcast %add3A_41 : f32 to vector<2000x1xf32>
    %add3A_43 = arith.addf %add3A_40, %add3A_42 : vector<2000x1xf32>
    %rsqrt3A = math.rsqrt %add3A_43 : vector<2000x1xf32>
    %swap3A = arith.constant 0 : index
    %swap3A_44 = arith.constant 0 : index
    %swap3A_45 = vector.load %arg15[%swap3A, %swap3A_44] : memref<2000x1xf32, #tpu.memory_space<vmem>>, vector<2000x1xf32>
    tpu.vector_store %arg15[%swap3A, %swap3A_44], %rsqrt3A {strides = array<i32>} : memref<2000x1xf32, #tpu.memory_space<vmem>>, vector<2000x1xf32>,
    %mul3A = vector.broadcast %rsqrt3A : vector<2000x1xf32> to vector<2000x32xf32>
    %mul3A_46 = arith.mulf %dot_general3A_29, %mul3A : vector<2000x32xf32>
    %slice3A = vector.extract_strided_slice %mul3A_46 {offsets = [0, 0], sizes = [2000, 16], strides = [1, 1]} : vector<2000x32xf32> to vector<2000x16xf32>
    %swap3A_47 = arith.constant 0 : index
    %swap3A_48 = arith.constant 0 : index
    %swap3A_49 = vector.load %arg13[%swap3A_47, %swap3A_48] : memref<2000x16xf32, #tpu.memory_space<vmem>>, vector<2000x16xf32>
    tpu.vector_store %arg13[%swap3A_47, %swap3A_48], %slice3A {strides = array<i32>} : memref<2000x16xf32, #tpu.memory_space<vmem>>, vector<2000x16xf32>,
    %slice3A_50 = vector.extract_strided_slice %mul3A_46 {offsets = [0, 16], sizes = [2000, 16], strides = [1, 1]} : vector<2000x32xf32> to vector<2000x16xf32>
    %swap3A_51 = arith.constant 0 : index
    %swap3A_52 = arith.constant 0 : index
    %swap3A_53 = vector.load %arg14[%swap3A_51, %swap3A_52] : memref<2000x16xf32, #tpu.memory_space<vmem>>, vector<2000x16xf32>
    tpu.vector_store %arg14[%swap3A_51, %swap3A_52], %slice3A_50 {strides = array<i32>} : memref<2000x16xf32, #tpu.memory_space<vmem>>, vector<2000x16xf32>,
    %get3A_54 = arith.constant 0 : index
    %get3A_55 = arith.constant 0 : index
    %get3A_56 = vector.load %arg2[%get3A_54, %get3A_55] : memref<2000x3xf32, #tpu.memory_space<vmem>>, vector<2000x3xf32>
    %slice3A_57 = vector.extract_strided_slice %get3A_56 {offsets = [0, 0], sizes = [2000, 1], strides = [1, 1]} : vector<2000x3xf32> to vector<2000x1xf32>
    %broadcast_in_dim3A = vector.shape_cast %slice3A_57 : vector<2000x1xf32> to vector<2000x1xf32>
    %broadcast_in_dim3A_58 = vector.broadcast %broadcast_in_dim3A : vector<2000x1xf32> to vector<2000x32xf32>
    %slice3A_59 = vector.extract_strided_slice %get3A_56 {offsets = [0, 1], sizes = [2000, 1], strides = [1, 1]} : vector<2000x3xf32> to vector<2000x1xf32>
    %broadcast_in_dim3A_60 = vector.shape_cast %slice3A_59 : vector<2000x1xf32> to vector<2000x1xf32>
    %broadcast_in_dim3A_61 = vector.broadcast %broadcast_in_dim3A_60 : vector<2000x1xf32> to vector<2000x32xf32>
    %slice3A_62 = vector.extract_strided_slice %get3A_56 {offsets = [0, 2], sizes = [2000, 1], strides = [1, 1]} : vector<2000x3xf32> to vector<2000x1xf32>
    %broadcast_in_dim3A_63 = vector.shape_cast %slice3A_62 : vector<2000x1xf32> to vector<2000x1xf32>
    %broadcast_in_dim3A_64 = vector.broadcast %broadcast_in_dim3A_63 : vector<2000x1xf32> to vector<2000x32xf32>
    %concatenate3A = tpu.concatenate %broadcast_in_dim3A_58, %broadcast_in_dim3A_61, %broadcast_in_dim3A_64 in 1 : vector<2000x32xf32>, vector<2000x32xf32>, vector<2000x32xf32> -> vector<2000x96xf32>
    %get3A_65 = arith.constant 0 : index
    %get3A_66 = arith.constant 0 : index
    %get3A_67 = vector.load %arg10[%get3A_65, %get3A_66] : memref<1x96xf32, #tpu.memory_space<vmem>>, vector<1x96xf32>
    %mul3A_68 = vector.broadcast %get3A_67 : vector<1x96xf32> to vector<2000x96xf32>
    %mul3A_69 = arith.mulf %concatenate3A, %mul3A_68 : vector<2000x96xf32>
    %get3A_70 = arith.constant 0 : index
    %get3A_71 = arith.constant 0 : index
    %get3A_72 = vector.load %arg11[%get3A_70, %get3A_71] : memref<1x96xf32, #tpu.memory_space<vmem>>, vector<1x96xf32>
    %sin3A = math.sin %mul3A_69 : vector<2000x96xf32>
    %mul3A_73 = vector.broadcast %get3A_72 : vector<1x96xf32> to vector<2000x96xf32>
    %mul3A_74 = arith.mulf %mul3A_73, %sin3A : vector<2000x96xf32>
    %sub3A = arith.constant 1.000000e+00 : f32
    %sub3A_75 = vector.broadcast %sub3A : f32 to vector<1x96xf32>
    %sub3A_76 = arith.subf %sub3A_75, %get3A_72 : vector<1x96xf32>
    %cos3A = math.cos %mul3A_69 : vector<2000x96xf32>
    %mul3A_77 = vector.broadcast %sub3A_76 : vector<1x96xf32> to vector<2000x96xf32>
    %mul3A_78 = arith.mulf %mul3A_77, %cos3A : vector<2000x96xf32>
    %add3A_79 = arith.addf %mul3A_74, %mul3A_78 : vector<2000x96xf32>
    %add3A_80 = arith.addf %add3A_79, %max3A_24 : vector<2000x96xf32>
    %swap3A_81 = arith.constant 0 : index
    %swap3A_82 = arith.constant 0 : index
    %swap3A_83 = vector.load %arg12[%swap3A_81, %swap3A_82] : memref<2000x96xf32, #tpu.memory_space<vmem>>, vector<2000x96xf32>
    tpu.vector_store %arg12[%swap3A_81, %swap3A_82], %add3A_80 {strides = array<i32>} : memref<2000x96xf32, #tpu.memory_space<vmem>>, vector<2000x96xf32>,
    return
  }
  func.func @transform_0(%arg0: i32) -> (i32, i32) {
    %c0_i32 = arith.constant 0 : i32
    %c0_i32_0 = arith.constant 0 : i32
    return %arg0, %c0_i32 : i32, i32
  }
  func.func @transform_1(%arg0: i32) -> (i32, i32) {
    %c0_i32 = arith.constant 0 : i32
    %c0_i32_0 = arith.constant 0 : i32
    return %arg0, %c0_i32 : i32, i32
  }
  func.func @transform_2(%arg0: i32) -> (i32, i32, i32) {
    %c0_i32 = arith.constant 0 : i32
    %c0_i32_0 = arith.constant 0 : i32
    %c0_i32_1 = arith.constant 0 : i32
    return %c0_i32, %arg0, %c0_i32_0 : i32, i32, i32
  }
  func.func @transform_3(%arg0: i32) -> (i32, i32, i32) {
    %c1_i32 = arith.constant 1 : i32
    %c0_i32 = arith.constant 0 : i32
    %c0_i32_0 = arith.constant 0 : i32
    return %c1_i32, %arg0, %c0_i32 : i32, i32, i32
  }
  func.func @transform_4(%arg0: i32) -> (i32, i32) {
    %c0_i32 = arith.constant 0 : i32
    %c0_i32_0 = arith.constant 0 : i32
    %c0_i32_1 = arith.constant 0 : i32
    return %c0_i32, %c0_i32_0 : i32, i32
  }
  func.func @transform_5(%arg0: i32) -> (i32, i32) {
    %c0_i32 = arith.constant 0 : i32
    %c0_i32_0 = arith.constant 0 : i32
    %c0_i32_1 = arith.constant 0 : i32
    return %c0_i32, %c0_i32_0 : i32, i32
  }
  func.func @transform_6(%arg0: i32) -> (i32, i32) {
    %c0_i32 = arith.constant 0 : i32
    %c0_i32_0 = arith.constant 0 : i32
    %c0_i32_1 = arith.constant 0 : i32
    return %c0_i32, %c0_i32_0 : i32, i32
  }
  func.func @transform_7(%arg0: i32) -> (i32, i32) {
    %c0_i32 = arith.constant 0 : i32
    %c0_i32_0 = arith.constant 0 : i32
    %c0_i32_1 = arith.constant 0 : i32
    return %c0_i32, %c0_i32_0 : i32, i32
  }
  func.func @transform_8(%arg0: i32) -> (i32, i32) {
    %c0_i32 = arith.constant 0 : i32
    %c0_i32_0 = arith.constant 0 : i32
    %c0_i32_1 = arith.constant 0 : i32
    return %c0_i32, %c0_i32_0 : i32, i32
  }
  func.func @transform_9(%arg0: i32) -> (i32, i32) {
    %c0_i32 = arith.constant 0 : i32
    %c0_i32_0 = arith.constant 0 : i32
    %c0_i32_1 = arith.constant 0 : i32
    return %c0_i32, %c0_i32_0 : i32, i32
  }
  func.func @transform_10(%arg0: i32) -> (i32, i32) {
    %c0_i32 = arith.constant 0 : i32
    %c0_i32_0 = arith.constant 0 : i32
    %c0_i32_1 = arith.constant 0 : i32
    return %c0_i32, %c0_i32_0 : i32, i32
  }
  func.func @transform_11(%arg0: i32) -> (i32, i32) {
    %c0_i32 = arith.constant 0 : i32
    %c0_i32_0 = arith.constant 0 : i32
    return %arg0, %c0_i32 : i32, i32
  }
  func.func @transform_12(%arg0: i32) -> (i32, i32) {
    %c0_i32 = arith.constant 0 : i32
    %c0_i32_0 = arith.constant 0 : i32
    return %arg0, %c0_i32 : i32, i32
  }
  func.func @transform_13(%arg0: i32) -> (i32, i32) {
    %c0_i32 = arith.constant 0 : i32
    %c0_i32_0 = arith.constant 0 : i32
    return %arg0, %c0_i32 : i32, i32
  }
  func.func @transform_14(%arg0: i32) -> (i32, i32) {
    %c0_i32 = arith.constant 0 : i32
    %c0_i32_0 = arith.constant 0 : i32
    return %arg0, %c0_i32 : i32, i32
  }
}

module attributes {stable_mosaic.version = 14 : i64} {
  func.func @body(%arg0: i32, %arg1: memref<1x2000x16xf32, #tpu.memory_space<vmem>>, %arg2: memref<1x2000x16xf32, #tpu.memory_space<vmem>>, %arg3: memref<1x2000x16xf32, #tpu.memory_space<vmem>>, %arg4: memref<1x2000x16xf32, #tpu.memory_space<vmem>>, %arg5: memref<2000x16xf32, #tpu.memory_space<vmem>>, %arg6: memref<2000x16xf32, #tpu.memory_space<vmem>>, %arg7: memref<2000x1xf32, #tpu.memory_space<vmem>>, %arg8: memref<32x16xf32, #tpu.memory_space<vmem>>, %arg9: memref<2000x16xf32, #tpu.memory_space<vmem>>) attributes {dimension_semantics = [#tpu.dimension_semantics<arbitrary>], iteration_bounds = array<i64: 25>, scalar_prefetch = 0 : i64, scratch_operands = 0 : i64, tpu.core_type = #tpu.core_type<tc>, window_params = [{transform_indices = @transform_0, window_bounds = array<i64: 1, 2000, 16>}, {transform_indices = @transform_1, window_bounds = array<i64: 1, 2000, 16>}, {transform_indices = @transform_2, window_bounds = array<i64: 1, 2000, 16>}, {transform_indices = @transform_3, window_bounds = array<i64: 1, 2000, 16>}, {transform_indices = @transform_4, window_bounds = array<i64: 2000, 16>}, {transform_indices = @transform_5, window_bounds = array<i64: 2000, 16>}, {transform_indices = @transform_6, window_bounds = array<i64: 2000, 1>}, {pipeline_mode = #tpu.pipeline_mode<synchronous>, transform_indices = @transform_7, window_bounds = array<i64: 32, 16>}, {transform_indices = @transform_8, window_bounds = array<i64: 2000, 16>}]} {
    %get3A = arith.constant 0 : index
    %get3A_0 = arith.constant 0 : index
    %get3A_1 = vector.load %arg7[%get3A, %get3A_0] : memref<2000x1xf32, #tpu.memory_space<vmem>>, vector<2000x1xf32>
    %get3A_2 = arith.constant 0 : index
    %get3A_3 = arith.constant 0 : index
    %get3A_4 = arith.constant 0 : index
    %get3A_5 = vector.load %arg1[%get3A_2, %get3A_3, %get3A_4] : memref<1x2000x16xf32, #tpu.memory_space<vmem>>, vector<1x2000x16xf32>
    %get3A_6 = vector.shape_cast %get3A_5 : vector<1x2000x16xf32> to vector<2000x16xf32>
    %get3A_7 = arith.constant 0 : index
    %get3A_8 = arith.constant 0 : index
    %get3A_9 = arith.constant 0 : index
    %get3A_10 = vector.load %arg2[%get3A_7, %get3A_8, %get3A_9] : memref<1x2000x16xf32, #tpu.memory_space<vmem>>, vector<1x2000x16xf32>
    %get3A_11 = vector.shape_cast %get3A_10 : vector<1x2000x16xf32> to vector<2000x16xf32>
    %add3A = arith.addf %get3A_6, %get3A_11 : vector<2000x16xf32>
    %get3A_12 = arith.constant 0 : index
    %get3A_13 = arith.constant 0 : index
    %get3A_14 = vector.load %arg5[%get3A_12, %get3A_13] : memref<2000x16xf32, #tpu.memory_space<vmem>>, vector<2000x16xf32>
    %add3A_15 = arith.addf %add3A, %get3A_14 : vector<2000x16xf32>
    %mul3A = vector.broadcast %get3A_1 : vector<2000x1xf32> to vector<2000x16xf32>
    %mul3A_16 = arith.mulf %mul3A, %add3A_15 : vector<2000x16xf32>
    %get3A_17 = arith.constant 0 : index
    %get3A_18 = arith.constant 0 : index
    %get3A_19 = arith.constant 0 : index
    %get3A_20 = vector.load %arg3[%get3A_17, %get3A_18, %get3A_19] : memref<1x2000x16xf32, #tpu.memory_space<vmem>>, vector<1x2000x16xf32>
    %get3A_21 = vector.shape_cast %get3A_20 : vector<1x2000x16xf32> to vector<2000x16xf32>
    %get3A_22 = arith.constant 0 : index
    %get3A_23 = arith.constant 0 : index
    %get3A_24 = arith.constant 0 : index
    %get3A_25 = vector.load %arg4[%get3A_22, %get3A_23, %get3A_24] : memref<1x2000x16xf32, #tpu.memory_space<vmem>>, vector<1x2000x16xf32>
    %get3A_26 = vector.shape_cast %get3A_25 : vector<1x2000x16xf32> to vector<2000x16xf32>
    %add3A_27 = arith.addf %get3A_21, %get3A_26 : vector<2000x16xf32>
    %get3A_28 = arith.constant 0 : index
    %get3A_29 = arith.constant 0 : index
    %get3A_30 = vector.load %arg6[%get3A_28, %get3A_29] : memref<2000x16xf32, #tpu.memory_space<vmem>>, vector<2000x16xf32>
    %add3A_31 = arith.addf %add3A_27, %get3A_30 : vector<2000x16xf32>
    %mul3A_32 = vector.broadcast %get3A_1 : vector<2000x1xf32> to vector<2000x16xf32>
    %mul3A_33 = arith.mulf %mul3A_32, %add3A_31 : vector<2000x16xf32>
    %concatenate3A = tpu.concatenate %mul3A_16, %mul3A_33 in 1 : vector<2000x16xf32>, vector<2000x16xf32> -> vector<2000x32xf32>
    %tanh3A = math.tanh %concatenate3A : vector<2000x32xf32>
    %get3A_34 = arith.constant 0 : index
    %get3A_35 = arith.constant 0 : index
    %get3A_36 = vector.load %arg8[%get3A_34, %get3A_35] : memref<32x16xf32, #tpu.memory_space<vmem>>, vector<32x16xf32>
    %dot_general3A = arith.constant dense<0.000000e+00> : vector<2000x16xf32>
    %dot_general3A_37 = tpu.matmul %tanh3A, %get3A_36, %dot_general3A {dimension_numbers = #tpu.dot_dimension_numbers<[1], [0], [0], [1], [0, 0, 1, 1], [], []>, transpose_lhs_hint = false} : vector<2000x32xf32>, vector<32x16xf32>, vector<2000x16xf32> -> vector<2000x16xf32>
    %mul3A_38 = vector.broadcast %get3A_1 : vector<2000x1xf32> to vector<2000x16xf32>
    %mul3A_39 = arith.mulf %dot_general3A_37, %mul3A_38 : vector<2000x16xf32>
    %swap3A = arith.constant 0 : index
    %swap3A_40 = arith.constant 0 : index
    %swap3A_41 = vector.load %arg9[%swap3A, %swap3A_40] : memref<2000x16xf32, #tpu.memory_space<vmem>>, vector<2000x16xf32>
    tpu.vector_store %arg9[%swap3A, %swap3A_40], %mul3A_39 {strides = array<i32>} : memref<2000x16xf32, #tpu.memory_space<vmem>>, vector<2000x16xf32>,
    return
  }
  func.func @transform_0(%arg0: i32) -> (i32, i32, i32) {
    %c0_i32 = arith.constant 0 : i32
    %c0_i32_0 = arith.constant 0 : i32
    %c0_i32_1 = arith.constant 0 : i32
    return %c0_i32, %arg0, %c0_i32_0 : i32, i32, i32
  }
  func.func @transform_1(%arg0: i32) -> (i32, i32, i32) {
    %c1_i32 = arith.constant 1 : i32
    %c0_i32 = arith.constant 0 : i32
    %c0_i32_0 = arith.constant 0 : i32
    return %c1_i32, %arg0, %c0_i32 : i32, i32, i32
  }
  func.func @transform_2(%arg0: i32) -> (i32, i32, i32) {
    %c0_i32 = arith.constant 0 : i32
    %c0_i32_0 = arith.constant 0 : i32
    %c0_i32_1 = arith.constant 0 : i32
    return %c0_i32, %arg0, %c0_i32_0 : i32, i32, i32
  }
  func.func @transform_3(%arg0: i32) -> (i32, i32, i32) {
    %c1_i32 = arith.constant 1 : i32
    %c0_i32 = arith.constant 0 : i32
    %c0_i32_0 = arith.constant 0 : i32
    return %c1_i32, %arg0, %c0_i32 : i32, i32, i32
  }
  func.func @transform_4(%arg0: i32) -> (i32, i32) {
    %c0_i32 = arith.constant 0 : i32
    %c0_i32_0 = arith.constant 0 : i32
    return %arg0, %c0_i32 : i32, i32
  }
  func.func @transform_5(%arg0: i32) -> (i32, i32) {
    %c0_i32 = arith.constant 0 : i32
    %c0_i32_0 = arith.constant 0 : i32
    return %arg0, %c0_i32 : i32, i32
  }
  func.func @transform_6(%arg0: i32) -> (i32, i32) {
    %c0_i32 = arith.constant 0 : i32
    %c0_i32_0 = arith.constant 0 : i32
    return %arg0, %c0_i32 : i32, i32
  }
  func.func @transform_7(%arg0: i32) -> (i32, i32) {
    %c0_i32 = arith.constant 0 : i32
    %c0_i32_0 = arith.constant 0 : i32
    %c0_i32_1 = arith.constant 0 : i32
    return %c0_i32, %c0_i32_0 : i32, i32
  }
  func.func @transform_8(%arg0: i32) -> (i32, i32) {
    %c0_i32 = arith.constant 0 : i32
    %c0_i32_0 = arith.constant 0 : i32
    return %arg0, %c0_i32 : i32, i32
  }
}

module attributes {stable_mosaic.version = 14 : i64} {
  func.func @body(%arg0: i32, %arg1: memref<1x2000x16xf32, #tpu.memory_space<vmem>>, %arg2: memref<1x2000x16xf32, #tpu.memory_space<vmem>>, %arg3: memref<2000x16xf32, #tpu.memory_space<vmem>>, %arg4: memref<2000x1xf32, #tpu.memory_space<vmem>>, %arg5: memref<2000x16xf32, #tpu.memory_space<vmem>>) attributes {dimension_semantics = [#tpu.dimension_semantics<arbitrary>], iteration_bounds = array<i64: 25>, scalar_prefetch = 0 : i64, scratch_operands = 0 : i64, tpu.core_type = #tpu.core_type<tc>, window_params = [{transform_indices = @transform_0, window_bounds = array<i64: 1, 2000, 16>}, {transform_indices = @transform_1, window_bounds = array<i64: 1, 2000, 16>}, {transform_indices = @transform_2, window_bounds = array<i64: 2000, 16>}, {transform_indices = @transform_3, window_bounds = array<i64: 2000, 1>}, {transform_indices = @transform_4, window_bounds = array<i64: 2000, 16>}]} {
    %get3A = arith.constant 0 : index
    %get3A_0 = arith.constant 0 : index
    %get3A_1 = vector.load %arg4[%get3A, %get3A_0] : memref<2000x1xf32, #tpu.memory_space<vmem>>, vector<2000x1xf32>
    %get3A_2 = arith.constant 0 : index
    %get3A_3 = arith.constant 0 : index
    %get3A_4 = arith.constant 0 : index
    %get3A_5 = vector.load %arg1[%get3A_2, %get3A_3, %get3A_4] : memref<1x2000x16xf32, #tpu.memory_space<vmem>>, vector<1x2000x16xf32>
    %get3A_6 = vector.shape_cast %get3A_5 : vector<1x2000x16xf32> to vector<2000x16xf32>
    %get3A_7 = arith.constant 0 : index
    %get3A_8 = arith.constant 0 : index
    %get3A_9 = arith.constant 0 : index
    %get3A_10 = vector.load %arg2[%get3A_7, %get3A_8, %get3A_9] : memref<1x2000x16xf32, #tpu.memory_space<vmem>>, vector<1x2000x16xf32>
    %get3A_11 = vector.shape_cast %get3A_10 : vector<1x2000x16xf32> to vector<2000x16xf32>
    %add3A = arith.addf %get3A_6, %get3A_11 : vector<2000x16xf32>
    %get3A_12 = arith.constant 0 : index
    %get3A_13 = arith.constant 0 : index
    %get3A_14 = vector.load %arg3[%get3A_12, %get3A_13] : memref<2000x16xf32, #tpu.memory_space<vmem>>, vector<2000x16xf32>
    %add3A_15 = arith.addf %add3A, %get3A_14 : vector<2000x16xf32>
    %mul3A = vector.broadcast %get3A_1 : vector<2000x1xf32> to vector<2000x16xf32>
    %mul3A_16 = arith.mulf %mul3A, %add3A_15 : vector<2000x16xf32>
    %swap3A = arith.constant 0 : index
    %swap3A_17 = arith.constant 0 : index
    %swap3A_18 = vector.load %arg5[%swap3A, %swap3A_17] : memref<2000x16xf32, #tpu.memory_space<vmem>>, vector<2000x16xf32>
    tpu.vector_store %arg5[%swap3A, %swap3A_17], %mul3A_16 {strides = array<i32>} : memref<2000x16xf32, #tpu.memory_space<vmem>>, vector<2000x16xf32>,
    return
  }
  func.func @transform_0(%arg0: i32) -> (i32, i32, i32) {
    %c0_i32 = arith.constant 0 : i32
    %c0_i32_0 = arith.constant 0 : i32
    %c0_i32_1 = arith.constant 0 : i32
    return %c0_i32, %arg0, %c0_i32_0 : i32, i32, i32
  }
  func.func @transform_1(%arg0: i32) -> (i32, i32, i32) {
    %c1_i32 = arith.constant 1 : i32
    %c0_i32 = arith.constant 0 : i32
    %c0_i32_0 = arith.constant 0 : i32
    return %c1_i32, %arg0, %c0_i32 : i32, i32, i32
  }
  func.func @transform_2(%arg0: i32) -> (i32, i32) {
    %c0_i32 = arith.constant 0 : i32
    %c0_i32_0 = arith.constant 0 : i32
    return %arg0, %c0_i32 : i32, i32
  }
  func.func @transform_3(%arg0: i32) -> (i32, i32) {
    %c0_i32 = arith.constant 0 : i32
    %c0_i32_0 = arith.constant 0 : i32
    return %arg0, %c0_i32 : i32, i32
  }
  func.func @transform_4(%arg0: i32) -> (i32, i32) {
    %c0_i32 = arith.constant 0 : i32
    %c0_i32_0 = arith.constant 0 : i32
    return %arg0, %c0_i32 : i32, i32
  }
}

</mosaic_0001>

<sc_bundles>
// kernel: kernel.12.cloned.1.call-start
scs
__scs_entry_jumppad:
0x0: {  	(pc) =	sbr.rel $0x88, $3  }
0x1: {  	(tag) =	ssettag $0x0;
	lr =	simm.s32 $0x1  }
0x2: {  	[smem:$0x3F97] =	sst lr;
	_ =	strace $0xD0000000  }
0x3: {  	_ = 	snop  }
0x4: {  	_ = 	snop  }
0x5: {  	_ = 	snop  }
0x6: {  	_ = 	snop  }
0x7: {  	_ = 	snop  }
__scs_overlays_trampoline_lowered:
0x8: {  	[smem:$0x3FA6] =	sst s0  }
0x9: {  	[smem:$0x3FA7] =	sst s1  }
0xa: {  	[smem:$0x3FA8] =	sst s2  }
0xb: {  	[smem:$0x3FA9] =	sst s3  }
0xc: {  	[smem:$0x3FAA] =	sst s4  }
0xd: {  	[smem:$0x3FAB] =	sst s5  }
0xe: {  	[smem:$0x3FAC] =	sst s6  }
0xf: {  	[smem:$0x3FAD] =	sst s7  }
0x10: {  	[smem:$0x3FAE] =	sst s8  }
0x11: {  	[smem:$0x3FAF] =	sst s9;
	s0 =	simm.s32 @!p0 $0x0  }
0x12: {  	s1 =	sld [smem:$0x3F95];
	s0 =	simm.s32 @p0 $0x1  }
0x13: {  	[smem:$0x3FB0] =	sst s0;
	s0 =	simm.s32 @!p1 $0x0  }
0x14: {  	s2 =	sld [smem:$0x3F94];
	s0 =	simm.s32 @p1 $0x1  }
0x15: {  	[smem:$0x3FB1] =	sst s0;
	s0 =	simm.s32 @!p2 $0x0  }
0x16: {  	s3 =	sld [smem:$0x3FDB];
	s0 =	simm.s32 @p2 $0x1  }
0x17: {  	s4 =	simm.s32 $0x1BF5;
	[smem:$0x3FB3] =	sst s0  }
0x18: {  	s0 =	sld [smem:$0x3F96];
	_ =	swait.ge [sflag:s4], $0x0  }
0x19: {  	s7 =	sld [smem:$0x3F97]  }
0x1a: {  	s8 =	sadd.s32 $0xFFFFE003, lr  }
0x1b: {  	s9 =	sadd.s32 $0xFFFFFEF7, lr;
	s5 =	simm.s32 $0xFFFFFFFF;
	p2 =	slt.u32 s8, $0xFFFFF086  }
0x1c: {  	p1 =	slt.u32 s9, $0xF7A;
	s5 =	simm.s32 @!p2 $0x0  }
0x1d: {  	s5 =	simm.s32 @p1 $0x1;
	p0 =	seq.s32 s7, s2  }
0x1e: {  	s7 =	smul.u32 @!p0 $0xF7A, s2;
	p2 =	seq.s32 @!p0 s5, $0x0  }
0x1f: {  	s9 =	smul.u32 $0xF7A, s1;
	s8 =	simm.s32 @!p0 $0x1BF5;
	p2 =	por !p2, p0  }
0x20: {  	[sflag:s8] =	ssyncset.s32 @!p0 $0xFFFFF086;
	s6 =	sadd.s32 @!p0 s3, s7;
	s7 =	simm.s32 @!p0 $0x108  }
0x21: {  	s3 =	sadd.s32 s3, s9;
	s6 =	sadd.s32 @!p0 $0x88, s6;
	s7 =	simm.s32 @p2 $0x1082  }
0x22: {  	[simem:s7], [sflag:s8] =	dma.local @!p0 [hbm:s6], $0xF7A  }
0x23: {  	s9 =	sor.u32 $0xD0000000, s2;
	s6 =	simm.s32 $0x108;
	_ =	swait.ge @!p0 [sflag:s8], $0x0  }
0x24: {  	s3 =	sadd.s32 $0x88, s3;
	s6 =	simm.s32 @!p1 $0x1082;
	[sflag:s4] =	ssyncset.s32 $0xFFFFF086  }
0x25: {  	[simem:s6], [sflag:s4] =	dma.local [hbm:s3], $0xF7A  }
0x26: {  	[smem:$0x3F97] =	sst s1;
	(tag) =	ssettag s2;
	_ =	strace s9  }
0x27: {  	s1 =	sld [smem:$0x3FA7]  }
0x28: {  	s2 =	sld [smem:$0x3FA8]  }
0x29: {  	s4 =	sld [smem:$0x3FAA]  }
0x2a: {  	p0 =	seq.s32 s5, $0x0;
	s5 =	sld [smem:$0x3FAB]  }
0x2b: {  	s6 =	sld [smem:$0x3FAC]  }
0x2c: {  	s7 =	sld [smem:$0x3FAD]  }
0x2d: {  	s3 =	simm.s32 $0x108;
	s8 =	sld [smem:$0x3FAE]  }
0x2e: {  	s3 =	simm.s32 @!p0 $0x1082;
	s9 =	sld [smem:$0x3FAF]  }
0x2f: {  	lr =	sadd.s32 s0, s3;
	s0 =	sld [smem:$0x3FA6]  }
0x30: {  	s3 =	sld [smem:$0x3FA9]  }
0x31: {  	[smem:$0x3FB2] =	sst s10  }
0x32: {  	s10 =	sld [smem:$0x3FB0];
	_ =	sdelay $0x3  }
0x33: {  	p0 =	seq.s32 s10, $0x1;
	s10 =	sld [smem:$0x3FB2];
	_ =	sdelay $0x3  }
0x34: {  	[smem:$0x3FB2] =	sst s10  }
0x35: {  	s10 =	sld [smem:$0x3FB1];
	_ =	sdelay $0x3  }
0x36: {  	p1 =	seq.s32 s10, $0x1;
	s10 =	sld [smem:$0x3FB2];
	_ =	sdelay $0x3  }
0x37: {  	[smem:$0x3FB2] =	sst s10  }
0x38: {  	s10 =	sld [smem:$0x3FB3]  }
0x39: {  	_ = 	snop;
	(pc) =	sbr.ind lr, $3  }
0x3a: {  	_ = 	snop  }
0x3b: {  	_ = 	snop  }
0x3c: {  	p2 =	seq.s32 s10, $0x1;
	s10 =	sld [smem:$0x3FB2]  }
0x3d: {  	_ =	shalt  }
0x3e: {  	_ =	shalt  }
0x3f: {  	_ =	shalt  }
0x40: {  	_ =	shalt  }
0x41: {  	_ =	shalt  }
0x42: {  	_ =	shalt  }
0x43: {  	_ =	shalt  }
0x44: {  	_ =	shalt  }
0x45: {  	_ =	shalt  }
0x46: {  	_ =	shalt  }
0x47: {  	_ =	shalt  }
0x48: {  	_ =	shalt  }
0x49: {  	_ =	shalt  }
0x4a: {  	_ =	shalt  }
0x4b: {  	_ =	shalt  }
0x4c: {  	_ =	shalt  }
0x4d: {  	_ =	shalt  }
0x4e: {  	_ =	shalt  }
0x4f: {  	_ =	shalt  }
0x50: {  	_ =	shalt  }
0x51: {  	_ =	shalt  }
0x52: {  	_ =	shalt  }
0x53: {  	_ =	shalt  }
0x54: {  	_ =	shalt  }
0x55: {  	_ =	shalt  }
0x56: {  	_ =	shalt  }
0x57: {  	_ =	shalt  }
0x58: {  	_ =	shalt  }
0x59: {  	_ =	shalt  }
0x5a: {  	_ =	shalt  }
0x5b: {  	_ =	shalt  }
0x5c: {  	_ =	shalt  }
0x5d: {  	_ =	shalt  }
0x5e: {  	_ =	shalt  }
0x5f: {  	_ =	shalt  }
0x60: {  	_ =	shalt  }
0x61: {  	_ =	shalt  }
0x62: {  	_ =	shalt  }
0x63: {  	_ =	shalt  }
0x64: {  	_ =	shalt  }
0x65: {  	_ =	shalt  }
0x66: {  	_ =	shalt  }
0x67: {  	_ =	shalt  }
0x68: {  	_ =	shalt  }
0x69: {  	_ =	shalt  }
0x6a: {  	_ =	shalt  }
0x6b: {  	_ =	shalt  }
0x6c: {  	_ =	shalt  }
0x6d: {  	_ =	shalt  }
0x6e: {  	_ =	shalt  }
0x6f: {  	_ =	shalt  }
0x70: {  	_ =	shalt  }
0x71: {  	_ =	shalt  }
0x72: {  	_ =	shalt  }
0x73: {  	_ =	shalt  }
0x74: {  	_ =	shalt  }
0x75: {  	_ =	shalt  }
0x76: {  	_ =	shalt  }
0x77: {  	_ =	shalt  }
0x78: {  	_ =	shalt  }
0x79: {  	_ =	shalt  }
0x7a: {  	_ =	shalt  }
0x7b: {  	_ =	shalt  }
0x7c: {  	_ =	shalt  }
0x7d: {  	_ =	shalt  }
0x7e: {  	_ =	shalt  }
0x7f: {  	_ =	shalt  }
0x80: {  	_ =	shalt  }
0x81: {  	_ =	shalt  }
0x82: {  	_ =	shalt  }
0x83: {  	_ =	shalt  }
0x84: {  	_ =	shalt  }
0x85: {  	_ =	shalt  }
0x86: {  	_ =	shalt  }
0x87: {  	_ =	shalt  }
.Lfunc_end0:
.L_simem_size_0:
called_computation.1_lowered:
.L_overlay_start_0:
0x88: {  	s2 =	sld [smem:$0x3FD9]  }
0x89: {  	s3 =	sld [smem:$0x3FFE];
	_ =	sdelay $0x1  }
0x8a: {  	s1 =	srdreg.scid  }
0x8b: {  	s0 =	sand.u32 $0x1, s1  }
0x8c: {  	s14 =	sshll.u32 s0, $0xA;
	s2 =	sadd.s32 s3, s2  }
0x8d: {  	s2 =	sadd.s32 s2, s14  }
0x8e: {  	[smem:$0x3FBE] =	sst s2  }
0x8f: {  	_ = 	snop  }
0x90: {  	s2 =	sld [smem:$0x3FD0];
	_ =	sdelay $0x2  }
0x91: {  	s15 =	simm.s32 $0xA;
	s4 =	simm.s32 $0x10  }
0x92: {  	[smem:s4], [sflag:s15] =	dma.local [hbm:s2], $0x1  }
0x93: {  	_ =	swait.eq [sflag:s15], $0x1  }
0x94: {  	[sflag:s15] =	ssyncset.done $0x0  }
0x95: {  	s16 =	sld [smem:$0x11];
	[sflag:s15] =	ssyncadd.s32 $0xFFFFFFFF  }
0x96: {  	s17 =	sld [smem:$0x12];
	(tm) =	ssettm $0x1  }
0x97: {  	s18 =	sld [smem:$0x3FFB];
	_ =	sdelay $0x3  }
0x98: {  	_ =	strace s18  }
0x99: {  	s4 =	sld [smem:$0x3FFC];
	_ =	sdelay $0x3  }
0x9a: {  	_ =	strace s4  }
0x9b: {  	s4 =	sld [smem:$0x3FFD];
	_ =	sdelay $0x3  }
0x9c: {  	_ =	strace s4  }
0x9d: {  	_ =	strace $0x8FFFFFFF  }
0x9e: {  	s19 =	sld [smem:$0x3FDB];
	_ =	sdelay $0x1  }
0x9f: {  	s5 =	simm.s32 $_scs_section_size  }
0xa0: {  	s6 =	simm.s32 $_size__tile_overlayer_lowered;
	s7 =	simm.s32 $_tile_overlayer_lowered  }
0xa1: {  	s22 =	simm.s32 $0x1BFF;
	s21 =	sshll.u32 s7, $0x1;
	s4 =	sadd.s32 s5, s19  }
0xa2: {  	s8 =	simm.s32 $0x0;
	s20 =	sshll.u32 s6, $0x1;
	s6 =	sadd.s32 s21, s4  }
0xa3: {  	[timem:s8], [sflag:s22] =	dma.local [hbm:s6], s20  }
0xa4: {  	_ =	swait.ge [sflag:s22], s20  }
0xa5: {  	s5 =	ssub.s32 $0x0, s20;
	[sflag:s22] =	ssyncset.done $0x0  }
0xa6: {  	[sflag:s22] =	ssyncadd.s32 s5;
	_ =	sdelay $0x1  }
0xa7: {  	s23 =	simm.s32 $0x1B8B  }
0xa8: {  	_ =	swait.ge [sflag:s23], $0x1  }
0xa9: {  	[sflag:s23] =	ssyncset.done $0x0  }
0xaa: {  	s25 =	simm.s32 $0x1B8E;
	s24 =	sld [smem:$0x3FFE];
	[sflag:s23] =	ssyncadd.s32 $0xFFFFFFFF  }
0xab: {  	s26 =	simm.s32 $execute0_lowered;
	[smem:$0x3FD2] =	sst s25  }
0xac: {  	s6 =	sshll.u32 s26, $0x1;
	_ =	strace $0x80000049;
	[dreg:$0x1] =	wrdreg $0xFFFFFFFF  }
0xad: {  	s28 =	simm.s32 $_size_execute0_lowered;
	s4 =	sadd.s32 s4, s6;
	[dreg:$0x0] =	wrdreg $0x0  }
0xae: {  	s6 =	sshll.u32 s28, $0x1;
	[dreg:$0x2] =	wrdreg s4  }
0xaf: {  	[dreg:$0x3] =	wrdreg s6  }
0xb0: {  	[dreg:$0x4] =	wrdreg $0xC0  }
0xb1: {  	_ =	task [dreg:s8], $0x5FFFF  }
0xb2: {  	[dreg:$0x1] =	wrdreg $0xFFFFFFFF  }
0xb3: {  	[dreg:$0x0] =	wrdreg $0x60  }
0xb4: {  	[dreg:$0x2] =	wrdreg s24  }
0xb5: {  	[dreg:$0x3] =	wrdreg s16  }
0xb6: {  	[dreg:$0x4] =	wrdreg s17  }
0xb7: {  	[dreg:$0x5] =	wrdreg $0x48000  }
0xb8: {  	[dreg:$0x6] =	wrdreg $0x9  }
0xb9: {  	_ =	task.clear_ibuf [dreg:s8], $0x7FFFF;
	_ =	strace $0x90000049  }
0xba: {  	s29 =	simm.s32 $0x9;
	_ =	strace $0x8000004B  }
0xbb: {  	_ =	swait.ge [sflag:s29], $0x1  }
0xbc: {  	[sflag:s29] =	ssyncadd.s32 $0xFFFFFFFF  }
0xbd: {  	_ =	strace $0x9000004B  }
0xbe: {  	_ =	sfence  }
0xbf: {  	s30 =	sld [smem:$0x0];
	_ =	sdelay $0x2  }
0xc0: {  	s31 =	sshll.u32 s1, $0xD;
	s1 =	sshrl.u32 s1, $0x2  }
0xc1: {  	s3 =	sand.u32 $0x4000, s31;
	s1 =	sadd.s32 s1, s30  }
0xc2: {  	s0 =	sor.u32 s3, s0;
	s1 =	sshll.u32 s1, $0x11  }
0xc3: {  	s0 =	sor.u32 s1, s0  }
0xc4: {  	s0 =	sadd.s32 $0x8F2B, s0  }
0xc5: {  	[sflag:s0] =	ssyncadd.remote.s32 $0x1  }
0xc6: {  	_ =	sfence.sel $0xFFFF  }
0xc7: {  	[dreg:$0x0] =	wrdreg $0xFFFFFFFF;
	(pc) =	sbr.abs _section_cstart, $3  }
0xc8: {  	[dreg:$0x1] =	wrdreg $0xFFFFFFFF  }
0xc9: {  	_ =	task.clear_ibuf [dreg:s8], $0x2FFFF;
	_ =	strace $0x9FFFFFFF  }
0xca: {  	(tm) =	ssettm $0x7FFFFFFF  }
0xcb: {  	_ =	shalt  }
tec
execute0_lowered:
.L_overlay_start_1:
0x0: {  	(tag) =	ssettag $0x1  }
0x1: {  	s0 =	rddreg [dreg:$0x0]  }
0x2: {  	s1 =	rddreg [dreg:$0x2]  }
0x3: {  	s3 =	rddreg [dreg:$0x3]  }
0x4: {  	s4 =	simm.s32 $0x0;
	s10 =	stileid.u32;
	s5 =	srdreg.scid  }
0x5: {  	s11 =	simm.s32 $0x400;
	s12 =	simm.s32 $0x80;
	s13 =	simm.s32 $0x800  }
0x6: {  	s25 =	simm.s32 $0x100;
	s14 =	simm.s32 $0x1000;
	s26 =	simm.s32 $0x180  }
0x7: {  	s15 =	simm.s32 $0x1800;
	s16 =	simm.s32 $0x2000;
	s17 =	simm.s32 $0x200  }
0x8: {  	s18 =	simm.s32 $0x2800;
	s19 =	simm.s32 $0x280;
	s20 =	simm.s32 $0x3000  }
0x9: {  	s21 =	simm.s32 $0x300;
	s28 =	simm.s32 $0x500;
	s29 =	simm.s32 $0x580  }
0xa: {  	s30 =	simm.s32 $0x600;
	s31 =	simm.s32 $0x680;
	[smem:$0x7FF] =	sst s4  }
0xb: {  	s2 =	smul.u32 $0xC80, s10;
	s6 =	sand.u32 $0x1, s5;
	s5 =	sadd.s32 $0x50C00, s0  }
0xc: {  	s9 =	smul.u32 $0xC380, s10;
	s10 =	sshll.u32 s10, $0x6;
	_ =	strace $0x8000004A  }
0xd: {  	s22 =	ssub.s32 $0x2, s6;
	s7 =	ssub.s32 $0x0, s6;
	[dreg:$0x7] =	wrdreg s25  }
0xe: {  	s6 =	smul.u32 $0xC3800, s6;
	s10 =	sor.u32 $0x1C03, s10;
	[dreg:$0x8] =	wrdreg s26  }
0xf: {  	s25 =	simm.s32 $0x1;
	s26 =	simm.s32 $0x480;
	s0 =	sadd.s32 s2, s0  }
0x10: {  	s8 =	sshrl.u32 s22, $0x1;
	s7 =	sand.u32 $0xC800, s7;
	s23 =	sadd.s32 s9, s3  }
0x11: {  	s2 =	ssub.s32 s22, s8;
	s0 =	sadd.s32 s7, s0;
	s6 =	sadd.s32 s9, s6  }
0x12: {  	s8 =	sshrl.u32 s23, $0x3;
	s22 =	simm.s32 $0x3800;
	s23 =	simm.s32 $0x380  }
0x13: {  	s9 =	simm.s32 $0x0;
	s7 =	sadd.s32 $0x37C00, s0;
	[dreg:$0xc] =	wrdreg s8  }
0x14: {  	s6 =	sshrl.u32 s6, $0x3;
	s24 =	smax.u32 s2, $0x1;
	[dreg:$0x5] =	wrdreg s7  }
0x15: {  	s0 =	sadd.s32 $0x5C00, s0;
	s2 =	simm.s32 $0x780;
	[dreg:$0xb] =	wrdreg s24  }
0x16: {  	s7 =	smov.u32 s10;
	s1 =	sadd.s32 s1, s6;
	[dreg:$0x6] =	wrdreg s0  }
0x17: {  	s10 =	simm.s32 $0x3;
	s24 =	simm.s32 $0x4000;
	[dreg:$0xa] =	wrdreg s1  }
0x18: {  	s0 =	simm.s32 $0x700;
	s1 =	simm.s32 $0x2;
	[dreg:$0x9] =	wrdreg s7  }
.LBB2_1:
0x19: {  	[dreg:$0xd] =	wrdreg s9  }
0x1a: {  	s6 =	rddreg [dreg:$0x1]  }
0x1b: {  	[spmem:s8], [sflag:s7] =	dma.local [hbm:s6], $0x1870  }
0x1c: {  	_ =	swait.ge [sflag:s10], $0x1870  }
0x1d: {  	[sflag:s10] =	ssyncset.done $0x0  }
0x1e: {  	[sflag:s10] =	ssyncadd.s32 $0xFFFFE790  }
0x1f: {  	[bflag:$0x0] =	sbarrier.arrive $0xFFFF  }
0x20: {  	s9 =	rddreg [dreg:$0x6]  }
0x21: {  	s6 =	sadd.s32 $0x0, s9  }
0x22: {  	[tilespmem:s4], [sflag:$0x3] =	stream.linear.gather [hbm4b:s6+s4], $0x400, $0x38;
	[tilespmem:$0x10B80] =	vst v63  }
0x23: {  	_ =	swait.ge [sflag:s10], $0x400  }
0x24: {  	s7 =	rddreg [dreg:$0x5];
	[sflag:s10] =	ssyncset.done $0x0  }
0x25: {  	[sflag:s10] =	ssyncadd.s32 $0xFFFFFC00;
	s6 =	sadd.s32 $0x0, s7  }
0x26: {  	[tilespmem:s11], [sflag:$0x3] =	stream.linear.gather [hbm4b:s6+s4], $0x400, $0x38;
	[tilespmem:$0x10B80] =	vst v63  }
0x27: {  	_ =	swait.ge [sflag:s10], $0x400  }
0x28: {  	[sflag:s10] =	ssyncset.done $0x0  }
0x29: {  	[sflag:s10] =	ssyncadd.s32 $0xFFFFFC00  }
0x2a: {  	[tilespmem:s13], [sflag:$0x1] =	stream.indirect.gather [hbm4b:s5+s12], $0x10, s4, s12, $0xb8;
	[tilespmem:$0x10B80] =	vst v63  }
0x2b: {  	_ = 	snop  }
0x2c: {  	[tilespmem:s14], [sflag:$0x1] =	stream.indirect.gather [hbm4b:s5+s12], $0x10, s12, s12, $0xb8;
	[tilespmem:$0x10B80] =	vst v63  }
0x2d: {  	s8 =	rddreg [dreg:$0x7]  }
0x2e: {  	[tilespmem:s15], [sflag:$0x1] =	stream.indirect.gather [hbm4b:s5+s12], $0x10, s8, s12, $0xb8;
	[tilespmem:$0x10B80] =	vst v63  }
0x2f: {  	s9 =	rddreg [dreg:$0x8]  }
0x30: {  	[tilespmem:s16], [sflag:$0x1] =	stream.indirect.gather [hbm4b:s5+s12], $0x10, s9, s12, $0xb8;
	[tilespmem:$0x10B80] =	vst v63  }
0x31: {  	_ = 	snop  }
0x32: {  	[tilespmem:s18], [sflag:$0x1] =	stream.indirect.gather [hbm4b:s5+s12], $0x10, s17, s12, $0xb8;
	[tilespmem:$0x10B80] =	vst v63  }
0x33: {  	_ = 	snop  }
0x34: {  	[tilespmem:s20], [sflag:$0x1] =	stream.indirect.gather [hbm4b:s5+s12], $0x10, s19, s12, $0xb8;
	[tilespmem:$0x10B80] =	vst v63  }
0x35: {  	_ = 	snop  }
0x36: {  	[tilespmem:s22], [sflag:$0x1] =	stream.indirect.gather [hbm4b:s5+s12], $0x10, s21, s12, $0xb8;
	[tilespmem:$0x10B80] =	vst v63  }
0x37: {  	_ = 	snop  }
0x38: {  	[tilespmem:s24], [sflag:$0x1] =	stream.indirect.gather [hbm4b:s5+s12], $0x10, s23, s12, $0xb8;
	[tilespmem:$0x10B80] =	vst v63  }
0x39: {  	_ =	swait.ge [sflag:s25], $0x800  }
0x3a: {  	[sflag:s25] =	ssyncset.done $0x0  }
0x3b: {  	[sflag:s25] =	ssyncadd.s32 $0xFFFFF800  }
0x3c: {  	_ =	swait.ge [sflag:s25], $0x800  }
0x3d: {  	[sflag:s25] =	ssyncset.done $0x0  }
0x3e: {  	[sflag:s25] =	ssyncadd.s32 $0xFFFFF800  }
0x3f: {  	_ =	swait.ge [sflag:s25], $0x800  }
0x40: {  	[sflag:s25] =	ssyncset.done $0x0  }
0x41: {  	[sflag:s25] =	ssyncadd.s32 $0xFFFFF800  }
0x42: {  	_ =	swait.ge [sflag:s25], $0x800  }
0x43: {  	[sflag:s25] =	ssyncset.done $0x0  }
0x44: {  	[sflag:s25] =	ssyncadd.s32 $0xFFFFF800  }
0x45: {  	_ =	swait.ge [sflag:s25], $0x800  }
0x46: {  	[sflag:s25] =	ssyncset.done $0x0  }
0x47: {  	[sflag:s25] =	ssyncadd.s32 $0xFFFFF800  }
0x48: {  	_ =	swait.ge [sflag:s25], $0x800  }
0x49: {  	[sflag:s25] =	ssyncset.done $0x0  }
0x4a: {  	[sflag:s25] =	ssyncadd.s32 $0xFFFFF800  }
0x4b: {  	_ =	swait.ge [sflag:s25], $0x800  }
0x4c: {  	[sflag:s25] =	ssyncset.done $0x0  }
0x4d: {  	[sflag:s25] =	ssyncadd.s32 $0xFFFFF800  }
0x4e: {  	_ =	swait.ge [sflag:s25], $0x800  }
0x4f: {  	[sflag:s25] =	ssyncset.done $0x0  }
0x50: {  	[sflag:s25] =	ssyncadd.s32 $0xFFFFF800  }
0x51: {  	[spmem:s3] =	stream.indirect.scatter.add.f32 [tilespmem:s13], [sflag:$0x2], $0x10, s11, s12, $0xb8;
	[tilespmem:$0x10B80] =	vst v63  }
0x52: {  	_ = 	snop  }
0x53: {  	[spmem:s3] =	stream.indirect.scatter.add.f32 [tilespmem:s14], [sflag:$0x2], $0x10, s26, s12, $0xb8;
	[tilespmem:$0x10B80] =	vst v63  }
0x54: {  	_ = 	snop  }
0x55: {  	[spmem:s3] =	stream.indirect.scatter.add.f32 [tilespmem:s15], [sflag:$0x2], $0x10, s28, s12, $0xb8;
	[tilespmem:$0x10B80] =	vst v63  }
0x56: {  	_ = 	snop  }
0x57: {  	[spmem:s3] =	stream.indirect.scatter.add.f32 [tilespmem:s16], [sflag:$0x2], $0x10, s29, s12, $0xb8;
	[tilespmem:$0x10B80] =	vst v63  }
0x58: {  	_ = 	snop  }
0x59: {  	[spmem:s3] =	stream.indirect.scatter.add.f32 [tilespmem:s18], [sflag:$0x2], $0x10, s30, s12, $0xb8;
	[tilespmem:$0x10B80] =	vst v63  }
0x5a: {  	_ = 	snop  }
0x5b: {  	[spmem:s3] =	stream.indirect.scatter.add.f32 [tilespmem:s20], [sflag:$0x2], $0x10, s31, s12, $0xb8;
	[tilespmem:$0x10B80] =	vst v63  }
0x5c: {  	_ = 	snop  }
0x5d: {  	[spmem:s3] =	stream.indirect.scatter.add.f32 [tilespmem:s22], [sflag:$0x2], $0x10, s0, s12, $0xb8;
	[tilespmem:$0x10B80] =	vst v63  }
0x5e: {  	_ = 	snop  }
0x5f: {  	[spmem:s3] =	stream.indirect.scatter.add.f32 [tilespmem:s24], [sflag:$0x2], $0x10, s2, s12, $0xb8;
	[tilespmem:$0x10B80] =	vst v63  }
0x60: {  	_ =	swait.ge [sflag:s1], $0x800  }
0x61: {  	[sflag:s1] =	ssyncset.done $0x0  }
0x62: {  	[sflag:s1] =	ssyncadd.s32 $0xFFFFF800  }
0x63: {  	_ =	swait.ge [sflag:s1], $0x800  }
0x64: {  	[sflag:s1] =	ssyncset.done $0x0  }
0x65: {  	[sflag:s1] =	ssyncadd.s32 $0xFFFFF800  }
0x66: {  	_ =	swait.ge [sflag:s1], $0x800  }
0x67: {  	[sflag:s1] =	ssyncset.done $0x0  }
0x68: {  	[sflag:s1] =	ssyncadd.s32 $0xFFFFF800  }
0x69: {  	_ =	swait.ge [sflag:s1], $0x800  }
0x6a: {  	[sflag:s1] =	ssyncset.done $0x0  }
0x6b: {  	[sflag:s1] =	ssyncadd.s32 $0xFFFFF800  }
0x6c: {  	_ =	swait.ge [sflag:s1], $0x800  }
0x6d: {  	[sflag:s1] =	ssyncset.done $0x0  }
0x6e: {  	[sflag:s1] =	ssyncadd.s32 $0xFFFFF800  }
0x6f: {  	_ =	swait.ge [sflag:s1], $0x800  }
0x70: {  	[sflag:s1] =	ssyncset.done $0x0  }
0x71: {  	[sflag:s1] =	ssyncadd.s32 $0xFFFFF800  }
0x72: {  	_ =	swait.ge [sflag:s1], $0x800  }
0x73: {  	[sflag:s1] =	ssyncset.done $0x0  }
0x74: {  	[sflag:s1] =	ssyncadd.s32 $0xFFFFF800  }
0x75: {  	s6 =	simm.s32 $0x100;
	_ =	swait.ge [sflag:s1], $0x800  }
0x76: {  	s8 =	simm.s32 $0x80;
	s9 =	rddreg [dreg:$0x6];
	[sflag:s1] =	ssyncset.done $0x0  }
.LBB2_2:
0x77: {  	[sflag:s1] =	ssyncadd.s32 $0xFFFFF800;
	s9 =	sadd.s32 s8, s9  }
0x78: {  	[tilespmem:s4], [sflag:$0x3] =	stream.linear.gather [hbm4b:s9+s4], $0x400, $0x38;
	[tilespmem:$0x10B80] =	vst v63  }
0x79: {  	_ =	swait.ge [sflag:s10], $0x400  }
0x7a: {  	s9 =	rddreg [dreg:$0x5];
	[sflag:s10] =	ssyncset.done $0x0  }
0x7b: {  	[sflag:s10] =	ssyncadd.s32 $0xFFFFFC00;
	s9 =	sadd.s32 s8, s9  }
0x7c: {  	[tilespmem:s11], [sflag:$0x3] =	stream.linear.gather [hbm4b:s9+s4], $0x400, $0x38;
	[tilespmem:$0x10B80] =	vst v63  }
0x7d: {  	_ =	swait.ge [sflag:s10], $0x400  }
0x7e: {  	[sflag:s10] =	ssyncset.done $0x0  }
0x7f: {  	[sflag:s10] =	ssyncadd.s32 $0xFFFFFC00  }
0x80: {  	[tilespmem:s13], [sflag:$0x1] =	stream.indirect.gather [hbm4b:s5+s12], $0x10, s4, s12, $0xb8;
	[tilespmem:$0x10B80] =	vst v63  }
0x81: {  	s7 =	smov.u32 s6  }
0x82: {  	[tilespmem:s14], [sflag:$0x1] =	stream.indirect.gather [hbm4b:s5+s12], $0x10, s12, s12, $0xb8;
	[tilespmem:$0x10B80] =	vst v63  }
0x83: {  	s8 =	smov.u32 s7;
	s7 =	rddreg [dreg:$0x7]  }
0x84: {  	[tilespmem:s15], [sflag:$0x1] =	stream.indirect.gather [hbm4b:s5+s12], $0x10, s7, s12, $0xb8;
	[tilespmem:$0x10B80] =	vst v63  }
0x85: {  	s9 =	rddreg [dreg:$0x8]  }
0x86: {  	[tilespmem:s16], [sflag:$0x1] =	stream.indirect.gather [hbm4b:s5+s12], $0x10, s9, s12, $0xb8;
	[tilespmem:$0x10B80] =	vst v63  }
0x87: {  	_ = 	snop  }
0x88: {  	[tilespmem:s18], [sflag:$0x1] =	stream.indirect.gather [hbm4b:s5+s12], $0x10, s17, s12, $0xb8;
	[tilespmem:$0x10B80] =	vst v63  }
0x89: {  	_ = 	snop  }
0x8a: {  	[tilespmem:s20], [sflag:$0x1] =	stream.indirect.gather [hbm4b:s5+s12], $0x10, s19, s12, $0xb8;
	[tilespmem:$0x10B80] =	vst v63  }
0x8b: {  	_ = 	snop  }
0x8c: {  	[tilespmem:s22], [sflag:$0x1] =	stream.indirect.gather [hbm4b:s5+s12], $0x10, s21, s12, $0xb8;
	[tilespmem:$0x10B80] =	vst v63  }
0x8d: {  	_ = 	snop  }
0x8e: {  	[tilespmem:s24], [sflag:$0x1] =	stream.indirect.gather [hbm4b:s5+s12], $0x10, s23, s12, $0xb8;
	[tilespmem:$0x10B80] =	vst v63  }
0x8f: {  	_ =	swait.ge [sflag:s25], $0x800  }
0x90: {  	[sflag:s25] =	ssyncset.done $0x0  }
0x91: {  	[sflag:s25] =	ssyncadd.s32 $0xFFFFF800  }
0x92: {  	_ =	swait.ge [sflag:s25], $0x800  }
0x93: {  	[sflag:s25] =	ssyncset.done $0x0  }
0x94: {  	[sflag:s25] =	ssyncadd.s32 $0xFFFFF800  }
0x95: {  	_ =	swait.ge [sflag:s25], $0x800  }
0x96: {  	[sflag:s25] =	ssyncset.done $0x0  }
0x97: {  	[sflag:s25] =	ssyncadd.s32 $0xFFFFF800  }
0x98: {  	_ =	swait.ge [sflag:s25], $0x800  }
0x99: {  	[sflag:s25] =	ssyncset.done $0x0  }
0x9a: {  	[sflag:s25] =	ssyncadd.s32 $0xFFFFF800  }
0x9b: {  	_ =	swait.ge [sflag:s25], $0x800  }
0x9c: {  	[sflag:s25] =	ssyncset.done $0x0  }
0x9d: {  	[sflag:s25] =	ssyncadd.s32 $0xFFFFF800  }
0x9e: {  	_ =	swait.ge [sflag:s25], $0x800  }
0x9f: {  	[sflag:s25] =	ssyncset.done $0x0  }
0xa0: {  	[sflag:s25] =	ssyncadd.s32 $0xFFFFF800  }
0xa1: {  	_ =	swait.ge [sflag:s25], $0x800  }
0xa2: {  	[sflag:s25] =	ssyncset.done $0x0  }
0xa3: {  	[sflag:s25] =	ssyncadd.s32 $0xFFFFF800  }
0xa4: {  	_ =	swait.ge [sflag:s25], $0x800  }
0xa5: {  	[sflag:s25] =	ssyncset.done $0x0  }
0xa6: {  	[sflag:s25] =	ssyncadd.s32 $0xFFFFF800  }
0xa7: {  	[spmem:s3] =	stream.indirect.scatter.add.f32 [tilespmem:s13], [sflag:$0x2], $0x10, s11, s12, $0xb8;
	[tilespmem:$0x10B80] =	vst v63  }
0xa8: {  	_ = 	snop  }
0xa9: {  	[spmem:s3] =	stream.indirect.scatter.add.f32 [tilespmem:s14], [sflag:$0x2], $0x10, s26, s12, $0xb8;
	[tilespmem:$0x10B80] =	vst v63  }
0xaa: {  	_ = 	snop  }
0xab: {  	[spmem:s3] =	stream.indirect.scatter.add.f32 [tilespmem:s15], [sflag:$0x2], $0x10, s28, s12, $0xb8;
	[tilespmem:$0x10B80] =	vst v63  }
0xac: {  	_ = 	snop  }
0xad: {  	[spmem:s3] =	stream.indirect.scatter.add.f32 [tilespmem:s16], [sflag:$0x2], $0x10, s29, s12, $0xb8;
	[tilespmem:$0x10B80] =	vst v63  }
0xae: {  	_ = 	snop  }
0xaf: {  	[spmem:s3] =	stream.indirect.scatter.add.f32 [tilespmem:s18], [sflag:$0x2], $0x10, s30, s12, $0xb8;
	[tilespmem:$0x10B80] =	vst v63  }
0xb0: {  	_ = 	snop  }
0xb1: {  	[spmem:s3] =	stream.indirect.scatter.add.f32 [tilespmem:s20], [sflag:$0x2], $0x10, s31, s12, $0xb8;
	[tilespmem:$0x10B80] =	vst v63  }
0xb2: {  	_ = 	snop  }
0xb3: {  	[spmem:s3] =	stream.indirect.scatter.add.f32 [tilespmem:s22], [sflag:$0x2], $0x10, s0, s12, $0xb8;
	[tilespmem:$0x10B80] =	vst v63  }
0xb4: {  	_ = 	snop  }
0xb5: {  	[spmem:s3] =	stream.indirect.scatter.add.f32 [tilespmem:s24], [sflag:$0x2], $0x10, s2, s12, $0xb8;
	[tilespmem:$0x10B80] =	vst v63  }
0xb6: {  	_ =	swait.ge [sflag:s1], $0x800  }
0xb7: {  	[sflag:s1] =	ssyncset.done $0x0  }
0xb8: {  	[sflag:s1] =	ssyncadd.s32 $0xFFFFF800  }
0xb9: {  	_ =	swait.ge [sflag:s1], $0x800  }
0xba: {  	[sflag:s1] =	ssyncset.done $0x0  }
0xbb: {  	[sflag:s1] =	ssyncadd.s32 $0xFFFFF800  }
0xbc: {  	_ =	swait.ge [sflag:s1], $0x800  }
0xbd: {  	[sflag:s1] =	ssyncset.done $0x0  }
0xbe: {  	[sflag:s1] =	ssyncadd.s32 $0xFFFFF800  }
0xbf: {  	_ =	swait.ge [sflag:s1], $0x800  }
0xc0: {  	[sflag:s1] =	ssyncset.done $0x0  }
0xc1: {  	[sflag:s1] =	ssyncadd.s32 $0xFFFFF800  }
0xc2: {  	_ =	swait.ge [sflag:s1], $0x800  }
0xc3: {  	[sflag:s1] =	ssyncset.done $0x0  }
0xc4: {  	[sflag:s1] =	ssyncadd.s32 $0xFFFFF800  }
0xc5: {  	_ =	swait.ge [sflag:s1], $0x800  }
0xc6: {  	[sflag:s1] =	ssyncset.done $0x0  }
0xc7: {  	p0 =	sne.s32 s6, $0xC00;
	[sflag:s1] =	ssyncadd.s32 $0xFFFFF800  }
.Ltmp0:
0xc8: {  	_ =	swait.ge [sflag:s1], $0x800;
	(pc) =	sbr.rel @p0 .LBB2_2-.Ltmp0, $4  }
0xc9: {  	[sflag:s1] =	ssyncset.done $0x0  }
0xca: {  	[sflag:s1] =	ssyncadd.s32 $0xFFFFF800  }
0xcb: {  	_ =	swait.ge [sflag:s1], $0x800  }
0xcc: {  	s6 =	sadd.s32 $0x80, s6;
	s9 =	rddreg [dreg:$0x6];
	[sflag:s1] =	ssyncset.done $0x0  }
0xcd: {  	[sflag:s1] =	ssyncadd.s32 $0xFFFFF800;
	s6 =	sadd.s32 s8, s9  }
0xce: {  	[tilespmem:s4], [sflag:$0x3] =	stream.linear.gather [hbm4b:s6+s4], $0x400, $0x38;
	[tilespmem:$0x10B80] =	vst v63  }
0xcf: {  	_ =	swait.ge [sflag:s10], $0x400  }
0xd0: {  	s7 =	rddreg [dreg:$0x5];
	[sflag:s10] =	ssyncset.done $0x0  }
0xd1: {  	[sflag:s10] =	ssyncadd.s32 $0xFFFFFC00;
	s6 =	sadd.s32 s8, s7  }
0xd2: {  	[tilespmem:s11], [sflag:$0x3] =	stream.linear.gather [hbm4b:s6+s4], $0x400, $0x38;
	[tilespmem:$0x10B80] =	vst v63  }
0xd3: {  	_ =	swait.ge [sflag:s10], $0x400  }
0xd4: {  	[sflag:s10] =	ssyncset.done $0x0  }
0xd5: {  	[sflag:s10] =	ssyncadd.s32 $0xFFFFFC00  }
0xd6: {  	[tilespmem:s13], [sflag:$0x1] =	stream.indirect.gather [hbm4b:s5+s12], $0x10, s4, s12, $0xb8;
	[tilespmem:$0x10B80] =	vst v63  }
0xd7: {  	_ = 	snop  }
0xd8: {  	[tilespmem:s14], [sflag:$0x1] =	stream.indirect.gather [hbm4b:s5+s12], $0x10, s12, s12, $0xb8;
	[tilespmem:$0x10B80] =	vst v63  }
0xd9: {  	s8 =	rddreg [dreg:$0x7]  }
0xda: {  	[tilespmem:s15], [sflag:$0x1] =	stream.indirect.gather [hbm4b:s5+s12], $0x10, s8, s12, $0xb8;
	[tilespmem:$0x10B80] =	vst v63  }
0xdb: {  	s7 =	rddreg [dreg:$0x8]  }
0xdc: {  	[tilespmem:s16], [sflag:$0x1] =	stream.indirect.gather [hbm4b:s5+s12], $0x10, s7, s12, $0xb8;
	[tilespmem:$0x10B80] =	vst v63  }
0xdd: {  	_ = 	snop  }
0xde: {  	[tilespmem:s18], [sflag:$0x1] =	stream.indirect.gather [hbm4b:s5+s12], $0x10, s17, s12, $0xb8;
	[tilespmem:$0x10B80] =	vst v63  }
0xdf: {  	_ = 	snop  }
0xe0: {  	[tilespmem:s20], [sflag:$0x1] =	stream.indirect.gather [hbm4b:s5+s12], $0x10, s19, s12, $0xb8;
	[tilespmem:$0x10B80] =	vst v63  }
0xe1: {  	_ = 	snop  }
0xe2: {  	[tilespmem:s22], [sflag:$0x1] =	stream.indirect.gather [hbm4b:s5+s12], $0x10, s21, s12, $0xb8;
	[tilespmem:$0x10B80] =	vst v63  }
0xe3: {  	_ = 	snop  }
0xe4: {  	[tilespmem:s24], [sflag:$0x1] =	stream.indirect.gather [hbm4b:s5+s12], $0x10, s23, s12, $0xb8;
	[tilespmem:$0x10B80] =	vst v63  }
0xe5: {  	_ =	swait.ge [sflag:s25], $0x800  }
0xe6: {  	[sflag:s25] =	ssyncset.done $0x0  }
0xe7: {  	[sflag:s25] =	ssyncadd.s32 $0xFFFFF800  }
0xe8: {  	_ =	swait.ge [sflag:s25], $0x800  }
0xe9: {  	[sflag:s25] =	ssyncset.done $0x0  }
0xea: {  	[sflag:s25] =	ssyncadd.s32 $0xFFFFF800  }
0xeb: {  	_ =	swait.ge [sflag:s25], $0x800  }
0xec: {  	[sflag:s25] =	ssyncset.done $0x0  }
0xed: {  	[sflag:s25] =	ssyncadd.s32 $0xFFFFF800  }
0xee: {  	_ =	swait.ge [sflag:s25], $0x800  }
0xef: {  	[sflag:s25] =	ssyncset.done $0x0  }
0xf0: {  	[sflag:s25] =	ssyncadd.s32 $0xFFFFF800  }
0xf1: {  	_ =	swait.ge [sflag:s25], $0x800  }
0xf2: {  	[sflag:s25] =	ssyncset.done $0x0  }
0xf3: {  	[sflag:s25] =	ssyncadd.s32 $0xFFFFF800  }
0xf4: {  	_ =	swait.ge [sflag:s25], $0x800  }
0xf5: {  	[sflag:s25] =	ssyncset.done $0x0  }
0xf6: {  	[sflag:s25] =	ssyncadd.s32 $0xFFFFF800  }
0xf7: {  	_ =	swait.ge [sflag:s25], $0x800  }
0xf8: {  	[sflag:s25] =	ssyncset.done $0x0  }
0xf9: {  	[sflag:s25] =	ssyncadd.s32 $0xFFFFF800  }
0xfa: {  	_ =	swait.ge [sflag:s25], $0x800  }
0xfb: {  	[sflag:s25] =	ssyncset.done $0x0  }
0xfc: {  	[sflag:s25] =	ssyncadd.s32 $0xFFFFF800  }
0xfd: {  	[spmem:s3] =	stream.indirect.scatter.add.f32 [tilespmem:s13], [sflag:$0x2], $0x10, s11, s12, $0xb8;
	[tilespmem:$0x10B80] =	vst v63  }
0xfe: {  	_ = 	snop  }
0xff: {  	[spmem:s3] =	stream.indirect.scatter.add.f32 [tilespmem:s14], [sflag:$0x2], $0x10, s26, s12, $0xb8;
	[tilespmem:$0x10B80] =	vst v63  }
0x100: {  	_ = 	snop  }
0x101: {  	[spmem:s3] =	stream.indirect.scatter.add.f32 [tilespmem:s15], [sflag:$0x2], $0x10, s28, s12, $0xb8;
	[tilespmem:$0x10B80] =	vst v63  }
0x102: {  	_ = 	snop  }
0x103: {  	[spmem:s3] =	stream.indirect.scatter.add.f32 [tilespmem:s16], [sflag:$0x2], $0x10, s29, s12, $0xb8;
	[tilespmem:$0x10B80] =	vst v63  }
0x104: {  	_ = 	snop  }
0x105: {  	[spmem:s3] =	stream.indirect.scatter.add.f32 [tilespmem:s18], [sflag:$0x2], $0x10, s30, s12, $0xb8;
	[tilespmem:$0x10B80] =	vst v63  }
0x106: {  	_ = 	snop  }
0x107: {  	[spmem:s3] =	stream.indirect.scatter.add.f32 [tilespmem:s20], [sflag:$0x2], $0x10, s31, s12, $0xb8;
	[tilespmem:$0x10B80] =	vst v63  }
0x108: {  	_ = 	snop  }
0x109: {  	[spmem:s3] =	stream.indirect.scatter.add.f32 [tilespmem:s22], [sflag:$0x2], $0x10, s0, s12, $0xb8;
	[tilespmem:$0x10B80] =	vst v63  }
0x10a: {  	_ = 	snop  }
0x10b: {  	[spmem:s3] =	stream.indirect.scatter.add.f32 [tilespmem:s24], [sflag:$0x2], $0x10, s2, s12, $0xb8;
	[tilespmem:$0x10B80] =	vst v63  }
0x10c: {  	_ =	swait.ge [sflag:s1], $0x800  }
0x10d: {  	[sflag:s1] =	ssyncset.done $0x0  }
0x10e: {  	[sflag:s1] =	ssyncadd.s32 $0xFFFFF800  }
0x10f: {  	_ =	swait.ge [sflag:s1], $0x800  }
0x110: {  	[sflag:s1] =	ssyncset.done $0x0  }
0x111: {  	[sflag:s1] =	ssyncadd.s32 $0xFFFFF800  }
0x112: {  	_ =	swait.ge [sflag:s1], $0x800  }
0x113: {  	[sflag:s1] =	ssyncset.done $0x0  }
0x114: {  	[sflag:s1] =	ssyncadd.s32 $0xFFFFF800  }
0x115: {  	_ =	swait.ge [sflag:s1], $0x800  }
0x116: {  	[sflag:s1] =	ssyncset.done $0x0  }
0x117: {  	[sflag:s1] =	ssyncadd.s32 $0xFFFFF800  }
0x118: {  	_ =	swait.ge [sflag:s1], $0x800  }
0x119: {  	[sflag:s1] =	ssyncset.done $0x0  }
0x11a: {  	[sflag:s1] =	ssyncadd.s32 $0xFFFFF800  }
0x11b: {  	_ =	swait.ge [sflag:s1], $0x800  }
0x11c: {  	[sflag:s1] =	ssyncset.done $0x0  }
0x11d: {  	[sflag:s1] =	ssyncadd.s32 $0xFFFFF800  }
0x11e: {  	_ =	swait.ge [sflag:s1], $0x800  }
0x11f: {  	[sflag:s1] =	ssyncset.done $0x0  }
0x120: {  	[sflag:s1] =	ssyncadd.s32 $0xFFFFF800  }
0x121: {  	_ =	swait.ge [sflag:s1], $0x800  }
0x122: {  	[sflag:s1] =	ssyncset.done $0x0  }
0x123: {  	[sflag:s1] =	ssyncadd.s32 $0xFFFFF800  }
0x124: {  	[bflag:$0x0] =	sbarrier.arrive $0xFFFF  }
0x125: {  	s7 =	rddreg [dreg:$0x9]  }
0x126: {  	s9 =	rddreg [dreg:$0xa]  }
0x127: {  	s8 =	rddreg [dreg:$0xc]  }
0x128: {  	[hbm:s9], [sflag:s7] =	dma.local [spmem:s8], $0x1870  }
0x129: {  	_ =	swait.ge [sflag:s10], $0x1870  }
0x12a: {  	s6 =	rddreg [dreg:$0xd]  }
0x12b: {  	s9 =	sadd.s32 $0x1, s6;
	s6 =	rddreg [dreg:$0xb]  }
0x12c: {  	p0 =	sne.s32 s9, s6  }
.Ltmp1:
0x12d: {  	_ = 	snop;
	(pc) =	sbr.rel @p0 .LBB2_1-.Ltmp1, $3  }
0x12e: {  	_ =	sdelay $0x1  }
0x12f: {  	[sflag:s10] =	ssyncset.done $0x0  }
0x130: {  	[sflag:s10] =	ssyncadd.s32 $0xFFFFE790  }
0x131: {  	_ =	sfence.sel $0x180000  }
0x132: {  	[bflag:$0x0] =	sbarrier.arrive $0xFFFF  }
0x133: {  	_ =	strace $0x9000004A  }
0x134: {  	s0 =	stileid.u32;
	[bflag:$0x2] =	sbarrier.arrive $0xFFFF  }
0x135: {  	p0 =	sne.s32 s0, $0x0;
	s0 =	rddreg [dreg:$0x4]  }
0x136: {  	s0 =	sadd.s32 @!p0 $0x100000, s0  }
0x137: {  	[sflag:s0] =	ssyncadd.tile.s32 @!p0 $0x1;
	_ =	shalt  }
.Lfunc_end2:
_tile_overlayer_lowered:
.L_overlay_start_2:
0x138: {  	(tag) =	ssettag $0x2  }
0x139: {  	s0 =	rddreg [dreg:$0x0];
	s2 =	stileid.u32  }
0x13a: {  	s1 =	rddreg [dreg:$0x1];
	p0 =	sne.s32 s2, $0x0  }
0x13b: {  	s3 =	rddreg [dreg:$0x2];
	[bflag:$0x3] =	sbarrier.arrive $0xFFFF;
	s2 =	simm.s32 @!p0 $0x1C03  }
0x13c: {  	[timem:s3], [sflag:s2] =	dma.local @!p0 [hbm:s0], s1  }
0x13d: {  	s0 =	simm.s32 @!p0 $0x3  }
0x13e: {  	_ =	swait.ge @!p0 [sflag:s0], s1  }
0x13f: {  	s1 =	ssub.s32 @!p0 $0x0, s1;
	[sflag:s0] =	ssyncset.done @!p0 $0x0  }
0x140: {  	[sflag:s0] =	ssyncadd.s32 @!p0 s1  }
0x141: {  	[bflag:$0x3] =	sbarrier.arrive $0xFFFF  }
0x142: {  	_ =	shalt  }

// kernel: kernel.15.cloned.1.call-start
scs
__scs_entry_jumppad:
0x0: {  	(pc) =	sbr.rel $0x88, $3  }
0x1: {  	(tag) =	ssettag $0x0;
	lr =	simm.s32 $0x1  }
0x2: {  	[smem:$0x3F97] =	sst lr;
	_ =	strace $0xD0000000  }
0x3: {  	_ = 	snop  }
0x4: {  	_ = 	snop  }
0x5: {  	_ = 	snop  }
0x6: {  	_ = 	snop  }
0x7: {  	_ = 	snop  }
__scs_overlays_trampoline_lowered:
0x8: {  	[smem:$0x3FA6] =	sst s0  }
0x9: {  	[smem:$0x3FA7] =	sst s1  }
0xa: {  	[smem:$0x3FA8] =	sst s2  }
0xb: {  	[smem:$0x3FA9] =	sst s3  }
0xc: {  	[smem:$0x3FAA] =	sst s4  }
0xd: {  	[smem:$0x3FAB] =	sst s5  }
0xe: {  	[smem:$0x3FAC] =	sst s6  }
0xf: {  	[smem:$0x3FAD] =	sst s7  }
0x10: {  	[smem:$0x3FAE] =	sst s8  }
0x11: {  	[smem:$0x3FAF] =	sst s9;
	s0 =	simm.s32 @!p0 $0x0  }
0x12: {  	s1 =	sld [smem:$0x3F95];
	s0 =	simm.s32 @p0 $0x1  }
0x13: {  	[smem:$0x3FB0] =	sst s0;
	s0 =	simm.s32 @!p1 $0x0  }
0x14: {  	s2 =	sld [smem:$0x3F94];
	s0 =	simm.s32 @p1 $0x1  }
0x15: {  	[smem:$0x3FB1] =	sst s0;
	s0 =	simm.s32 @!p2 $0x0  }
0x16: {  	s3 =	sld [smem:$0x3FDB];
	s0 =	simm.s32 @p2 $0x1  }
0x17: {  	s4 =	simm.s32 $0x1BF5;
	[smem:$0x3FB3] =	sst s0  }
0x18: {  	s0 =	sld [smem:$0x3F96];
	_ =	swait.ge [sflag:s4], $0x0  }
0x19: {  	s7 =	sld [smem:$0x3F97]  }
0x1a: {  	s8 =	sadd.s32 $0xFFFFE003, lr  }
0x1b: {  	s9 =	sadd.s32 $0xFFFFFEF7, lr;
	s5 =	simm.s32 $0xFFFFFFFF;
	p2 =	slt.u32 s8, $0xFFFFF086  }
0x1c: {  	p1 =	slt.u32 s9, $0xF7A;
	s5 =	simm.s32 @!p2 $0x0  }
0x1d: {  	s5 =	simm.s32 @p1 $0x1;
	p0 =	seq.s32 s7, s2  }
0x1e: {  	s7 =	smul.u32 @!p0 $0xF7A, s2;
	p2 =	seq.s32 @!p0 s5, $0x0  }
0x1f: {  	s9 =	smul.u32 $0xF7A, s1;
	s8 =	simm.s32 @!p0 $0x1BF5;
	p2 =	por !p2, p0  }
0x20: {  	[sflag:s8] =	ssyncset.s32 @!p0 $0xFFFFF086;
	s6 =	sadd.s32 @!p0 s3, s7;
	s7 =	simm.s32 @!p0 $0x108  }
0x21: {  	s3 =	sadd.s32 s3, s9;
	s6 =	sadd.s32 @!p0 $0x88, s6;
	s7 =	simm.s32 @p2 $0x1082  }
0x22: {  	[simem:s7], [sflag:s8] =	dma.local @!p0 [hbm:s6], $0xF7A  }
0x23: {  	s9 =	sor.u32 $0xD0000000, s2;
	s6 =	simm.s32 $0x108;
	_ =	swait.ge @!p0 [sflag:s8], $0x0  }
0x24: {  	s3 =	sadd.s32 $0x88, s3;
	s6 =	simm.s32 @!p1 $0x1082;
	[sflag:s4] =	ssyncset.s32 $0xFFFFF086  }
0x25: {  	[simem:s6], [sflag:s4] =	dma.local [hbm:s3], $0xF7A  }
0x26: {  	[smem:$0x3F97] =	sst s1;
	(tag) =	ssettag s2;
	_ =	strace s9  }
0x27: {  	s1 =	sld [smem:$0x3FA7]  }
0x28: {  	s2 =	sld [smem:$0x3FA8]  }
0x29: {  	s4 =	sld [smem:$0x3FAA]  }
0x2a: {  	p0 =	seq.s32 s5, $0x0;
	s5 =	sld [smem:$0x3FAB]  }
0x2b: {  	s6 =	sld [smem:$0x3FAC]  }
0x2c: {  	s7 =	sld [smem:$0x3FAD]  }
0x2d: {  	s3 =	simm.s32 $0x108;
	s8 =	sld [smem:$0x3FAE]  }
0x2e: {  	s3 =	simm.s32 @!p0 $0x1082;
	s9 =	sld [smem:$0x3FAF]  }
0x2f: {  	lr =	sadd.s32 s0, s3;
	s0 =	sld [smem:$0x3FA6]  }
0x30: {  	s3 =	sld [smem:$0x3FA9]  }
0x31: {  	[smem:$0x3FB2] =	sst s10  }
0x32: {  	s10 =	sld [smem:$0x3FB0];
	_ =	sdelay $0x3  }
0x33: {  	p0 =	seq.s32 s10, $0x1;
	s10 =	sld [smem:$0x3FB2];
	_ =	sdelay $0x3  }
0x34: {  	[smem:$0x3FB2] =	sst s10  }
0x35: {  	s10 =	sld [smem:$0x3FB1];
	_ =	sdelay $0x3  }
0x36: {  	p1 =	seq.s32 s10, $0x1;
	s10 =	sld [smem:$0x3FB2];
	_ =	sdelay $0x3  }
0x37: {  	[smem:$0x3FB2] =	sst s10  }
0x38: {  	s10 =	sld [smem:$0x3FB3]  }
0x39: {  	_ = 	snop;
	(pc) =	sbr.ind lr, $3  }
0x3a: {  	_ = 	snop  }
0x3b: {  	_ = 	snop  }
0x3c: {  	p2 =	seq.s32 s10, $0x1;
	s10 =	sld [smem:$0x3FB2]  }
0x3d: {  	_ =	shalt  }
0x3e: {  	_ =	shalt  }
0x3f: {  	_ =	shalt  }
0x40: {  	_ =	shalt  }
0x41: {  	_ =	shalt  }
0x42: {  	_ =	shalt  }
0x43: {  	_ =	shalt  }
0x44: {  	_ =	shalt  }
0x45: {  	_ =	shalt  }
0x46: {  	_ =	shalt  }
0x47: {  	_ =	shalt  }
0x48: {  	_ =	shalt  }
0x49: {  	_ =	shalt  }
0x4a: {  	_ =	shalt  }
0x4b: {  	_ =	shalt  }
0x4c: {  	_ =	shalt  }
0x4d: {  	_ =	shalt  }
0x4e: {  	_ =	shalt  }
0x4f: {  	_ =	shalt  }
0x50: {  	_ =	shalt  }
0x51: {  	_ =	shalt  }
0x52: {  	_ =	shalt  }
0x53: {  	_ =	shalt  }
0x54: {  	_ =	shalt  }
0x55: {  	_ =	shalt  }
0x56: {  	_ =	shalt  }
0x57: {  	_ =	shalt  }
0x58: {  	_ =	shalt  }
0x59: {  	_ =	shalt  }
0x5a: {  	_ =	shalt  }
0x5b: {  	_ =	shalt  }
0x5c: {  	_ =	shalt  }
0x5d: {  	_ =	shalt  }
0x5e: {  	_ =	shalt  }
0x5f: {  	_ =	shalt  }
0x60: {  	_ =	shalt  }
0x61: {  	_ =	shalt  }
0x62: {  	_ =	shalt  }
0x63: {  	_ =	shalt  }
0x64: {  	_ =	shalt  }
0x65: {  	_ =	shalt  }
0x66: {  	_ =	shalt  }
0x67: {  	_ =	shalt  }
0x68: {  	_ =	shalt  }
0x69: {  	_ =	shalt  }
0x6a: {  	_ =	shalt  }
0x6b: {  	_ =	shalt  }
0x6c: {  	_ =	shalt  }
0x6d: {  	_ =	shalt  }
0x6e: {  	_ =	shalt  }
0x6f: {  	_ =	shalt  }
0x70: {  	_ =	shalt  }
0x71: {  	_ =	shalt  }
0x72: {  	_ =	shalt  }
0x73: {  	_ =	shalt  }
0x74: {  	_ =	shalt  }
0x75: {  	_ =	shalt  }
0x76: {  	_ =	shalt  }
0x77: {  	_ =	shalt  }
0x78: {  	_ =	shalt  }
0x79: {  	_ =	shalt  }
0x7a: {  	_ =	shalt  }
0x7b: {  	_ =	shalt  }
0x7c: {  	_ =	shalt  }
0x7d: {  	_ =	shalt  }
0x7e: {  	_ =	shalt  }
0x7f: {  	_ =	shalt  }
0x80: {  	_ =	shalt  }
0x81: {  	_ =	shalt  }
0x82: {  	_ =	shalt  }
0x83: {  	_ =	shalt  }
0x84: {  	_ =	shalt  }
0x85: {  	_ =	shalt  }
0x86: {  	_ =	shalt  }
0x87: {  	_ =	shalt  }
.Lfunc_end0:
.L_simem_size_0:
called_computation.2_lowered:
.L_overlay_start_0:
0x88: {  	s2 =	sld [smem:$0x3FD9]  }
0x89: {  	s3 =	sld [smem:$0x3FFE];
	_ =	sdelay $0x1  }
0x8a: {  	s1 =	srdreg.scid  }
0x8b: {  	s0 =	sand.u32 $0x1, s1  }
0x8c: {  	s14 =	sshll.u32 s0, $0xA;
	s2 =	sadd.s32 s3, s2  }
0x8d: {  	s2 =	sadd.s32 s2, s14  }
0x8e: {  	[smem:$0x3FBE] =	sst s2  }
0x8f: {  	_ = 	snop  }
0x90: {  	s2 =	sld [smem:$0x3FD0];
	_ =	sdelay $0x2  }
0x91: {  	s15 =	simm.s32 $0xA;
	s4 =	simm.s32 $0x10  }
0x92: {  	[smem:s4], [sflag:s15] =	dma.local [hbm:s2], $0x1  }
0x93: {  	_ =	swait.eq [sflag:s15], $0x1  }
0x94: {  	[sflag:s15] =	ssyncset.done $0x0  }
0x95: {  	s16 =	sld [smem:$0x11];
	[sflag:s15] =	ssyncadd.s32 $0xFFFFFFFF  }
0x96: {  	s17 =	sld [smem:$0x12];
	(tm) =	ssettm $0x1  }
0x97: {  	s18 =	sld [smem:$0x3FFB];
	_ =	sdelay $0x3  }
0x98: {  	_ =	strace s18  }
0x99: {  	s4 =	sld [smem:$0x3FFC];
	_ =	sdelay $0x3  }
0x9a: {  	_ =	strace s4  }
0x9b: {  	s4 =	sld [smem:$0x3FFD];
	_ =	sdelay $0x3  }
0x9c: {  	_ =	strace s4  }
0x9d: {  	_ =	strace $0x8FFFFFFF  }
0x9e: {  	s19 =	sld [smem:$0x3FDB];
	_ =	sdelay $0x1  }
0x9f: {  	s5 =	simm.s32 $_scs_section_size  }
0xa0: {  	s6 =	simm.s32 $_size__tile_overlayer_lowered;
	s7 =	simm.s32 $_tile_overlayer_lowered  }
0xa1: {  	s22 =	simm.s32 $0x1BFF;
	s21 =	sshll.u32 s7, $0x1;
	s4 =	sadd.s32 s5, s19  }
0xa2: {  	s8 =	simm.s32 $0x0;
	s20 =	sshll.u32 s6, $0x1;
	s6 =	sadd.s32 s21, s4  }
0xa3: {  	[timem:s8], [sflag:s22] =	dma.local [hbm:s6], s20  }
0xa4: {  	_ =	swait.ge [sflag:s22], s20  }
0xa5: {  	s5 =	ssub.s32 $0x0, s20;
	[sflag:s22] =	ssyncset.done $0x0  }
0xa6: {  	[sflag:s22] =	ssyncadd.s32 s5;
	_ =	sdelay $0x1  }
0xa7: {  	s23 =	simm.s32 $0x1B8B  }
0xa8: {  	_ =	swait.ge [sflag:s23], $0x1  }
0xa9: {  	[sflag:s23] =	ssyncset.done $0x0  }
0xaa: {  	s25 =	simm.s32 $0x1B8E;
	s24 =	sld [smem:$0x3FFE];
	[sflag:s23] =	ssyncadd.s32 $0xFFFFFFFF  }
0xab: {  	s26 =	simm.s32 $execute0_lowered;
	[smem:$0x3FD2] =	sst s25  }
0xac: {  	s6 =	sshll.u32 s26, $0x1;
	_ =	strace $0x8000004C;
	[dreg:$0x1] =	wrdreg $0xFFFFFFFF  }
0xad: {  	s28 =	simm.s32 $_size_execute0_lowered;
	s4 =	sadd.s32 s4, s6;
	[dreg:$0x0] =	wrdreg $0x0  }
0xae: {  	s6 =	sshll.u32 s28, $0x1;
	[dreg:$0x2] =	wrdreg s4  }
0xaf: {  	[dreg:$0x3] =	wrdreg s6  }
0xb0: {  	[dreg:$0x4] =	wrdreg $0xC0  }
0xb1: {  	_ =	task [dreg:s8], $0x5FFFF  }
0xb2: {  	[dreg:$0x1] =	wrdreg $0xFFFFFFFF  }
0xb3: {  	[dreg:$0x0] =	wrdreg $0x60  }
0xb4: {  	[dreg:$0x2] =	wrdreg s24  }
0xb5: {  	[dreg:$0x3] =	wrdreg s16  }
0xb6: {  	[dreg:$0x4] =	wrdreg s17  }
0xb7: {  	[dreg:$0x5] =	wrdreg $0x48000  }
0xb8: {  	[dreg:$0x6] =	wrdreg $0x9  }
0xb9: {  	_ =	task.clear_ibuf [dreg:s8], $0x7FFFF;
	_ =	strace $0x9000004C  }
0xba: {  	s29 =	simm.s32 $0x9;
	_ =	strace $0x8000004E  }
0xbb: {  	_ =	swait.ge [sflag:s29], $0x1  }
0xbc: {  	[sflag:s29] =	ssyncadd.s32 $0xFFFFFFFF  }
0xbd: {  	_ =	strace $0x9000004E  }
0xbe: {  	_ =	sfence  }
0xbf: {  	s30 =	sld [smem:$0x0];
	_ =	sdelay $0x2  }
0xc0: {  	s31 =	sshll.u32 s1, $0xD;
	s1 =	sshrl.u32 s1, $0x2  }
0xc1: {  	s3 =	sand.u32 $0x4000, s31;
	s1 =	sadd.s32 s1, s30  }
0xc2: {  	s0 =	sor.u32 s3, s0;
	s1 =	sshll.u32 s1, $0x11  }
0xc3: {  	s0 =	sor.u32 s1, s0  }
0xc4: {  	s0 =	sadd.s32 $0x8F2B, s0  }
0xc5: {  	[sflag:s0] =	ssyncadd.remote.s32 $0x1  }
0xc6: {  	_ =	sfence.sel $0xFFFF  }
0xc7: {  	[dreg:$0x0] =	wrdreg $0xFFFFFFFF;
	(pc) =	sbr.abs _section_cstart, $3  }
0xc8: {  	[dreg:$0x1] =	wrdreg $0xFFFFFFFF  }
0xc9: {  	_ =	task.clear_ibuf [dreg:s8], $0x2FFFF;
	_ =	strace $0x9FFFFFFF  }
0xca: {  	(tm) =	ssettm $0x7FFFFFFF  }
0xcb: {  	_ =	shalt  }
tec
execute0_lowered:
.L_overlay_start_1:
0x0: {  	(tag) =	ssettag $0x1  }
0x1: {  	s0 =	rddreg [dreg:$0x0]  }
0x2: {  	s1 =	rddreg [dreg:$0x2]  }
0x3: {  	s3 =	rddreg [dreg:$0x3]  }
0x4: {  	s4 =	simm.s32 $0x0;
	s10 =	stileid.u32;
	s5 =	srdreg.scid  }
0x5: {  	s11 =	simm.s32 $0x400;
	s12 =	simm.s32 $0x80;
	s13 =	simm.s32 $0x800  }
0x6: {  	s25 =	simm.s32 $0x100;
	s14 =	simm.s32 $0x1000;
	s26 =	simm.s32 $0x180  }
0x7: {  	s15 =	simm.s32 $0x1800;
	s16 =	simm.s32 $0x2000;
	s17 =	simm.s32 $0x200  }
0x8: {  	s18 =	simm.s32 $0x2800;
	s19 =	simm.s32 $0x280;
	s20 =	simm.s32 $0x3000  }
0x9: {  	s21 =	simm.s32 $0x300;
	s28 =	simm.s32 $0x500;
	s29 =	simm.s32 $0x580  }
0xa: {  	s30 =	simm.s32 $0x600;
	s31 =	simm.s32 $0x680;
	[smem:$0x7FF] =	sst s4  }
0xb: {  	s2 =	smul.u32 $0xC80, s10;
	s6 =	sand.u32 $0x1, s5;
	s5 =	sadd.s32 $0x69400, s0  }
0xc: {  	s9 =	smul.u32 $0xC380, s10;
	s10 =	sshll.u32 s10, $0x6;
	_ =	strace $0x8000004D  }
0xd: {  	s22 =	ssub.s32 $0x2, s6;
	s7 =	ssub.s32 $0x0, s6;
	[dreg:$0x7] =	wrdreg s25  }
0xe: {  	s6 =	smul.u32 $0xC3800, s6;
	s10 =	sor.u32 $0x1C03, s10;
	[dreg:$0x8] =	wrdreg s26  }
0xf: {  	s25 =	simm.s32 $0x1;
	s26 =	simm.s32 $0x480;
	s0 =	sadd.s32 s2, s0  }
0x10: {  	s8 =	sshrl.u32 s22, $0x1;
	s7 =	sand.u32 $0xC800, s7;
	s23 =	sadd.s32 s9, s3  }
0x11: {  	s2 =	ssub.s32 s22, s8;
	s0 =	sadd.s32 s7, s0;
	s6 =	sadd.s32 s9, s6  }
0x12: {  	s8 =	sshrl.u32 s23, $0x3;
	s22 =	simm.s32 $0x3800;
	s23 =	simm.s32 $0x380  }
0x13: {  	s9 =	simm.s32 $0x0;
	s7 =	sadd.s32 $0x37C00, s0;
	[dreg:$0xc] =	wrdreg s8  }
0x14: {  	s6 =	sshrl.u32 s6, $0x3;
	s24 =	smax.u32 s2, $0x1;
	[dreg:$0x5] =	wrdreg s7  }
0x15: {  	s0 =	sadd.s32 $0x1EC00, s0;
	s2 =	simm.s32 $0x780;
	[dreg:$0xb] =	wrdreg s24  }
0x16: {  	s7 =	smov.u32 s10;
	s1 =	sadd.s32 s1, s6;
	[dreg:$0x6] =	wrdreg s0  }
0x17: {  	s10 =	simm.s32 $0x3;
	s24 =	simm.s32 $0x4000;
	[dreg:$0xa] =	wrdreg s1  }
0x18: {  	s0 =	simm.s32 $0x700;
	s1 =	simm.s32 $0x2;
	[dreg:$0x9] =	wrdreg s7  }
.LBB2_1:
0x19: {  	[dreg:$0xd] =	wrdreg s9  }
0x1a: {  	s6 =	rddreg [dreg:$0x1]  }
0x1b: {  	[spmem:s8], [sflag:s7] =	dma.local [hbm:s6], $0x1870  }
0x1c: {  	_ =	swait.ge [sflag:s10], $0x1870  }
0x1d: {  	[sflag:s10] =	ssyncset.done $0x0  }
0x1e: {  	[sflag:s10] =	ssyncadd.s32 $0xFFFFE790  }
0x1f: {  	[bflag:$0x0] =	sbarrier.arrive $0xFFFF  }
0x20: {  	s9 =	rddreg [dreg:$0x6]  }
0x21: {  	s6 =	sadd.s32 $0x0, s9  }
0x22: {  	[tilespmem:s4], [sflag:$0x3] =	stream.linear.gather [hbm4b:s6+s4], $0x400, $0x38;
	[tilespmem:$0x10B80] =	vst v63  }
0x23: {  	_ =	swait.ge [sflag:s10], $0x400  }
0x24: {  	s7 =	rddreg [dreg:$0x5];
	[sflag:s10] =	ssyncset.done $0x0  }
0x25: {  	[sflag:s10] =	ssyncadd.s32 $0xFFFFFC00;
	s6 =	sadd.s32 $0x0, s7  }
0x26: {  	[tilespmem:s11], [sflag:$0x3] =	stream.linear.gather [hbm4b:s6+s4], $0x400, $0x38;
	[tilespmem:$0x10B80] =	vst v63  }
0x27: {  	_ =	swait.ge [sflag:s10], $0x400  }
0x28: {  	[sflag:s10] =	ssyncset.done $0x0  }
0x29: {  	[sflag:s10] =	ssyncadd.s32 $0xFFFFFC00  }
0x2a: {  	[tilespmem:s13], [sflag:$0x1] =	stream.indirect.gather [hbm4b:s5+s12], $0x10, s4, s12, $0xb8;
	[tilespmem:$0x10B80] =	vst v63  }
0x2b: {  	_ = 	snop  }
0x2c: {  	[tilespmem:s14], [sflag:$0x1] =	stream.indirect.gather [hbm4b:s5+s12], $0x10, s12, s12, $0xb8;
	[tilespmem:$0x10B80] =	vst v63  }
0x2d: {  	s8 =	rddreg [dreg:$0x7]  }
0x2e: {  	[tilespmem:s15], [sflag:$0x1] =	stream.indirect.gather [hbm4b:s5+s12], $0x10, s8, s12, $0xb8;
	[tilespmem:$0x10B80] =	vst v63  }
0x2f: {  	s9 =	rddreg [dreg:$0x8]  }
0x30: {  	[tilespmem:s16], [sflag:$0x1] =	stream.indirect.gather [hbm4b:s5+s12], $0x10, s9, s12, $0xb8;
	[tilespmem:$0x10B80] =	vst v63  }
0x31: {  	_ = 	snop  }
0x32: {  	[tilespmem:s18], [sflag:$0x1] =	stream.indirect.gather [hbm4b:s5+s12], $0x10, s17, s12, $0xb8;
	[tilespmem:$0x10B80] =	vst v63  }
0x33: {  	_ = 	snop  }
0x34: {  	[tilespmem:s20], [sflag:$0x1] =	stream.indirect.gather [hbm4b:s5+s12], $0x10, s19, s12, $0xb8;
	[tilespmem:$0x10B80] =	vst v63  }
0x35: {  	_ = 	snop  }
0x36: {  	[tilespmem:s22], [sflag:$0x1] =	stream.indirect.gather [hbm4b:s5+s12], $0x10, s21, s12, $0xb8;
	[tilespmem:$0x10B80] =	vst v63  }
0x37: {  	_ = 	snop  }
0x38: {  	[tilespmem:s24], [sflag:$0x1] =	stream.indirect.gather [hbm4b:s5+s12], $0x10, s23, s12, $0xb8;
	[tilespmem:$0x10B80] =	vst v63  }
0x39: {  	_ =	swait.ge [sflag:s25], $0x800  }
0x3a: {  	[sflag:s25] =	ssyncset.done $0x0  }
0x3b: {  	[sflag:s25] =	ssyncadd.s32 $0xFFFFF800  }
0x3c: {  	_ =	swait.ge [sflag:s25], $0x800  }
0x3d: {  	[sflag:s25] =	ssyncset.done $0x0  }
0x3e: {  	[sflag:s25] =	ssyncadd.s32 $0xFFFFF800  }
0x3f: {  	_ =	swait.ge [sflag:s25], $0x800  }
0x40: {  	[sflag:s25] =	ssyncset.done $0x0  }
0x41: {  	[sflag:s25] =	ssyncadd.s32 $0xFFFFF800  }
0x42: {  	_ =	swait.ge [sflag:s25], $0x800  }
0x43: {  	[sflag:s25] =	ssyncset.done $0x0  }
0x44: {  	[sflag:s25] =	ssyncadd.s32 $0xFFFFF800  }
0x45: {  	_ =	swait.ge [sflag:s25], $0x800  }
0x46: {  	[sflag:s25] =	ssyncset.done $0x0  }
0x47: {  	[sflag:s25] =	ssyncadd.s32 $0xFFFFF800  }
0x48: {  	_ =	swait.ge [sflag:s25], $0x800  }
0x49: {  	[sflag:s25] =	ssyncset.done $0x0  }
0x4a: {  	[sflag:s25] =	ssyncadd.s32 $0xFFFFF800  }
0x4b: {  	_ =	swait.ge [sflag:s25], $0x800  }
0x4c: {  	[sflag:s25] =	ssyncset.done $0x0  }
0x4d: {  	[sflag:s25] =	ssyncadd.s32 $0xFFFFF800  }
0x4e: {  	_ =	swait.ge [sflag:s25], $0x800  }
0x4f: {  	[sflag:s25] =	ssyncset.done $0x0  }
0x50: {  	[sflag:s25] =	ssyncadd.s32 $0xFFFFF800  }
0x51: {  	[spmem:s3] =	stream.indirect.scatter.add.f32 [tilespmem:s13], [sflag:$0x2], $0x10, s11, s12, $0xb8;
	[tilespmem:$0x10B80] =	vst v63  }
0x52: {  	_ = 	snop  }
0x53: {  	[spmem:s3] =	stream.indirect.scatter.add.f32 [tilespmem:s14], [sflag:$0x2], $0x10, s26, s12, $0xb8;
	[tilespmem:$0x10B80] =	vst v63  }
0x54: {  	_ = 	snop  }
0x55: {  	[spmem:s3] =	stream.indirect.scatter.add.f32 [tilespmem:s15], [sflag:$0x2], $0x10, s28, s12, $0xb8;
	[tilespmem:$0x10B80] =	vst v63  }
0x56: {  	_ = 	snop  }
0x57: {  	[spmem:s3] =	stream.indirect.scatter.add.f32 [tilespmem:s16], [sflag:$0x2], $0x10, s29, s12, $0xb8;
	[tilespmem:$0x10B80] =	vst v63  }
0x58: {  	_ = 	snop  }
0x59: {  	[spmem:s3] =	stream.indirect.scatter.add.f32 [tilespmem:s18], [sflag:$0x2], $0x10, s30, s12, $0xb8;
	[tilespmem:$0x10B80] =	vst v63  }
0x5a: {  	_ = 	snop  }
0x5b: {  	[spmem:s3] =	stream.indirect.scatter.add.f32 [tilespmem:s20], [sflag:$0x2], $0x10, s31, s12, $0xb8;
	[tilespmem:$0x10B80] =	vst v63  }
0x5c: {  	_ = 	snop  }
0x5d: {  	[spmem:s3] =	stream.indirect.scatter.add.f32 [tilespmem:s22], [sflag:$0x2], $0x10, s0, s12, $0xb8;
	[tilespmem:$0x10B80] =	vst v63  }
0x5e: {  	_ = 	snop  }
0x5f: {  	[spmem:s3] =	stream.indirect.scatter.add.f32 [tilespmem:s24], [sflag:$0x2], $0x10, s2, s12, $0xb8;
	[tilespmem:$0x10B80] =	vst v63  }
0x60: {  	_ =	swait.ge [sflag:s1], $0x800  }
0x61: {  	[sflag:s1] =	ssyncset.done $0x0  }
0x62: {  	[sflag:s1] =	ssyncadd.s32 $0xFFFFF800  }
0x63: {  	_ =	swait.ge [sflag:s1], $0x800  }
0x64: {  	[sflag:s1] =	ssyncset.done $0x0  }
0x65: {  	[sflag:s1] =	ssyncadd.s32 $0xFFFFF800  }
0x66: {  	_ =	swait.ge [sflag:s1], $0x800  }
0x67: {  	[sflag:s1] =	ssyncset.done $0x0  }
0x68: {  	[sflag:s1] =	ssyncadd.s32 $0xFFFFF800  }
0x69: {  	_ =	swait.ge [sflag:s1], $0x800  }
0x6a: {  	[sflag:s1] =	ssyncset.done $0x0  }
0x6b: {  	[sflag:s1] =	ssyncadd.s32 $0xFFFFF800  }
0x6c: {  	_ =	swait.ge [sflag:s1], $0x800  }
0x6d: {  	[sflag:s1] =	ssyncset.done $0x0  }
0x6e: {  	[sflag:s1] =	ssyncadd.s32 $0xFFFFF800  }
0x6f: {  	_ =	swait.ge [sflag:s1], $0x800  }
0x70: {  	[sflag:s1] =	ssyncset.done $0x0  }
0x71: {  	[sflag:s1] =	ssyncadd.s32 $0xFFFFF800  }
0x72: {  	_ =	swait.ge [sflag:s1], $0x800  }
0x73: {  	[sflag:s1] =	ssyncset.done $0x0  }
0x74: {  	[sflag:s1] =	ssyncadd.s32 $0xFFFFF800  }
0x75: {  	s6 =	simm.s32 $0x100;
	_ =	swait.ge [sflag:s1], $0x800  }
0x76: {  	s8 =	simm.s32 $0x80;
	s9 =	rddreg [dreg:$0x6];
	[sflag:s1] =	ssyncset.done $0x0  }
.LBB2_2:
0x77: {  	[sflag:s1] =	ssyncadd.s32 $0xFFFFF800;
	s9 =	sadd.s32 s8, s9  }
0x78: {  	[tilespmem:s4], [sflag:$0x3] =	stream.linear.gather [hbm4b:s9+s4], $0x400, $0x38;
	[tilespmem:$0x10B80] =	vst v63  }
0x79: {  	_ =	swait.ge [sflag:s10], $0x400  }
0x7a: {  	s9 =	rddreg [dreg:$0x5];
	[sflag:s10] =	ssyncset.done $0x0  }
0x7b: {  	[sflag:s10] =	ssyncadd.s32 $0xFFFFFC00;
	s9 =	sadd.s32 s8, s9  }
0x7c: {  	[tilespmem:s11], [sflag:$0x3] =	stream.linear.gather [hbm4b:s9+s4], $0x400, $0x38;
	[tilespmem:$0x10B80] =	vst v63  }
0x7d: {  	_ =	swait.ge [sflag:s10], $0x400  }
0x7e: {  	[sflag:s10] =	ssyncset.done $0x0  }
0x7f: {  	[sflag:s10] =	ssyncadd.s32 $0xFFFFFC00  }
0x80: {  	[tilespmem:s13], [sflag:$0x1] =	stream.indirect.gather [hbm4b:s5+s12], $0x10, s4, s12, $0xb8;
	[tilespmem:$0x10B80] =	vst v63  }
0x81: {  	s7 =	smov.u32 s6  }
0x82: {  	[tilespmem:s14], [sflag:$0x1] =	stream.indirect.gather [hbm4b:s5+s12], $0x10, s12, s12, $0xb8;
	[tilespmem:$0x10B80] =	vst v63  }
0x83: {  	s8 =	smov.u32 s7;
	s7 =	rddreg [dreg:$0x7]  }
0x84: {  	[tilespmem:s15], [sflag:$0x1] =	stream.indirect.gather [hbm4b:s5+s12], $0x10, s7, s12, $0xb8;
	[tilespmem:$0x10B80] =	vst v63  }
0x85: {  	s9 =	rddreg [dreg:$0x8]  }
0x86: {  	[tilespmem:s16], [sflag:$0x1] =	stream.indirect.gather [hbm4b:s5+s12], $0x10, s9, s12, $0xb8;
	[tilespmem:$0x10B80] =	vst v63  }
0x87: {  	_ = 	snop  }
0x88: {  	[tilespmem:s18], [sflag:$0x1] =	stream.indirect.gather [hbm4b:s5+s12], $0x10, s17, s12, $0xb8;
	[tilespmem:$0x10B80] =	vst v63  }
0x89: {  	_ = 	snop  }
0x8a: {  	[tilespmem:s20], [sflag:$0x1] =	stream.indirect.gather [hbm4b:s5+s12], $0x10, s19, s12, $0xb8;
	[tilespmem:$0x10B80] =	vst v63  }
0x8b: {  	_ = 	snop  }
0x8c: {  	[tilespmem:s22], [sflag:$0x1] =	stream.indirect.gather [hbm4b:s5+s12], $0x10, s21, s12, $0xb8;
	[tilespmem:$0x10B80] =	vst v63  }
0x8d: {  	_ = 	snop  }
0x8e: {  	[tilespmem:s24], [sflag:$0x1] =	stream.indirect.gather [hbm4b:s5+s12], $0x10, s23, s12, $0xb8;
	[tilespmem:$0x10B80] =	vst v63  }
0x8f: {  	_ =	swait.ge [sflag:s25], $0x800  }
0x90: {  	[sflag:s25] =	ssyncset.done $0x0  }
0x91: {  	[sflag:s25] =	ssyncadd.s32 $0xFFFFF800  }
0x92: {  	_ =	swait.ge [sflag:s25], $0x800  }
0x93: {  	[sflag:s25] =	ssyncset.done $0x0  }
0x94: {  	[sflag:s25] =	ssyncadd.s32 $0xFFFFF800  }
0x95: {  	_ =	swait.ge [sflag:s25], $0x800  }
0x96: {  	[sflag:s25] =	ssyncset.done $0x0  }
0x97: {  	[sflag:s25] =	ssyncadd.s32 $0xFFFFF800  }
0x98: {  	_ =	swait.ge [sflag:s25], $0x800  }
0x99: {  	[sflag:s25] =	ssyncset.done $0x0  }
0x9a: {  	[sflag:s25] =	ssyncadd.s32 $0xFFFFF800  }
0x9b: {  	_ =	swait.ge [sflag:s25], $0x800  }
0x9c: {  	[sflag:s25] =	ssyncset.done $0x0  }
0x9d: {  	[sflag:s25] =	ssyncadd.s32 $0xFFFFF800  }
0x9e: {  	_ =	swait.ge [sflag:s25], $0x800  }
0x9f: {  	[sflag:s25] =	ssyncset.done $0x0  }
0xa0: {  	[sflag:s25] =	ssyncadd.s32 $0xFFFFF800  }
0xa1: {  	_ =	swait.ge [sflag:s25], $0x800  }
0xa2: {  	[sflag:s25] =	ssyncset.done $0x0  }
0xa3: {  	[sflag:s25] =	ssyncadd.s32 $0xFFFFF800  }
0xa4: {  	_ =	swait.ge [sflag:s25], $0x800  }
0xa5: {  	[sflag:s25] =	ssyncset.done $0x0  }
0xa6: {  	[sflag:s25] =	ssyncadd.s32 $0xFFFFF800  }
0xa7: {  	[spmem:s3] =	stream.indirect.scatter.add.f32 [tilespmem:s13], [sflag:$0x2], $0x10, s11, s12, $0xb8;
	[tilespmem:$0x10B80] =	vst v63  }
0xa8: {  	_ = 	snop  }
0xa9: {  	[spmem:s3] =	stream.indirect.scatter.add.f32 [tilespmem:s14], [sflag:$0x2], $0x10, s26, s12, $0xb8;
	[tilespmem:$0x10B80] =	vst v63  }
0xaa: {  	_ = 	snop  }
0xab: {  	[spmem:s3] =	stream.indirect.scatter.add.f32 [tilespmem:s15], [sflag:$0x2], $0x10, s28, s12, $0xb8;
	[tilespmem:$0x10B80] =	vst v63  }
0xac: {  	_ = 	snop  }
0xad: {  	[spmem:s3] =	stream.indirect.scatter.add.f32 [tilespmem:s16], [sflag:$0x2], $0x10, s29, s12, $0xb8;
	[tilespmem:$0x10B80] =	vst v63  }
0xae: {  	_ = 	snop  }
0xaf: {  	[spmem:s3] =	stream.indirect.scatter.add.f32 [tilespmem:s18], [sflag:$0x2], $0x10, s30, s12, $0xb8;
	[tilespmem:$0x10B80] =	vst v63  }
0xb0: {  	_ = 	snop  }
0xb1: {  	[spmem:s3] =	stream.indirect.scatter.add.f32 [tilespmem:s20], [sflag:$0x2], $0x10, s31, s12, $0xb8;
	[tilespmem:$0x10B80] =	vst v63  }
0xb2: {  	_ = 	snop  }
0xb3: {  	[spmem:s3] =	stream.indirect.scatter.add.f32 [tilespmem:s22], [sflag:$0x2], $0x10, s0, s12, $0xb8;
	[tilespmem:$0x10B80] =	vst v63  }
0xb4: {  	_ = 	snop  }
0xb5: {  	[spmem:s3] =	stream.indirect.scatter.add.f32 [tilespmem:s24], [sflag:$0x2], $0x10, s2, s12, $0xb8;
	[tilespmem:$0x10B80] =	vst v63  }
0xb6: {  	_ =	swait.ge [sflag:s1], $0x800  }
0xb7: {  	[sflag:s1] =	ssyncset.done $0x0  }
0xb8: {  	[sflag:s1] =	ssyncadd.s32 $0xFFFFF800  }
0xb9: {  	_ =	swait.ge [sflag:s1], $0x800  }
0xba: {  	[sflag:s1] =	ssyncset.done $0x0  }
0xbb: {  	[sflag:s1] =	ssyncadd.s32 $0xFFFFF800  }
0xbc: {  	_ =	swait.ge [sflag:s1], $0x800  }
0xbd: {  	[sflag:s1] =	ssyncset.done $0x0  }
0xbe: {  	[sflag:s1] =	ssyncadd.s32 $0xFFFFF800  }
0xbf: {  	_ =	swait.ge [sflag:s1], $0x800  }
0xc0: {  	[sflag:s1] =	ssyncset.done $0x0  }
0xc1: {  	[sflag:s1] =	ssyncadd.s32 $0xFFFFF800  }
0xc2: {  	_ =	swait.ge [sflag:s1], $0x800  }
0xc3: {  	[sflag:s1] =	ssyncset.done $0x0  }
0xc4: {  	[sflag:s1] =	ssyncadd.s32 $0xFFFFF800  }
0xc5: {  	_ =	swait.ge [sflag:s1], $0x800  }
0xc6: {  	[sflag:s1] =	ssyncset.done $0x0  }
0xc7: {  	p0 =	sne.s32 s6, $0xC00;
	[sflag:s1] =	ssyncadd.s32 $0xFFFFF800  }
.Ltmp0:
0xc8: {  	_ =	swait.ge [sflag:s1], $0x800;
	(pc) =	sbr.rel @p0 .LBB2_2-.Ltmp0, $4  }
0xc9: {  	[sflag:s1] =	ssyncset.done $0x0  }
0xca: {  	[sflag:s1] =	ssyncadd.s32 $0xFFFFF800  }
0xcb: {  	_ =	swait.ge [sflag:s1], $0x800  }
0xcc: {  	s6 =	sadd.s32 $0x80, s6;
	s9 =	rddreg [dreg:$0x6];
	[sflag:s1] =	ssyncset.done $0x0  }
0xcd: {  	[sflag:s1] =	ssyncadd.s32 $0xFFFFF800;
	s6 =	sadd.s32 s8, s9  }
0xce: {  	[tilespmem:s4], [sflag:$0x3] =	stream.linear.gather [hbm4b:s6+s4], $0x400, $0x38;
	[tilespmem:$0x10B80] =	vst v63  }
0xcf: {  	_ =	swait.ge [sflag:s10], $0x400  }
0xd0: {  	s7 =	rddreg [dreg:$0x5];
	[sflag:s10] =	ssyncset.done $0x0  }
0xd1: {  	[sflag:s10] =	ssyncadd.s32 $0xFFFFFC00;
	s6 =	sadd.s32 s8, s7  }
0xd2: {  	[tilespmem:s11], [sflag:$0x3] =	stream.linear.gather [hbm4b:s6+s4], $0x400, $0x38;
	[tilespmem:$0x10B80] =	vst v63  }
0xd3: {  	_ =	swait.ge [sflag:s10], $0x400  }
0xd4: {  	[sflag:s10] =	ssyncset.done $0x0  }
0xd5: {  	[sflag:s10] =	ssyncadd.s32 $0xFFFFFC00  }
0xd6: {  	[tilespmem:s13], [sflag:$0x1] =	stream.indirect.gather [hbm4b:s5+s12], $0x10, s4, s12, $0xb8;
	[tilespmem:$0x10B80] =	vst v63  }
0xd7: {  	_ = 	snop  }
0xd8: {  	[tilespmem:s14], [sflag:$0x1] =	stream.indirect.gather [hbm4b:s5+s12], $0x10, s12, s12, $0xb8;
	[tilespmem:$0x10B80] =	vst v63  }
0xd9: {  	s8 =	rddreg [dreg:$0x7]  }
0xda: {  	[tilespmem:s15], [sflag:$0x1] =	stream.indirect.gather [hbm4b:s5+s12], $0x10, s8, s12, $0xb8;
	[tilespmem:$0x10B80] =	vst v63  }
0xdb: {  	s7 =	rddreg [dreg:$0x8]  }
0xdc: {  	[tilespmem:s16], [sflag:$0x1] =	stream.indirect.gather [hbm4b:s5+s12], $0x10, s7, s12, $0xb8;
	[tilespmem:$0x10B80] =	vst v63  }
0xdd: {  	_ = 	snop  }
0xde: {  	[tilespmem:s18], [sflag:$0x1] =	stream.indirect.gather [hbm4b:s5+s12], $0x10, s17, s12, $0xb8;
	[tilespmem:$0x10B80] =	vst v63  }
0xdf: {  	_ = 	snop  }
0xe0: {  	[tilespmem:s20], [sflag:$0x1] =	stream.indirect.gather [hbm4b:s5+s12], $0x10, s19, s12, $0xb8;
	[tilespmem:$0x10B80] =	vst v63  }
0xe1: {  	_ = 	snop  }
0xe2: {  	[tilespmem:s22], [sflag:$0x1] =	stream.indirect.gather [hbm4b:s5+s12], $0x10, s21, s12, $0xb8;
	[tilespmem:$0x10B80] =	vst v63  }
0xe3: {  	_ = 	snop  }
0xe4: {  	[tilespmem:s24], [sflag:$0x1] =	stream.indirect.gather [hbm4b:s5+s12], $0x10, s23, s12, $0xb8;
	[tilespmem:$0x10B80] =	vst v63  }
0xe5: {  	_ =	swait.ge [sflag:s25], $0x800  }
0xe6: {  	[sflag:s25] =	ssyncset.done $0x0  }
0xe7: {  	[sflag:s25] =	ssyncadd.s32 $0xFFFFF800  }
0xe8: {  	_ =	swait.ge [sflag:s25], $0x800  }
0xe9: {  	[sflag:s25] =	ssyncset.done $0x0  }
0xea: {  	[sflag:s25] =	ssyncadd.s32 $0xFFFFF800  }
0xeb: {  	_ =	swait.ge [sflag:s25], $0x800  }
0xec: {  	[sflag:s25] =	ssyncset.done $0x0  }
0xed: {  	[sflag:s25] =	ssyncadd.s32 $0xFFFFF800  }
0xee: {  	_ =	swait.ge [sflag:s25], $0x800  }
0xef: {  	[sflag:s25] =	ssyncset.done $0x0  }
0xf0: {  	[sflag:s25] =	ssyncadd.s32 $0xFFFFF800  }
0xf1: {  	_ =	swait.ge [sflag:s25], $0x800  }
0xf2: {  	[sflag:s25] =	ssyncset.done $0x0  }
0xf3: {  	[sflag:s25] =	ssyncadd.s32 $0xFFFFF800  }
0xf4: {  	_ =	swait.ge [sflag:s25], $0x800  }
0xf5: {  	[sflag:s25] =	ssyncset.done $0x0  }
0xf6: {  	[sflag:s25] =	ssyncadd.s32 $0xFFFFF800  }
0xf7: {  	_ =	swait.ge [sflag:s25], $0x800  }
0xf8: {  	[sflag:s25] =	ssyncset.done $0x0  }
0xf9: {  	[sflag:s25] =	ssyncadd.s32 $0xFFFFF800  }
0xfa: {  	_ =	swait.ge [sflag:s25], $0x800  }
0xfb: {  	[sflag:s25] =	ssyncset.done $0x0  }
0xfc: {  	[sflag:s25] =	ssyncadd.s32 $0xFFFFF800  }
0xfd: {  	[spmem:s3] =	stream.indirect.scatter.add.f32 [tilespmem:s13], [sflag:$0x2], $0x10, s11, s12, $0xb8;
	[tilespmem:$0x10B80] =	vst v63  }
0xfe: {  	_ = 	snop  }
0xff: {  	[spmem:s3] =	stream.indirect.scatter.add.f32 [tilespmem:s14], [sflag:$0x2], $0x10, s26, s12, $0xb8;
	[tilespmem:$0x10B80] =	vst v63  }
0x100: {  	_ = 	snop  }
0x101: {  	[spmem:s3] =	stream.indirect.scatter.add.f32 [tilespmem:s15], [sflag:$0x2], $0x10, s28, s12, $0xb8;
	[tilespmem:$0x10B80] =	vst v63  }
0x102: {  	_ = 	snop  }
0x103: {  	[spmem:s3] =	stream.indirect.scatter.add.f32 [tilespmem:s16], [sflag:$0x2], $0x10, s29, s12, $0xb8;
	[tilespmem:$0x10B80] =	vst v63  }
0x104: {  	_ = 	snop  }
0x105: {  	[spmem:s3] =	stream.indirect.scatter.add.f32 [tilespmem:s18], [sflag:$0x2], $0x10, s30, s12, $0xb8;
	[tilespmem:$0x10B80] =	vst v63  }
0x106: {  	_ = 	snop  }
0x107: {  	[spmem:s3] =	stream.indirect.scatter.add.f32 [tilespmem:s20], [sflag:$0x2], $0x10, s31, s12, $0xb8;
	[tilespmem:$0x10B80] =	vst v63  }
0x108: {  	_ = 	snop  }
0x109: {  	[spmem:s3] =	stream.indirect.scatter.add.f32 [tilespmem:s22], [sflag:$0x2], $0x10, s0, s12, $0xb8;
	[tilespmem:$0x10B80] =	vst v63  }
0x10a: {  	_ = 	snop  }
0x10b: {  	[spmem:s3] =	stream.indirect.scatter.add.f32 [tilespmem:s24], [sflag:$0x2], $0x10, s2, s12, $0xb8;
	[tilespmem:$0x10B80] =	vst v63  }
0x10c: {  	_ =	swait.ge [sflag:s1], $0x800  }
0x10d: {  	[sflag:s1] =	ssyncset.done $0x0  }
0x10e: {  	[sflag:s1] =	ssyncadd.s32 $0xFFFFF800  }
0x10f: {  	_ =	swait.ge [sflag:s1], $0x800  }
0x110: {  	[sflag:s1] =	ssyncset.done $0x0  }
0x111: {  	[sflag:s1] =	ssyncadd.s32 $0xFFFFF800  }
0x112: {  	_ =	swait.ge [sflag:s1], $0x800  }
0x113: {  	[sflag:s1] =	ssyncset.done $0x0  }
0x114: {  	[sflag:s1] =	ssyncadd.s32 $0xFFFFF800  }
0x115: {  	_ =	swait.ge [sflag:s1], $0x800  }
0x116: {  	[sflag:s1] =	ssyncset.done $0x0  }
0x117: {  	[sflag:s1] =	ssyncadd.s32 $0xFFFFF800  }
0x118: {  	_ =	swait.ge [sflag:s1], $0x800  }
0x119: {  	[sflag:s1] =	ssyncset.done $0x0  }
0x11a: {  	[sflag:s1] =	ssyncadd.s32 $0xFFFFF800  }
0x11b: {  	_ =	swait.ge [sflag:s1], $0x800  }
0x11c: {  	[sflag:s1] =	ssyncset.done $0x0  }
0x11d: {  	[sflag:s1] =	ssyncadd.s32 $0xFFFFF800  }
0x11e: {  	_ =	swait.ge [sflag:s1], $0x800  }
0x11f: {  	[sflag:s1] =	ssyncset.done $0x0  }
0x120: {  	[sflag:s1] =	ssyncadd.s32 $0xFFFFF800  }
0x121: {  	_ =	swait.ge [sflag:s1], $0x800  }
0x122: {  	[sflag:s1] =	ssyncset.done $0x0  }
0x123: {  	[sflag:s1] =	ssyncadd.s32 $0xFFFFF800  }
0x124: {  	[bflag:$0x0] =	sbarrier.arrive $0xFFFF  }
0x125: {  	s7 =	rddreg [dreg:$0x9]  }
0x126: {  	s9 =	rddreg [dreg:$0xa]  }
0x127: {  	s8 =	rddreg [dreg:$0xc]  }
0x128: {  	[hbm:s9], [sflag:s7] =	dma.local [spmem:s8], $0x1870  }
0x129: {  	_ =	swait.ge [sflag:s10], $0x1870  }
0x12a: {  	s6 =	rddreg [dreg:$0xd]  }
0x12b: {  	s9 =	sadd.s32 $0x1, s6;
	s6 =	rddreg [dreg:$0xb]  }
0x12c: {  	p0 =	sne.s32 s9, s6  }
.Ltmp1:
0x12d: {  	_ = 	snop;
	(pc) =	sbr.rel @p0 .LBB2_1-.Ltmp1, $3  }
0x12e: {  	_ =	sdelay $0x1  }
0x12f: {  	[sflag:s10] =	ssyncset.done $0x0  }
0x130: {  	[sflag:s10] =	ssyncadd.s32 $0xFFFFE790  }
0x131: {  	_ =	sfence.sel $0x180000  }
0x132: {  	[bflag:$0x0] =	sbarrier.arrive $0xFFFF  }
0x133: {  	_ =	strace $0x9000004D  }
0x134: {  	s0 =	stileid.u32;
	[bflag:$0x2] =	sbarrier.arrive $0xFFFF  }
0x135: {  	p0 =	sne.s32 s0, $0x0;
	s0 =	rddreg [dreg:$0x4]  }
0x136: {  	s0 =	sadd.s32 @!p0 $0x100000, s0  }
0x137: {  	[sflag:s0] =	ssyncadd.tile.s32 @!p0 $0x1;
	_ =	shalt  }
.Lfunc_end2:
_tile_overlayer_lowered:
.L_overlay_start_2:
0x138: {  	(tag) =	ssettag $0x2  }
0x139: {  	s0 =	rddreg [dreg:$0x0];
	s2 =	stileid.u32  }
0x13a: {  	s1 =	rddreg [dreg:$0x1];
	p0 =	sne.s32 s2, $0x0  }
0x13b: {  	s3 =	rddreg [dreg:$0x2];
	[bflag:$0x3] =	sbarrier.arrive $0xFFFF;
	s2 =	simm.s32 @!p0 $0x1C03  }
0x13c: {  	[timem:s3], [sflag:s2] =	dma.local @!p0 [hbm:s0], s1  }
0x13d: {  	s0 =	simm.s32 @!p0 $0x3  }
0x13e: {  	_ =	swait.ge @!p0 [sflag:s0], s1  }
0x13f: {  	s1 =	ssub.s32 @!p0 $0x0, s1;
	[sflag:s0] =	ssyncset.done @!p0 $0x0  }
0x140: {  	[sflag:s0] =	ssyncadd.s32 @!p0 s1  }
0x141: {  	[bflag:$0x3] =	sbarrier.arrive $0xFFFF  }
0x142: {  	_ =	shalt  }

// kernel: kernel.18.cloned.1.call-start
scs
__scs_entry_jumppad:
0x0: {  	(pc) =	sbr.rel $0x88, $3  }
0x1: {  	(tag) =	ssettag $0x0;
	lr =	simm.s32 $0x1  }
0x2: {  	[smem:$0x3F97] =	sst lr;
	_ =	strace $0xD0000000  }
0x3: {  	_ = 	snop  }
0x4: {  	_ = 	snop  }
0x5: {  	_ = 	snop  }
0x6: {  	_ = 	snop  }
0x7: {  	_ = 	snop  }
__scs_overlays_trampoline_lowered:
0x8: {  	[smem:$0x3FA6] =	sst s0  }
0x9: {  	[smem:$0x3FA7] =	sst s1  }
0xa: {  	[smem:$0x3FA8] =	sst s2  }
0xb: {  	[smem:$0x3FA9] =	sst s3  }
0xc: {  	[smem:$0x3FAA] =	sst s4  }
0xd: {  	[smem:$0x3FAB] =	sst s5  }
0xe: {  	[smem:$0x3FAC] =	sst s6  }
0xf: {  	[smem:$0x3FAD] =	sst s7  }
0x10: {  	[smem:$0x3FAE] =	sst s8  }
0x11: {  	[smem:$0x3FAF] =	sst s9;
	s0 =	simm.s32 @!p0 $0x0  }
0x12: {  	s1 =	sld [smem:$0x3F95];
	s0 =	simm.s32 @p0 $0x1  }
0x13: {  	[smem:$0x3FB0] =	sst s0;
	s0 =	simm.s32 @!p1 $0x0  }
0x14: {  	s2 =	sld [smem:$0x3F94];
	s0 =	simm.s32 @p1 $0x1  }
0x15: {  	[smem:$0x3FB1] =	sst s0;
	s0 =	simm.s32 @!p2 $0x0  }
0x16: {  	s3 =	sld [smem:$0x3FDB];
	s0 =	simm.s32 @p2 $0x1  }
0x17: {  	s4 =	simm.s32 $0x1BF5;
	[smem:$0x3FB3] =	sst s0  }
0x18: {  	s0 =	sld [smem:$0x3F96];
	_ =	swait.ge [sflag:s4], $0x0  }
0x19: {  	s7 =	sld [smem:$0x3F97]  }
0x1a: {  	s8 =	sadd.s32 $0xFFFFE003, lr  }
0x1b: {  	s9 =	sadd.s32 $0xFFFFFEF7, lr;
	s5 =	simm.s32 $0xFFFFFFFF;
	p2 =	slt.u32 s8, $0xFFFFF086  }
0x1c: {  	p1 =	slt.u32 s9, $0xF7A;
	s5 =	simm.s32 @!p2 $0x0  }
0x1d: {  	s5 =	simm.s32 @p1 $0x1;
	p0 =	seq.s32 s7, s2  }
0x1e: {  	s7 =	smul.u32 @!p0 $0xF7A, s2;
	p2 =	seq.s32 @!p0 s5, $0x0  }
0x1f: {  	s9 =	smul.u32 $0xF7A, s1;
	s8 =	simm.s32 @!p0 $0x1BF5;
	p2 =	por !p2, p0  }
0x20: {  	[sflag:s8] =	ssyncset.s32 @!p0 $0xFFFFF086;
	s6 =	sadd.s32 @!p0 s3, s7;
	s7 =	simm.s32 @!p0 $0x108  }
0x21: {  	s3 =	sadd.s32 s3, s9;
	s6 =	sadd.s32 @!p0 $0x88, s6;
	s7 =	simm.s32 @p2 $0x1082  }
0x22: {  	[simem:s7], [sflag:s8] =	dma.local @!p0 [hbm:s6], $0xF7A  }
0x23: {  	s9 =	sor.u32 $0xD0000000, s2;
	s6 =	simm.s32 $0x108;
	_ =	swait.ge @!p0 [sflag:s8], $0x0  }
0x24: {  	s3 =	sadd.s32 $0x88, s3;
	s6 =	simm.s32 @!p1 $0x1082;
	[sflag:s4] =	ssyncset.s32 $0xFFFFF086  }
0x25: {  	[simem:s6], [sflag:s4] =	dma.local [hbm:s3], $0xF7A  }
0x26: {  	[smem:$0x3F97] =	sst s1;
	(tag) =	ssettag s2;
	_ =	strace s9  }
0x27: {  	s1 =	sld [smem:$0x3FA7]  }
0x28: {  	s2 =	sld [smem:$0x3FA8]  }
0x29: {  	s4 =	sld [smem:$0x3FAA]  }
0x2a: {  	p0 =	seq.s32 s5, $0x0;
	s5 =	sld [smem:$0x3FAB]  }
0x2b: {  	s6 =	sld [smem:$0x3FAC]  }
0x2c: {  	s7 =	sld [smem:$0x3FAD]  }
0x2d: {  	s3 =	simm.s32 $0x108;
	s8 =	sld [smem:$0x3FAE]  }
0x2e: {  	s3 =	simm.s32 @!p0 $0x1082;
	s9 =	sld [smem:$0x3FAF]  }
0x2f: {  	lr =	sadd.s32 s0, s3;
	s0 =	sld [smem:$0x3FA6]  }
0x30: {  	s3 =	sld [smem:$0x3FA9]  }
0x31: {  	[smem:$0x3FB2] =	sst s10  }
0x32: {  	s10 =	sld [smem:$0x3FB0];
	_ =	sdelay $0x3  }
0x33: {  	p0 =	seq.s32 s10, $0x1;
	s10 =	sld [smem:$0x3FB2];
	_ =	sdelay $0x3  }
0x34: {  	[smem:$0x3FB2] =	sst s10  }
0x35: {  	s10 =	sld [smem:$0x3FB1];
	_ =	sdelay $0x3  }
0x36: {  	p1 =	seq.s32 s10, $0x1;
	s10 =	sld [smem:$0x3FB2];
	_ =	sdelay $0x3  }
0x37: {  	[smem:$0x3FB2] =	sst s10  }
0x38: {  	s10 =	sld [smem:$0x3FB3]  }
0x39: {  	_ = 	snop;
	(pc) =	sbr.ind lr, $3  }
0x3a: {  	_ = 	snop  }
0x3b: {  	_ = 	snop  }
0x3c: {  	p2 =	seq.s32 s10, $0x1;
	s10 =	sld [smem:$0x3FB2]  }
0x3d: {  	_ =	shalt  }
0x3e: {  	_ =	shalt  }
0x3f: {  	_ =	shalt  }
0x40: {  	_ =	shalt  }
0x41: {  	_ =	shalt  }
0x42: {  	_ =	shalt  }
0x43: {  	_ =	shalt  }
0x44: {  	_ =	shalt  }
0x45: {  	_ =	shalt  }
0x46: {  	_ =	shalt  }
0x47: {  	_ =	shalt  }
0x48: {  	_ =	shalt  }
0x49: {  	_ =	shalt  }
0x4a: {  	_ =	shalt  }
0x4b: {  	_ =	shalt  }
0x4c: {  	_ =	shalt  }
0x4d: {  	_ =	shalt  }
0x4e: {  	_ =	shalt  }
0x4f: {  	_ =	shalt  }
0x50: {  	_ =	shalt  }
0x51: {  	_ =	shalt  }
0x52: {  	_ =	shalt  }
0x53: {  	_ =	shalt  }
0x54: {  	_ =	shalt  }
0x55: {  	_ =	shalt  }
0x56: {  	_ =	shalt  }
0x57: {  	_ =	shalt  }
0x58: {  	_ =	shalt  }
0x59: {  	_ =	shalt  }
0x5a: {  	_ =	shalt  }
0x5b: {  	_ =	shalt  }
0x5c: {  	_ =	shalt  }
0x5d: {  	_ =	shalt  }
0x5e: {  	_ =	shalt  }
0x5f: {  	_ =	shalt  }
0x60: {  	_ =	shalt  }
0x61: {  	_ =	shalt  }
0x62: {  	_ =	shalt  }
0x63: {  	_ =	shalt  }
0x64: {  	_ =	shalt  }
0x65: {  	_ =	shalt  }
0x66: {  	_ =	shalt  }
0x67: {  	_ =	shalt  }
0x68: {  	_ =	shalt  }
0x69: {  	_ =	shalt  }
0x6a: {  	_ =	shalt  }
0x6b: {  	_ =	shalt  }
0x6c: {  	_ =	shalt  }
0x6d: {  	_ =	shalt  }
0x6e: {  	_ =	shalt  }
0x6f: {  	_ =	shalt  }
0x70: {  	_ =	shalt  }
0x71: {  	_ =	shalt  }
0x72: {  	_ =	shalt  }
0x73: {  	_ =	shalt  }
0x74: {  	_ =	shalt  }
0x75: {  	_ =	shalt  }
0x76: {  	_ =	shalt  }
0x77: {  	_ =	shalt  }
0x78: {  	_ =	shalt  }
0x79: {  	_ =	shalt  }
0x7a: {  	_ =	shalt  }
0x7b: {  	_ =	shalt  }
0x7c: {  	_ =	shalt  }
0x7d: {  	_ =	shalt  }
0x7e: {  	_ =	shalt  }
0x7f: {  	_ =	shalt  }
0x80: {  	_ =	shalt  }
0x81: {  	_ =	shalt  }
0x82: {  	_ =	shalt  }
0x83: {  	_ =	shalt  }
0x84: {  	_ =	shalt  }
0x85: {  	_ =	shalt  }
0x86: {  	_ =	shalt  }
0x87: {  	_ =	shalt  }
.Lfunc_end0:
.L_simem_size_0:
called_computation.3_lowered:
.L_overlay_start_0:
0x88: {  	s2 =	sld [smem:$0x3FD9]  }
0x89: {  	s3 =	sld [smem:$0x3FFE];
	_ =	sdelay $0x1  }
0x8a: {  	s1 =	srdreg.scid  }
0x8b: {  	s0 =	sand.u32 $0x1, s1  }
0x8c: {  	s14 =	sshll.u32 s0, $0xA;
	s2 =	sadd.s32 s3, s2  }
0x8d: {  	s2 =	sadd.s32 s2, s14  }
0x8e: {  	[smem:$0x3FBE] =	sst s2  }
0x8f: {  	_ = 	snop  }
0x90: {  	s2 =	sld [smem:$0x3FD0];
	_ =	sdelay $0x2  }
0x91: {  	s15 =	simm.s32 $0xA;
	s4 =	simm.s32 $0x10  }
0x92: {  	[smem:s4], [sflag:s15] =	dma.local [hbm:s2], $0x1  }
0x93: {  	_ =	swait.eq [sflag:s15], $0x1  }
0x94: {  	[sflag:s15] =	ssyncset.done $0x0  }
0x95: {  	[sflag:s15] =	ssyncadd.s32 $0xFFFFFFFF  }
0x96: {  	s16 =	sld [smem:$0x11];
	(tm) =	ssettm $0x1  }
0x97: {  	s17 =	sld [smem:$0x3FFB];
	_ =	sdelay $0x3  }
0x98: {  	_ =	strace s17  }
0x99: {  	s3 =	sld [smem:$0x3FFC];
	_ =	sdelay $0x3  }
0x9a: {  	_ =	strace s3  }
0x9b: {  	s3 =	sld [smem:$0x3FFD];
	_ =	sdelay $0x3  }
0x9c: {  	_ =	strace s3  }
0x9d: {  	_ =	strace $0x8FFFFFFF  }
0x9e: {  	s18 =	sld [smem:$0x3FDB];
	_ =	sdelay $0x1  }
0x9f: {  	s19 =	simm.s32 $_scs_section_size  }
0xa0: {  	s5 =	simm.s32 $_size__tile_overlayer_lowered;
	s6 =	simm.s32 $_tile_overlayer_lowered  }
0xa1: {  	s22 =	simm.s32 $0x1BFF;
	s21 =	sshll.u32 s6, $0x1;
	s3 =	sadd.s32 s19, s18  }
0xa2: {  	s7 =	simm.s32 $0x0;
	s20 =	sshll.u32 s5, $0x1;
	s5 =	sadd.s32 s21, s3  }
0xa3: {  	[timem:s7], [sflag:s22] =	dma.local [hbm:s5], s20  }
0xa4: {  	_ =	swait.ge [sflag:s22], s20  }
0xa5: {  	s4 =	ssub.s32 $0x0, s20;
	[sflag:s22] =	ssyncset.done $0x0  }
0xa6: {  	[sflag:s22] =	ssyncadd.s32 s4;
	_ =	sdelay $0x1  }
0xa7: {  	s23 =	simm.s32 $0x1B8B  }
0xa8: {  	_ =	swait.ge [sflag:s23], $0x1  }
0xa9: {  	[sflag:s23] =	ssyncset.done $0x0  }
0xaa: {  	s25 =	simm.s32 $0x1B8E;
	s24 =	sld [smem:$0x3FFE];
	[sflag:s23] =	ssyncadd.s32 $0xFFFFFFFF  }
0xab: {  	s26 =	simm.s32 $execute0_lowered;
	[smem:$0x3FD2] =	sst s25  }
0xac: {  	s5 =	sshll.u32 s26, $0x1;
	_ =	strace $0x8000004F;
	[dreg:$0x1] =	wrdreg $0xFFFFFFFF  }
0xad: {  	s28 =	simm.s32 $_size_execute0_lowered;
	s3 =	sadd.s32 s3, s5;
	[dreg:$0x0] =	wrdreg $0x0  }
0xae: {  	s5 =	sshll.u32 s28, $0x1;
	[dreg:$0x2] =	wrdreg s3  }
0xaf: {  	[dreg:$0x3] =	wrdreg s5  }
0xb0: {  	[dreg:$0x4] =	wrdreg $0xC0  }
0xb1: {  	_ =	task [dreg:s7], $0x5FFFF  }
0xb2: {  	[dreg:$0x1] =	wrdreg $0xFFFFFFFF  }
0xb3: {  	[dreg:$0x0] =	wrdreg $0x60  }
0xb4: {  	[dreg:$0x2] =	wrdreg s24  }
0xb5: {  	[dreg:$0x3] =	wrdreg s16  }
0xb6: {  	[dreg:$0x4] =	wrdreg $0x48000  }
0xb7: {  	[dreg:$0x5] =	wrdreg $0x9  }
0xb8: {  	_ =	task.clear_ibuf [dreg:s7], $0x6FFFF;
	_ =	strace $0x9000004F  }
0xb9: {  	s29 =	simm.s32 $0x9;
	_ =	strace $0x80000051  }
0xba: {  	_ =	swait.ge [sflag:s29], $0x1  }
0xbb: {  	[sflag:s29] =	ssyncadd.s32 $0xFFFFFFFF  }
0xbc: {  	_ =	strace $0x90000051  }
0xbd: {  	_ =	sfence  }
0xbe: {  	s30 =	sld [smem:$0x0];
	_ =	sdelay $0x2  }
0xbf: {  	s31 =	sshll.u32 s1, $0xD;
	s1 =	sshrl.u32 s1, $0x2  }
0xc0: {  	s3 =	sand.u32 $0x4000, s31;
	s1 =	sadd.s32 s1, s30  }
0xc1: {  	s0 =	sor.u32 s3, s0;
	s1 =	sshll.u32 s1, $0x11  }
0xc2: {  	s0 =	sor.u32 s1, s0  }
0xc3: {  	s0 =	sadd.s32 $0x8F2B, s0  }
0xc4: {  	[sflag:s0] =	ssyncadd.remote.s32 $0x1  }
0xc5: {  	_ =	sfence.sel $0xFFFF  }
0xc6: {  	[dreg:$0x0] =	wrdreg $0xFFFFFFFF;
	(pc) =	sbr.abs _section_cstart, $3  }
0xc7: {  	[dreg:$0x1] =	wrdreg $0xFFFFFFFF  }
0xc8: {  	_ =	task.clear_ibuf [dreg:s7], $0x2FFFF;
	_ =	strace $0x9FFFFFFF  }
0xc9: {  	(tm) =	ssettm $0x7FFFFFFF  }
tec
execute0_lowered:
.L_overlay_start_1:
0x0: {  	(tag) =	ssettag $0x1  }
0x1: {  	s0 =	rddreg [dreg:$0x0]  }
0x2: {  	s3 =	rddreg [dreg:$0x2]  }
0x3: {  	s10 =	stileid.u32;
	s2 =	srdreg.scid;
	s4 =	simm.s32 $0x0  }
0x4: {  	s11 =	simm.s32 $0x400;
	s12 =	simm.s32 $0x80;
	s13 =	simm.s32 $0x800  }
0x5: {  	s25 =	simm.s32 $0x100;
	s14 =	simm.s32 $0x1000;
	s26 =	simm.s32 $0x180  }
0x6: {  	s15 =	simm.s32 $0x1800;
	s16 =	simm.s32 $0x2000;
	s17 =	simm.s32 $0x200  }
0x7: {  	s18 =	simm.s32 $0x2800;
	s19 =	simm.s32 $0x280;
	s20 =	simm.s32 $0x3000  }
0x8: {  	s21 =	simm.s32 $0x300;
	s22 =	simm.s32 $0x3800;
	s28 =	simm.s32 $0x500  }
0x9: {  	s29 =	simm.s32 $0x580;
	s30 =	simm.s32 $0x600;
	s1 =	smul.u32 $0xC80, s10  }
0xa: {  	s31 =	simm.s32 $0x680;
	s2 =	sand.u32 $0x1, s2;
	s6 =	smul.u32 $0xC380, s10  }
0xb: {  	[smem:$0x7FF] =	sst s4;
	s5 =	sadd.s32 $0x5C00, s0;
	s23 =	sshll.u32 s10, $0x6  }
0xc: {  	s10 =	simm.s32 $0x3;
	s7 =	smul.u32 $0xC3800, s2;
	_ =	strace $0x80000050  }
0xd: {  	s8 =	ssub.s32 $0x0, s2;
	s2 =	ssub.s32 $0x2, s2;
	[dreg:$0x6] =	wrdreg s25  }
0xe: {  	[dreg:$0x7] =	wrdreg s26;
	s25 =	simm.s32 $0x1;
	s26 =	simm.s32 $0x480  }
0xf: {  	s1 =	sadd.s32 s1, s0;
	s9 =	sshrl.u32 s2, $0x1;
	s8 =	sand.u32 $0xC800, s8  }
0x10: {  	s7 =	sadd.s32 s6, s7;
	s2 =	ssub.s32 s2, s9;
	s1 =	sadd.s32 s8, s1  }
0x11: {  	s6 =	sadd.s32 s6, s3;
	s9 =	simm.s32 $0x0;
	s8 =	sadd.s32 $0x37C00, s1  }
0x12: {  	s7 =	sshrl.u32 s7, $0x3;
	s24 =	smax.u32 s2, $0x1;
	[dreg:$0x4] =	wrdreg s8  }
0x13: {  	s1 =	sadd.s32 $0x1EC00, s1;
	s2 =	simm.s32 $0x2;
	[dreg:$0xa] =	wrdreg s24  }
0x14: {  	s0 =	sadd.s32 s7, s0;
	s7 =	sor.u32 $0x1C03, s23;
	[dreg:$0x5] =	wrdreg s1  }
0x15: {  	s8 =	sshrl.u32 s6, $0x3;
	s23 =	simm.s32 $0x380;
	[dreg:$0x8] =	wrdreg s7  }
0x16: {  	s24 =	simm.s32 $0x4000;
	s0 =	sadd.s32 $0x5C1200, s0;
	[dreg:$0xb] =	wrdreg s8  }
0x17: {  	s1 =	simm.s32 $0x780;
	[dreg:$0x9] =	wrdreg s0;
	s0 =	simm.s32 $0x700  }
.LBB2_1:
0x18: {  	[dreg:$0xc] =	wrdreg s9  }
0x19: {  	s6 =	rddreg [dreg:$0x1]  }
0x1a: {  	[spmem:s8], [sflag:s7] =	dma.local [hbm:s6], $0x1870  }
0x1b: {  	_ =	swait.ge [sflag:s10], $0x1870  }
0x1c: {  	[sflag:s10] =	ssyncset.done $0x0  }
0x1d: {  	[sflag:s10] =	ssyncadd.s32 $0xFFFFE790  }
0x1e: {  	[bflag:$0x0] =	sbarrier.arrive $0xFFFF  }
0x1f: {  	s9 =	rddreg [dreg:$0x5]  }
0x20: {  	s6 =	sadd.s32 $0x0, s9  }
0x21: {  	[tilespmem:s4], [sflag:$0x3] =	stream.linear.gather [hbm4b:s6+s4], $0x400, $0x38;
	[tilespmem:$0x10B80] =	vst v63  }
0x22: {  	_ =	swait.ge [sflag:s10], $0x400  }
0x23: {  	s7 =	rddreg [dreg:$0x4];
	[sflag:s10] =	ssyncset.done $0x0  }
0x24: {  	[sflag:s10] =	ssyncadd.s32 $0xFFFFFC00;
	s6 =	sadd.s32 $0x0, s7  }
0x25: {  	[tilespmem:s11], [sflag:$0x3] =	stream.linear.gather [hbm4b:s6+s4], $0x400, $0x38;
	[tilespmem:$0x10B80] =	vst v63  }
0x26: {  	_ =	swait.ge [sflag:s10], $0x400  }
0x27: {  	[sflag:s10] =	ssyncset.done $0x0  }
0x28: {  	[sflag:s10] =	ssyncadd.s32 $0xFFFFFC00  }
0x29: {  	[tilespmem:s13], [sflag:$0x1] =	stream.indirect.gather [hbm4b:s5+s12], $0x10, s4, s12, $0xb8;
	[tilespmem:$0x10B80] =	vst v63  }
0x2a: {  	_ = 	snop  }
0x2b: {  	[tilespmem:s14], [sflag:$0x1] =	stream.indirect.gather [hbm4b:s5+s12], $0x10, s12, s12, $0xb8;
	[tilespmem:$0x10B80] =	vst v63  }
0x2c: {  	s8 =	rddreg [dreg:$0x6]  }
0x2d: {  	[tilespmem:s15], [sflag:$0x1] =	stream.indirect.gather [hbm4b:s5+s12], $0x10, s8, s12, $0xb8;
	[tilespmem:$0x10B80] =	vst v63  }
0x2e: {  	s9 =	rddreg [dreg:$0x7]  }
0x2f: {  	[tilespmem:s16], [sflag:$0x1] =	stream.indirect.gather [hbm4b:s5+s12], $0x10, s9, s12, $0xb8;
	[tilespmem:$0x10B80] =	vst v63  }
0x30: {  	_ = 	snop  }
0x31: {  	[tilespmem:s18], [sflag:$0x1] =	stream.indirect.gather [hbm4b:s5+s12], $0x10, s17, s12, $0xb8;
	[tilespmem:$0x10B80] =	vst v63  }
0x32: {  	_ = 	snop  }
0x33: {  	[tilespmem:s20], [sflag:$0x1] =	stream.indirect.gather [hbm4b:s5+s12], $0x10, s19, s12, $0xb8;
	[tilespmem:$0x10B80] =	vst v63  }
0x34: {  	_ = 	snop  }
0x35: {  	[tilespmem:s22], [sflag:$0x1] =	stream.indirect.gather [hbm4b:s5+s12], $0x10, s21, s12, $0xb8;
	[tilespmem:$0x10B80] =	vst v63  }
0x36: {  	_ = 	snop  }
0x37: {  	[tilespmem:s24], [sflag:$0x1] =	stream.indirect.gather [hbm4b:s5+s12], $0x10, s23, s12, $0xb8;
	[tilespmem:$0x10B80] =	vst v63  }
0x38: {  	_ =	swait.ge [sflag:s25], $0x800  }
0x39: {  	[sflag:s25] =	ssyncset.done $0x0  }
0x3a: {  	[sflag:s25] =	ssyncadd.s32 $0xFFFFF800  }
0x3b: {  	_ =	swait.ge [sflag:s25], $0x800  }
0x3c: {  	[sflag:s25] =	ssyncset.done $0x0  }
0x3d: {  	[sflag:s25] =	ssyncadd.s32 $0xFFFFF800  }
0x3e: {  	_ =	swait.ge [sflag:s25], $0x800  }
0x3f: {  	[sflag:s25] =	ssyncset.done $0x0  }
0x40: {  	[sflag:s25] =	ssyncadd.s32 $0xFFFFF800  }
0x41: {  	_ =	swait.ge [sflag:s25], $0x800  }
0x42: {  	[sflag:s25] =	ssyncset.done $0x0  }
0x43: {  	[sflag:s25] =	ssyncadd.s32 $0xFFFFF800  }
0x44: {  	_ =	swait.ge [sflag:s25], $0x800  }
0x45: {  	[sflag:s25] =	ssyncset.done $0x0  }
0x46: {  	[sflag:s25] =	ssyncadd.s32 $0xFFFFF800  }
0x47: {  	_ =	swait.ge [sflag:s25], $0x800  }
0x48: {  	[sflag:s25] =	ssyncset.done $0x0  }
0x49: {  	[sflag:s25] =	ssyncadd.s32 $0xFFFFF800  }
0x4a: {  	_ =	swait.ge [sflag:s25], $0x800  }
0x4b: {  	[sflag:s25] =	ssyncset.done $0x0  }
0x4c: {  	[sflag:s25] =	ssyncadd.s32 $0xFFFFF800  }
0x4d: {  	_ =	swait.ge [sflag:s25], $0x800  }
0x4e: {  	[sflag:s25] =	ssyncset.done $0x0  }
0x4f: {  	[sflag:s25] =	ssyncadd.s32 $0xFFFFF800  }
0x50: {  	[spmem:s3] =	stream.indirect.scatter.add.f32 [tilespmem:s13], [sflag:$0x2], $0x10, s11, s12, $0xb8;
	[tilespmem:$0x10B80] =	vst v63  }
0x51: {  	_ = 	snop  }
0x52: {  	[spmem:s3] =	stream.indirect.scatter.add.f32 [tilespmem:s14], [sflag:$0x2], $0x10, s26, s12, $0xb8;
	[tilespmem:$0x10B80] =	vst v63  }
0x53: {  	_ = 	snop  }
0x54: {  	[spmem:s3] =	stream.indirect.scatter.add.f32 [tilespmem:s15], [sflag:$0x2], $0x10, s28, s12, $0xb8;
	[tilespmem:$0x10B80] =	vst v63  }
0x55: {  	_ = 	snop  }
0x56: {  	[spmem:s3] =	stream.indirect.scatter.add.f32 [tilespmem:s16], [sflag:$0x2], $0x10, s29, s12, $0xb8;
	[tilespmem:$0x10B80] =	vst v63  }
0x57: {  	_ = 	snop  }
0x58: {  	[spmem:s3] =	stream.indirect.scatter.add.f32 [tilespmem:s18], [sflag:$0x2], $0x10, s30, s12, $0xb8;
	[tilespmem:$0x10B80] =	vst v63  }
0x59: {  	_ = 	snop  }
0x5a: {  	[spmem:s3] =	stream.indirect.scatter.add.f32 [tilespmem:s20], [sflag:$0x2], $0x10, s31, s12, $0xb8;
	[tilespmem:$0x10B80] =	vst v63  }
0x5b: {  	_ = 	snop  }
0x5c: {  	[spmem:s3] =	stream.indirect.scatter.add.f32 [tilespmem:s22], [sflag:$0x2], $0x10, s0, s12, $0xb8;
	[tilespmem:$0x10B80] =	vst v63  }
0x5d: {  	_ = 	snop  }
0x5e: {  	[spmem:s3] =	stream.indirect.scatter.add.f32 [tilespmem:s24], [sflag:$0x2], $0x10, s1, s12, $0xb8;
	[tilespmem:$0x10B80] =	vst v63  }
0x5f: {  	_ =	swait.ge [sflag:s2], $0x800  }
0x60: {  	[sflag:s2] =	ssyncset.done $0x0  }
0x61: {  	[sflag:s2] =	ssyncadd.s32 $0xFFFFF800  }
0x62: {  	_ =	swait.ge [sflag:s2], $0x800  }
0x63: {  	[sflag:s2] =	ssyncset.done $0x0  }
0x64: {  	[sflag:s2] =	ssyncadd.s32 $0xFFFFF800  }
0x65: {  	_ =	swait.ge [sflag:s2], $0x800  }
0x66: {  	[sflag:s2] =	ssyncset.done $0x0  }
0x67: {  	[sflag:s2] =	ssyncadd.s32 $0xFFFFF800  }
0x68: {  	_ =	swait.ge [sflag:s2], $0x800  }
0x69: {  	[sflag:s2] =	ssyncset.done $0x0  }
0x6a: {  	[sflag:s2] =	ssyncadd.s32 $0xFFFFF800  }
0x6b: {  	_ =	swait.ge [sflag:s2], $0x800  }
0x6c: {  	[sflag:s2] =	ssyncset.done $0x0  }
0x6d: {  	[sflag:s2] =	ssyncadd.s32 $0xFFFFF800  }
0x6e: {  	_ =	swait.ge [sflag:s2], $0x800  }
0x6f: {  	[sflag:s2] =	ssyncset.done $0x0  }
0x70: {  	[sflag:s2] =	ssyncadd.s32 $0xFFFFF800  }
0x71: {  	_ =	swait.ge [sflag:s2], $0x800  }
0x72: {  	[sflag:s2] =	ssyncset.done $0x0  }
0x73: {  	[sflag:s2] =	ssyncadd.s32 $0xFFFFF800  }
0x74: {  	s6 =	simm.s32 $0x100;
	_ =	swait.ge [sflag:s2], $0x800  }
0x75: {  	s8 =	simm.s32 $0x80;
	s9 =	rddreg [dreg:$0x5];
	[sflag:s2] =	ssyncset.done $0x0  }
.LBB2_2:
0x76: {  	[sflag:s2] =	ssyncadd.s32 $0xFFFFF800;
	s9 =	sadd.s32 s8, s9  }
0x77: {  	[tilespmem:s4], [sflag:$0x3] =	stream.linear.gather [hbm4b:s9+s4], $0x400, $0x38;
	[tilespmem:$0x10B80] =	vst v63  }
0x78: {  	_ =	swait.ge [sflag:s10], $0x400  }
0x79: {  	s9 =	rddreg [dreg:$0x4];
	[sflag:s10] =	ssyncset.done $0x0  }
0x7a: {  	[sflag:s10] =	ssyncadd.s32 $0xFFFFFC00;
	s9 =	sadd.s32 s8, s9  }
0x7b: {  	[tilespmem:s11], [sflag:$0x3] =	stream.linear.gather [hbm4b:s9+s4], $0x400, $0x38;
	[tilespmem:$0x10B80] =	vst v63  }
0x7c: {  	_ =	swait.ge [sflag:s10], $0x400  }
0x7d: {  	[sflag:s10] =	ssyncset.done $0x0  }
0x7e: {  	[sflag:s10] =	ssyncadd.s32 $0xFFFFFC00  }
0x7f: {  	[tilespmem:s13], [sflag:$0x1] =	stream.indirect.gather [hbm4b:s5+s12], $0x10, s4, s12, $0xb8;
	[tilespmem:$0x10B80] =	vst v63  }
0x80: {  	s7 =	smov.u32 s6  }
0x81: {  	[tilespmem:s14], [sflag:$0x1] =	stream.indirect.gather [hbm4b:s5+s12], $0x10, s12, s12, $0xb8;
	[tilespmem:$0x10B80] =	vst v63  }
0x82: {  	s8 =	smov.u32 s7;
	s7 =	rddreg [dreg:$0x6]  }
0x83: {  	[tilespmem:s15], [sflag:$0x1] =	stream.indirect.gather [hbm4b:s5+s12], $0x10, s7, s12, $0xb8;
	[tilespmem:$0x10B80] =	vst v63  }
0x84: {  	s9 =	rddreg [dreg:$0x7]  }
0x85: {  	[tilespmem:s16], [sflag:$0x1] =	stream.indirect.gather [hbm4b:s5+s12], $0x10, s9, s12, $0xb8;
	[tilespmem:$0x10B80] =	vst v63  }
0x86: {  	_ = 	snop  }
0x87: {  	[tilespmem:s18], [sflag:$0x1] =	stream.indirect.gather [hbm4b:s5+s12], $0x10, s17, s12, $0xb8;
	[tilespmem:$0x10B80] =	vst v63  }
0x88: {  	_ = 	snop  }
0x89: {  	[tilespmem:s20], [sflag:$0x1] =	stream.indirect.gather [hbm4b:s5+s12], $0x10, s19, s12, $0xb8;
	[tilespmem:$0x10B80] =	vst v63  }
0x8a: {  	_ = 	snop  }
0x8b: {  	[tilespmem:s22], [sflag:$0x1] =	stream.indirect.gather [hbm4b:s5+s12], $0x10, s21, s12, $0xb8;
	[tilespmem:$0x10B80] =	vst v63  }
0x8c: {  	_ = 	snop  }
0x8d: {  	[tilespmem:s24], [sflag:$0x1] =	stream.indirect.gather [hbm4b:s5+s12], $0x10, s23, s12, $0xb8;
	[tilespmem:$0x10B80] =	vst v63  }
0x8e: {  	_ =	swait.ge [sflag:s25], $0x800  }
0x8f: {  	[sflag:s25] =	ssyncset.done $0x0  }
0x90: {  	[sflag:s25] =	ssyncadd.s32 $0xFFFFF800  }
0x91: {  	_ =	swait.ge [sflag:s25], $0x800  }
0x92: {  	[sflag:s25] =	ssyncset.done $0x0  }
0x93: {  	[sflag:s25] =	ssyncadd.s32 $0xFFFFF800  }
0x94: {  	_ =	swait.ge [sflag:s25], $0x800  }
0x95: {  	[sflag:s25] =	ssyncset.done $0x0  }
0x96: {  	[sflag:s25] =	ssyncadd.s32 $0xFFFFF800  }
0x97: {  	_ =	swait.ge [sflag:s25], $0x800  }
0x98: {  	[sflag:s25] =	ssyncset.done $0x0  }
0x99: {  	[sflag:s25] =	ssyncadd.s32 $0xFFFFF800  }
0x9a: {  	_ =	swait.ge [sflag:s25], $0x800  }
0x9b: {  	[sflag:s25] =	ssyncset.done $0x0  }
0x9c: {  	[sflag:s25] =	ssyncadd.s32 $0xFFFFF800  }
0x9d: {  	_ =	swait.ge [sflag:s25], $0x800  }
0x9e: {  	[sflag:s25] =	ssyncset.done $0x0  }
0x9f: {  	[sflag:s25] =	ssyncadd.s32 $0xFFFFF800  }
0xa0: {  	_ =	swait.ge [sflag:s25], $0x800  }
0xa1: {  	[sflag:s25] =	ssyncset.done $0x0  }
0xa2: {  	[sflag:s25] =	ssyncadd.s32 $0xFFFFF800  }
0xa3: {  	_ =	swait.ge [sflag:s25], $0x800  }
0xa4: {  	[sflag:s25] =	ssyncset.done $0x0  }
0xa5: {  	[sflag:s25] =	ssyncadd.s32 $0xFFFFF800  }
0xa6: {  	[spmem:s3] =	stream.indirect.scatter.add.f32 [tilespmem:s13], [sflag:$0x2], $0x10, s11, s12, $0xb8;
	[tilespmem:$0x10B80] =	vst v63  }
0xa7: {  	_ = 	snop  }
0xa8: {  	[spmem:s3] =	stream.indirect.scatter.add.f32 [tilespmem:s14], [sflag:$0x2], $0x10, s26, s12, $0xb8;
	[tilespmem:$0x10B80] =	vst v63  }
0xa9: {  	_ = 	snop  }
0xaa: {  	[spmem:s3] =	stream.indirect.scatter.add.f32 [tilespmem:s15], [sflag:$0x2], $0x10, s28, s12, $0xb8;
	[tilespmem:$0x10B80] =	vst v63  }
0xab: {  	_ = 	snop  }
0xac: {  	[spmem:s3] =	stream.indirect.scatter.add.f32 [tilespmem:s16], [sflag:$0x2], $0x10, s29, s12, $0xb8;
	[tilespmem:$0x10B80] =	vst v63  }
0xad: {  	_ = 	snop  }
0xae: {  	[spmem:s3] =	stream.indirect.scatter.add.f32 [tilespmem:s18], [sflag:$0x2], $0x10, s30, s12, $0xb8;
	[tilespmem:$0x10B80] =	vst v63  }
0xaf: {  	_ = 	snop  }
0xb0: {  	[spmem:s3] =	stream.indirect.scatter.add.f32 [tilespmem:s20], [sflag:$0x2], $0x10, s31, s12, $0xb8;
	[tilespmem:$0x10B80] =	vst v63  }
0xb1: {  	_ = 	snop  }
0xb2: {  	[spmem:s3] =	stream.indirect.scatter.add.f32 [tilespmem:s22], [sflag:$0x2], $0x10, s0, s12, $0xb8;
	[tilespmem:$0x10B80] =	vst v63  }
0xb3: {  	_ = 	snop  }
0xb4: {  	[spmem:s3] =	stream.indirect.scatter.add.f32 [tilespmem:s24], [sflag:$0x2], $0x10, s1, s12, $0xb8;
	[tilespmem:$0x10B80] =	vst v63  }
0xb5: {  	_ =	swait.ge [sflag:s2], $0x800  }
0xb6: {  	[sflag:s2] =	ssyncset.done $0x0  }
0xb7: {  	[sflag:s2] =	ssyncadd.s32 $0xFFFFF800  }
0xb8: {  	_ =	swait.ge [sflag:s2], $0x800  }
0xb9: {  	[sflag:s2] =	ssyncset.done $0x0  }
0xba: {  	[sflag:s2] =	ssyncadd.s32 $0xFFFFF800  }
0xbb: {  	_ =	swait.ge [sflag:s2], $0x800  }
0xbc: {  	[sflag:s2] =	ssyncset.done $0x0  }
0xbd: {  	[sflag:s2] =	ssyncadd.s32 $0xFFFFF800  }
0xbe: {  	_ =	swait.ge [sflag:s2], $0x800  }
0xbf: {  	[sflag:s2] =	ssyncset.done $0x0  }
0xc0: {  	[sflag:s2] =	ssyncadd.s32 $0xFFFFF800  }
0xc1: {  	_ =	swait.ge [sflag:s2], $0x800  }
0xc2: {  	[sflag:s2] =	ssyncset.done $0x0  }
0xc3: {  	[sflag:s2] =	ssyncadd.s32 $0xFFFFF800  }
0xc4: {  	_ =	swait.ge [sflag:s2], $0x800  }
0xc5: {  	[sflag:s2] =	ssyncset.done $0x0  }
0xc6: {  	p0 =	sne.s32 s6, $0xC00;
	[sflag:s2] =	ssyncadd.s32 $0xFFFFF800  }
.Ltmp0:
0xc7: {  	_ =	swait.ge [sflag:s2], $0x800;
	(pc) =	sbr.rel @p0 .LBB2_2-.Ltmp0, $4  }
0xc8: {  	[sflag:s2] =	ssyncset.done $0x0  }
0xc9: {  	[sflag:s2] =	ssyncadd.s32 $0xFFFFF800  }
0xca: {  	_ =	swait.ge [sflag:s2], $0x800  }
0xcb: {  	s6 =	sadd.s32 $0x80, s6;
	s9 =	rddreg [dreg:$0x5];
	[sflag:s2] =	ssyncset.done $0x0  }
0xcc: {  	[sflag:s2] =	ssyncadd.s32 $0xFFFFF800;
	s6 =	sadd.s32 s8, s9  }
0xcd: {  	[tilespmem:s4], [sflag:$0x3] =	stream.linear.gather [hbm4b:s6+s4], $0x400, $0x38;
	[tilespmem:$0x10B80] =	vst v63  }
0xce: {  	_ =	swait.ge [sflag:s10], $0x400  }
0xcf: {  	s7 =	rddreg [dreg:$0x4];
	[sflag:s10] =	ssyncset.done $0x0  }
0xd0: {  	[sflag:s10] =	ssyncadd.s32 $0xFFFFFC00;
	s6 =	sadd.s32 s8, s7  }
0xd1: {  	[tilespmem:s11], [sflag:$0x3] =	stream.linear.gather [hbm4b:s6+s4], $0x400, $0x38;
	[tilespmem:$0x10B80] =	vst v63  }
0xd2: {  	_ =	swait.ge [sflag:s10], $0x400  }
0xd3: {  	[sflag:s10] =	ssyncset.done $0x0  }
0xd4: {  	[sflag:s10] =	ssyncadd.s32 $0xFFFFFC00  }
0xd5: {  	[tilespmem:s13], [sflag:$0x1] =	stream.indirect.gather [hbm4b:s5+s12], $0x10, s4, s12, $0xb8;
	[tilespmem:$0x10B80] =	vst v63  }
0xd6: {  	_ = 	snop  }
0xd7: {  	[tilespmem:s14], [sflag:$0x1] =	stream.indirect.gather [hbm4b:s5+s12], $0x10, s12, s12, $0xb8;
	[tilespmem:$0x10B80] =	vst v63  }
0xd8: {  	s8 =	rddreg [dreg:$0x6]  }
0xd9: {  	[tilespmem:s15], [sflag:$0x1] =	stream.indirect.gather [hbm4b:s5+s12], $0x10, s8, s12, $0xb8;
	[tilespmem:$0x10B80] =	vst v63  }
0xda: {  	s7 =	rddreg [dreg:$0x7]  }
0xdb: {  	[tilespmem:s16], [sflag:$0x1] =	stream.indirect.gather [hbm4b:s5+s12], $0x10, s7, s12, $0xb8;
	[tilespmem:$0x10B80] =	vst v63  }
0xdc: {  	_ = 	snop  }
0xdd: {  	[tilespmem:s18], [sflag:$0x1] =	stream.indirect.gather [hbm4b:s5+s12], $0x10, s17, s12, $0xb8;
	[tilespmem:$0x10B80] =	vst v63  }
0xde: {  	_ = 	snop  }
0xdf: {  	[tilespmem:s20], [sflag:$0x1] =	stream.indirect.gather [hbm4b:s5+s12], $0x10, s19, s12, $0xb8;
	[tilespmem:$0x10B80] =	vst v63  }
0xe0: {  	_ = 	snop  }
0xe1: {  	[tilespmem:s22], [sflag:$0x1] =	stream.indirect.gather [hbm4b:s5+s12], $0x10, s21, s12, $0xb8;
	[tilespmem:$0x10B80] =	vst v63  }
0xe2: {  	_ = 	snop  }
0xe3: {  	[tilespmem:s24], [sflag:$0x1] =	stream.indirect.gather [hbm4b:s5+s12], $0x10, s23, s12, $0xb8;
	[tilespmem:$0x10B80] =	vst v63  }
0xe4: {  	_ =	swait.ge [sflag:s25], $0x800  }
0xe5: {  	[sflag:s25] =	ssyncset.done $0x0  }
0xe6: {  	[sflag:s25] =	ssyncadd.s32 $0xFFFFF800  }
0xe7: {  	_ =	swait.ge [sflag:s25], $0x800  }
0xe8: {  	[sflag:s25] =	ssyncset.done $0x0  }
0xe9: {  	[sflag:s25] =	ssyncadd.s32 $0xFFFFF800  }
0xea: {  	_ =	swait.ge [sflag:s25], $0x800  }
0xeb: {  	[sflag:s25] =	ssyncset.done $0x0  }
0xec: {  	[sflag:s25] =	ssyncadd.s32 $0xFFFFF800  }
0xed: {  	_ =	swait.ge [sflag:s25], $0x800  }
0xee: {  	[sflag:s25] =	ssyncset.done $0x0  }
0xef: {  	[sflag:s25] =	ssyncadd.s32 $0xFFFFF800  }
0xf0: {  	_ =	swait.ge [sflag:s25], $0x800  }
0xf1: {  	[sflag:s25] =	ssyncset.done $0x0  }
0xf2: {  	[sflag:s25] =	ssyncadd.s32 $0xFFFFF800  }
0xf3: {  	_ =	swait.ge [sflag:s25], $0x800  }
0xf4: {  	[sflag:s25] =	ssyncset.done $0x0  }
0xf5: {  	[sflag:s25] =	ssyncadd.s32 $0xFFFFF800  }
0xf6: {  	_ =	swait.ge [sflag:s25], $0x800  }
0xf7: {  	[sflag:s25] =	ssyncset.done $0x0  }
0xf8: {  	[sflag:s25] =	ssyncadd.s32 $0xFFFFF800  }
0xf9: {  	_ =	swait.ge [sflag:s25], $0x800  }
0xfa: {  	[sflag:s25] =	ssyncset.done $0x0  }
0xfb: {  	[sflag:s25] =	ssyncadd.s32 $0xFFFFF800  }
0xfc: {  	[spmem:s3] =	stream.indirect.scatter.add.f32 [tilespmem:s13], [sflag:$0x2], $0x10, s11, s12, $0xb8;
	[tilespmem:$0x10B80] =	vst v63  }
0xfd: {  	_ = 	snop  }
0xfe: {  	[spmem:s3] =	stream.indirect.scatter.add.f32 [tilespmem:s14], [sflag:$0x2], $0x10, s26, s12, $0xb8;
	[tilespmem:$0x10B80] =	vst v63  }
0xff: {  	_ = 	snop  }
0x100: {  	[spmem:s3] =	stream.indirect.scatter.add.f32 [tilespmem:s15], [sflag:$0x2], $0x10, s28, s12, $0xb8;
	[tilespmem:$0x10B80] =	vst v63  }
0x101: {  	_ = 	snop  }
0x102: {  	[spmem:s3] =	stream.indirect.scatter.add.f32 [tilespmem:s16], [sflag:$0x2], $0x10, s29, s12, $0xb8;
	[tilespmem:$0x10B80] =	vst v63  }
0x103: {  	_ = 	snop  }
0x104: {  	[spmem:s3] =	stream.indirect.scatter.add.f32 [tilespmem:s18], [sflag:$0x2], $0x10, s30, s12, $0xb8;
	[tilespmem:$0x10B80] =	vst v63  }
0x105: {  	_ = 	snop  }
0x106: {  	[spmem:s3] =	stream.indirect.scatter.add.f32 [tilespmem:s20], [sflag:$0x2], $0x10, s31, s12, $0xb8;
	[tilespmem:$0x10B80] =	vst v63  }
0x107: {  	_ = 	snop  }
0x108: {  	[spmem:s3] =	stream.indirect.scatter.add.f32 [tilespmem:s22], [sflag:$0x2], $0x10, s0, s12, $0xb8;
	[tilespmem:$0x10B80] =	vst v63  }
0x109: {  	_ = 	snop  }
0x10a: {  	[spmem:s3] =	stream.indirect.scatter.add.f32 [tilespmem:s24], [sflag:$0x2], $0x10, s1, s12, $0xb8;
	[tilespmem:$0x10B80] =	vst v63  }
0x10b: {  	_ =	swait.ge [sflag:s2], $0x800  }
0x10c: {  	[sflag:s2] =	ssyncset.done $0x0  }
0x10d: {  	[sflag:s2] =	ssyncadd.s32 $0xFFFFF800  }
0x10e: {  	_ =	swait.ge [sflag:s2], $0x800  }
0x10f: {  	[sflag:s2] =	ssyncset.done $0x0  }
0x110: {  	[sflag:s2] =	ssyncadd.s32 $0xFFFFF800  }
0x111: {  	_ =	swait.ge [sflag:s2], $0x800  }
0x112: {  	[sflag:s2] =	ssyncset.done $0x0  }
0x113: {  	[sflag:s2] =	ssyncadd.s32 $0xFFFFF800  }
0x114: {  	_ =	swait.ge [sflag:s2], $0x800  }
0x115: {  	[sflag:s2] =	ssyncset.done $0x0  }
0x116: {  	[sflag:s2] =	ssyncadd.s32 $0xFFFFF800  }
0x117: {  	_ =	swait.ge [sflag:s2], $0x800  }
0x118: {  	[sflag:s2] =	ssyncset.done $0x0  }
0x119: {  	[sflag:s2] =	ssyncadd.s32 $0xFFFFF800  }
0x11a: {  	_ =	swait.ge [sflag:s2], $0x800  }
0x11b: {  	[sflag:s2] =	ssyncset.done $0x0  }
0x11c: {  	[sflag:s2] =	ssyncadd.s32 $0xFFFFF800  }
0x11d: {  	_ =	swait.ge [sflag:s2], $0x800  }
0x11e: {  	[sflag:s2] =	ssyncset.done $0x0  }
0x11f: {  	[sflag:s2] =	ssyncadd.s32 $0xFFFFF800  }
0x120: {  	_ =	swait.ge [sflag:s2], $0x800  }
0x121: {  	[sflag:s2] =	ssyncset.done $0x0  }
0x122: {  	[sflag:s2] =	ssyncadd.s32 $0xFFFFF800  }
0x123: {  	[bflag:$0x0] =	sbarrier.arrive $0xFFFF  }
0x124: {  	s7 =	rddreg [dreg:$0x8]  }
0x125: {  	s9 =	rddreg [dreg:$0x9]  }
0x126: {  	s8 =	rddreg [dreg:$0xb]  }
0x127: {  	[hbm:s9], [sflag:s7] =	dma.local [spmem:s8], $0x1870  }
0x128: {  	_ =	swait.ge [sflag:s10], $0x1870  }
0x129: {  	s6 =	rddreg [dreg:$0xc]  }
0x12a: {  	s9 =	sadd.s32 $0x1, s6;
	s6 =	rddreg [dreg:$0xa]  }
0x12b: {  	p0 =	sne.s32 s9, s6  }
.Ltmp1:
0x12c: {  	_ = 	snop;
	(pc) =	sbr.rel @p0 .LBB2_1-.Ltmp1, $3  }
0x12d: {  	_ =	sdelay $0x1  }
0x12e: {  	[sflag:s10] =	ssyncset.done $0x0  }
0x12f: {  	[sflag:s10] =	ssyncadd.s32 $0xFFFFE790  }
0x130: {  	_ =	sfence.sel $0x180000  }
0x131: {  	[bflag:$0x0] =	sbarrier.arrive $0xFFFF  }
0x132: {  	_ =	strace $0x90000050  }
0x133: {  	s0 =	stileid.u32;
	[bflag:$0x2] =	sbarrier.arrive $0xFFFF  }
0x134: {  	p0 =	sne.s32 s0, $0x0;
	s0 =	rddreg [dreg:$0x3]  }
0x135: {  	s0 =	sadd.s32 @!p0 $0x100000, s0  }
0x136: {  	[sflag:s0] =	ssyncadd.tile.s32 @!p0 $0x1;
	_ =	shalt  }
.Lfunc_end2:
_tile_overlayer_lowered:
.L_overlay_start_2:
0x137: {  	(tag) =	ssettag $0x2  }
0x138: {  	s0 =	rddreg [dreg:$0x0];
	s2 =	stileid.u32  }
0x139: {  	s1 =	rddreg [dreg:$0x1];
	p0 =	sne.s32 s2, $0x0  }
0x13a: {  	s3 =	rddreg [dreg:$0x2];
	[bflag:$0x3] =	sbarrier.arrive $0xFFFF;
	s2 =	simm.s32 @!p0 $0x1C03  }
0x13b: {  	[timem:s3], [sflag:s2] =	dma.local @!p0 [hbm:s0], s1  }
0x13c: {  	s0 =	simm.s32 @!p0 $0x3  }
0x13d: {  	_ =	swait.ge @!p0 [sflag:s0], s1  }
0x13e: {  	s1 =	ssub.s32 @!p0 $0x0, s1;
	[sflag:s0] =	ssyncset.done @!p0 $0x0  }
0x13f: {  	[sflag:s0] =	ssyncadd.s32 @!p0 s1  }
0x140: {  	[bflag:$0x3] =	sbarrier.arrive $0xFFFF  }
0x141: {  	_ =	shalt  }

// kernel: kernel.9.cloned.1.call-start
scs
__scs_entry_jumppad:
0x0: {  	(pc) =	sbr.rel $0x88, $3  }
0x1: {  	(tag) =	ssettag $0x0;
	lr =	simm.s32 $0x1  }
0x2: {  	[smem:$0x3F97] =	sst lr;
	_ =	strace $0xD0000000  }
0x3: {  	_ = 	snop  }
0x4: {  	_ = 	snop  }
0x5: {  	_ = 	snop  }
0x6: {  	_ = 	snop  }
0x7: {  	_ = 	snop  }
__scs_overlays_trampoline_lowered:
0x8: {  	[smem:$0x3FA6] =	sst s0  }
0x9: {  	[smem:$0x3FA7] =	sst s1  }
0xa: {  	[smem:$0x3FA8] =	sst s2  }
0xb: {  	[smem:$0x3FA9] =	sst s3  }
0xc: {  	[smem:$0x3FAA] =	sst s4  }
0xd: {  	[smem:$0x3FAB] =	sst s5  }
0xe: {  	[smem:$0x3FAC] =	sst s6  }
0xf: {  	[smem:$0x3FAD] =	sst s7  }
0x10: {  	[smem:$0x3FAE] =	sst s8  }
0x11: {  	[smem:$0x3FAF] =	sst s9;
	s0 =	simm.s32 @!p0 $0x0  }
0x12: {  	s1 =	sld [smem:$0x3F95];
	s0 =	simm.s32 @p0 $0x1  }
0x13: {  	[smem:$0x3FB0] =	sst s0;
	s0 =	simm.s32 @!p1 $0x0  }
0x14: {  	s2 =	sld [smem:$0x3F94];
	s0 =	simm.s32 @p1 $0x1  }
0x15: {  	[smem:$0x3FB1] =	sst s0;
	s0 =	simm.s32 @!p2 $0x0  }
0x16: {  	s3 =	sld [smem:$0x3FDB];
	s0 =	simm.s32 @p2 $0x1  }
0x17: {  	s4 =	simm.s32 $0x1BF5;
	[smem:$0x3FB3] =	sst s0  }
0x18: {  	s0 =	sld [smem:$0x3F96];
	_ =	swait.ge [sflag:s4], $0x0  }
0x19: {  	s7 =	sld [smem:$0x3F97]  }
0x1a: {  	s8 =	sadd.s32 $0xFFFFE003, lr  }
0x1b: {  	s9 =	sadd.s32 $0xFFFFFEF7, lr;
	s5 =	simm.s32 $0xFFFFFFFF;
	p2 =	slt.u32 s8, $0xFFFFF086  }
0x1c: {  	p1 =	slt.u32 s9, $0xF7A;
	s5 =	simm.s32 @!p2 $0x0  }
0x1d: {  	s5 =	simm.s32 @p1 $0x1;
	p0 =	seq.s32 s7, s2  }
0x1e: {  	s7 =	smul.u32 @!p0 $0xF7A, s2;
	p2 =	seq.s32 @!p0 s5, $0x0  }
0x1f: {  	s9 =	smul.u32 $0xF7A, s1;
	s8 =	simm.s32 @!p0 $0x1BF5;
	p2 =	por !p2, p0  }
0x20: {  	[sflag:s8] =	ssyncset.s32 @!p0 $0xFFFFF086;
	s6 =	sadd.s32 @!p0 s3, s7;
	s7 =	simm.s32 @!p0 $0x108  }
0x21: {  	s3 =	sadd.s32 s3, s9;
	s6 =	sadd.s32 @!p0 $0x88, s6;
	s7 =	simm.s32 @p2 $0x1082  }
0x22: {  	[simem:s7], [sflag:s8] =	dma.local @!p0 [hbm:s6], $0xF7A  }
0x23: {  	s9 =	sor.u32 $0xD0000000, s2;
	s6 =	simm.s32 $0x108;
	_ =	swait.ge @!p0 [sflag:s8], $0x0  }
0x24: {  	s3 =	sadd.s32 $0x88, s3;
	s6 =	simm.s32 @!p1 $0x1082;
	[sflag:s4] =	ssyncset.s32 $0xFFFFF086  }
0x25: {  	[simem:s6], [sflag:s4] =	dma.local [hbm:s3], $0xF7A  }
0x26: {  	[smem:$0x3F97] =	sst s1;
	(tag) =	ssettag s2;
	_ =	strace s9  }
0x27: {  	s1 =	sld [smem:$0x3FA7]  }
0x28: {  	s2 =	sld [smem:$0x3FA8]  }
0x29: {  	s4 =	sld [smem:$0x3FAA]  }
0x2a: {  	p0 =	seq.s32 s5, $0x0;
	s5 =	sld [smem:$0x3FAB]  }
0x2b: {  	s6 =	sld [smem:$0x3FAC]  }
0x2c: {  	s7 =	sld [smem:$0x3FAD]  }
0x2d: {  	s3 =	simm.s32 $0x108;
	s8 =	sld [smem:$0x3FAE]  }
0x2e: {  	s3 =	simm.s32 @!p0 $0x1082;
	s9 =	sld [smem:$0x3FAF]  }
0x2f: {  	lr =	sadd.s32 s0, s3;
	s0 =	sld [smem:$0x3FA6]  }
0x30: {  	s3 =	sld [smem:$0x3FA9]  }
0x31: {  	[smem:$0x3FB2] =	sst s10  }
0x32: {  	s10 =	sld [smem:$0x3FB0];
	_ =	sdelay $0x3  }
0x33: {  	p0 =	seq.s32 s10, $0x1;
	s10 =	sld [smem:$0x3FB2];
	_ =	sdelay $0x3  }
0x34: {  	[smem:$0x3FB2] =	sst s10  }
0x35: {  	s10 =	sld [smem:$0x3FB1];
	_ =	sdelay $0x3  }
0x36: {  	p1 =	seq.s32 s10, $0x1;
	s10 =	sld [smem:$0x3FB2];
	_ =	sdelay $0x3  }
0x37: {  	[smem:$0x3FB2] =	sst s10  }
0x38: {  	s10 =	sld [smem:$0x3FB3]  }
0x39: {  	_ = 	snop;
	(pc) =	sbr.ind lr, $3  }
0x3a: {  	_ = 	snop  }
0x3b: {  	_ = 	snop  }
0x3c: {  	p2 =	seq.s32 s10, $0x1;
	s10 =	sld [smem:$0x3FB2]  }
0x3d: {  	_ =	shalt  }
0x3e: {  	_ =	shalt  }
0x3f: {  	_ =	shalt  }
0x40: {  	_ =	shalt  }
0x41: {  	_ =	shalt  }
0x42: {  	_ =	shalt  }
0x43: {  	_ =	shalt  }
0x44: {  	_ =	shalt  }
0x45: {  	_ =	shalt  }
0x46: {  	_ =	shalt  }
0x47: {  	_ =	shalt  }
0x48: {  	_ =	shalt  }
0x49: {  	_ =	shalt  }
0x4a: {  	_ =	shalt  }
0x4b: {  	_ =	shalt  }
0x4c: {  	_ =	shalt  }
0x4d: {  	_ =	shalt  }
0x4e: {  	_ =	shalt  }
0x4f: {  	_ =	shalt  }
0x50: {  	_ =	shalt  }
0x51: {  	_ =	shalt  }
0x52: {  	_ =	shalt  }
0x53: {  	_ =	shalt  }
0x54: {  	_ =	shalt  }
0x55: {  	_ =	shalt  }
0x56: {  	_ =	shalt  }
0x57: {  	_ =	shalt  }
0x58: {  	_ =	shalt  }
0x59: {  	_ =	shalt  }
0x5a: {  	_ =	shalt  }
0x5b: {  	_ =	shalt  }
0x5c: {  	_ =	shalt  }
0x5d: {  	_ =	shalt  }
0x5e: {  	_ =	shalt  }
0x5f: {  	_ =	shalt  }
0x60: {  	_ =	shalt  }
0x61: {  	_ =	shalt  }
0x62: {  	_ =	shalt  }
0x63: {  	_ =	shalt  }
0x64: {  	_ =	shalt  }
0x65: {  	_ =	shalt  }
0x66: {  	_ =	shalt  }
0x67: {  	_ =	shalt  }
0x68: {  	_ =	shalt  }
0x69: {  	_ =	shalt  }
0x6a: {  	_ =	shalt  }
0x6b: {  	_ =	shalt  }
0x6c: {  	_ =	shalt  }
0x6d: {  	_ =	shalt  }
0x6e: {  	_ =	shalt  }
0x6f: {  	_ =	shalt  }
0x70: {  	_ =	shalt  }
0x71: {  	_ =	shalt  }
0x72: {  	_ =	shalt  }
0x73: {  	_ =	shalt  }
0x74: {  	_ =	shalt  }
0x75: {  	_ =	shalt  }
0x76: {  	_ =	shalt  }
0x77: {  	_ =	shalt  }
0x78: {  	_ =	shalt  }
0x79: {  	_ =	shalt  }
0x7a: {  	_ =	shalt  }
0x7b: {  	_ =	shalt  }
0x7c: {  	_ =	shalt  }
0x7d: {  	_ =	shalt  }
0x7e: {  	_ =	shalt  }
0x7f: {  	_ =	shalt  }
0x80: {  	_ =	shalt  }
0x81: {  	_ =	shalt  }
0x82: {  	_ =	shalt  }
0x83: {  	_ =	shalt  }
0x84: {  	_ =	shalt  }
0x85: {  	_ =	shalt  }
0x86: {  	_ =	shalt  }
0x87: {  	_ =	shalt  }
.Lfunc_end0:
.L_simem_size_0:
called_computation_lowered:
.L_overlay_start_0:
0x88: {  	s2 =	sld [smem:$0x3FD9]  }
0x89: {  	s3 =	sld [smem:$0x3FFE];
	_ =	sdelay $0x1  }
0x8a: {  	s1 =	srdreg.scid  }
0x8b: {  	s0 =	sand.u32 $0x1, s1  }
0x8c: {  	s14 =	sshll.u32 s0, $0xA;
	s2 =	sadd.s32 s3, s2  }
0x8d: {  	s2 =	sadd.s32 s2, s14  }
0x8e: {  	[smem:$0x3FBE] =	sst s2  }
0x8f: {  	_ = 	snop  }
0x90: {  	s2 =	sld [smem:$0x3FD0];
	_ =	sdelay $0x2  }
0x91: {  	s15 =	simm.s32 $0xA;
	s4 =	simm.s32 $0x10  }
0x92: {  	[smem:s4], [sflag:s15] =	dma.local [hbm:s2], $0x1  }
0x93: {  	_ =	swait.eq [sflag:s15], $0x1  }
0x94: {  	s16 =	sld [smem:$0x10];
	[sflag:s15] =	ssyncset.done $0x0  }
0x95: {  	s17 =	sld [smem:$0x11];
	[sflag:s15] =	ssyncadd.s32 $0xFFFFFFFF  }
0x96: {  	s18 =	sld [smem:$0x12];
	(tm) =	ssettm $0x1  }
0x97: {  	s5 =	sld [smem:$0x3FFB];
	_ =	sdelay $0x3  }
0x98: {  	_ =	strace s5  }
0x99: {  	s5 =	sld [smem:$0x3FFC];
	_ =	sdelay $0x3  }
0x9a: {  	_ =	strace s5  }
0x9b: {  	s5 =	sld [smem:$0x3FFD];
	_ =	sdelay $0x3  }
0x9c: {  	_ =	strace s5  }
0x9d: {  	_ =	strace $0x8FFFFFFF  }
0x9e: {  	s19 =	sld [smem:$0x3FDB];
	_ =	sdelay $0x1  }
0x9f: {  	s6 =	simm.s32 $_scs_section_size  }
0xa0: {  	s7 =	simm.s32 $_size__tile_overlayer_lowered;
	s8 =	simm.s32 $_tile_overlayer_lowered  }
0xa1: {  	s22 =	simm.s32 $0x1BFF;
	s21 =	sshll.u32 s8, $0x1;
	s5 =	sadd.s32 s6, s19  }
0xa2: {  	s9 =	simm.s32 $0x0;
	s20 =	sshll.u32 s7, $0x1;
	s7 =	sadd.s32 s21, s5  }
0xa3: {  	[timem:s9], [sflag:s22] =	dma.local [hbm:s7], s20  }
0xa4: {  	_ =	swait.ge [sflag:s22], s20  }
0xa5: {  	s6 =	ssub.s32 $0x0, s20;
	[sflag:s22] =	ssyncset.done $0x0  }
0xa6: {  	[sflag:s22] =	ssyncadd.s32 s6;
	_ =	sdelay $0x1  }
0xa7: {  	s23 =	simm.s32 $0x1B8B  }
0xa8: {  	_ =	swait.ge [sflag:s23], $0x1  }
0xa9: {  	[sflag:s23] =	ssyncset.done $0x0  }
0xaa: {  	s25 =	simm.s32 $0x1B8E;
	s24 =	sld [smem:$0x3FFE];
	[sflag:s23] =	ssyncadd.s32 $0xFFFFFFFF  }
0xab: {  	s26 =	simm.s32 $execute0_lowered;
	[smem:$0x3FD2] =	sst s25  }
0xac: {  	s7 =	sshll.u32 s26, $0x1;
	_ =	strace $0x80000046;
	[dreg:$0x1] =	wrdreg $0xFFFFFFFF  }
0xad: {  	s28 =	simm.s32 $_size_execute0_lowered;
	s5 =	sadd.s32 s5, s7;
	[dreg:$0x0] =	wrdreg $0x0  }
0xae: {  	s7 =	sshll.u32 s28, $0x1;
	[dreg:$0x2] =	wrdreg s5  }
0xaf: {  	[dreg:$0x3] =	wrdreg s7  }
0xb0: {  	[dreg:$0x4] =	wrdreg $0xC0  }
0xb1: {  	_ =	task [dreg:s9], $0x5FFFF  }
0xb2: {  	[dreg:$0x1] =	wrdreg $0xFFFFFFFF  }
0xb3: {  	[dreg:$0x0] =	wrdreg $0x60  }
0xb4: {  	[dreg:$0x2] =	wrdreg s18  }
0xb5: {  	[dreg:$0x3] =	wrdreg s16  }
0xb6: {  	[dreg:$0x4] =	wrdreg s17  }
0xb7: {  	[dreg:$0x5] =	wrdreg s24  }
0xb8: {  	[dreg:$0x6] =	wrdreg $0x8000  }
0xb9: {  	[dreg:$0x7] =	wrdreg $0x9  }
0xba: {  	_ =	task.clear_ibuf [dreg:s9], $0x8FFFF;
	_ =	strace $0x90000046  }
0xbb: {  	s29 =	simm.s32 $0x9;
	_ =	strace $0x80000048  }
0xbc: {  	_ =	swait.ge [sflag:s29], $0x1  }
0xbd: {  	[sflag:s29] =	ssyncadd.s32 $0xFFFFFFFF  }
0xbe: {  	_ =	strace $0x90000048  }
0xbf: {  	_ =	sfence  }
0xc0: {  	s30 =	sld [smem:$0x0];
	_ =	sdelay $0x2  }
0xc1: {  	s31 =	sshll.u32 s1, $0xD;
	s1 =	sshrl.u32 s1, $0x2  }
0xc2: {  	s3 =	sand.u32 $0x4000, s31;
	s1 =	sadd.s32 s1, s30  }
0xc3: {  	s0 =	sor.u32 s3, s0;
	s1 =	sshll.u32 s1, $0x11  }
0xc4: {  	s0 =	sor.u32 s1, s0  }
0xc5: {  	s0 =	sadd.s32 $0x8F2B, s0  }
0xc6: {  	[sflag:s0] =	ssyncadd.remote.s32 $0x1  }
0xc7: {  	_ =	sfence.sel $0xFFFF  }
0xc8: {  	[dreg:$0x0] =	wrdreg $0xFFFFFFFF;
	(pc) =	sbr.abs _section_cstart, $3  }
0xc9: {  	[dreg:$0x1] =	wrdreg $0xFFFFFFFF  }
0xca: {  	_ =	task.clear_ibuf [dreg:s9], $0x2FFFF;
	_ =	strace $0x9FFFFFFF  }
0xcb: {  	(tm) =	ssettm $0x7FFFFFFF  }
tec
execute0_lowered:
.L_overlay_start_1:
0x0: {  	(tag) =	ssettag $0x1  }
0x1: {  	s7 =	rddreg [dreg:$0x0]  }
0x2: {  	s1 =	rddreg [dreg:$0x1]  }
0x3: {  	s2 =	srdreg.scid;
	s3 =	rddreg [dreg:$0x2]  }
0x4: {  	s0 =	stileid.u32;
	s9 =	rddreg [dreg:$0x3]  }
0x5: {  	s4 =	rddreg [dreg:$0x4];
	s5 =	simm.s32 $0x0;
	s14 =	simm.s32 $0x100  }
0x6: {  	s15 =	simm.s32 $0x180;
	s16 =	simm.s32 $0x200;
	s17 =	simm.s32 $0x280  }
0x7: {  	s18 =	simm.s32 $0x300;
	s19 =	simm.s32 $0x380;
	s20 =	simm.s32 $0x1  }
0x8: {  	s6 =	sand.u32 $0x1, s2;
	s8 =	smul.u32 $0x61C0, s0;
	s2 =	rddreg [dreg:$0x5]  }
0x9: {  	s21 =	simm.s32 $0x0;
	[smem:$0x7FF] =	sst s5;
	s10 =	smul.u32 $0x61C00, s6  }
0xa: {  	s12 =	smul.u32 $0xC80, s0;
	s31 =	sshll.u32 s0, $0x6;
	_ =	strace $0x80000047  }
0xb: {  	s29 =	ssub.s32 $0x2, s6;
	s11 =	ssub.s32 $0x0, s6;
	s10 =	sadd.s32 s8, s10  }
0xc: {  	s6 =	sor.u32 $0x1C02, s31;
	s30 =	sshrl.u32 s29, $0x1;
	s10 =	sshrl.u32 s10, $0x3  }
0xd: {  	s13 =	sadd.s32 s8, s4;
	s11 =	sand.u32 $0xC800, s11;
	s9 =	sadd.s32 s10, s9  }
0xe: {  	s12 =	sadd.s32 s12, s7;
	s10 =	ssub.s32 s29, s30;
	s7 =	sadd.s32 $0x50C00, s9  }
0xf: {  	s8 =	smax.u32 s10, $0x1;
	s9 =	sadd.s32 s11, s12;
	s10 =	sshrl.u32 s13, $0x3  }
0x10: {  	s11 =	simm.s32 $0x2;
	s12 =	simm.s32 $0x400;
	s13 =	simm.s32 $0x80  }
.LBB2_1:
0x11: {  	[spmem:s10], [sflag:s6] =	dma.local [hbm:s3], $0xC38  }
0x12: {  	_ =	swait.ge [sflag:s11], $0xC38  }
0x13: {  	[sflag:s11] =	ssyncset.done $0x0  }
0x14: {  	[sflag:s11] =	ssyncadd.s32 $0xFFFFF3C8  }
0x15: {  	[tilespmem:s12], [sflag:$0x2] =	stream.linear.gather [hbm4b:s1+s5], $0x400, $0x38;
	[tilespmem:$0x1438] =	vst v63  }
0x16: {  	_ =	swait.ge [sflag:s11], $0x400  }
0x17: {  	[sflag:s11] =	ssyncset.done $0x0  }
0x18: {  	[sflag:s11] =	ssyncadd.s32 $0xFFFFFC00  }
0x19: {  	s22 =	sadd.s32 $0x0, s9;
	[bflag:$0x0] =	sbarrier.arrive $0xFFFF  }
0x1a: {  	[tilespmem:s5], [sflag:$0x2] =	stream.linear.gather [hbm4b:s22+s5], $0x400, $0x38;
	[tilespmem:$0x1438] =	vst v63  }
0x1b: {  	_ =	swait.ge [sflag:s11], $0x400  }
0x1c: {  	[sflag:s11] =	ssyncset.done $0x0  }
0x1d: {  	[sflag:s11] =	ssyncadd.s32 $0xFFFFFC00  }
0x1e: {  	[spmem:s4] =	stream.indirect.scatter.add.f32 [tilespmem:s12], [sflag:$0x1], $0x1, s5, s13, $0xb8;
	[tilespmem:$0x1438] =	vst v63  }
0x1f: {  	_ = 	snop  }
0x20: {  	[spmem:s4] =	stream.indirect.scatter.add.f32 [tilespmem:s12], [sflag:$0x1], $0x1, s13, s13, $0xb8;
	[tilespmem:$0x1438] =	vst v63  }
0x21: {  	_ = 	snop  }
0x22: {  	[spmem:s4] =	stream.indirect.scatter.add.f32 [tilespmem:s12], [sflag:$0x1], $0x1, s14, s13, $0xb8;
	[tilespmem:$0x1438] =	vst v63  }
0x23: {  	_ = 	snop  }
0x24: {  	[spmem:s4] =	stream.indirect.scatter.add.f32 [tilespmem:s12], [sflag:$0x1], $0x1, s15, s13, $0xb8;
	[tilespmem:$0x1438] =	vst v63  }
0x25: {  	_ = 	snop  }
0x26: {  	[spmem:s4] =	stream.indirect.scatter.add.f32 [tilespmem:s12], [sflag:$0x1], $0x1, s16, s13, $0xb8;
	[tilespmem:$0x1438] =	vst v63  }
0x27: {  	_ = 	snop  }
0x28: {  	[spmem:s4] =	stream.indirect.scatter.add.f32 [tilespmem:s12], [sflag:$0x1], $0x1, s17, s13, $0xb8;
	[tilespmem:$0x1438] =	vst v63  }
0x29: {  	_ = 	snop  }
0x2a: {  	[spmem:s4] =	stream.indirect.scatter.add.f32 [tilespmem:s12], [sflag:$0x1], $0x1, s18, s13, $0xb8;
	[tilespmem:$0x1438] =	vst v63  }
0x2b: {  	_ = 	snop  }
0x2c: {  	[spmem:s4] =	stream.indirect.scatter.add.f32 [tilespmem:s12], [sflag:$0x1], $0x1, s19, s13, $0xb8;
	[tilespmem:$0x1438] =	vst v63  }
0x2d: {  	_ =	swait.ge [sflag:s20], $0x80  }
0x2e: {  	[sflag:s20] =	ssyncset.done $0x0  }
0x2f: {  	[sflag:s20] =	ssyncadd.s32 $0xFFFFFF80  }
0x30: {  	_ =	swait.ge [sflag:s20], $0x80  }
0x31: {  	[sflag:s20] =	ssyncset.done $0x0  }
0x32: {  	[sflag:s20] =	ssyncadd.s32 $0xFFFFFF80  }
0x33: {  	_ =	swait.ge [sflag:s20], $0x80  }
0x34: {  	[sflag:s20] =	ssyncset.done $0x0  }
0x35: {  	[sflag:s20] =	ssyncadd.s32 $0xFFFFFF80  }
0x36: {  	_ =	swait.ge [sflag:s20], $0x80  }
0x37: {  	[sflag:s20] =	ssyncset.done $0x0  }
0x38: {  	[sflag:s20] =	ssyncadd.s32 $0xFFFFFF80  }
0x39: {  	_ =	swait.ge [sflag:s20], $0x80  }
0x3a: {  	[sflag:s20] =	ssyncset.done $0x0  }
0x3b: {  	[sflag:s20] =	ssyncadd.s32 $0xFFFFFF80  }
0x3c: {  	_ =	swait.ge [sflag:s20], $0x80  }
0x3d: {  	[sflag:s20] =	ssyncset.done $0x0  }
0x3e: {  	[sflag:s20] =	ssyncadd.s32 $0xFFFFFF80  }
0x3f: {  	_ =	swait.ge [sflag:s20], $0x80  }
0x40: {  	[sflag:s20] =	ssyncset.done $0x0  }
0x41: {  	[sflag:s20] =	ssyncadd.s32 $0xFFFFFF80  }
0x42: {  	_ =	swait.ge [sflag:s20], $0x80  }
0x43: {  	s24 =	simm.s32 $0x100;
	s22 =	simm.s32 $0x80;
	[sflag:s20] =	ssyncset.done $0x0  }
.LBB2_2:
0x44: {  	s25 =	sadd.s32 s22, s9  }
0x45: {  	[sflag:s20] =	ssyncadd.s32 $0xFFFFFF80;
	s22 =	smov.u32 s24;
	s23 =	sadd.s32 $0x80, s24  }
0x46: {  	[tilespmem:s5], [sflag:$0x2] =	stream.linear.gather [hbm4b:s25+s5], $0x400, $0x38;
	[tilespmem:$0x1438] =	vst v63  }
0x47: {  	p0 =	sne.s32 s24, $0xC00;
	_ =	swait.ge [sflag:s11], $0x400  }
0x48: {  	[sflag:s11] =	ssyncset.done $0x0  }
0x49: {  	[sflag:s11] =	ssyncadd.s32 $0xFFFFFC00  }
0x4a: {  	[spmem:s4] =	stream.indirect.scatter.add.f32 [tilespmem:s12], [sflag:$0x1], $0x1, s5, s13, $0xb8;
	[tilespmem:$0x1438] =	vst v63  }
0x4b: {  	_ = 	snop  }
0x4c: {  	[spmem:s4] =	stream.indirect.scatter.add.f32 [tilespmem:s12], [sflag:$0x1], $0x1, s13, s13, $0xb8;
	[tilespmem:$0x1438] =	vst v63  }
0x4d: {  	_ = 	snop  }
0x4e: {  	[spmem:s4] =	stream.indirect.scatter.add.f32 [tilespmem:s12], [sflag:$0x1], $0x1, s14, s13, $0xb8;
	[tilespmem:$0x1438] =	vst v63  }
0x4f: {  	_ = 	snop  }
0x50: {  	[spmem:s4] =	stream.indirect.scatter.add.f32 [tilespmem:s12], [sflag:$0x1], $0x1, s15, s13, $0xb8;
	[tilespmem:$0x1438] =	vst v63  }
0x51: {  	_ = 	snop  }
0x52: {  	[spmem:s4] =	stream.indirect.scatter.add.f32 [tilespmem:s12], [sflag:$0x1], $0x1, s16, s13, $0xb8;
	[tilespmem:$0x1438] =	vst v63  }
0x53: {  	_ = 	snop  }
0x54: {  	[spmem:s4] =	stream.indirect.scatter.add.f32 [tilespmem:s12], [sflag:$0x1], $0x1, s17, s13, $0xb8;
	[tilespmem:$0x1438] =	vst v63  }
0x55: {  	_ = 	snop  }
0x56: {  	[spmem:s4] =	stream.indirect.scatter.add.f32 [tilespmem:s12], [sflag:$0x1], $0x1, s18, s13, $0xb8;
	[tilespmem:$0x1438] =	vst v63  }
0x57: {  	_ = 	snop  }
0x58: {  	[spmem:s4] =	stream.indirect.scatter.add.f32 [tilespmem:s12], [sflag:$0x1], $0x1, s19, s13, $0xb8;
	[tilespmem:$0x1438] =	vst v63  }
0x59: {  	_ =	swait.ge [sflag:s20], $0x80  }
0x5a: {  	[sflag:s20] =	ssyncset.done $0x0  }
0x5b: {  	[sflag:s20] =	ssyncadd.s32 $0xFFFFFF80  }
0x5c: {  	_ =	swait.ge [sflag:s20], $0x80  }
0x5d: {  	[sflag:s20] =	ssyncset.done $0x0  }
0x5e: {  	[sflag:s20] =	ssyncadd.s32 $0xFFFFFF80  }
0x5f: {  	_ =	swait.ge [sflag:s20], $0x80  }
0x60: {  	[sflag:s20] =	ssyncset.done $0x0  }
0x61: {  	[sflag:s20] =	ssyncadd.s32 $0xFFFFFF80  }
0x62: {  	_ =	swait.ge [sflag:s20], $0x80  }
0x63: {  	[sflag:s20] =	ssyncset.done $0x0  }
0x64: {  	[sflag:s20] =	ssyncadd.s32 $0xFFFFFF80  }
0x65: {  	_ =	swait.ge [sflag:s20], $0x80  }
0x66: {  	[sflag:s20] =	ssyncset.done $0x0  }
0x67: {  	[sflag:s20] =	ssyncadd.s32 $0xFFFFFF80  }
0x68: {  	_ =	swait.ge [sflag:s20], $0x80  }
0x69: {  	[sflag:s20] =	ssyncset.done $0x0  }
0x6a: {  	[sflag:s20] =	ssyncadd.s32 $0xFFFFFF80  }
.Ltmp0:
0x6b: {  	_ =	swait.ge [sflag:s20], $0x80;
	(pc) =	sbr.rel @p0 .LBB2_2-.Ltmp0, $4  }
0x6c: {  	[sflag:s20] =	ssyncset.done $0x0  }
0x6d: {  	[sflag:s20] =	ssyncadd.s32 $0xFFFFFF80  }
0x6e: {  	_ =	swait.ge [sflag:s20], $0x80  }
0x6f: {  	s24 =	smov.u32 s23;
	[sflag:s20] =	ssyncset.done $0x0  }
0x70: {  	s22 =	sadd.s32 s22, s9;
	[sflag:s20] =	ssyncadd.s32 $0xFFFFFF80  }
0x71: {  	[tilespmem:s5], [sflag:$0x2] =	stream.linear.gather [hbm4b:s22+s5], $0x400, $0x38;
	[tilespmem:$0x1438] =	vst v63  }
0x72: {  	_ =	swait.ge [sflag:s11], $0x400  }
0x73: {  	[sflag:s11] =	ssyncset.done $0x0  }
0x74: {  	[sflag:s11] =	ssyncadd.s32 $0xFFFFFC00  }
0x75: {  	[spmem:s4] =	stream.indirect.scatter.add.f32 [tilespmem:s12], [sflag:$0x1], $0x1, s5, s13, $0xb8;
	[tilespmem:$0x1438] =	vst v63  }
0x76: {  	_ = 	snop  }
0x77: {  	[spmem:s4] =	stream.indirect.scatter.add.f32 [tilespmem:s12], [sflag:$0x1], $0x1, s13, s13, $0xb8;
	[tilespmem:$0x1438] =	vst v63  }
0x78: {  	_ = 	snop  }
0x79: {  	[spmem:s4] =	stream.indirect.scatter.add.f32 [tilespmem:s12], [sflag:$0x1], $0x1, s14, s13, $0xb8;
	[tilespmem:$0x1438] =	vst v63  }
0x7a: {  	_ = 	snop  }
0x7b: {  	[spmem:s4] =	stream.indirect.scatter.add.f32 [tilespmem:s12], [sflag:$0x1], $0x1, s15, s13, $0xb8;
	[tilespmem:$0x1438] =	vst v63  }
0x7c: {  	_ = 	snop  }
0x7d: {  	[spmem:s4] =	stream.indirect.scatter.add.f32 [tilespmem:s12], [sflag:$0x1], $0x1, s16, s13, $0xb8;
	[tilespmem:$0x1438] =	vst v63  }
0x7e: {  	_ = 	snop  }
0x7f: {  	[spmem:s4] =	stream.indirect.scatter.add.f32 [tilespmem:s12], [sflag:$0x1], $0x1, s17, s13, $0xb8;
	[tilespmem:$0x1438] =	vst v63  }
0x80: {  	_ = 	snop  }
0x81: {  	[spmem:s4] =	stream.indirect.scatter.add.f32 [tilespmem:s12], [sflag:$0x1], $0x1, s18, s13, $0xb8;
	[tilespmem:$0x1438] =	vst v63  }
0x82: {  	_ = 	snop  }
0x83: {  	[spmem:s4] =	stream.indirect.scatter.add.f32 [tilespmem:s12], [sflag:$0x1], $0x1, s19, s13, $0xb8;
	[tilespmem:$0x1438] =	vst v63  }
0x84: {  	_ =	swait.ge [sflag:s20], $0x80  }
0x85: {  	[sflag:s20] =	ssyncset.done $0x0  }
0x86: {  	[sflag:s20] =	ssyncadd.s32 $0xFFFFFF80  }
0x87: {  	_ =	swait.ge [sflag:s20], $0x80  }
0x88: {  	[sflag:s20] =	ssyncset.done $0x0  }
0x89: {  	[sflag:s20] =	ssyncadd.s32 $0xFFFFFF80  }
0x8a: {  	_ =	swait.ge [sflag:s20], $0x80  }
0x8b: {  	[sflag:s20] =	ssyncset.done $0x0  }
0x8c: {  	[sflag:s20] =	ssyncadd.s32 $0xFFFFFF80  }
0x8d: {  	_ =	swait.ge [sflag:s20], $0x80  }
0x8e: {  	[sflag:s20] =	ssyncset.done $0x0  }
0x8f: {  	[sflag:s20] =	ssyncadd.s32 $0xFFFFFF80  }
0x90: {  	_ =	swait.ge [sflag:s20], $0x80  }
0x91: {  	[sflag:s20] =	ssyncset.done $0x0  }
0x92: {  	[sflag:s20] =	ssyncadd.s32 $0xFFFFFF80  }
0x93: {  	_ =	swait.ge [sflag:s20], $0x80  }
0x94: {  	[sflag:s20] =	ssyncset.done $0x0  }
0x95: {  	[sflag:s20] =	ssyncadd.s32 $0xFFFFFF80  }
0x96: {  	_ =	swait.ge [sflag:s20], $0x80  }
0x97: {  	[sflag:s20] =	ssyncset.done $0x0  }
0x98: {  	[sflag:s20] =	ssyncadd.s32 $0xFFFFFF80  }
0x99: {  	_ =	swait.ge [sflag:s20], $0x80  }
0x9a: {  	s21 =	sadd.s32 $0x1, s21;
	[sflag:s20] =	ssyncset.done $0x0  }
0x9b: {  	p0 =	sne.s32 s21, s8;
	[sflag:s20] =	ssyncadd.s32 $0xFFFFFF80  }
.Ltmp1:
0x9c: {  	[bflag:$0x0] =	sbarrier.arrive $0xFFFF;
	(pc) =	sbr.rel @p0 .LBB2_1-.Ltmp1, $4  }
0x9d: {  	[hbm:s7], [sflag:s6] =	dma.local [spmem:s10], $0xC38  }
0x9e: {  	_ =	swait.ge [sflag:s11], $0xC38  }
0x9f: {  	[sflag:s11] =	ssyncset.done $0x0  }
0xa0: {  	[sflag:s11] =	ssyncadd.s32 $0xFFFFF3C8  }
0xa1: {  	_ =	sfence.sel $0x180000  }
0xa2: {  	[bflag:$0x0] =	sbarrier.arrive $0xFFFF  }
0xa3: {  	p0 =	sne.s32 s0, $0x0;
	_ =	strace $0x90000047  }
0xa4: {  	s0 =	sadd.s32 @!p0 $0x100000, s2;
	[bflag:$0x2] =	sbarrier.arrive $0xFFFF  }
0xa5: {  	[sflag:s0] =	ssyncadd.tile.s32 @!p0 $0x1;
	_ =	shalt  }
.Lfunc_end2:
_tile_overlayer_lowered:
.L_overlay_start_2:
0xa6: {  	(tag) =	ssettag $0x2  }
0xa7: {  	s0 =	rddreg [dreg:$0x0];
	s2 =	stileid.u32  }
0xa8: {  	s1 =	rddreg [dreg:$0x1];
	p0 =	sne.s32 s2, $0x0  }
0xa9: {  	s3 =	rddreg [dreg:$0x2];
	[bflag:$0x3] =	sbarrier.arrive $0xFFFF;
	s2 =	simm.s32 @!p0 $0x1C02  }
0xaa: {  	[timem:s3], [sflag:s2] =	dma.local @!p0 [hbm:s0], s1  }
0xab: {  	s0 =	simm.s32 @!p0 $0x2  }
0xac: {  	_ =	swait.ge @!p0 [sflag:s0], s1  }
0xad: {  	s1 =	ssub.s32 @!p0 $0x0, s1;
	[sflag:s0] =	ssyncset.done @!p0 $0x0  }
0xae: {  	[sflag:s0] =	ssyncadd.s32 @!p0 s1  }
0xaf: {  	[bflag:$0x3] =	sbarrier.arrive $0xFFFF  }
0xb0: {  	_ =	shalt  }

</sc_bundles>
